<compile_context>
chip_gen: v7x
topology: tpu7x:2x2x1
jax: 0.10.2.dev20260603
libtpu: 0.0.44.dev20260713+nightly
codegen_flags: <defaults>
</compile_context>

<pallas_src>
import functools

import jax
import jax.numpy as jnp
from jax import lax
from jax.experimental import pallas as pl
from jax.experimental.pallas import tpu as pltpu
from jax.experimental.pallas import tpu_sc as plsc

PAD = 1
NUM_WORKERS = 32
ROWS_PER_WORKER = 256
CHUNK = 8
NCHUNK = ROWS_PER_WORKER // CHUNK
NBUF = 14
SEQ = 2048
EMB = 1024
SPANS_PER_ROW = SEQ // ROWS_PER_WORKER


def _sc_body(ids_hbm, table_hbm, out_hbm, ids_v, idx_v, rows_v, gsem, osem):
    c = lax.axis_index("c")
    s = lax.axis_index("s")
    wid = s * 2 + c
    b = wid // SPANS_PER_ROW
    soff = wid % SPANS_PER_ROW
    row_base = b * SEQ

    pltpu.sync_copy(ids_hbm.at[pl.ds(row_base, SEQ)], ids_v)

    def pref_body(j, carry):
        v = ids_v[pl.ds(j * 16, 16)]
        mi = jnp.where(v != PAD, jnp.full((16,), 1, jnp.int32),
                       jnp.zeros((16,), jnp.int32))
        return carry + jnp.sum(mi)

    carry = lax.fori_loop(0, soff * (ROWS_PER_WORKER // 16), pref_body,
                          jnp.int32(0))

    span = soff * ROWS_PER_WORKER

    def span_body(j, carry):
        v = ids_v[pl.ds(span + j * 16, 16)]
        mi = jnp.where(v != PAD, jnp.full((16,), 1, jnp.int32),
                       jnp.zeros((16,), jnp.int32))
        cum = plsc.cumsum(mi)
        idx_v[pl.ds(j * 16, 16)] = (carry + cum) * mi + PAD
        return carry + jnp.sum(mi)

    lax.fori_loop(0, ROWS_PER_WORKER // 16, span_body, carry)

    out_base = wid * ROWS_PER_WORKER

    def fire_gather(k):
        return pltpu.async_copy(
            table_hbm.at[idx_v.at[pl.ds(k * CHUNK, CHUNK)]],
            rows_v.at[k % NBUF], gsem.at[k % NBUF])

    def fire_out(k):
        return pltpu.async_copy(
            rows_v.at[k % NBUF], out_hbm.at[pl.ds(out_base + k * CHUNK, CHUNK)],
            osem.at[k % NBUF])

    gathers = [None] * NCHUNK
    outs = [None] * NCHUNK
    for k in range(min(NBUF - 1, NCHUNK)):
        gathers[k] = fire_gather(k)
    for k in range(NCHUNK):
        if k >= 1:
            outs[k - 1].wait()
        nxt = k + NBUF - 1
        if nxt < NCHUNK:
            gathers[nxt] = fire_gather(nxt)
        gathers[k].wait()
        outs[k] = fire_out(k)
    outs[NCHUNK - 1].wait()


_sc_call = functools.partial(
    pl.kernel,
    out_type=jax.ShapeDtypeStruct((NUM_WORKERS * ROWS_PER_WORKER, EMB),
                                  jnp.float32),
    mesh=plsc.VectorSubcoreMesh(core_axis_name="c", subcore_axis_name="s"),
    compiler_params=pltpu.CompilerParams(needs_layout_passes=False),
    scratch_types=[
        pltpu.VMEM((SEQ,), jnp.int32),
        pltpu.VMEM((ROWS_PER_WORKER,), jnp.int32),
        pltpu.VMEM((NBUF, CHUNK, EMB), jnp.float32),
        pltpu.SemaphoreType.DMA((NBUF,)),
        pltpu.SemaphoreType.DMA((NBUF,)),
    ],
)(_sc_body)


@jax.jit
def kernel(input_ids, weight):
    bsz, seq_len = input_ids.shape
    ids = input_ids.reshape(-1).astype(jnp.int32)
    out = _sc_call(ids, weight)
    return out.reshape(bsz, seq_len, weight.shape[-1])

# --- scband reference (transcript-rebuilt; emitter-appended) ---
"""Pipeline reference for scband-m2-m100-sinusoidal-positional-embedding-35948876267770 (READ-ONLY COPY).

The authoritative reference and input builder live on the scoring server;
editing this copy changes nothing except your own understanding.
"""

import math
import jax, jax.numpy as jnp
import numpy as np

NUM_POSITIONS = 2048
EMBEDDING_DIM = 1024
PADDING_IDX = 1
OFFSET = 2
BATCH = 4
SEQ_LEN = 2048
VOCAB = 128000


def make_weights(num_embeddings, embedding_dim, padding_idx):
    half_dim = embedding_dim // 2
    emb_scale = math.log(10000.0) / (half_dim - 1)
    emb = jnp.exp(jnp.arange(half_dim, dtype=jnp.float32) * -emb_scale)
    emb = jnp.arange(num_embeddings, dtype=jnp.float32)[:, None] * emb[None, :]
    emb = jnp.concatenate([jnp.sin(emb), jnp.cos(emb)], axis=1).reshape(num_embeddings, -1)
    if embedding_dim % 2 == 1:
        emb = jnp.concatenate([emb, jnp.zeros((num_embeddings, 1), dtype=jnp.float32)], axis=1)
    if padding_idx is not None:
        emb = emb.at[padding_idx].set(0.0)
    return emb


def setup_inputs(seed: int = 0) -> dict:
    key = jax.random.key(seed)
    input_ids = jax.random.randint(key, (BATCH, SEQ_LEN), 0, VOCAB)
    weight = make_weights(NUM_POSITIONS + OFFSET, EMBEDDING_DIM, PADDING_IDX)
    return {"input_ids": input_ids, "weight": weight}


def reference(input_ids, weight):
    past_key_values_length = 0
    bsz, seq_len = input_ids.shape
    mask = (input_ids != PADDING_IDX).astype(jnp.int32)
    incremental_indices = (jnp.cumsum(mask, axis=1).astype(input_ids.dtype) + past_key_values_length) * mask
    position_ids = incremental_indices + PADDING_IDX
    position_ids = position_ids.reshape(-1)
    output = jnp.take(weight, position_ids, axis=0).reshape(bsz, seq_len, weight.shape[-1])
    return output

if __name__ == "__main__":
    import jax
    _d = setup_inputs()
    print(jax.jit(kernel)(*tuple(_d.values())))

</pallas_src>

<mosaic_0001>
#map = affine_map<(d0, d1) -> (0)>
#map1 = affine_map<(d0, d1) -> (0, 0)>
module attributes {stable_mosaic.version = 14 : i64} {
  func.func @_sc_body(%arg0: i32, %arg1: i32, %arg2: memref<8192xi32, #tpu.memory_space<hbm>>, %arg3: memref<2050x1024xf32, #tpu.memory_space<hbm>>, %arg4: memref<8192x1024xf32, #tpu.memory_space<hbm>>, %arg5: memref<2048xi32, #tpu.memory_space<vmem>>, %arg6: memref<256xi32, #tpu.memory_space<vmem>>, %arg7: memref<14x8x1024xf32, #tpu.memory_space<vmem>>, %arg8: memref<14x!tpu.dma_semaphore, #tpu.memory_space<semaphore_mem>>, %arg9: memref<14x!tpu.dma_semaphore, #tpu.memory_space<semaphore_mem>>) attributes {dimension_semantics = [#tpu.dimension_semantics<core_parallel>, #tpu.dimension_semantics<subcore_parallel>], iteration_bounds = array<i64: 2, 16>, scalar_prefetch = 0 : i64, scratch_operands = 5 : i64, tpu.core_type = #tpu.core_type<sc_vector_subcore>, window_params = [{transform_indices = #map}, {transform_indices = #map1}, {transform_indices = #map1}]} {
    %mul3A = arith.constant 2 : i32
    %mul3A_0 = arith.muli %arg1, %mul3A : i32
    %add3A = arith.addi %mul3A_0, %arg0 : i32
    %jit3A = arith.constant 8 : i32
    %div3A = arith.divsi %add3A, %jit3A : i32
    %sign3A = arith.constant 0 : i32
    %sign3A_1 = arith.cmpi sgt, %add3A, %sign3A : i32
    %sign3A_2 = arith.extui %sign3A_1 : i1 to i32
    %sign3A_3 = arith.constant 0 : i32
    %sign3A_4 = arith.cmpi slt, %add3A, %sign3A_3 : i32
    %sign3A_5 = arith.extui %sign3A_4 : i1 to i32
    %sign3A_6 = arith.subi %sign3A_2, %sign3A_5 : i32
    %sign3A_7 = arith.constant 0 : i32
    %sign3A_8 = arith.cmpi sgt, %jit3A, %sign3A_7 : i32
    %sign3A_9 = arith.extui %sign3A_8 : i1 to i32
    %sign3A_10 = arith.constant 0 : i32
    %sign3A_11 = arith.cmpi slt, %jit3A, %sign3A_10 : i32
    %sign3A_12 = arith.extui %sign3A_11 : i1 to i32
    %sign3A_13 = arith.subi %sign3A_9, %sign3A_12 : i32
    %ne3A = arith.cmpi ne, %sign3A_6, %sign3A_13 : i32
    %rem3A = arith.remsi %add3A, %jit3A : i32
    %ne3A_14 = arith.constant 0 : i32
    %ne3A_15 = arith.cmpi ne, %rem3A, %ne3A_14 : i32
    %and3A = arith.andi %ne3A, %ne3A_15 : i1
    %sub3A = arith.constant 1 : i32
    %sub3A_16 = arith.subi %div3A, %sub3A : i32
    %select_n3A = arith.select %and3A, %sub3A_16, %div3A : i32
    %jit3A_17 = arith.constant 8 : i32
    %eq3A = arith.constant 0 : i32
    %eq3A_18 = arith.cmpi eq, %jit3A_17, %eq3A : i32
    %jit3A_19 = arith.constant 1 : i32
    %select_n3A_20 = arith.select %eq3A_18, %jit3A_19, %jit3A_17 : i32
    %rem3A_21 = arith.remsi %add3A, %select_n3A_20 : i32
    %ne3A_22 = arith.constant 0 : i32
    %ne3A_23 = arith.cmpi ne, %rem3A_21, %ne3A_22 : i32
    %lt3A = arith.constant 0 : i32
    %lt3A_24 = arith.cmpi slt, %rem3A_21, %lt3A : i32
    %lt3A_25 = arith.constant 0 : i32
    %lt3A_26 = arith.cmpi slt, %select_n3A_20, %lt3A_25 : i32
    %ne3A_27 = arith.xori %lt3A_24, %lt3A_26 : i1
    %and3A_28 = arith.andi %ne3A_27, %ne3A_23 : i1
    %add3A_29 = arith.addi %rem3A_21, %select_n3A_20 : i32
    %select_n3A_30 = arith.select %and3A_28, %add3A_29, %rem3A_21 : i32
    %mul3A_31 = arith.constant 2048 : i32
    %mul3A_32 = arith.muli %select_n3A, %mul3A_31 : i32
    "tpu.region"() ({
      %run_scoped3A = tpu.sem_alloc : memref<!tpu.dma_semaphore, #tpu.memory_space<semaphore_mem>>
      %dma_start3A_1973 = tpu.memref_slice %arg2[%mul3A_32] : memref<8192xi32, #tpu.memory_space<hbm>> -> memref<2048xi32, #tpu.memory_space<hbm>>
      %dma_start3A_1974 = tpu.memref_slice %arg2[%mul3A_32] : memref<8192xi32, #tpu.memory_space<hbm>> -> memref<2048xi32, #tpu.memory_space<hbm>>
      tpu.enqueue_dma source(%dma_start3A_1974 : memref<2048xi32, #tpu.memory_space<hbm>>) target(%arg5 : memref<2048xi32, #tpu.memory_space<vmem>>) target_semaphore(%run_scoped3A : memref<!tpu.dma_semaphore, #tpu.memory_space<semaphore_mem>>)
      %dma_wait3A_1975 = tpu.memref_slice %arg2[%mul3A_32] : memref<8192xi32, #tpu.memory_space<hbm>> -> memref<2048xi32, #tpu.memory_space<hbm>>
      %dma_wait3A_1976 = tpu.memref_slice %arg2[%mul3A_32] : memref<8192xi32, #tpu.memory_space<hbm>> -> memref<2048xi32, #tpu.memory_space<hbm>>
      tpu.wait_dma2 semaphore(%run_scoped3A : memref<!tpu.dma_semaphore, #tpu.memory_space<semaphore_mem>>) src(%dma_wait3A_1976 : memref<2048xi32, #tpu.memory_space<hbm>>) dst(%arg5 : memref<2048xi32, #tpu.memory_space<vmem>>)
      tpu.yield
    }) : () -> ()
    %mul3A_33 = arith.constant 16 : i32
    %mul3A_34 = arith.muli %select_n3A_30, %mul3A_33 : i32
    %while3A = arith.constant 0 : i32
    %while3A_35 = arith.constant 0 : i32
    %while3A_36 = arith.subi %mul3A_34, %while3A : i32
    %while3A_37 = arith.addi %while3A, %while3A_36 : i32
    %while3A_38 = arith.constant 1 : i32
    %while3A_39 = arith.divsi %while3A_36, %while3A_38 : i32
    %while3A_40 = arith.muli %while3A_39, %while3A_38 : i32
    %while3A_41 = arith.addi %while3A, %while3A_40 : i32
    %while3A_42 = arith.constant 1 : i32
    %while3A_43 = scf.for %while3A_1973 = %while3A to %while3A_41 step %while3A_42 iter_args(%while3A_1974 = %while3A_35) -> (i32)  : i32 {
      %mul3A_1975 = arith.constant 16 : i32
      %mul3A_1976 = arith.muli %while3A_1973, %mul3A_1975 : i32
      %get3A = arith.index_cast %mul3A_1976 : i32 to index
      %get3A_1977 = tpu.vector_load %arg5[%get3A] {strides = array<i32>} : memref<2048xi32, #tpu.memory_space<vmem>>, vector<16xi32>,
      %ne3A_1978 = arith.constant 1 : i32
      %ne3A_1979 = vector.broadcast %ne3A_1978 : i32 to vector<16xi32>
      %ne3A_1980 = arith.cmpi ne, %get3A_1977, %ne3A_1979 : vector<16xi32>
      %broadcast_in_dim3A = arith.constant 1 : i32
      %broadcast_in_dim3A_1981 = vector.broadcast %broadcast_in_dim3A : i32 to vector<16xi32>
      %broadcast_in_dim3A_1982 = arith.constant 0 : i32
      %broadcast_in_dim3A_1983 = vector.broadcast %broadcast_in_dim3A_1982 : i32 to vector<16xi32>
      %select_n3A_1984 = arith.select %ne3A_1980, %broadcast_in_dim3A_1981, %broadcast_in_dim3A_1983 : vector<16xi1>, vector<16xi32>
      %reduce_sum3A = arith.constant true
      %reduce_sum3A_1985 = vector.broadcast %reduce_sum3A : i1 to vector<16xi1>
      %reduce_sum3A_1986 = tpu.scan <sum>, %select_n3A_1984 masked %reduce_sum3A_1985 : vector<16xi32>, vector<16xi1> -> vector<16xi32>
      %reduce_sum3A_1987 = vector.extract %reduce_sum3A_1986[15] : i32 from vector<16xi32>
      %add3A_1988 = arith.addi %while3A_1974, %reduce_sum3A_1987 : i32
      scf.yield %add3A_1988 : i32
    }
    %while3A_44 = arith.constant 1 : i32
    %while3A_45 = scf.for %while3A_1973 = %while3A_41 to %while3A_37 step %while3A_44 iter_args(%while3A_1974 = %while3A_43) -> (i32)  : i32 {
      %mul3A_1975 = arith.constant 16 : i32
      %mul3A_1976 = arith.muli %while3A_1973, %mul3A_1975 : i32
      %get3A = arith.index_cast %mul3A_1976 : i32 to index
      %get3A_1977 = tpu.vector_load %arg5[%get3A] {strides = array<i32>} : memref<2048xi32, #tpu.memory_space<vmem>>, vector<16xi32>,
      %ne3A_1978 = arith.constant 1 : i32
      %ne3A_1979 = vector.broadcast %ne3A_1978 : i32 to vector<16xi32>
      %ne3A_1980 = arith.cmpi ne, %get3A_1977, %ne3A_1979 : vector<16xi32>
      %broadcast_in_dim3A = arith.constant 1 : i32
      %broadcast_in_dim3A_1981 = vector.broadcast %broadcast_in_dim3A : i32 to vector<16xi32>
      %broadcast_in_dim3A_1982 = arith.constant 0 : i32
      %broadcast_in_dim3A_1983 = vector.broadcast %broadcast_in_dim3A_1982 : i32 to vector<16xi32>
      %select_n3A_1984 = arith.select %ne3A_1980, %broadcast_in_dim3A_1981, %broadcast_in_dim3A_1983 : vector<16xi1>, vector<16xi32>
      %reduce_sum3A = arith.constant true
      %reduce_sum3A_1985 = vector.broadcast %reduce_sum3A : i1 to vector<16xi1>
      %reduce_sum3A_1986 = tpu.scan <sum>, %select_n3A_1984 masked %reduce_sum3A_1985 : vector<16xi32>, vector<16xi1> -> vector<16xi32>
      %reduce_sum3A_1987 = vector.extract %reduce_sum3A_1986[15] : i32 from vector<16xi32>
      %add3A_1988 = arith.addi %while3A_1974, %reduce_sum3A_1987 : i32
      scf.yield %add3A_1988 : i32
    }
    %mul3A_46 = arith.constant 256 : i32
    %mul3A_47 = arith.muli %select_n3A_30, %mul3A_46 : i32
    %scan3A = arith.constant 0 : i32
    %scan3A_48 = arith.constant 16 : i32
    %scan3A_49 = arith.addi %scan3A, %scan3A_48 : i32
    %scan3A_50 = arith.constant 1 : i32
    %scan3A_51 = scf.for %scan3A_1973 = %scan3A to %scan3A_49 step %scan3A_50 iter_args(%scan3A_1974 = %while3A_45) -> (i32)  : i32 {
      %mul3A_1975 = arith.constant 16 : i32
      %mul3A_1976 = arith.muli %scan3A_1973, %mul3A_1975 : i32
      %add3A_1977 = arith.addi %mul3A_47, %mul3A_1976 : i32
      %get3A = arith.index_cast %add3A_1977 : i32 to index
      %get3A_1978 = tpu.vector_load %arg5[%get3A] {strides = array<i32>} : memref<2048xi32, #tpu.memory_space<vmem>>, vector<16xi32>,
      %ne3A_1979 = arith.constant 1 : i32
      %ne3A_1980 = vector.broadcast %ne3A_1979 : i32 to vector<16xi32>
      %ne3A_1981 = arith.cmpi ne, %get3A_1978, %ne3A_1980 : vector<16xi32>
      %broadcast_in_dim3A = arith.constant 1 : i32
      %broadcast_in_dim3A_1982 = vector.broadcast %broadcast_in_dim3A : i32 to vector<16xi32>
      %broadcast_in_dim3A_1983 = arith.constant 0 : i32
      %broadcast_in_dim3A_1984 = vector.broadcast %broadcast_in_dim3A_1983 : i32 to vector<16xi32>
      %select_n3A_1985 = arith.select %ne3A_1981, %broadcast_in_dim3A_1982, %broadcast_in_dim3A_1984 : vector<16xi1>, vector<16xi32>
      %broadcast_in_dim3A_1986 = arith.constant true
      %broadcast_in_dim3A_1987 = vector.broadcast %broadcast_in_dim3A_1986 : i1 to vector<16xi1>
      %masked_cumsum3A = tpu.scan <sum>, %select_n3A_1985 masked %broadcast_in_dim3A_1987 : vector<16xi32>, vector<16xi1> -> vector<16xi32>
      %add3A_1988 = vector.broadcast %scan3A_1974 : i32 to vector<16xi32>
      %add3A_1989 = arith.addi %add3A_1988, %masked_cumsum3A : vector<16xi32>
      %mul3A_1990 = arith.muli %add3A_1989, %select_n3A_1985 : vector<16xi32>
      %add3A_1991 = arith.constant 1 : i32
      %add3A_1992 = vector.broadcast %add3A_1991 : i32 to vector<16xi32>
      %add3A_1993 = arith.addi %mul3A_1990, %add3A_1992 : vector<16xi32>
      %mul3A_1994 = arith.constant 16 : i32
      %mul3A_1995 = arith.muli %scan3A_1973, %mul3A_1994 : i32
      %swap3A = arith.index_cast %mul3A_1995 : i32 to index
      %swap3A_1996 = tpu.vector_load %arg6[%swap3A] {strides = array<i32>} : memref<256xi32, #tpu.memory_space<vmem>>, vector<16xi32>,
      tpu.vector_store %arg6[%swap3A], %add3A_1993 {strides = array<i32>} : memref<256xi32, #tpu.memory_space<vmem>>, vector<16xi32>,
      %reduce_sum3A = arith.constant true
      %reduce_sum3A_1997 = vector.broadcast %reduce_sum3A : i1 to vector<16xi1>
      %reduce_sum3A_1998 = tpu.scan <sum>, %select_n3A_1985 masked %reduce_sum3A_1997 : vector<16xi32>, vector<16xi1> -> vector<16xi32>
      %reduce_sum3A_1999 = vector.extract %reduce_sum3A_1998[15] : i32 from vector<16xi32>
      %add3A_2000 = arith.addi %scan3A_1974, %reduce_sum3A_1999 : i32
      scf.yield %add3A_2000 : i32
    }
    %scan3A_52 = arith.constant 16 : i32
    %mul3A_53 = arith.constant 256 : i32
    %mul3A_54 = arith.muli %add3A, %mul3A_53 : i32
    %dma_start3A = arith.constant 0 : i32
    %dma_start3A_55 = arith.constant 0 : i32
    %dma_start3A_56 = arith.constant 0 : i32
    %dma_start3A_57 = arith.constant 0 : i32
    %dma_start3A_58 = tpu.memref_slice %arg7[%dma_start3A, %dma_start3A_56, %dma_start3A_57] : memref<14x8x1024xf32, #tpu.memory_space<vmem>> -> memref<1x8x1024xf32, #tpu.memory_space<vmem>>
    %dma_start3A_59 = tpu.memref_squeeze %dma_start3A_58 : memref<1x8x1024xf32, #tpu.memory_space<vmem>> -> memref<8x1024xf32, #tpu.memory_space<vmem>>
    %dma_start3A_60 = arith.constant 0 : i32
    %dma_start3A_61 = tpu.memref_slice %arg6[%dma_start3A_60] : memref<256xi32, #tpu.memory_space<vmem>> -> memref<8xi32, #tpu.memory_space<vmem>>
    %dma_start3A_62 = arith.constant 0 : i32
    %dma_start3A_63 = arith.constant 0 : i32
    %dma_start3A_64 = tpu.memref_slice %arg3[%dma_start3A_62, %dma_start3A_63] : memref<2050x1024xf32, #tpu.memory_space<hbm>> -> memref<2050x1024xf32, #tpu.memory_space<hbm>>
    %dma_start3A_65 = tpu.memref_slice %arg8[%dma_start3A_55] : memref<14x!tpu.dma_semaphore, #tpu.memory_space<semaphore_mem>> -> memref<1x!tpu.dma_semaphore, #tpu.memory_space<semaphore_mem>>
    %dma_start3A_66 = tpu.memref_squeeze %dma_start3A_65 : memref<1x!tpu.dma_semaphore, #tpu.memory_space<semaphore_mem>> -> memref<!tpu.dma_semaphore, #tpu.memory_space<semaphore_mem>>
    tpu.enqueue_indirect_dma source(%dma_start3A_64 : memref<2050x1024xf32, #tpu.memory_space<hbm>>) target(%dma_start3A_59 : memref<8x1024xf32, #tpu.memory_space<vmem>>) offsets(%dma_start3A_61 : memref<8xi32, #tpu.memory_space<vmem>>) semaphore(%dma_start3A_66 : memref<!tpu.dma_semaphore, #tpu.memory_space<semaphore_mem>>)
    %dma_start3A_67 = arith.constant 1 : i32
    %dma_start3A_68 = arith.constant 1 : i32
    %dma_start3A_69 = arith.constant 0 : i32
    %dma_start3A_70 = arith.constant 0 : i32
    %dma_start3A_71 = tpu.memref_slice %arg7[%dma_start3A_67, %dma_start3A_69, %dma_start3A_70] : memref<14x8x1024xf32, #tpu.memory_space<vmem>> -> memref<1x8x1024xf32, #tpu.memory_space<vmem>>
    %dma_start3A_72 = tpu.memref_squeeze %dma_start3A_71 : memref<1x8x1024xf32, #tpu.memory_space<vmem>> -> memref<8x1024xf32, #tpu.memory_space<vmem>>
    %dma_start3A_73 = arith.constant 8 : i32
    %dma_start3A_74 = tpu.memref_slice %arg6[%dma_start3A_73] : memref<256xi32, #tpu.memory_space<vmem>> -> memref<8xi32, #tpu.memory_space<vmem>>
    %dma_start3A_75 = arith.constant 0 : i32
    %dma_start3A_76 = arith.constant 0 : i32
    %dma_start3A_77 = tpu.memref_slice %arg3[%dma_start3A_75, %dma_start3A_76] : memref<2050x1024xf32, #tpu.memory_space<hbm>> -> memref<2050x1024xf32, #tpu.memory_space<hbm>>
    %dma_start3A_78 = tpu.memref_slice %arg8[%dma_start3A_68] : memref<14x!tpu.dma_semaphore, #tpu.memory_space<semaphore_mem>> -> memref<1x!tpu.dma_semaphore, #tpu.memory_space<semaphore_mem>>
    %dma_start3A_79 = tpu.memref_squeeze %dma_start3A_78 : memref<1x!tpu.dma_semaphore, #tpu.memory_space<semaphore_mem>> -> memref<!tpu.dma_semaphore, #tpu.memory_space<semaphore_mem>>
    tpu.enqueue_indirect_dma source(%dma_start3A_77 : memref<2050x1024xf32, #tpu.memory_space<hbm>>) target(%dma_start3A_72 : memref<8x1024xf32, #tpu.memory_space<vmem>>) offsets(%dma_start3A_74 : memref<8xi32, #tpu.memory_space<vmem>>) semaphore(%dma_start3A_79 : memref<!tpu.dma_semaphore, #tpu.memory_space<semaphore_mem>>)
    %dma_start3A_80 = arith.constant 2 : i32
    %dma_start3A_81 = arith.constant 2 : i32
    %dma_start3A_82 = arith.constant 0 : i32
    %dma_start3A_83 = arith.constant 0 : i32
    %dma_start3A_84 = tpu.memref_slice %arg7[%dma_start3A_80, %dma_start3A_82, %dma_start3A_83] : memref<14x8x1024xf32, #tpu.memory_space<vmem>> -> memref<1x8x1024xf32, #tpu.memory_space<vmem>>
    %dma_start3A_85 = tpu.memref_squeeze %dma_start3A_84 : memref<1x8x1024xf32, #tpu.memory_space<vmem>> -> memref<8x1024xf32, #tpu.memory_space<vmem>>
    %dma_start3A_86 = arith.constant 16 : i32
    %dma_start3A_87 = tpu.memref_slice %arg6[%dma_start3A_86] : memref<256xi32, #tpu.memory_space<vmem>> -> memref<8xi32, #tpu.memory_space<vmem>>
    %dma_start3A_88 = arith.constant 0 : i32
    %dma_start3A_89 = arith.constant 0 : i32
    %dma_start3A_90 = tpu.memref_slice %arg3[%dma_start3A_88, %dma_start3A_89] : memref<2050x1024xf32, #tpu.memory_space<hbm>> -> memref<2050x1024xf32, #tpu.memory_space<hbm>>
    %dma_start3A_91 = tpu.memref_slice %arg8[%dma_start3A_81] : memref<14x!tpu.dma_semaphore, #tpu.memory_space<semaphore_mem>> -> memref<1x!tpu.dma_semaphore, #tpu.memory_space<semaphore_mem>>
    %dma_start3A_92 = tpu.memref_squeeze %dma_start3A_91 : memref<1x!tpu.dma_semaphore, #tpu.memory_space<semaphore_mem>> -> memref<!tpu.dma_semaphore, #tpu.memory_space<semaphore_mem>>
    tpu.enqueue_indirect_dma source(%dma_start3A_90 : memref<2050x1024xf32, #tpu.memory_space<hbm>>) target(%dma_start3A_85 : memref<8x1024xf32, #tpu.memory_space<vmem>>) offsets(%dma_start3A_87 : memref<8xi32, #tpu.memory_space<vmem>>) semaphore(%dma_start3A_92 : memref<!tpu.dma_semaphore, #tpu.memory_space<semaphore_mem>>)
    %dma_start3A_93 = arith.constant 3 : i32
    %dma_start3A_94 = arith.constant 3 : i32
    %dma_start3A_95 = arith.constant 0 : i32
    %dma_start3A_96 = arith.constant 0 : i32
    %dma_start3A_97 = tpu.memref_slice %arg7[%dma_start3A_93, %dma_start3A_95, %dma_start3A_96] : memref<14x8x1024xf32, #tpu.memory_space<vmem>> -> memref<1x8x1024xf32, #tpu.memory_space<vmem>>
    %dma_start3A_98 = tpu.memref_squeeze %dma_start3A_97 : memref<1x8x1024xf32, #tpu.memory_space<vmem>> -> memref<8x1024xf32, #tpu.memory_space<vmem>>
    %dma_start3A_99 = arith.constant 24 : i32
    %dma_start3A_100 = tpu.memref_slice %arg6[%dma_start3A_99] : memref<256xi32, #tpu.memory_space<vmem>> -> memref<8xi32, #tpu.memory_space<vmem>>
    %dma_start3A_101 = arith.constant 0 : i32
    %dma_start3A_102 = arith.constant 0 : i32
    %dma_start3A_103 = tpu.memref_slice %arg3[%dma_start3A_101, %dma_start3A_102] : memref<2050x1024xf32, #tpu.memory_space<hbm>> -> memref<2050x1024xf32, #tpu.memory_space<hbm>>
    %dma_start3A_104 = tpu.memref_slice %arg8[%dma_start3A_94] : memref<14x!tpu.dma_semaphore, #tpu.memory_space<semaphore_mem>> -> memref<1x!tpu.dma_semaphore, #tpu.memory_space<semaphore_mem>>
    %dma_start3A_105 = tpu.memref_squeeze %dma_start3A_104 : memref<1x!tpu.dma_semaphore, #tpu.memory_space<semaphore_mem>> -> memref<!tpu.dma_semaphore, #tpu.memory_space<semaphore_mem>>
    tpu.enqueue_indirect_dma source(%dma_start3A_103 : memref<2050x1024xf32, #tpu.memory_space<hbm>>) target(%dma_start3A_98 : memref<8x1024xf32, #tpu.memory_space<vmem>>) offsets(%dma_start3A_100 : memref<8xi32, #tpu.memory_space<vmem>>) semaphore(%dma_start3A_105 : memref<!tpu.dma_semaphore, #tpu.memory_space<semaphore_mem>>)
    %dma_start3A_106 = arith.constant 4 : i32
    %dma_start3A_107 = arith.constant 4 : i32
    %dma_start3A_108 = arith.constant 0 : i32
    %dma_start3A_109 = arith.constant 0 : i32
    %dma_start3A_110 = tpu.memref_slice %arg7[%dma_start3A_106, %dma_start3A_108, %dma_start3A_109] : memref<14x8x1024xf32, #tpu.memory_space<vmem>> -> memref<1x8x1024xf32, #tpu.memory_space<vmem>>
    %dma_start3A_111 = tpu.memref_squeeze %dma_start3A_110 : memref<1x8x1024xf32, #tpu.memory_space<vmem>> -> memref<8x1024xf32, #tpu.memory_space<vmem>>
    %dma_start3A_112 = arith.constant 32 : i32
    %dma_start3A_113 = tpu.memref_slice %arg6[%dma_start3A_112] : memref<256xi32, #tpu.memory_space<vmem>> -> memref<8xi32, #tpu.memory_space<vmem>>
    %dma_start3A_114 = arith.constant 0 : i32
    %dma_start3A_115 = arith.constant 0 : i32
    %dma_start3A_116 = tpu.memref_slice %arg3[%dma_start3A_114, %dma_start3A_115] : memref<2050x1024xf32, #tpu.memory_space<hbm>> -> memref<2050x1024xf32, #tpu.memory_space<hbm>>
    %dma_start3A_117 = tpu.memref_slice %arg8[%dma_start3A_107] : memref<14x!tpu.dma_semaphore, #tpu.memory_space<semaphore_mem>> -> memref<1x!tpu.dma_semaphore, #tpu.memory_space<semaphore_mem>>
    %dma_start3A_118 = tpu.memref_squeeze %dma_start3A_117 : memref<1x!tpu.dma_semaphore, #tpu.memory_space<semaphore_mem>> -> memref<!tpu.dma_semaphore, #tpu.memory_space<semaphore_mem>>
    tpu.enqueue_indirect_dma source(%dma_start3A_116 : memref<2050x1024xf32, #tpu.memory_space<hbm>>) target(%dma_start3A_111 : memref<8x1024xf32, #tpu.memory_space<vmem>>) offsets(%dma_start3A_113 : memref<8xi32, #tpu.memory_space<vmem>>) semaphore(%dma_start3A_118 : memref<!tpu.dma_semaphore, #tpu.memory_space<semaphore_mem>>)
    %dma_start3A_119 = arith.constant 5 : i32
    %dma_start3A_120 = arith.constant 5 : i32
    %dma_start3A_121 = arith.constant 0 : i32
    %dma_start3A_122 = arith.constant 0 : i32
    %dma_start3A_123 = tpu.memref_slice %arg7[%dma_start3A_119, %dma_start3A_121, %dma_start3A_122] : memref<14x8x1024xf32, #tpu.memory_space<vmem>> -> memref<1x8x1024xf32, #tpu.memory_space<vmem>>
    %dma_start3A_124 = tpu.memref_squeeze %dma_start3A_123 : memref<1x8x1024xf32, #tpu.memory_space<vmem>> -> memref<8x1024xf32, #tpu.memory_space<vmem>>
    %dma_start3A_125 = arith.constant 40 : i32
    %dma_start3A_126 = tpu.memref_slice %arg6[%dma_start3A_125] : memref<256xi32, #tpu.memory_space<vmem>> -> memref<8xi32, #tpu.memory_space<vmem>>
    %dma_start3A_127 = arith.constant 0 : i32
    %dma_start3A_128 = arith.constant 0 : i32
    %dma_start3A_129 = tpu.memref_slice %arg3[%dma_start3A_127, %dma_start3A_128] : memref<2050x1024xf32, #tpu.memory_space<hbm>> -> memref<2050x1024xf32, #tpu.memory_space<hbm>>
    %dma_start3A_130 = tpu.memref_slice %arg8[%dma_start3A_120] : memref<14x!tpu.dma_semaphore, #tpu.memory_space<semaphore_mem>> -> memref<1x!tpu.dma_semaphore, #tpu.memory_space<semaphore_mem>>
    %dma_start3A_131 = tpu.memref_squeeze %dma_start3A_130 : memref<1x!tpu.dma_semaphore, #tpu.memory_space<semaphore_mem>> -> memref<!tpu.dma_semaphore, #tpu.memory_space<semaphore_mem>>
    tpu.enqueue_indirect_dma source(%dma_start3A_129 : memref<2050x1024xf32, #tpu.memory_space<hbm>>) target(%dma_start3A_124 : memref<8x1024xf32, #tpu.memory_space<vmem>>) offsets(%dma_start3A_126 : memref<8xi32, #tpu.memory_space<vmem>>) semaphore(%dma_start3A_131 : memref<!tpu.dma_semaphore, #tpu.memory_space<semaphore_mem>>)
    %dma_start3A_132 = arith.constant 6 : i32
    %dma_start3A_133 = arith.constant 6 : i32
    %dma_start3A_134 = arith.constant 0 : i32
    %dma_start3A_135 = arith.constant 0 : i32
    %dma_start3A_136 = tpu.memref_slice %arg7[%dma_start3A_132, %dma_start3A_134, %dma_start3A_135] : memref<14x8x1024xf32, #tpu.memory_space<vmem>> -> memref<1x8x1024xf32, #tpu.memory_space<vmem>>
    %dma_start3A_137 = tpu.memref_squeeze %dma_start3A_136 : memref<1x8x1024xf32, #tpu.memory_space<vmem>> -> memref<8x1024xf32, #tpu.memory_space<vmem>>
    %dma_start3A_138 = arith.constant 48 : i32
    %dma_start3A_139 = tpu.memref_slice %arg6[%dma_start3A_138] : memref<256xi32, #tpu.memory_space<vmem>> -> memref<8xi32, #tpu.memory_space<vmem>>
    %dma_start3A_140 = arith.constant 0 : i32
    %dma_start3A_141 = arith.constant 0 : i32
    %dma_start3A_142 = tpu.memref_slice %arg3[%dma_start3A_140, %dma_start3A_141] : memref<2050x1024xf32, #tpu.memory_space<hbm>> -> memref<2050x1024xf32, #tpu.memory_space<hbm>>
    %dma_start3A_143 = tpu.memref_slice %arg8[%dma_start3A_133] : memref<14x!tpu.dma_semaphore, #tpu.memory_space<semaphore_mem>> -> memref<1x!tpu.dma_semaphore, #tpu.memory_space<semaphore_mem>>
    %dma_start3A_144 = tpu.memref_squeeze %dma_start3A_143 : memref<1x!tpu.dma_semaphore, #tpu.memory_space<semaphore_mem>> -> memref<!tpu.dma_semaphore, #tpu.memory_space<semaphore_mem>>
    tpu.enqueue_indirect_dma source(%dma_start3A_142 : memref<2050x1024xf32, #tpu.memory_space<hbm>>) target(%dma_start3A_137 : memref<8x1024xf32, #tpu.memory_space<vmem>>) offsets(%dma_start3A_139 : memref<8xi32, #tpu.memory_space<vmem>>) semaphore(%dma_start3A_144 : memref<!tpu.dma_semaphore, #tpu.memory_space<semaphore_mem>>)
    %dma_start3A_145 = arith.constant 7 : i32
    %dma_start3A_146 = arith.constant 7 : i32
    %dma_start3A_147 = arith.constant 0 : i32
    %dma_start3A_148 = arith.constant 0 : i32
    %dma_start3A_149 = tpu.memref_slice %arg7[%dma_start3A_145, %dma_start3A_147, %dma_start3A_148] : memref<14x8x1024xf32, #tpu.memory_space<vmem>> -> memref<1x8x1024xf32, #tpu.memory_space<vmem>>
    %dma_start3A_150 = tpu.memref_squeeze %dma_start3A_149 : memref<1x8x1024xf32, #tpu.memory_space<vmem>> -> memref<8x1024xf32, #tpu.memory_space<vmem>>
    %dma_start3A_151 = arith.constant 56 : i32
    %dma_start3A_152 = tpu.memref_slice %arg6[%dma_start3A_151] : memref<256xi32, #tpu.memory_space<vmem>> -> memref<8xi32, #tpu.memory_space<vmem>>
    %dma_start3A_153 = arith.constant 0 : i32
    %dma_start3A_154 = arith.constant 0 : i32
    %dma_start3A_155 = tpu.memref_slice %arg3[%dma_start3A_153, %dma_start3A_154] : memref<2050x1024xf32, #tpu.memory_space<hbm>> -> memref<2050x1024xf32, #tpu.memory_space<hbm>>
    %dma_start3A_156 = tpu.memref_slice %arg8[%dma_start3A_146] : memref<14x!tpu.dma_semaphore, #tpu.memory_space<semaphore_mem>> -> memref<1x!tpu.dma_semaphore, #tpu.memory_space<semaphore_mem>>
    %dma_start3A_157 = tpu.memref_squeeze %dma_start3A_156 : memref<1x!tpu.dma_semaphore, #tpu.memory_space<semaphore_mem>> -> memref<!tpu.dma_semaphore, #tpu.memory_space<semaphore_mem>>
    tpu.enqueue_indirect_dma source(%dma_start3A_155 : memref<2050x1024xf32, #tpu.memory_space<hbm>>) target(%dma_start3A_150 : memref<8x1024xf32, #tpu.memory_space<vmem>>) offsets(%dma_start3A_152 : memref<8xi32, #tpu.memory_space<vmem>>) semaphore(%dma_start3A_157 : memref<!tpu.dma_semaphore, #tpu.memory_space<semaphore_mem>>)
    %dma_start3A_158 = arith.constant 8 : i32
    %dma_start3A_159 = arith.constant 8 : i32
    %dma_start3A_160 = arith.constant 0 : i32
    %dma_start3A_161 = arith.constant 0 : i32
    %dma_start3A_162 = tpu.memref_slice %arg7[%dma_start3A_158, %dma_start3A_160, %dma_start3A_161] : memref<14x8x1024xf32, #tpu.memory_space<vmem>> -> memref<1x8x1024xf32, #tpu.memory_space<vmem>>
    %dma_start3A_163 = tpu.memref_squeeze %dma_start3A_162 : memref<1x8x1024xf32, #tpu.memory_space<vmem>> -> memref<8x1024xf32, #tpu.memory_space<vmem>>
    %dma_start3A_164 = arith.constant 64 : i32
    %dma_start3A_165 = tpu.memref_slice %arg6[%dma_start3A_164] : memref<256xi32, #tpu.memory_space<vmem>> -> memref<8xi32, #tpu.memory_space<vmem>>
    %dma_start3A_166 = arith.constant 0 : i32
    %dma_start3A_167 = arith.constant 0 : i32
    %dma_start3A_168 = tpu.memref_slice %arg3[%dma_start3A_166, %dma_start3A_167] : memref<2050x1024xf32, #tpu.memory_space<hbm>> -> memref<2050x1024xf32, #tpu.memory_space<hbm>>
    %dma_start3A_169 = tpu.memref_slice %arg8[%dma_start3A_159] : memref<14x!tpu.dma_semaphore, #tpu.memory_space<semaphore_mem>> -> memref<1x!tpu.dma_semaphore, #tpu.memory_space<semaphore_mem>>
    %dma_start3A_170 = tpu.memref_squeeze %dma_start3A_169 : memref<1x!tpu.dma_semaphore, #tpu.memory_space<semaphore_mem>> -> memref<!tpu.dma_semaphore, #tpu.memory_space<semaphore_mem>>
    tpu.enqueue_indirect_dma source(%dma_start3A_168 : memref<2050x1024xf32, #tpu.memory_space<hbm>>) target(%dma_start3A_163 : memref<8x1024xf32, #tpu.memory_space<vmem>>) offsets(%dma_start3A_165 : memref<8xi32, #tpu.memory_space<vmem>>) semaphore(%dma_start3A_170 : memref<!tpu.dma_semaphore, #tpu.memory_space<semaphore_mem>>)
    %dma_start3A_171 = arith.constant 9 : i32
    %dma_start3A_172 = arith.constant 9 : i32
    %dma_start3A_173 = arith.constant 0 : i32
    %dma_start3A_174 = arith.constant 0 : i32
    %dma_start3A_175 = tpu.memref_slice %arg7[%dma_start3A_171, %dma_start3A_173, %dma_start3A_174] : memref<14x8x1024xf32, #tpu.memory_space<vmem>> -> memref<1x8x1024xf32, #tpu.memory_space<vmem>>
    %dma_start3A_176 = tpu.memref_squeeze %dma_start3A_175 : memref<1x8x1024xf32, #tpu.memory_space<vmem>> -> memref<8x1024xf32, #tpu.memory_space<vmem>>
    %dma_start3A_177 = arith.constant 72 : i32
    %dma_start3A_178 = tpu.memref_slice %arg6[%dma_start3A_177] : memref<256xi32, #tpu.memory_space<vmem>> -> memref<8xi32, #tpu.memory_space<vmem>>
    %dma_start3A_179 = arith.constant 0 : i32
    %dma_start3A_180 = arith.constant 0 : i32
    %dma_start3A_181 = tpu.memref_slice %arg3[%dma_start3A_179, %dma_start3A_180] : memref<2050x1024xf32, #tpu.memory_space<hbm>> -> memref<2050x1024xf32, #tpu.memory_space<hbm>>
    %dma_start3A_182 = tpu.memref_slice %arg8[%dma_start3A_172] : memref<14x!tpu.dma_semaphore, #tpu.memory_space<semaphore_mem>> -> memref<1x!tpu.dma_semaphore, #tpu.memory_space<semaphore_mem>>
    %dma_start3A_183 = tpu.memref_squeeze %dma_start3A_182 : memref<1x!tpu.dma_semaphore, #tpu.memory_space<semaphore_mem>> -> memref<!tpu.dma_semaphore, #tpu.memory_space<semaphore_mem>>
    tpu.enqueue_indirect_dma source(%dma_start3A_181 : memref<2050x1024xf32, #tpu.memory_space<hbm>>) target(%dma_start3A_176 : memref<8x1024xf32, #tpu.memory_space<vmem>>) offsets(%dma_start3A_178 : memref<8xi32, #tpu.memory_space<vmem>>) semaphore(%dma_start3A_183 : memref<!tpu.dma_semaphore, #tpu.memory_space<semaphore_mem>>)
    %dma_start3A_184 = arith.constant 10 : i32
    %dma_start3A_185 = arith.constant 10 : i32
    %dma_start3A_186 = arith.constant 0 : i32
    %dma_start3A_187 = arith.constant 0 : i32
    %dma_start3A_188 = tpu.memref_slice %arg7[%dma_start3A_184, %dma_start3A_186, %dma_start3A_187] : memref<14x8x1024xf32, #tpu.memory_space<vmem>> -> memref<1x8x1024xf32, #tpu.memory_space<vmem>>
    %dma_start3A_189 = tpu.memref_squeeze %dma_start3A_188 : memref<1x8x1024xf32, #tpu.memory_space<vmem>> -> memref<8x1024xf32, #tpu.memory_space<vmem>>
    %dma_start3A_190 = arith.constant 80 : i32
    %dma_start3A_191 = tpu.memref_slice %arg6[%dma_start3A_190] : memref<256xi32, #tpu.memory_space<vmem>> -> memref<8xi32, #tpu.memory_space<vmem>>
    %dma_start3A_192 = arith.constant 0 : i32
    %dma_start3A_193 = arith.constant 0 : i32
    %dma_start3A_194 = tpu.memref_slice %arg3[%dma_start3A_192, %dma_start3A_193] : memref<2050x1024xf32, #tpu.memory_space<hbm>> -> memref<2050x1024xf32, #tpu.memory_space<hbm>>
    %dma_start3A_195 = tpu.memref_slice %arg8[%dma_start3A_185] : memref<14x!tpu.dma_semaphore, #tpu.memory_space<semaphore_mem>> -> memref<1x!tpu.dma_semaphore, #tpu.memory_space<semaphore_mem>>
    %dma_start3A_196 = tpu.memref_squeeze %dma_start3A_195 : memref<1x!tpu.dma_semaphore, #tpu.memory_space<semaphore_mem>> -> memref<!tpu.dma_semaphore, #tpu.memory_space<semaphore_mem>>
    tpu.enqueue_indirect_dma source(%dma_start3A_194 : memref<2050x1024xf32, #tpu.memory_space<hbm>>) target(%dma_start3A_189 : memref<8x1024xf32, #tpu.memory_space<vmem>>) offsets(%dma_start3A_191 : memref<8xi32, #tpu.memory_space<vmem>>) semaphore(%dma_start3A_196 : memref<!tpu.dma_semaphore, #tpu.memory_space<semaphore_mem>>)
    %dma_start3A_197 = arith.constant 11 : i32
    %dma_start3A_198 = arith.constant 11 : i32
    %dma_start3A_199 = arith.constant 0 : i32
    %dma_start3A_200 = arith.constant 0 : i32
    %dma_start3A_201 = tpu.memref_slice %arg7[%dma_start3A_197, %dma_start3A_199, %dma_start3A_200] : memref<14x8x1024xf32, #tpu.memory_space<vmem>> -> memref<1x8x1024xf32, #tpu.memory_space<vmem>>
    %dma_start3A_202 = tpu.memref_squeeze %dma_start3A_201 : memref<1x8x1024xf32, #tpu.memory_space<vmem>> -> memref<8x1024xf32, #tpu.memory_space<vmem>>
    %dma_start3A_203 = arith.constant 88 : i32
    %dma_start3A_204 = tpu.memref_slice %arg6[%dma_start3A_203] : memref<256xi32, #tpu.memory_space<vmem>> -> memref<8xi32, #tpu.memory_space<vmem>>
    %dma_start3A_205 = arith.constant 0 : i32
    %dma_start3A_206 = arith.constant 0 : i32
    %dma_start3A_207 = tpu.memref_slice %arg3[%dma_start3A_205, %dma_start3A_206] : memref<2050x1024xf32, #tpu.memory_space<hbm>> -> memref<2050x1024xf32, #tpu.memory_space<hbm>>
    %dma_start3A_208 = tpu.memref_slice %arg8[%dma_start3A_198] : memref<14x!tpu.dma_semaphore, #tpu.memory_space<semaphore_mem>> -> memref<1x!tpu.dma_semaphore, #tpu.memory_space<semaphore_mem>>
    %dma_start3A_209 = tpu.memref_squeeze %dma_start3A_208 : memref<1x!tpu.dma_semaphore, #tpu.memory_space<semaphore_mem>> -> memref<!tpu.dma_semaphore, #tpu.memory_space<semaphore_mem>>
    tpu.enqueue_indirect_dma source(%dma_start3A_207 : memref<2050x1024xf32, #tpu.memory_space<hbm>>) target(%dma_start3A_202 : memref<8x1024xf32, #tpu.memory_space<vmem>>) offsets(%dma_start3A_204 : memref<8xi32, #tpu.memory_space<vmem>>) semaphore(%dma_start3A_209 : memref<!tpu.dma_semaphore, #tpu.memory_space<semaphore_mem>>)
    %dma_start3A_210 = arith.constant 12 : i32
    %dma_start3A_211 = arith.constant 12 : i32
    %dma_start3A_212 = arith.constant 0 : i32
    %dma_start3A_213 = arith.constant 0 : i32
    %dma_start3A_214 = tpu.memref_slice %arg7[%dma_start3A_210, %dma_start3A_212, %dma_start3A_213] : memref<14x8x1024xf32, #tpu.memory_space<vmem>> -> memref<1x8x1024xf32, #tpu.memory_space<vmem>>
    %dma_start3A_215 = tpu.memref_squeeze %dma_start3A_214 : memref<1x8x1024xf32, #tpu.memory_space<vmem>> -> memref<8x1024xf32, #tpu.memory_space<vmem>>
    %dma_start3A_216 = arith.constant 96 : i32
    %dma_start3A_217 = tpu.memref_slice %arg6[%dma_start3A_216] : memref<256xi32, #tpu.memory_space<vmem>> -> memref<8xi32, #tpu.memory_space<vmem>>
    %dma_start3A_218 = arith.constant 0 : i32
    %dma_start3A_219 = arith.constant 0 : i32
    %dma_start3A_220 = tpu.memref_slice %arg3[%dma_start3A_218, %dma_start3A_219] : memref<2050x1024xf32, #tpu.memory_space<hbm>> -> memref<2050x1024xf32, #tpu.memory_space<hbm>>
    %dma_start3A_221 = tpu.memref_slice %arg8[%dma_start3A_211] : memref<14x!tpu.dma_semaphore, #tpu.memory_space<semaphore_mem>> -> memref<1x!tpu.dma_semaphore, #tpu.memory_space<semaphore_mem>>
    %dma_start3A_222 = tpu.memref_squeeze %dma_start3A_221 : memref<1x!tpu.dma_semaphore, #tpu.memory_space<semaphore_mem>> -> memref<!tpu.dma_semaphore, #tpu.memory_space<semaphore_mem>>
    tpu.enqueue_indirect_dma source(%dma_start3A_220 : memref<2050x1024xf32, #tpu.memory_space<hbm>>) target(%dma_start3A_215 : memref<8x1024xf32, #tpu.memory_space<vmem>>) offsets(%dma_start3A_217 : memref<8xi32, #tpu.memory_space<vmem>>) semaphore(%dma_start3A_222 : memref<!tpu.dma_semaphore, #tpu.memory_space<semaphore_mem>>)
    %dma_start3A_223 = arith.constant 13 : i32
    %dma_start3A_224 = arith.constant 13 : i32
    %dma_start3A_225 = arith.constant 0 : i32
    %dma_start3A_226 = arith.constant 0 : i32
    %dma_start3A_227 = tpu.memref_slice %arg7[%dma_start3A_223, %dma_start3A_225, %dma_start3A_226] : memref<14x8x1024xf32, #tpu.memory_space<vmem>> -> memref<1x8x1024xf32, #tpu.memory_space<vmem>>
    %dma_start3A_228 = tpu.memref_squeeze %dma_start3A_227 : memref<1x8x1024xf32, #tpu.memory_space<vmem>> -> memref<8x1024xf32, #tpu.memory_space<vmem>>
    %dma_start3A_229 = arith.constant 104 : i32
    %dma_start3A_230 = tpu.memref_slice %arg6[%dma_start3A_229] : memref<256xi32, #tpu.memory_space<vmem>> -> memref<8xi32, #tpu.memory_space<vmem>>
    %dma_start3A_231 = arith.constant 0 : i32
    %dma_start3A_232 = arith.constant 0 : i32
    %dma_start3A_233 = tpu.memref_slice %arg3[%dma_start3A_231, %dma_start3A_232] : memref<2050x1024xf32, #tpu.memory_space<hbm>> -> memref<2050x1024xf32, #tpu.memory_space<hbm>>
    %dma_start3A_234 = tpu.memref_slice %arg8[%dma_start3A_224] : memref<14x!tpu.dma_semaphore, #tpu.memory_space<semaphore_mem>> -> memref<1x!tpu.dma_semaphore, #tpu.memory_space<semaphore_mem>>
    %dma_start3A_235 = tpu.memref_squeeze %dma_start3A_234 : memref<1x!tpu.dma_semaphore, #tpu.memory_space<semaphore_mem>> -> memref<!tpu.dma_semaphore, #tpu.memory_space<semaphore_mem>>
    tpu.enqueue_indirect_dma source(%dma_start3A_233 : memref<2050x1024xf32, #tpu.memory_space<hbm>>) target(%dma_start3A_228 : memref<8x1024xf32, #tpu.memory_space<vmem>>) offsets(%dma_start3A_230 : memref<8xi32, #tpu.memory_space<vmem>>) semaphore(%dma_start3A_235 : memref<!tpu.dma_semaphore, #tpu.memory_space<semaphore_mem>>)
    %dma_wait3A = arith.constant 0 : i32
    %dma_wait3A_236 = arith.constant 0 : i32
    %dma_wait3A_237 = arith.constant 0 : i32
    %dma_wait3A_238 = arith.constant 0 : i32
    %dma_wait3A_239 = tpu.memref_slice %arg7[%dma_wait3A, %dma_wait3A_237, %dma_wait3A_238] : memref<14x8x1024xf32, #tpu.memory_space<vmem>> -> memref<1x8x1024xf32, #tpu.memory_space<vmem>>
    %dma_wait3A_240 = tpu.memref_squeeze %dma_wait3A_239 : memref<1x8x1024xf32, #tpu.memory_space<vmem>> -> memref<8x1024xf32, #tpu.memory_space<vmem>>
    %dma_wait3A_241 = arith.constant 0 : i32
    %dma_wait3A_242 = tpu.memref_slice %arg6[%dma_wait3A_241] : memref<256xi32, #tpu.memory_space<vmem>> -> memref<8xi32, #tpu.memory_space<vmem>>
    %dma_wait3A_243 = arith.constant 0 : i32
    %dma_wait3A_244 = arith.constant 0 : i32
    %dma_wait3A_245 = tpu.memref_slice %arg3[%dma_wait3A_243, %dma_wait3A_244] : memref<2050x1024xf32, #tpu.memory_space<hbm>> -> memref<2050x1024xf32, #tpu.memory_space<hbm>>
    %dma_wait3A_246 = tpu.memref_slice %arg8[%dma_wait3A_236] : memref<14x!tpu.dma_semaphore, #tpu.memory_space<semaphore_mem>> -> memref<1x!tpu.dma_semaphore, #tpu.memory_space<semaphore_mem>>
    %dma_wait3A_247 = tpu.memref_squeeze %dma_wait3A_246 : memref<1x!tpu.dma_semaphore, #tpu.memory_space<semaphore_mem>> -> memref<!tpu.dma_semaphore, #tpu.memory_space<semaphore_mem>>
    tpu.wait_indirect_dma semaphore(%dma_wait3A_247 : memref<!tpu.dma_semaphore, #tpu.memory_space<semaphore_mem>>) src(%dma_wait3A_245 : memref<2050x1024xf32, #tpu.memory_space<hbm>>) dst(%dma_wait3A_240 : memref<8x1024xf32, #tpu.memory_space<vmem>>)
    %add3A_248 = arith.constant 0 : i32
    %add3A_249 = arith.addi %mul3A_54, %add3A_248 : i32
    %dma_start3A_250 = arith.constant 0 : i32
    %dma_start3A_251 = arith.constant 0 : i32
    %dma_start3A_252 = arith.constant 0 : i32
    %dma_start3A_253 = arith.constant 0 : i32
    %dma_start3A_254 = tpu.memref_slice %arg7[%dma_start3A_250, %dma_start3A_252, %dma_start3A_253] : memref<14x8x1024xf32, #tpu.memory_space<vmem>> -> memref<1x8x1024xf32, #tpu.memory_space<vmem>>
    %dma_start3A_255 = tpu.memref_squeeze %dma_start3A_254 : memref<1x8x1024xf32, #tpu.memory_space<vmem>> -> memref<8x1024xf32, #tpu.memory_space<vmem>>
    %dma_start3A_256 = arith.constant 0 : i32
    %dma_start3A_257 = tpu.memref_slice %arg4[%add3A_249, %dma_start3A_256] : memref<8192x1024xf32, #tpu.memory_space<hbm>> -> memref<8x1024xf32, #tpu.memory_space<hbm>>
    %dma_start3A_258 = tpu.memref_slice %arg9[%dma_start3A_251] : memref<14x!tpu.dma_semaphore, #tpu.memory_space<semaphore_mem>> -> memref<1x!tpu.dma_semaphore, #tpu.memory_space<semaphore_mem>>
    %dma_start3A_259 = tpu.memref_squeeze %dma_start3A_258 : memref<1x!tpu.dma_semaphore, #tpu.memory_space<semaphore_mem>> -> memref<!tpu.dma_semaphore, #tpu.memory_space<semaphore_mem>>
    %dma_start3A_260 = arith.constant 0 : i32
    %dma_start3A_261 = tpu.memref_slice %arg4[%add3A_249, %dma_start3A_260] : memref<8192x1024xf32, #tpu.memory_space<hbm>> -> memref<8x1024xf32, #tpu.memory_space<hbm>>
    %dma_start3A_262 = arith.constant 0 : i32
    %dma_start3A_263 = arith.constant 0 : i32
    %dma_start3A_264 = tpu.memref_slice %arg7[%dma_start3A_250, %dma_start3A_262, %dma_start3A_263] : memref<14x8x1024xf32, #tpu.memory_space<vmem>> -> memref<1x8x1024xf32, #tpu.memory_space<vmem>>
    %dma_start3A_265 = tpu.memref_squeeze %dma_start3A_264 : memref<1x8x1024xf32, #tpu.memory_space<vmem>> -> memref<8x1024xf32, #tpu.memory_space<vmem>>
    tpu.enqueue_dma source(%dma_start3A_265 : memref<8x1024xf32, #tpu.memory_space<vmem>>) target(%dma_start3A_261 : memref<8x1024xf32, #tpu.memory_space<hbm>>) target_semaphore(%dma_start3A_259 : memref<!tpu.dma_semaphore, #tpu.memory_space<semaphore_mem>>)
    %dma_wait3A_266 = arith.constant 0 : i32
    %dma_wait3A_267 = arith.constant 0 : i32
    %dma_wait3A_268 = arith.constant 0 : i32
    %dma_wait3A_269 = arith.constant 0 : i32
    %dma_wait3A_270 = tpu.memref_slice %arg7[%dma_wait3A_266, %dma_wait3A_268, %dma_wait3A_269] : memref<14x8x1024xf32, #tpu.memory_space<vmem>> -> memref<1x8x1024xf32, #tpu.memory_space<vmem>>
    %dma_wait3A_271 = tpu.memref_squeeze %dma_wait3A_270 : memref<1x8x1024xf32, #tpu.memory_space<vmem>> -> memref<8x1024xf32, #tpu.memory_space<vmem>>
    %dma_wait3A_272 = arith.constant 0 : i32
    %dma_wait3A_273 = tpu.memref_slice %arg4[%add3A_249, %dma_wait3A_272] : memref<8192x1024xf32, #tpu.memory_space<hbm>> -> memref<8x1024xf32, #tpu.memory_space<hbm>>
    %dma_wait3A_274 = tpu.memref_slice %arg9[%dma_wait3A_267] : memref<14x!tpu.dma_semaphore, #tpu.memory_space<semaphore_mem>> -> memref<1x!tpu.dma_semaphore, #tpu.memory_space<semaphore_mem>>
    %dma_wait3A_275 = tpu.memref_squeeze %dma_wait3A_274 : memref<1x!tpu.dma_semaphore, #tpu.memory_space<semaphore_mem>> -> memref<!tpu.dma_semaphore, #tpu.memory_space<semaphore_mem>>
    %dma_wait3A_276 = arith.constant 0 : i32
    %dma_wait3A_277 = tpu.memref_slice %arg4[%add3A_249, %dma_wait3A_276] : memref<8192x1024xf32, #tpu.memory_space<hbm>> -> memref<8x1024xf32, #tpu.memory_space<hbm>>
    %dma_wait3A_278 = arith.constant 0 : i32
    %dma_wait3A_279 = arith.constant 0 : i32
    %dma_wait3A_280 = tpu.memref_slice %arg7[%dma_wait3A_266, %dma_wait3A_278, %dma_wait3A_279] : memref<14x8x1024xf32, #tpu.memory_space<vmem>> -> memref<1x8x1024xf32, #tpu.memory_space<vmem>>
    %dma_wait3A_281 = tpu.memref_squeeze %dma_wait3A_280 : memref<1x8x1024xf32, #tpu.memory_space<vmem>> -> memref<8x1024xf32, #tpu.memory_space<vmem>>
    tpu.wait_dma2 semaphore(%dma_wait3A_275 : memref<!tpu.dma_semaphore, #tpu.memory_space<semaphore_mem>>) src(%dma_wait3A_281 : memref<8x1024xf32, #tpu.memory_space<vmem>>) dst(%dma_wait3A_277 : memref<8x1024xf32, #tpu.memory_space<hbm>>)
    %dma_start3A_282 = arith.constant 0 : i32
    %dma_start3A_283 = arith.constant 0 : i32
    %dma_start3A_284 = arith.constant 0 : i32
    %dma_start3A_285 = arith.constant 0 : i32
    %dma_start3A_286 = tpu.memref_slice %arg7[%dma_start3A_282, %dma_start3A_284, %dma_start3A_285] : memref<14x8x1024xf32, #tpu.memory_space<vmem>> -> memref<1x8x1024xf32, #tpu.memory_space<vmem>>
    %dma_start3A_287 = tpu.memref_squeeze %dma_start3A_286 : memref<1x8x1024xf32, #tpu.memory_space<vmem>> -> memref<8x1024xf32, #tpu.memory_space<vmem>>
    %dma_start3A_288 = arith.constant 112 : i32
    %dma_start3A_289 = tpu.memref_slice %arg6[%dma_start3A_288] : memref<256xi32, #tpu.memory_space<vmem>> -> memref<8xi32, #tpu.memory_space<vmem>>
    %dma_start3A_290 = arith.constant 0 : i32
    %dma_start3A_291 = arith.constant 0 : i32
    %dma_start3A_292 = tpu.memref_slice %arg3[%dma_start3A_290, %dma_start3A_291] : memref<2050x1024xf32, #tpu.memory_space<hbm>> -> memref<2050x1024xf32, #tpu.memory_space<hbm>>
    %dma_start3A_293 = tpu.memref_slice %arg8[%dma_start3A_283] : memref<14x!tpu.dma_semaphore, #tpu.memory_space<semaphore_mem>> -> memref<1x!tpu.dma_semaphore, #tpu.memory_space<semaphore_mem>>
    %dma_start3A_294 = tpu.memref_squeeze %dma_start3A_293 : memref<1x!tpu.dma_semaphore, #tpu.memory_space<semaphore_mem>> -> memref<!tpu.dma_semaphore, #tpu.memory_space<semaphore_mem>>
    tpu.enqueue_indirect_dma source(%dma_start3A_292 : memref<2050x1024xf32, #tpu.memory_space<hbm>>) target(%dma_start3A_287 : memref<8x1024xf32, #tpu.memory_space<vmem>>) offsets(%dma_start3A_289 : memref<8xi32, #tpu.memory_space<vmem>>) semaphore(%dma_start3A_294 : memref<!tpu.dma_semaphore, #tpu.memory_space<semaphore_mem>>)
    %dma_wait3A_295 = arith.constant 1 : i32
    %dma_wait3A_296 = arith.constant 1 : i32
    %dma_wait3A_297 = arith.constant 0 : i32
    %dma_wait3A_298 = arith.constant 0 : i32
    %dma_wait3A_299 = tpu.memref_slice %arg7[%dma_wait3A_295, %dma_wait3A_297, %dma_wait3A_298] : memref<14x8x1024xf32, #tpu.memory_space<vmem>> -> memref<1x8x1024xf32, #tpu.memory_space<vmem>>
    %dma_wait3A_300 = tpu.memref_squeeze %dma_wait3A_299 : memref<1x8x1024xf32, #tpu.memory_space<vmem>> -> memref<8x1024xf32, #tpu.memory_space<vmem>>
    %dma_wait3A_301 = arith.constant 8 : i32
    %dma_wait3A_302 = tpu.memref_slice %arg6[%dma_wait3A_301] : memref<256xi32, #tpu.memory_space<vmem>> -> memref<8xi32, #tpu.memory_space<vmem>>
    %dma_wait3A_303 = arith.constant 0 : i32
    %dma_wait3A_304 = arith.constant 0 : i32
    %dma_wait3A_305 = tpu.memref_slice %arg3[%dma_wait3A_303, %dma_wait3A_304] : memref<2050x1024xf32, #tpu.memory_space<hbm>> -> memref<2050x1024xf32, #tpu.memory_space<hbm>>
    %dma_wait3A_306 = tpu.memref_slice %arg8[%dma_wait3A_296] : memref<14x!tpu.dma_semaphore, #tpu.memory_space<semaphore_mem>> -> memref<1x!tpu.dma_semaphore, #tpu.memory_space<semaphore_mem>>
    %dma_wait3A_307 = tpu.memref_squeeze %dma_wait3A_306 : memref<1x!tpu.dma_semaphore, #tpu.memory_space<semaphore_mem>> -> memref<!tpu.dma_semaphore, #tpu.memory_space<semaphore_mem>>
    tpu.wait_indirect_dma semaphore(%dma_wait3A_307 : memref<!tpu.dma_semaphore, #tpu.memory_space<semaphore_mem>>) src(%dma_wait3A_305 : memref<2050x1024xf32, #tpu.memory_space<hbm>>) dst(%dma_wait3A_300 : memref<8x1024xf32, #tpu.memory_space<vmem>>)
    %add3A_308 = arith.constant 8 : i32
    %add3A_309 = arith.addi %mul3A_54, %add3A_308 : i32
    %dma_start3A_310 = arith.constant 1 : i32
    %dma_start3A_311 = arith.constant 1 : i32
    %dma_start3A_312 = arith.constant 0 : i32
    %dma_start3A_313 = arith.constant 0 : i32
    %dma_start3A_314 = tpu.memref_slice %arg7[%dma_start3A_310, %dma_start3A_312, %dma_start3A_313] : memref<14x8x1024xf32, #tpu.memory_space<vmem>> -> memref<1x8x1024xf32, #tpu.memory_space<vmem>>
    %dma_start3A_315 = tpu.memref_squeeze %dma_start3A_314 : memref<1x8x1024xf32, #tpu.memory_space<vmem>> -> memref<8x1024xf32, #tpu.memory_space<vmem>>
    %dma_start3A_316 = arith.constant 0 : i32
    %dma_start3A_317 = tpu.memref_slice %arg4[%add3A_309, %dma_start3A_316] : memref<8192x1024xf32, #tpu.memory_space<hbm>> -> memref<8x1024xf32, #tpu.memory_space<hbm>>
    %dma_start3A_318 = tpu.memref_slice %arg9[%dma_start3A_311] : memref<14x!tpu.dma_semaphore, #tpu.memory_space<semaphore_mem>> -> memref<1x!tpu.dma_semaphore, #tpu.memory_space<semaphore_mem>>
    %dma_start3A_319 = tpu.memref_squeeze %dma_start3A_318 : memref<1x!tpu.dma_semaphore, #tpu.memory_space<semaphore_mem>> -> memref<!tpu.dma_semaphore, #tpu.memory_space<semaphore_mem>>
    %dma_start3A_320 = arith.constant 0 : i32
    %dma_start3A_321 = tpu.memref_slice %arg4[%add3A_309, %dma_start3A_320] : memref<8192x1024xf32, #tpu.memory_space<hbm>> -> memref<8x1024xf32, #tpu.memory_space<hbm>>
    %dma_start3A_322 = arith.constant 0 : i32
    %dma_start3A_323 = arith.constant 0 : i32
    %dma_start3A_324 = tpu.memref_slice %arg7[%dma_start3A_310, %dma_start3A_322, %dma_start3A_323] : memref<14x8x1024xf32, #tpu.memory_space<vmem>> -> memref<1x8x1024xf32, #tpu.memory_space<vmem>>
    %dma_start3A_325 = tpu.memref_squeeze %dma_start3A_324 : memref<1x8x1024xf32, #tpu.memory_space<vmem>> -> memref<8x1024xf32, #tpu.memory_space<vmem>>
    tpu.enqueue_dma source(%dma_start3A_325 : memref<8x1024xf32, #tpu.memory_space<vmem>>) target(%dma_start3A_321 : memref<8x1024xf32, #tpu.memory_space<hbm>>) target_semaphore(%dma_start3A_319 : memref<!tpu.dma_semaphore, #tpu.memory_space<semaphore_mem>>)
    %dma_wait3A_326 = arith.constant 1 : i32
    %dma_wait3A_327 = arith.constant 1 : i32
    %dma_wait3A_328 = arith.constant 0 : i32
    %dma_wait3A_329 = arith.constant 0 : i32
    %dma_wait3A_330 = tpu.memref_slice %arg7[%dma_wait3A_326, %dma_wait3A_328, %dma_wait3A_329] : memref<14x8x1024xf32, #tpu.memory_space<vmem>> -> memref<1x8x1024xf32, #tpu.memory_space<vmem>>
    %dma_wait3A_331 = tpu.memref_squeeze %dma_wait3A_330 : memref<1x8x1024xf32, #tpu.memory_space<vmem>> -> memref<8x1024xf32, #tpu.memory_space<vmem>>
    %dma_wait3A_332 = arith.constant 0 : i32
    %dma_wait3A_333 = tpu.memref_slice %arg4[%add3A_309, %dma_wait3A_332] : memref<8192x1024xf32, #tpu.memory_space<hbm>> -> memref<8x1024xf32, #tpu.memory_space<hbm>>
    %dma_wait3A_334 = tpu.memref_slice %arg9[%dma_wait3A_327] : memref<14x!tpu.dma_semaphore, #tpu.memory_space<semaphore_mem>> -> memref<1x!tpu.dma_semaphore, #tpu.memory_space<semaphore_mem>>
    %dma_wait3A_335 = tpu.memref_squeeze %dma_wait3A_334 : memref<1x!tpu.dma_semaphore, #tpu.memory_space<semaphore_mem>> -> memref<!tpu.dma_semaphore, #tpu.memory_space<semaphore_mem>>
    %dma_wait3A_336 = arith.constant 0 : i32
    %dma_wait3A_337 = tpu.memref_slice %arg4[%add3A_309, %dma_wait3A_336] : memref<8192x1024xf32, #tpu.memory_space<hbm>> -> memref<8x1024xf32, #tpu.memory_space<hbm>>
    %dma_wait3A_338 = arith.constant 0 : i32
    %dma_wait3A_339 = arith.constant 0 : i32
    %dma_wait3A_340 = tpu.memref_slice %arg7[%dma_wait3A_326, %dma_wait3A_338, %dma_wait3A_339] : memref<14x8x1024xf32, #tpu.memory_space<vmem>> -> memref<1x8x1024xf32, #tpu.memory_space<vmem>>
    %dma_wait3A_341 = tpu.memref_squeeze %dma_wait3A_340 : memref<1x8x1024xf32, #tpu.memory_space<vmem>> -> memref<8x1024xf32, #tpu.memory_space<vmem>>
    tpu.wait_dma2 semaphore(%dma_wait3A_335 : memref<!tpu.dma_semaphore, #tpu.memory_space<semaphore_mem>>) src(%dma_wait3A_341 : memref<8x1024xf32, #tpu.memory_space<vmem>>) dst(%dma_wait3A_337 : memref<8x1024xf32, #tpu.memory_space<hbm>>)
    %dma_start3A_342 = arith.constant 1 : i32
    %dma_start3A_343 = arith.constant 1 : i32
    %dma_start3A_344 = arith.constant 0 : i32
    %dma_start3A_345 = arith.constant 0 : i32
    %dma_start3A_346 = tpu.memref_slice %arg7[%dma_start3A_342, %dma_start3A_344, %dma_start3A_345] : memref<14x8x1024xf32, #tpu.memory_space<vmem>> -> memref<1x8x1024xf32, #tpu.memory_space<vmem>>
    %dma_start3A_347 = tpu.memref_squeeze %dma_start3A_346 : memref<1x8x1024xf32, #tpu.memory_space<vmem>> -> memref<8x1024xf32, #tpu.memory_space<vmem>>
    %dma_start3A_348 = arith.constant 120 : i32
    %dma_start3A_349 = tpu.memref_slice %arg6[%dma_start3A_348] : memref<256xi32, #tpu.memory_space<vmem>> -> memref<8xi32, #tpu.memory_space<vmem>>
    %dma_start3A_350 = arith.constant 0 : i32
    %dma_start3A_351 = arith.constant 0 : i32
    %dma_start3A_352 = tpu.memref_slice %arg3[%dma_start3A_350, %dma_start3A_351] : memref<2050x1024xf32, #tpu.memory_space<hbm>> -> memref<2050x1024xf32, #tpu.memory_space<hbm>>
    %dma_start3A_353 = tpu.memref_slice %arg8[%dma_start3A_343] : memref<14x!tpu.dma_semaphore, #tpu.memory_space<semaphore_mem>> -> memref<1x!tpu.dma_semaphore, #tpu.memory_space<semaphore_mem>>
    %dma_start3A_354 = tpu.memref_squeeze %dma_start3A_353 : memref<1x!tpu.dma_semaphore, #tpu.memory_space<semaphore_mem>> -> memref<!tpu.dma_semaphore, #tpu.memory_space<semaphore_mem>>
    tpu.enqueue_indirect_dma source(%dma_start3A_352 : memref<2050x1024xf32, #tpu.memory_space<hbm>>) target(%dma_start3A_347 : memref<8x1024xf32, #tpu.memory_space<vmem>>) offsets(%dma_start3A_349 : memref<8xi32, #tpu.memory_space<vmem>>) semaphore(%dma_start3A_354 : memref<!tpu.dma_semaphore, #tpu.memory_space<semaphore_mem>>)
    %dma_wait3A_355 = arith.constant 2 : i32
    %dma_wait3A_356 = arith.constant 2 : i32
    %dma_wait3A_357 = arith.constant 0 : i32
    %dma_wait3A_358 = arith.constant 0 : i32
    %dma_wait3A_359 = tpu.memref_slice %arg7[%dma_wait3A_355, %dma_wait3A_357, %dma_wait3A_358] : memref<14x8x1024xf32, #tpu.memory_space<vmem>> -> memref<1x8x1024xf32, #tpu.memory_space<vmem>>
    %dma_wait3A_360 = tpu.memref_squeeze %dma_wait3A_359 : memref<1x8x1024xf32, #tpu.memory_space<vmem>> -> memref<8x1024xf32, #tpu.memory_space<vmem>>
    %dma_wait3A_361 = arith.constant 16 : i32
    %dma_wait3A_362 = tpu.memref_slice %arg6[%dma_wait3A_361] : memref<256xi32, #tpu.memory_space<vmem>> -> memref<8xi32, #tpu.memory_space<vmem>>
    %dma_wait3A_363 = arith.constant 0 : i32
    %dma_wait3A_364 = arith.constant 0 : i32
    %dma_wait3A_365 = tpu.memref_slice %arg3[%dma_wait3A_363, %dma_wait3A_364] : memref<2050x1024xf32, #tpu.memory_space<hbm>> -> memref<2050x1024xf32, #tpu.memory_space<hbm>>
    %dma_wait3A_366 = tpu.memref_slice %arg8[%dma_wait3A_356] : memref<14x!tpu.dma_semaphore, #tpu.memory_space<semaphore_mem>> -> memref<1x!tpu.dma_semaphore, #tpu.memory_space<semaphore_mem>>
    %dma_wait3A_367 = tpu.memref_squeeze %dma_wait3A_366 : memref<1x!tpu.dma_semaphore, #tpu.memory_space<semaphore_mem>> -> memref<!tpu.dma_semaphore, #tpu.memory_space<semaphore_mem>>
    tpu.wait_indirect_dma semaphore(%dma_wait3A_367 : memref<!tpu.dma_semaphore, #tpu.memory_space<semaphore_mem>>) src(%dma_wait3A_365 : memref<2050x1024xf32, #tpu.memory_space<hbm>>) dst(%dma_wait3A_360 : memref<8x1024xf32, #tpu.memory_space<vmem>>)
    %add3A_368 = arith.constant 16 : i32
    %add3A_369 = arith.addi %mul3A_54, %add3A_368 : i32
    %dma_start3A_370 = arith.constant 2 : i32
    %dma_start3A_371 = arith.constant 2 : i32
    %dma_start3A_372 = arith.constant 0 : i32
    %dma_start3A_373 = arith.constant 0 : i32
    %dma_start3A_374 = tpu.memref_slice %arg7[%dma_start3A_370, %dma_start3A_372, %dma_start3A_373] : memref<14x8x1024xf32, #tpu.memory_space<vmem>> -> memref<1x8x1024xf32, #tpu.memory_space<vmem>>
    %dma_start3A_375 = tpu.memref_squeeze %dma_start3A_374 : memref<1x8x1024xf32, #tpu.memory_space<vmem>> -> memref<8x1024xf32, #tpu.memory_space<vmem>>
    %dma_start3A_376 = arith.constant 0 : i32
    %dma_start3A_377 = tpu.memref_slice %arg4[%add3A_369, %dma_start3A_376] : memref<8192x1024xf32, #tpu.memory_space<hbm>> -> memref<8x1024xf32, #tpu.memory_space<hbm>>
    %dma_start3A_378 = tpu.memref_slice %arg9[%dma_start3A_371] : memref<14x!tpu.dma_semaphore, #tpu.memory_space<semaphore_mem>> -> memref<1x!tpu.dma_semaphore, #tpu.memory_space<semaphore_mem>>
    %dma_start3A_379 = tpu.memref_squeeze %dma_start3A_378 : memref<1x!tpu.dma_semaphore, #tpu.memory_space<semaphore_mem>> -> memref<!tpu.dma_semaphore, #tpu.memory_space<semaphore_mem>>
    %dma_start3A_380 = arith.constant 0 : i32
    %dma_start3A_381 = tpu.memref_slice %arg4[%add3A_369, %dma_start3A_380] : memref<8192x1024xf32, #tpu.memory_space<hbm>> -> memref<8x1024xf32, #tpu.memory_space<hbm>>
    %dma_start3A_382 = arith.constant 0 : i32
    %dma_start3A_383 = arith.constant 0 : i32
    %dma_start3A_384 = tpu.memref_slice %arg7[%dma_start3A_370, %dma_start3A_382, %dma_start3A_383] : memref<14x8x1024xf32, #tpu.memory_space<vmem>> -> memref<1x8x1024xf32, #tpu.memory_space<vmem>>
    %dma_start3A_385 = tpu.memref_squeeze %dma_start3A_384 : memref<1x8x1024xf32, #tpu.memory_space<vmem>> -> memref<8x1024xf32, #tpu.memory_space<vmem>>
    tpu.enqueue_dma source(%dma_start3A_385 : memref<8x1024xf32, #tpu.memory_space<vmem>>) target(%dma_start3A_381 : memref<8x1024xf32, #tpu.memory_space<hbm>>) target_semaphore(%dma_start3A_379 : memref<!tpu.dma_semaphore, #tpu.memory_space<semaphore_mem>>)
    %dma_wait3A_386 = arith.constant 2 : i32
    %dma_wait3A_387 = arith.constant 2 : i32
    %dma_wait3A_388 = arith.constant 0 : i32
    %dma_wait3A_389 = arith.constant 0 : i32
    %dma_wait3A_390 = tpu.memref_slice %arg7[%dma_wait3A_386, %dma_wait3A_388, %dma_wait3A_389] : memref<14x8x1024xf32, #tpu.memory_space<vmem>> -> memref<1x8x1024xf32, #tpu.memory_space<vmem>>
    %dma_wait3A_391 = tpu.memref_squeeze %dma_wait3A_390 : memref<1x8x1024xf32, #tpu.memory_space<vmem>> -> memref<8x1024xf32, #tpu.memory_space<vmem>>
    %dma_wait3A_392 = arith.constant 0 : i32
    %dma_wait3A_393 = tpu.memref_slice %arg4[%add3A_369, %dma_wait3A_392] : memref<8192x1024xf32, #tpu.memory_space<hbm>> -> memref<8x1024xf32, #tpu.memory_space<hbm>>
    %dma_wait3A_394 = tpu.memref_slice %arg9[%dma_wait3A_387] : memref<14x!tpu.dma_semaphore, #tpu.memory_space<semaphore_mem>> -> memref<1x!tpu.dma_semaphore, #tpu.memory_space<semaphore_mem>>
    %dma_wait3A_395 = tpu.memref_squeeze %dma_wait3A_394 : memref<1x!tpu.dma_semaphore, #tpu.memory_space<semaphore_mem>> -> memref<!tpu.dma_semaphore, #tpu.memory_space<semaphore_mem>>
    %dma_wait3A_396 = arith.constant 0 : i32
    %dma_wait3A_397 = tpu.memref_slice %arg4[%add3A_369, %dma_wait3A_396] : memref<8192x1024xf32, #tpu.memory_space<hbm>> -> memref<8x1024xf32, #tpu.memory_space<hbm>>
    %dma_wait3A_398 = arith.constant 0 : i32
    %dma_wait3A_399 = arith.constant 0 : i32
    %dma_wait3A_400 = tpu.memref_slice %arg7[%dma_wait3A_386, %dma_wait3A_398, %dma_wait3A_399] : memref<14x8x1024xf32, #tpu.memory_space<vmem>> -> memref<1x8x1024xf32, #tpu.memory_space<vmem>>
    %dma_wait3A_401 = tpu.memref_squeeze %dma_wait3A_400 : memref<1x8x1024xf32, #tpu.memory_space<vmem>> -> memref<8x1024xf32, #tpu.memory_space<vmem>>
    tpu.wait_dma2 semaphore(%dma_wait3A_395 : memref<!tpu.dma_semaphore, #tpu.memory_space<semaphore_mem>>) src(%dma_wait3A_401 : memref<8x1024xf32, #tpu.memory_space<vmem>>) dst(%dma_wait3A_397 : memref<8x1024xf32, #tpu.memory_space<hbm>>)
    %dma_start3A_402 = arith.constant 2 : i32
    %dma_start3A_403 = arith.constant 2 : i32
    %dma_start3A_404 = arith.constant 0 : i32
    %dma_start3A_405 = arith.constant 0 : i32
    %dma_start3A_406 = tpu.memref_slice %arg7[%dma_start3A_402, %dma_start3A_404, %dma_start3A_405] : memref<14x8x1024xf32, #tpu.memory_space<vmem>> -> memref<1x8x1024xf32, #tpu.memory_space<vmem>>
    %dma_start3A_407 = tpu.memref_squeeze %dma_start3A_406 : memref<1x8x1024xf32, #tpu.memory_space<vmem>> -> memref<8x1024xf32, #tpu.memory_space<vmem>>
    %dma_start3A_408 = arith.constant 128 : i32
    %dma_start3A_409 = tpu.memref_slice %arg6[%dma_start3A_408] : memref<256xi32, #tpu.memory_space<vmem>> -> memref<8xi32, #tpu.memory_space<vmem>>
    %dma_start3A_410 = arith.constant 0 : i32
    %dma_start3A_411 = arith.constant 0 : i32
    %dma_start3A_412 = tpu.memref_slice %arg3[%dma_start3A_410, %dma_start3A_411] : memref<2050x1024xf32, #tpu.memory_space<hbm>> -> memref<2050x1024xf32, #tpu.memory_space<hbm>>
    %dma_start3A_413 = tpu.memref_slice %arg8[%dma_start3A_403] : memref<14x!tpu.dma_semaphore, #tpu.memory_space<semaphore_mem>> -> memref<1x!tpu.dma_semaphore, #tpu.memory_space<semaphore_mem>>
    %dma_start3A_414 = tpu.memref_squeeze %dma_start3A_413 : memref<1x!tpu.dma_semaphore, #tpu.memory_space<semaphore_mem>> -> memref<!tpu.dma_semaphore, #tpu.memory_space<semaphore_mem>>
    tpu.enqueue_indirect_dma source(%dma_start3A_412 : memref<2050x1024xf32, #tpu.memory_space<hbm>>) target(%dma_start3A_407 : memref<8x1024xf32, #tpu.memory_space<vmem>>) offsets(%dma_start3A_409 : memref<8xi32, #tpu.memory_space<vmem>>) semaphore(%dma_start3A_414 : memref<!tpu.dma_semaphore, #tpu.memory_space<semaphore_mem>>)
    %dma_wait3A_415 = arith.constant 3 : i32
    %dma_wait3A_416 = arith.constant 3 : i32
    %dma_wait3A_417 = arith.constant 0 : i32
    %dma_wait3A_418 = arith.constant 0 : i32
    %dma_wait3A_419 = tpu.memref_slice %arg7[%dma_wait3A_415, %dma_wait3A_417, %dma_wait3A_418] : memref<14x8x1024xf32, #tpu.memory_space<vmem>> -> memref<1x8x1024xf32, #tpu.memory_space<vmem>>
    %dma_wait3A_420 = tpu.memref_squeeze %dma_wait3A_419 : memref<1x8x1024xf32, #tpu.memory_space<vmem>> -> memref<8x1024xf32, #tpu.memory_space<vmem>>
    %dma_wait3A_421 = arith.constant 24 : i32
    %dma_wait3A_422 = tpu.memref_slice %arg6[%dma_wait3A_421] : memref<256xi32, #tpu.memory_space<vmem>> -> memref<8xi32, #tpu.memory_space<vmem>>
    %dma_wait3A_423 = arith.constant 0 : i32
    %dma_wait3A_424 = arith.constant 0 : i32
    %dma_wait3A_425 = tpu.memref_slice %arg3[%dma_wait3A_423, %dma_wait3A_424] : memref<2050x1024xf32, #tpu.memory_space<hbm>> -> memref<2050x1024xf32, #tpu.memory_space<hbm>>
    %dma_wait3A_426 = tpu.memref_slice %arg8[%dma_wait3A_416] : memref<14x!tpu.dma_semaphore, #tpu.memory_space<semaphore_mem>> -> memref<1x!tpu.dma_semaphore, #tpu.memory_space<semaphore_mem>>
    %dma_wait3A_427 = tpu.memref_squeeze %dma_wait3A_426 : memref<1x!tpu.dma_semaphore, #tpu.memory_space<semaphore_mem>> -> memref<!tpu.dma_semaphore, #tpu.memory_space<semaphore_mem>>
    tpu.wait_indirect_dma semaphore(%dma_wait3A_427 : memref<!tpu.dma_semaphore, #tpu.memory_space<semaphore_mem>>) src(%dma_wait3A_425 : memref<2050x1024xf32, #tpu.memory_space<hbm>>) dst(%dma_wait3A_420 : memref<8x1024xf32, #tpu.memory_space<vmem>>)
    %add3A_428 = arith.constant 24 : i32
    %add3A_429 = arith.addi %mul3A_54, %add3A_428 : i32
    %dma_start3A_430 = arith.constant 3 : i32
    %dma_start3A_431 = arith.constant 3 : i32
    %dma_start3A_432 = arith.constant 0 : i32
    %dma_start3A_433 = arith.constant 0 : i32
    %dma_start3A_434 = tpu.memref_slice %arg7[%dma_start3A_430, %dma_start3A_432, %dma_start3A_433] : memref<14x8x1024xf32, #tpu.memory_space<vmem>> -> memref<1x8x1024xf32, #tpu.memory_space<vmem>>
    %dma_start3A_435 = tpu.memref_squeeze %dma_start3A_434 : memref<1x8x1024xf32, #tpu.memory_space<vmem>> -> memref<8x1024xf32, #tpu.memory_space<vmem>>
    %dma_start3A_436 = arith.constant 0 : i32
    %dma_start3A_437 = tpu.memref_slice %arg4[%add3A_429, %dma_start3A_436] : memref<8192x1024xf32, #tpu.memory_space<hbm>> -> memref<8x1024xf32, #tpu.memory_space<hbm>>
    %dma_start3A_438 = tpu.memref_slice %arg9[%dma_start3A_431] : memref<14x!tpu.dma_semaphore, #tpu.memory_space<semaphore_mem>> -> memref<1x!tpu.dma_semaphore, #tpu.memory_space<semaphore_mem>>
    %dma_start3A_439 = tpu.memref_squeeze %dma_start3A_438 : memref<1x!tpu.dma_semaphore, #tpu.memory_space<semaphore_mem>> -> memref<!tpu.dma_semaphore, #tpu.memory_space<semaphore_mem>>
    %dma_start3A_440 = arith.constant 0 : i32
    %dma_start3A_441 = tpu.memref_slice %arg4[%add3A_429, %dma_start3A_440] : memref<8192x1024xf32, #tpu.memory_space<hbm>> -> memref<8x1024xf32, #tpu.memory_space<hbm>>
    %dma_start3A_442 = arith.constant 0 : i32
    %dma_start3A_443 = arith.constant 0 : i32
    %dma_start3A_444 = tpu.memref_slice %arg7[%dma_start3A_430, %dma_start3A_442, %dma_start3A_443] : memref<14x8x1024xf32, #tpu.memory_space<vmem>> -> memref<1x8x1024xf32, #tpu.memory_space<vmem>>
    %dma_start3A_445 = tpu.memref_squeeze %dma_start3A_444 : memref<1x8x1024xf32, #tpu.memory_space<vmem>> -> memref<8x1024xf32, #tpu.memory_space<vmem>>
    tpu.enqueue_dma source(%dma_start3A_445 : memref<8x1024xf32, #tpu.memory_space<vmem>>) target(%dma_start3A_441 : memref<8x1024xf32, #tpu.memory_space<hbm>>) target_semaphore(%dma_start3A_439 : memref<!tpu.dma_semaphore, #tpu.memory_space<semaphore_mem>>)
    %dma_wait3A_446 = arith.constant 3 : i32
    %dma_wait3A_447 = arith.constant 3 : i32
    %dma_wait3A_448 = arith.constant 0 : i32
    %dma_wait3A_449 = arith.constant 0 : i32
    %dma_wait3A_450 = tpu.memref_slice %arg7[%dma_wait3A_446, %dma_wait3A_448, %dma_wait3A_449] : memref<14x8x1024xf32, #tpu.memory_space<vmem>> -> memref<1x8x1024xf32, #tpu.memory_space<vmem>>
    %dma_wait3A_451 = tpu.memref_squeeze %dma_wait3A_450 : memref<1x8x1024xf32, #tpu.memory_space<vmem>> -> memref<8x1024xf32, #tpu.memory_space<vmem>>
    %dma_wait3A_452 = arith.constant 0 : i32
    %dma_wait3A_453 = tpu.memref_slice %arg4[%add3A_429, %dma_wait3A_452] : memref<8192x1024xf32, #tpu.memory_space<hbm>> -> memref<8x1024xf32, #tpu.memory_space<hbm>>
    %dma_wait3A_454 = tpu.memref_slice %arg9[%dma_wait3A_447] : memref<14x!tpu.dma_semaphore, #tpu.memory_space<semaphore_mem>> -> memref<1x!tpu.dma_semaphore, #tpu.memory_space<semaphore_mem>>
    %dma_wait3A_455 = tpu.memref_squeeze %dma_wait3A_454 : memref<1x!tpu.dma_semaphore, #tpu.memory_space<semaphore_mem>> -> memref<!tpu.dma_semaphore, #tpu.memory_space<semaphore_mem>>
    %dma_wait3A_456 = arith.constant 0 : i32
    %dma_wait3A_457 = tpu.memref_slice %arg4[%add3A_429, %dma_wait3A_456] : memref<8192x1024xf32, #tpu.memory_space<hbm>> -> memref<8x1024xf32, #tpu.memory_space<hbm>>
    %dma_wait3A_458 = arith.constant 0 : i32
    %dma_wait3A_459 = arith.constant 0 : i32
    %dma_wait3A_460 = tpu.memref_slice %arg7[%dma_wait3A_446, %dma_wait3A_458, %dma_wait3A_459] : memref<14x8x1024xf32, #tpu.memory_space<vmem>> -> memref<1x8x1024xf32, #tpu.memory_space<vmem>>
    %dma_wait3A_461 = tpu.memref_squeeze %dma_wait3A_460 : memref<1x8x1024xf32, #tpu.memory_space<vmem>> -> memref<8x1024xf32, #tpu.memory_space<vmem>>
    tpu.wait_dma2 semaphore(%dma_wait3A_455 : memref<!tpu.dma_semaphore, #tpu.memory_space<semaphore_mem>>) src(%dma_wait3A_461 : memref<8x1024xf32, #tpu.memory_space<vmem>>) dst(%dma_wait3A_457 : memref<8x1024xf32, #tpu.memory_space<hbm>>)
    %dma_start3A_462 = arith.constant 3 : i32
    %dma_start3A_463 = arith.constant 3 : i32
    %dma_start3A_464 = arith.constant 0 : i32
    %dma_start3A_465 = arith.constant 0 : i32
    %dma_start3A_466 = tpu.memref_slice %arg7[%dma_start3A_462, %dma_start3A_464, %dma_start3A_465] : memref<14x8x1024xf32, #tpu.memory_space<vmem>> -> memref<1x8x1024xf32, #tpu.memory_space<vmem>>
    %dma_start3A_467 = tpu.memref_squeeze %dma_start3A_466 : memref<1x8x1024xf32, #tpu.memory_space<vmem>> -> memref<8x1024xf32, #tpu.memory_space<vmem>>
    %dma_start3A_468 = arith.constant 136 : i32
    %dma_start3A_469 = tpu.memref_slice %arg6[%dma_start3A_468] : memref<256xi32, #tpu.memory_space<vmem>> -> memref<8xi32, #tpu.memory_space<vmem>>
    %dma_start3A_470 = arith.constant 0 : i32
    %dma_start3A_471 = arith.constant 0 : i32
    %dma_start3A_472 = tpu.memref_slice %arg3[%dma_start3A_470, %dma_start3A_471] : memref<2050x1024xf32, #tpu.memory_space<hbm>> -> memref<2050x1024xf32, #tpu.memory_space<hbm>>
    %dma_start3A_473 = tpu.memref_slice %arg8[%dma_start3A_463] : memref<14x!tpu.dma_semaphore, #tpu.memory_space<semaphore_mem>> -> memref<1x!tpu.dma_semaphore, #tpu.memory_space<semaphore_mem>>
    %dma_start3A_474 = tpu.memref_squeeze %dma_start3A_473 : memref<1x!tpu.dma_semaphore, #tpu.memory_space<semaphore_mem>> -> memref<!tpu.dma_semaphore, #tpu.memory_space<semaphore_mem>>
    tpu.enqueue_indirect_dma source(%dma_start3A_472 : memref<2050x1024xf32, #tpu.memory_space<hbm>>) target(%dma_start3A_467 : memref<8x1024xf32, #tpu.memory_space<vmem>>) offsets(%dma_start3A_469 : memref<8xi32, #tpu.memory_space<vmem>>) semaphore(%dma_start3A_474 : memref<!tpu.dma_semaphore, #tpu.memory_space<semaphore_mem>>)
    %dma_wait3A_475 = arith.constant 4 : i32
    %dma_wait3A_476 = arith.constant 4 : i32
    %dma_wait3A_477 = arith.constant 0 : i32
    %dma_wait3A_478 = arith.constant 0 : i32
    %dma_wait3A_479 = tpu.memref_slice %arg7[%dma_wait3A_475, %dma_wait3A_477, %dma_wait3A_478] : memref<14x8x1024xf32, #tpu.memory_space<vmem>> -> memref<1x8x1024xf32, #tpu.memory_space<vmem>>
    %dma_wait3A_480 = tpu.memref_squeeze %dma_wait3A_479 : memref<1x8x1024xf32, #tpu.memory_space<vmem>> -> memref<8x1024xf32, #tpu.memory_space<vmem>>
    %dma_wait3A_481 = arith.constant 32 : i32
    %dma_wait3A_482 = tpu.memref_slice %arg6[%dma_wait3A_481] : memref<256xi32, #tpu.memory_space<vmem>> -> memref<8xi32, #tpu.memory_space<vmem>>
    %dma_wait3A_483 = arith.constant 0 : i32
    %dma_wait3A_484 = arith.constant 0 : i32
    %dma_wait3A_485 = tpu.memref_slice %arg3[%dma_wait3A_483, %dma_wait3A_484] : memref<2050x1024xf32, #tpu.memory_space<hbm>> -> memref<2050x1024xf32, #tpu.memory_space<hbm>>
    %dma_wait3A_486 = tpu.memref_slice %arg8[%dma_wait3A_476] : memref<14x!tpu.dma_semaphore, #tpu.memory_space<semaphore_mem>> -> memref<1x!tpu.dma_semaphore, #tpu.memory_space<semaphore_mem>>
    %dma_wait3A_487 = tpu.memref_squeeze %dma_wait3A_486 : memref<1x!tpu.dma_semaphore, #tpu.memory_space<semaphore_mem>> -> memref<!tpu.dma_semaphore, #tpu.memory_space<semaphore_mem>>
    tpu.wait_indirect_dma semaphore(%dma_wait3A_487 : memref<!tpu.dma_semaphore, #tpu.memory_space<semaphore_mem>>) src(%dma_wait3A_485 : memref<2050x1024xf32, #tpu.memory_space<hbm>>) dst(%dma_wait3A_480 : memref<8x1024xf32, #tpu.memory_space<vmem>>)
    %add3A_488 = arith.constant 32 : i32
    %add3A_489 = arith.addi %mul3A_54, %add3A_488 : i32
    %dma_start3A_490 = arith.constant 4 : i32
    %dma_start3A_491 = arith.constant 4 : i32
    %dma_start3A_492 = arith.constant 0 : i32
    %dma_start3A_493 = arith.constant 0 : i32
    %dma_start3A_494 = tpu.memref_slice %arg7[%dma_start3A_490, %dma_start3A_492, %dma_start3A_493] : memref<14x8x1024xf32, #tpu.memory_space<vmem>> -> memref<1x8x1024xf32, #tpu.memory_space<vmem>>
    %dma_start3A_495 = tpu.memref_squeeze %dma_start3A_494 : memref<1x8x1024xf32, #tpu.memory_space<vmem>> -> memref<8x1024xf32, #tpu.memory_space<vmem>>
    %dma_start3A_496 = arith.constant 0 : i32
    %dma_start3A_497 = tpu.memref_slice %arg4[%add3A_489, %dma_start3A_496] : memref<8192x1024xf32, #tpu.memory_space<hbm>> -> memref<8x1024xf32, #tpu.memory_space<hbm>>
    %dma_start3A_498 = tpu.memref_slice %arg9[%dma_start3A_491] : memref<14x!tpu.dma_semaphore, #tpu.memory_space<semaphore_mem>> -> memref<1x!tpu.dma_semaphore, #tpu.memory_space<semaphore_mem>>
    %dma_start3A_499 = tpu.memref_squeeze %dma_start3A_498 : memref<1x!tpu.dma_semaphore, #tpu.memory_space<semaphore_mem>> -> memref<!tpu.dma_semaphore, #tpu.memory_space<semaphore_mem>>
    %dma_start3A_500 = arith.constant 0 : i32
    %dma_start3A_501 = tpu.memref_slice %arg4[%add3A_489, %dma_start3A_500] : memref<8192x1024xf32, #tpu.memory_space<hbm>> -> memref<8x1024xf32, #tpu.memory_space<hbm>>
    %dma_start3A_502 = arith.constant 0 : i32
    %dma_start3A_503 = arith.constant 0 : i32
    %dma_start3A_504 = tpu.memref_slice %arg7[%dma_start3A_490, %dma_start3A_502, %dma_start3A_503] : memref<14x8x1024xf32, #tpu.memory_space<vmem>> -> memref<1x8x1024xf32, #tpu.memory_space<vmem>>
    %dma_start3A_505 = tpu.memref_squeeze %dma_start3A_504 : memref<1x8x1024xf32, #tpu.memory_space<vmem>> -> memref<8x1024xf32, #tpu.memory_space<vmem>>
    tpu.enqueue_dma source(%dma_start3A_505 : memref<8x1024xf32, #tpu.memory_space<vmem>>) target(%dma_start3A_501 : memref<8x1024xf32, #tpu.memory_space<hbm>>) target_semaphore(%dma_start3A_499 : memref<!tpu.dma_semaphore, #tpu.memory_space<semaphore_mem>>)
    %dma_wait3A_506 = arith.constant 4 : i32
    %dma_wait3A_507 = arith.constant 4 : i32
    %dma_wait3A_508 = arith.constant 0 : i32
    %dma_wait3A_509 = arith.constant 0 : i32
    %dma_wait3A_510 = tpu.memref_slice %arg7[%dma_wait3A_506, %dma_wait3A_508, %dma_wait3A_509] : memref<14x8x1024xf32, #tpu.memory_space<vmem>> -> memref<1x8x1024xf32, #tpu.memory_space<vmem>>
    %dma_wait3A_511 = tpu.memref_squeeze %dma_wait3A_510 : memref<1x8x1024xf32, #tpu.memory_space<vmem>> -> memref<8x1024xf32, #tpu.memory_space<vmem>>
    %dma_wait3A_512 = arith.constant 0 : i32
    %dma_wait3A_513 = tpu.memref_slice %arg4[%add3A_489, %dma_wait3A_512] : memref<8192x1024xf32, #tpu.memory_space<hbm>> -> memref<8x1024xf32, #tpu.memory_space<hbm>>
    %dma_wait3A_514 = tpu.memref_slice %arg9[%dma_wait3A_507] : memref<14x!tpu.dma_semaphore, #tpu.memory_space<semaphore_mem>> -> memref<1x!tpu.dma_semaphore, #tpu.memory_space<semaphore_mem>>
    %dma_wait3A_515 = tpu.memref_squeeze %dma_wait3A_514 : memref<1x!tpu.dma_semaphore, #tpu.memory_space<semaphore_mem>> -> memref<!tpu.dma_semaphore, #tpu.memory_space<semaphore_mem>>
    %dma_wait3A_516 = arith.constant 0 : i32
    %dma_wait3A_517 = tpu.memref_slice %arg4[%add3A_489, %dma_wait3A_516] : memref<8192x1024xf32, #tpu.memory_space<hbm>> -> memref<8x1024xf32, #tpu.memory_space<hbm>>
    %dma_wait3A_518 = arith.constant 0 : i32
    %dma_wait3A_519 = arith.constant 0 : i32
    %dma_wait3A_520 = tpu.memref_slice %arg7[%dma_wait3A_506, %dma_wait3A_518, %dma_wait3A_519] : memref<14x8x1024xf32, #tpu.memory_space<vmem>> -> memref<1x8x1024xf32, #tpu.memory_space<vmem>>
    %dma_wait3A_521 = tpu.memref_squeeze %dma_wait3A_520 : memref<1x8x1024xf32, #tpu.memory_space<vmem>> -> memref<8x1024xf32, #tpu.memory_space<vmem>>
    tpu.wait_dma2 semaphore(%dma_wait3A_515 : memref<!tpu.dma_semaphore, #tpu.memory_space<semaphore_mem>>) src(%dma_wait3A_521 : memref<8x1024xf32, #tpu.memory_space<vmem>>) dst(%dma_wait3A_517 : memref<8x1024xf32, #tpu.memory_space<hbm>>)
    %dma_start3A_522 = arith.constant 4 : i32
    %dma_start3A_523 = arith.constant 4 : i32
    %dma_start3A_524 = arith.constant 0 : i32
    %dma_start3A_525 = arith.constant 0 : i32
    %dma_start3A_526 = tpu.memref_slice %arg7[%dma_start3A_522, %dma_start3A_524, %dma_start3A_525] : memref<14x8x1024xf32, #tpu.memory_space<vmem>> -> memref<1x8x1024xf32, #tpu.memory_space<vmem>>
    %dma_start3A_527 = tpu.memref_squeeze %dma_start3A_526 : memref<1x8x1024xf32, #tpu.memory_space<vmem>> -> memref<8x1024xf32, #tpu.memory_space<vmem>>
    %dma_start3A_528 = arith.constant 144 : i32
    %dma_start3A_529 = tpu.memref_slice %arg6[%dma_start3A_528] : memref<256xi32, #tpu.memory_space<vmem>> -> memref<8xi32, #tpu.memory_space<vmem>>
    %dma_start3A_530 = arith.constant 0 : i32
    %dma_start3A_531 = arith.constant 0 : i32
    %dma_start3A_532 = tpu.memref_slice %arg3[%dma_start3A_530, %dma_start3A_531] : memref<2050x1024xf32, #tpu.memory_space<hbm>> -> memref<2050x1024xf32, #tpu.memory_space<hbm>>
    %dma_start3A_533 = tpu.memref_slice %arg8[%dma_start3A_523] : memref<14x!tpu.dma_semaphore, #tpu.memory_space<semaphore_mem>> -> memref<1x!tpu.dma_semaphore, #tpu.memory_space<semaphore_mem>>
    %dma_start3A_534 = tpu.memref_squeeze %dma_start3A_533 : memref<1x!tpu.dma_semaphore, #tpu.memory_space<semaphore_mem>> -> memref<!tpu.dma_semaphore, #tpu.memory_space<semaphore_mem>>
    tpu.enqueue_indirect_dma source(%dma_start3A_532 : memref<2050x1024xf32, #tpu.memory_space<hbm>>) target(%dma_start3A_527 : memref<8x1024xf32, #tpu.memory_space<vmem>>) offsets(%dma_start3A_529 : memref<8xi32, #tpu.memory_space<vmem>>) semaphore(%dma_start3A_534 : memref<!tpu.dma_semaphore, #tpu.memory_space<semaphore_mem>>)
    %dma_wait3A_535 = arith.constant 5 : i32
    %dma_wait3A_536 = arith.constant 5 : i32
    %dma_wait3A_537 = arith.constant 0 : i32
    %dma_wait3A_538 = arith.constant 0 : i32
    %dma_wait3A_539 = tpu.memref_slice %arg7[%dma_wait3A_535, %dma_wait3A_537, %dma_wait3A_538] : memref<14x8x1024xf32, #tpu.memory_space<vmem>> -> memref<1x8x1024xf32, #tpu.memory_space<vmem>>
    %dma_wait3A_540 = tpu.memref_squeeze %dma_wait3A_539 : memref<1x8x1024xf32, #tpu.memory_space<vmem>> -> memref<8x1024xf32, #tpu.memory_space<vmem>>
    %dma_wait3A_541 = arith.constant 40 : i32
    %dma_wait3A_542 = tpu.memref_slice %arg6[%dma_wait3A_541] : memref<256xi32, #tpu.memory_space<vmem>> -> memref<8xi32, #tpu.memory_space<vmem>>
    %dma_wait3A_543 = arith.constant 0 : i32
    %dma_wait3A_544 = arith.constant 0 : i32
    %dma_wait3A_545 = tpu.memref_slice %arg3[%dma_wait3A_543, %dma_wait3A_544] : memref<2050x1024xf32, #tpu.memory_space<hbm>> -> memref<2050x1024xf32, #tpu.memory_space<hbm>>
    %dma_wait3A_546 = tpu.memref_slice %arg8[%dma_wait3A_536] : memref<14x!tpu.dma_semaphore, #tpu.memory_space<semaphore_mem>> -> memref<1x!tpu.dma_semaphore, #tpu.memory_space<semaphore_mem>>
    %dma_wait3A_547 = tpu.memref_squeeze %dma_wait3A_546 : memref<1x!tpu.dma_semaphore, #tpu.memory_space<semaphore_mem>> -> memref<!tpu.dma_semaphore, #tpu.memory_space<semaphore_mem>>
    tpu.wait_indirect_dma semaphore(%dma_wait3A_547 : memref<!tpu.dma_semaphore, #tpu.memory_space<semaphore_mem>>) src(%dma_wait3A_545 : memref<2050x1024xf32, #tpu.memory_space<hbm>>) dst(%dma_wait3A_540 : memref<8x1024xf32, #tpu.memory_space<vmem>>)
    %add3A_548 = arith.constant 40 : i32
    %add3A_549 = arith.addi %mul3A_54, %add3A_548 : i32
    %dma_start3A_550 = arith.constant 5 : i32
    %dma_start3A_551 = arith.constant 5 : i32
    %dma_start3A_552 = arith.constant 0 : i32
    %dma_start3A_553 = arith.constant 0 : i32
    %dma_start3A_554 = tpu.memref_slice %arg7[%dma_start3A_550, %dma_start3A_552, %dma_start3A_553] : memref<14x8x1024xf32, #tpu.memory_space<vmem>> -> memref<1x8x1024xf32, #tpu.memory_space<vmem>>
    %dma_start3A_555 = tpu.memref_squeeze %dma_start3A_554 : memref<1x8x1024xf32, #tpu.memory_space<vmem>> -> memref<8x1024xf32, #tpu.memory_space<vmem>>
    %dma_start3A_556 = arith.constant 0 : i32
    %dma_start3A_557 = tpu.memref_slice %arg4[%add3A_549, %dma_start3A_556] : memref<8192x1024xf32, #tpu.memory_space<hbm>> -> memref<8x1024xf32, #tpu.memory_space<hbm>>
    %dma_start3A_558 = tpu.memref_slice %arg9[%dma_start3A_551] : memref<14x!tpu.dma_semaphore, #tpu.memory_space<semaphore_mem>> -> memref<1x!tpu.dma_semaphore, #tpu.memory_space<semaphore_mem>>
    %dma_start3A_559 = tpu.memref_squeeze %dma_start3A_558 : memref<1x!tpu.dma_semaphore, #tpu.memory_space<semaphore_mem>> -> memref<!tpu.dma_semaphore, #tpu.memory_space<semaphore_mem>>
    %dma_start3A_560 = arith.constant 0 : i32
    %dma_start3A_561 = tpu.memref_slice %arg4[%add3A_549, %dma_start3A_560] : memref<8192x1024xf32, #tpu.memory_space<hbm>> -> memref<8x1024xf32, #tpu.memory_space<hbm>>
    %dma_start3A_562 = arith.constant 0 : i32
    %dma_start3A_563 = arith.constant 0 : i32
    %dma_start3A_564 = tpu.memref_slice %arg7[%dma_start3A_550, %dma_start3A_562, %dma_start3A_563] : memref<14x8x1024xf32, #tpu.memory_space<vmem>> -> memref<1x8x1024xf32, #tpu.memory_space<vmem>>
    %dma_start3A_565 = tpu.memref_squeeze %dma_start3A_564 : memref<1x8x1024xf32, #tpu.memory_space<vmem>> -> memref<8x1024xf32, #tpu.memory_space<vmem>>
    tpu.enqueue_dma source(%dma_start3A_565 : memref<8x1024xf32, #tpu.memory_space<vmem>>) target(%dma_start3A_561 : memref<8x1024xf32, #tpu.memory_space<hbm>>) target_semaphore(%dma_start3A_559 : memref<!tpu.dma_semaphore, #tpu.memory_space<semaphore_mem>>)
    %dma_wait3A_566 = arith.constant 5 : i32
    %dma_wait3A_567 = arith.constant 5 : i32
    %dma_wait3A_568 = arith.constant 0 : i32
    %dma_wait3A_569 = arith.constant 0 : i32
    %dma_wait3A_570 = tpu.memref_slice %arg7[%dma_wait3A_566, %dma_wait3A_568, %dma_wait3A_569] : memref<14x8x1024xf32, #tpu.memory_space<vmem>> -> memref<1x8x1024xf32, #tpu.memory_space<vmem>>
    %dma_wait3A_571 = tpu.memref_squeeze %dma_wait3A_570 : memref<1x8x1024xf32, #tpu.memory_space<vmem>> -> memref<8x1024xf32, #tpu.memory_space<vmem>>
    %dma_wait3A_572 = arith.constant 0 : i32
    %dma_wait3A_573 = tpu.memref_slice %arg4[%add3A_549, %dma_wait3A_572] : memref<8192x1024xf32, #tpu.memory_space<hbm>> -> memref<8x1024xf32, #tpu.memory_space<hbm>>
    %dma_wait3A_574 = tpu.memref_slice %arg9[%dma_wait3A_567] : memref<14x!tpu.dma_semaphore, #tpu.memory_space<semaphore_mem>> -> memref<1x!tpu.dma_semaphore, #tpu.memory_space<semaphore_mem>>
    %dma_wait3A_575 = tpu.memref_squeeze %dma_wait3A_574 : memref<1x!tpu.dma_semaphore, #tpu.memory_space<semaphore_mem>> -> memref<!tpu.dma_semaphore, #tpu.memory_space<semaphore_mem>>
    %dma_wait3A_576 = arith.constant 0 : i32
    %dma_wait3A_577 = tpu.memref_slice %arg4[%add3A_549, %dma_wait3A_576] : memref<8192x1024xf32, #tpu.memory_space<hbm>> -> memref<8x1024xf32, #tpu.memory_space<hbm>>
    %dma_wait3A_578 = arith.constant 0 : i32
    %dma_wait3A_579 = arith.constant 0 : i32
    %dma_wait3A_580 = tpu.memref_slice %arg7[%dma_wait3A_566, %dma_wait3A_578, %dma_wait3A_579] : memref<14x8x1024xf32, #tpu.memory_space<vmem>> -> memref<1x8x1024xf32, #tpu.memory_space<vmem>>
    %dma_wait3A_581 = tpu.memref_squeeze %dma_wait3A_580 : memref<1x8x1024xf32, #tpu.memory_space<vmem>> -> memref<8x1024xf32, #tpu.memory_space<vmem>>
    tpu.wait_dma2 semaphore(%dma_wait3A_575 : memref<!tpu.dma_semaphore, #tpu.memory_space<semaphore_mem>>) src(%dma_wait3A_581 : memref<8x1024xf32, #tpu.memory_space<vmem>>) dst(%dma_wait3A_577 : memref<8x1024xf32, #tpu.memory_space<hbm>>)
    %dma_start3A_582 = arith.constant 5 : i32
    %dma_start3A_583 = arith.constant 5 : i32
    %dma_start3A_584 = arith.constant 0 : i32
    %dma_start3A_585 = arith.constant 0 : i32
    %dma_start3A_586 = tpu.memref_slice %arg7[%dma_start3A_582, %dma_start3A_584, %dma_start3A_585] : memref<14x8x1024xf32, #tpu.memory_space<vmem>> -> memref<1x8x1024xf32, #tpu.memory_space<vmem>>
    %dma_start3A_587 = tpu.memref_squeeze %dma_start3A_586 : memref<1x8x1024xf32, #tpu.memory_space<vmem>> -> memref<8x1024xf32, #tpu.memory_space<vmem>>
    %dma_start3A_588 = arith.constant 152 : i32
    %dma_start3A_589 = tpu.memref_slice %arg6[%dma_start3A_588] : memref<256xi32, #tpu.memory_space<vmem>> -> memref<8xi32, #tpu.memory_space<vmem>>
    %dma_start3A_590 = arith.constant 0 : i32
    %dma_start3A_591 = arith.constant 0 : i32
    %dma_start3A_592 = tpu.memref_slice %arg3[%dma_start3A_590, %dma_start3A_591] : memref<2050x1024xf32, #tpu.memory_space<hbm>> -> memref<2050x1024xf32, #tpu.memory_space<hbm>>
    %dma_start3A_593 = tpu.memref_slice %arg8[%dma_start3A_583] : memref<14x!tpu.dma_semaphore, #tpu.memory_space<semaphore_mem>> -> memref<1x!tpu.dma_semaphore, #tpu.memory_space<semaphore_mem>>
    %dma_start3A_594 = tpu.memref_squeeze %dma_start3A_593 : memref<1x!tpu.dma_semaphore, #tpu.memory_space<semaphore_mem>> -> memref<!tpu.dma_semaphore, #tpu.memory_space<semaphore_mem>>
    tpu.enqueue_indirect_dma source(%dma_start3A_592 : memref<2050x1024xf32, #tpu.memory_space<hbm>>) target(%dma_start3A_587 : memref<8x1024xf32, #tpu.memory_space<vmem>>) offsets(%dma_start3A_589 : memref<8xi32, #tpu.memory_space<vmem>>) semaphore(%dma_start3A_594 : memref<!tpu.dma_semaphore, #tpu.memory_space<semaphore_mem>>)
    %dma_wait3A_595 = arith.constant 6 : i32
    %dma_wait3A_596 = arith.constant 6 : i32
    %dma_wait3A_597 = arith.constant 0 : i32
    %dma_wait3A_598 = arith.constant 0 : i32
    %dma_wait3A_599 = tpu.memref_slice %arg7[%dma_wait3A_595, %dma_wait3A_597, %dma_wait3A_598] : memref<14x8x1024xf32, #tpu.memory_space<vmem>> -> memref<1x8x1024xf32, #tpu.memory_space<vmem>>
    %dma_wait3A_600 = tpu.memref_squeeze %dma_wait3A_599 : memref<1x8x1024xf32, #tpu.memory_space<vmem>> -> memref<8x1024xf32, #tpu.memory_space<vmem>>
    %dma_wait3A_601 = arith.constant 48 : i32
    %dma_wait3A_602 = tpu.memref_slice %arg6[%dma_wait3A_601] : memref<256xi32, #tpu.memory_space<vmem>> -> memref<8xi32, #tpu.memory_space<vmem>>
    %dma_wait3A_603 = arith.constant 0 : i32
    %dma_wait3A_604 = arith.constant 0 : i32
    %dma_wait3A_605 = tpu.memref_slice %arg3[%dma_wait3A_603, %dma_wait3A_604] : memref<2050x1024xf32, #tpu.memory_space<hbm>> -> memref<2050x1024xf32, #tpu.memory_space<hbm>>
    %dma_wait3A_606 = tpu.memref_slice %arg8[%dma_wait3A_596] : memref<14x!tpu.dma_semaphore, #tpu.memory_space<semaphore_mem>> -> memref<1x!tpu.dma_semaphore, #tpu.memory_space<semaphore_mem>>
    %dma_wait3A_607 = tpu.memref_squeeze %dma_wait3A_606 : memref<1x!tpu.dma_semaphore, #tpu.memory_space<semaphore_mem>> -> memref<!tpu.dma_semaphore, #tpu.memory_space<semaphore_mem>>
    tpu.wait_indirect_dma semaphore(%dma_wait3A_607 : memref<!tpu.dma_semaphore, #tpu.memory_space<semaphore_mem>>) src(%dma_wait3A_605 : memref<2050x1024xf32, #tpu.memory_space<hbm>>) dst(%dma_wait3A_600 : memref<8x1024xf32, #tpu.memory_space<vmem>>)
    %add3A_608 = arith.constant 48 : i32
    %add3A_609 = arith.addi %mul3A_54, %add3A_608 : i32
    %dma_start3A_610 = arith.constant 6 : i32
    %dma_start3A_611 = arith.constant 6 : i32
    %dma_start3A_612 = arith.constant 0 : i32
    %dma_start3A_613 = arith.constant 0 : i32
    %dma_start3A_614 = tpu.memref_slice %arg7[%dma_start3A_610, %dma_start3A_612, %dma_start3A_613] : memref<14x8x1024xf32, #tpu.memory_space<vmem>> -> memref<1x8x1024xf32, #tpu.memory_space<vmem>>
    %dma_start3A_615 = tpu.memref_squeeze %dma_start3A_614 : memref<1x8x1024xf32, #tpu.memory_space<vmem>> -> memref<8x1024xf32, #tpu.memory_space<vmem>>
    %dma_start3A_616 = arith.constant 0 : i32
    %dma_start3A_617 = tpu.memref_slice %arg4[%add3A_609, %dma_start3A_616] : memref<8192x1024xf32, #tpu.memory_space<hbm>> -> memref<8x1024xf32, #tpu.memory_space<hbm>>
    %dma_start3A_618 = tpu.memref_slice %arg9[%dma_start3A_611] : memref<14x!tpu.dma_semaphore, #tpu.memory_space<semaphore_mem>> -> memref<1x!tpu.dma_semaphore, #tpu.memory_space<semaphore_mem>>
    %dma_start3A_619 = tpu.memref_squeeze %dma_start3A_618 : memref<1x!tpu.dma_semaphore, #tpu.memory_space<semaphore_mem>> -> memref<!tpu.dma_semaphore, #tpu.memory_space<semaphore_mem>>
    %dma_start3A_620 = arith.constant 0 : i32
    %dma_start3A_621 = tpu.memref_slice %arg4[%add3A_609, %dma_start3A_620] : memref<8192x1024xf32, #tpu.memory_space<hbm>> -> memref<8x1024xf32, #tpu.memory_space<hbm>>
    %dma_start3A_622 = arith.constant 0 : i32
    %dma_start3A_623 = arith.constant 0 : i32
    %dma_start3A_624 = tpu.memref_slice %arg7[%dma_start3A_610, %dma_start3A_622, %dma_start3A_623] : memref<14x8x1024xf32, #tpu.memory_space<vmem>> -> memref<1x8x1024xf32, #tpu.memory_space<vmem>>
    %dma_start3A_625 = tpu.memref_squeeze %dma_start3A_624 : memref<1x8x1024xf32, #tpu.memory_space<vmem>> -> memref<8x1024xf32, #tpu.memory_space<vmem>>
    tpu.enqueue_dma source(%dma_start3A_625 : memref<8x1024xf32, #tpu.memory_space<vmem>>) target(%dma_start3A_621 : memref<8x1024xf32, #tpu.memory_space<hbm>>) target_semaphore(%dma_start3A_619 : memref<!tpu.dma_semaphore, #tpu.memory_space<semaphore_mem>>)
    %dma_wait3A_626 = arith.constant 6 : i32
    %dma_wait3A_627 = arith.constant 6 : i32
    %dma_wait3A_628 = arith.constant 0 : i32
    %dma_wait3A_629 = arith.constant 0 : i32
    %dma_wait3A_630 = tpu.memref_slice %arg7[%dma_wait3A_626, %dma_wait3A_628, %dma_wait3A_629] : memref<14x8x1024xf32, #tpu.memory_space<vmem>> -> memref<1x8x1024xf32, #tpu.memory_space<vmem>>
    %dma_wait3A_631 = tpu.memref_squeeze %dma_wait3A_630 : memref<1x8x1024xf32, #tpu.memory_space<vmem>> -> memref<8x1024xf32, #tpu.memory_space<vmem>>
    %dma_wait3A_632 = arith.constant 0 : i32
    %dma_wait3A_633 = tpu.memref_slice %arg4[%add3A_609, %dma_wait3A_632] : memref<8192x1024xf32, #tpu.memory_space<hbm>> -> memref<8x1024xf32, #tpu.memory_space<hbm>>
    %dma_wait3A_634 = tpu.memref_slice %arg9[%dma_wait3A_627] : memref<14x!tpu.dma_semaphore, #tpu.memory_space<semaphore_mem>> -> memref<1x!tpu.dma_semaphore, #tpu.memory_space<semaphore_mem>>
    %dma_wait3A_635 = tpu.memref_squeeze %dma_wait3A_634 : memref<1x!tpu.dma_semaphore, #tpu.memory_space<semaphore_mem>> -> memref<!tpu.dma_semaphore, #tpu.memory_space<semaphore_mem>>
    %dma_wait3A_636 = arith.constant 0 : i32
    %dma_wait3A_637 = tpu.memref_slice %arg4[%add3A_609, %dma_wait3A_636] : memref<8192x1024xf32, #tpu.memory_space<hbm>> -> memref<8x1024xf32, #tpu.memory_space<hbm>>
    %dma_wait3A_638 = arith.constant 0 : i32
    %dma_wait3A_639 = arith.constant 0 : i32
    %dma_wait3A_640 = tpu.memref_slice %arg7[%dma_wait3A_626, %dma_wait3A_638, %dma_wait3A_639] : memref<14x8x1024xf32, #tpu.memory_space<vmem>> -> memref<1x8x1024xf32, #tpu.memory_space<vmem>>
    %dma_wait3A_641 = tpu.memref_squeeze %dma_wait3A_640 : memref<1x8x1024xf32, #tpu.memory_space<vmem>> -> memref<8x1024xf32, #tpu.memory_space<vmem>>
    tpu.wait_dma2 semaphore(%dma_wait3A_635 : memref<!tpu.dma_semaphore, #tpu.memory_space<semaphore_mem>>) src(%dma_wait3A_641 : memref<8x1024xf32, #tpu.memory_space<vmem>>) dst(%dma_wait3A_637 : memref<8x1024xf32, #tpu.memory_space<hbm>>)
    %dma_start3A_642 = arith.constant 6 : i32
    %dma_start3A_643 = arith.constant 6 : i32
    %dma_start3A_644 = arith.constant 0 : i32
    %dma_start3A_645 = arith.constant 0 : i32
    %dma_start3A_646 = tpu.memref_slice %arg7[%dma_start3A_642, %dma_start3A_644, %dma_start3A_645] : memref<14x8x1024xf32, #tpu.memory_space<vmem>> -> memref<1x8x1024xf32, #tpu.memory_space<vmem>>
    %dma_start3A_647 = tpu.memref_squeeze %dma_start3A_646 : memref<1x8x1024xf32, #tpu.memory_space<vmem>> -> memref<8x1024xf32, #tpu.memory_space<vmem>>
    %dma_start3A_648 = arith.constant 160 : i32
    %dma_start3A_649 = tpu.memref_slice %arg6[%dma_start3A_648] : memref<256xi32, #tpu.memory_space<vmem>> -> memref<8xi32, #tpu.memory_space<vmem>>
    %dma_start3A_650 = arith.constant 0 : i32
    %dma_start3A_651 = arith.constant 0 : i32
    %dma_start3A_652 = tpu.memref_slice %arg3[%dma_start3A_650, %dma_start3A_651] : memref<2050x1024xf32, #tpu.memory_space<hbm>> -> memref<2050x1024xf32, #tpu.memory_space<hbm>>
    %dma_start3A_653 = tpu.memref_slice %arg8[%dma_start3A_643] : memref<14x!tpu.dma_semaphore, #tpu.memory_space<semaphore_mem>> -> memref<1x!tpu.dma_semaphore, #tpu.memory_space<semaphore_mem>>
    %dma_start3A_654 = tpu.memref_squeeze %dma_start3A_653 : memref<1x!tpu.dma_semaphore, #tpu.memory_space<semaphore_mem>> -> memref<!tpu.dma_semaphore, #tpu.memory_space<semaphore_mem>>
    tpu.enqueue_indirect_dma source(%dma_start3A_652 : memref<2050x1024xf32, #tpu.memory_space<hbm>>) target(%dma_start3A_647 : memref<8x1024xf32, #tpu.memory_space<vmem>>) offsets(%dma_start3A_649 : memref<8xi32, #tpu.memory_space<vmem>>) semaphore(%dma_start3A_654 : memref<!tpu.dma_semaphore, #tpu.memory_space<semaphore_mem>>)
    %dma_wait3A_655 = arith.constant 7 : i32
    %dma_wait3A_656 = arith.constant 7 : i32
    %dma_wait3A_657 = arith.constant 0 : i32
    %dma_wait3A_658 = arith.constant 0 : i32
    %dma_wait3A_659 = tpu.memref_slice %arg7[%dma_wait3A_655, %dma_wait3A_657, %dma_wait3A_658] : memref<14x8x1024xf32, #tpu.memory_space<vmem>> -> memref<1x8x1024xf32, #tpu.memory_space<vmem>>
    %dma_wait3A_660 = tpu.memref_squeeze %dma_wait3A_659 : memref<1x8x1024xf32, #tpu.memory_space<vmem>> -> memref<8x1024xf32, #tpu.memory_space<vmem>>
    %dma_wait3A_661 = arith.constant 56 : i32
    %dma_wait3A_662 = tpu.memref_slice %arg6[%dma_wait3A_661] : memref<256xi32, #tpu.memory_space<vmem>> -> memref<8xi32, #tpu.memory_space<vmem>>
    %dma_wait3A_663 = arith.constant 0 : i32
    %dma_wait3A_664 = arith.constant 0 : i32
    %dma_wait3A_665 = tpu.memref_slice %arg3[%dma_wait3A_663, %dma_wait3A_664] : memref<2050x1024xf32, #tpu.memory_space<hbm>> -> memref<2050x1024xf32, #tpu.memory_space<hbm>>
    %dma_wait3A_666 = tpu.memref_slice %arg8[%dma_wait3A_656] : memref<14x!tpu.dma_semaphore, #tpu.memory_space<semaphore_mem>> -> memref<1x!tpu.dma_semaphore, #tpu.memory_space<semaphore_mem>>
    %dma_wait3A_667 = tpu.memref_squeeze %dma_wait3A_666 : memref<1x!tpu.dma_semaphore, #tpu.memory_space<semaphore_mem>> -> memref<!tpu.dma_semaphore, #tpu.memory_space<semaphore_mem>>
    tpu.wait_indirect_dma semaphore(%dma_wait3A_667 : memref<!tpu.dma_semaphore, #tpu.memory_space<semaphore_mem>>) src(%dma_wait3A_665 : memref<2050x1024xf32, #tpu.memory_space<hbm>>) dst(%dma_wait3A_660 : memref<8x1024xf32, #tpu.memory_space<vmem>>)
    %add3A_668 = arith.constant 56 : i32
    %add3A_669 = arith.addi %mul3A_54, %add3A_668 : i32
    %dma_start3A_670 = arith.constant 7 : i32
    %dma_start3A_671 = arith.constant 7 : i32
    %dma_start3A_672 = arith.constant 0 : i32
    %dma_start3A_673 = arith.constant 0 : i32
    %dma_start3A_674 = tpu.memref_slice %arg7[%dma_start3A_670, %dma_start3A_672, %dma_start3A_673] : memref<14x8x1024xf32, #tpu.memory_space<vmem>> -> memref<1x8x1024xf32, #tpu.memory_space<vmem>>
    %dma_start3A_675 = tpu.memref_squeeze %dma_start3A_674 : memref<1x8x1024xf32, #tpu.memory_space<vmem>> -> memref<8x1024xf32, #tpu.memory_space<vmem>>
    %dma_start3A_676 = arith.constant 0 : i32
    %dma_start3A_677 = tpu.memref_slice %arg4[%add3A_669, %dma_start3A_676] : memref<8192x1024xf32, #tpu.memory_space<hbm>> -> memref<8x1024xf32, #tpu.memory_space<hbm>>
    %dma_start3A_678 = tpu.memref_slice %arg9[%dma_start3A_671] : memref<14x!tpu.dma_semaphore, #tpu.memory_space<semaphore_mem>> -> memref<1x!tpu.dma_semaphore, #tpu.memory_space<semaphore_mem>>
    %dma_start3A_679 = tpu.memref_squeeze %dma_start3A_678 : memref<1x!tpu.dma_semaphore, #tpu.memory_space<semaphore_mem>> -> memref<!tpu.dma_semaphore, #tpu.memory_space<semaphore_mem>>
    %dma_start3A_680 = arith.constant 0 : i32
    %dma_start3A_681 = tpu.memref_slice %arg4[%add3A_669, %dma_start3A_680] : memref<8192x1024xf32, #tpu.memory_space<hbm>> -> memref<8x1024xf32, #tpu.memory_space<hbm>>
    %dma_start3A_682 = arith.constant 0 : i32
    %dma_start3A_683 = arith.constant 0 : i32
    %dma_start3A_684 = tpu.memref_slice %arg7[%dma_start3A_670, %dma_start3A_682, %dma_start3A_683] : memref<14x8x1024xf32, #tpu.memory_space<vmem>> -> memref<1x8x1024xf32, #tpu.memory_space<vmem>>
    %dma_start3A_685 = tpu.memref_squeeze %dma_start3A_684 : memref<1x8x1024xf32, #tpu.memory_space<vmem>> -> memref<8x1024xf32, #tpu.memory_space<vmem>>
    tpu.enqueue_dma source(%dma_start3A_685 : memref<8x1024xf32, #tpu.memory_space<vmem>>) target(%dma_start3A_681 : memref<8x1024xf32, #tpu.memory_space<hbm>>) target_semaphore(%dma_start3A_679 : memref<!tpu.dma_semaphore, #tpu.memory_space<semaphore_mem>>)
    %dma_wait3A_686 = arith.constant 7 : i32
    %dma_wait3A_687 = arith.constant 7 : i32
    %dma_wait3A_688 = arith.constant 0 : i32
    %dma_wait3A_689 = arith.constant 0 : i32
    %dma_wait3A_690 = tpu.memref_slice %arg7[%dma_wait3A_686, %dma_wait3A_688, %dma_wait3A_689] : memref<14x8x1024xf32, #tpu.memory_space<vmem>> -> memref<1x8x1024xf32, #tpu.memory_space<vmem>>
    %dma_wait3A_691 = tpu.memref_squeeze %dma_wait3A_690 : memref<1x8x1024xf32, #tpu.memory_space<vmem>> -> memref<8x1024xf32, #tpu.memory_space<vmem>>
    %dma_wait3A_692 = arith.constant 0 : i32
    %dma_wait3A_693 = tpu.memref_slice %arg4[%add3A_669, %dma_wait3A_692] : memref<8192x1024xf32, #tpu.memory_space<hbm>> -> memref<8x1024xf32, #tpu.memory_space<hbm>>
    %dma_wait3A_694 = tpu.memref_slice %arg9[%dma_wait3A_687] : memref<14x!tpu.dma_semaphore, #tpu.memory_space<semaphore_mem>> -> memref<1x!tpu.dma_semaphore, #tpu.memory_space<semaphore_mem>>
    %dma_wait3A_695 = tpu.memref_squeeze %dma_wait3A_694 : memref<1x!tpu.dma_semaphore, #tpu.memory_space<semaphore_mem>> -> memref<!tpu.dma_semaphore, #tpu.memory_space<semaphore_mem>>
    %dma_wait3A_696 = arith.constant 0 : i32
    %dma_wait3A_697 = tpu.memref_slice %arg4[%add3A_669, %dma_wait3A_696] : memref<8192x1024xf32, #tpu.memory_space<hbm>> -> memref<8x1024xf32, #tpu.memory_space<hbm>>
    %dma_wait3A_698 = arith.constant 0 : i32
    %dma_wait3A_699 = arith.constant 0 : i32
    %dma_wait3A_700 = tpu.memref_slice %arg7[%dma_wait3A_686, %dma_wait3A_698, %dma_wait3A_699] : memref<14x8x1024xf32, #tpu.memory_space<vmem>> -> memref<1x8x1024xf32, #tpu.memory_space<vmem>>
    %dma_wait3A_701 = tpu.memref_squeeze %dma_wait3A_700 : memref<1x8x1024xf32, #tpu.memory_space<vmem>> -> memref<8x1024xf32, #tpu.memory_space<vmem>>
    tpu.wait_dma2 semaphore(%dma_wait3A_695 : memref<!tpu.dma_semaphore, #tpu.memory_space<semaphore_mem>>) src(%dma_wait3A_701 : memref<8x1024xf32, #tpu.memory_space<vmem>>) dst(%dma_wait3A_697 : memref<8x1024xf32, #tpu.memory_space<hbm>>)
    %dma_start3A_702 = arith.constant 7 : i32
    %dma_start3A_703 = arith.constant 7 : i32
    %dma_start3A_704 = arith.constant 0 : i32
    %dma_start3A_705 = arith.constant 0 : i32
    %dma_start3A_706 = tpu.memref_slice %arg7[%dma_start3A_702, %dma_start3A_704, %dma_start3A_705] : memref<14x8x1024xf32, #tpu.memory_space<vmem>> -> memref<1x8x1024xf32, #tpu.memory_space<vmem>>
    %dma_start3A_707 = tpu.memref_squeeze %dma_start3A_706 : memref<1x8x1024xf32, #tpu.memory_space<vmem>> -> memref<8x1024xf32, #tpu.memory_space<vmem>>
    %dma_start3A_708 = arith.constant 168 : i32
    %dma_start3A_709 = tpu.memref_slice %arg6[%dma_start3A_708] : memref<256xi32, #tpu.memory_space<vmem>> -> memref<8xi32, #tpu.memory_space<vmem>>
    %dma_start3A_710 = arith.constant 0 : i32
    %dma_start3A_711 = arith.constant 0 : i32
    %dma_start3A_712 = tpu.memref_slice %arg3[%dma_start3A_710, %dma_start3A_711] : memref<2050x1024xf32, #tpu.memory_space<hbm>> -> memref<2050x1024xf32, #tpu.memory_space<hbm>>
    %dma_start3A_713 = tpu.memref_slice %arg8[%dma_start3A_703] : memref<14x!tpu.dma_semaphore, #tpu.memory_space<semaphore_mem>> -> memref<1x!tpu.dma_semaphore, #tpu.memory_space<semaphore_mem>>
    %dma_start3A_714 = tpu.memref_squeeze %dma_start3A_713 : memref<1x!tpu.dma_semaphore, #tpu.memory_space<semaphore_mem>> -> memref<!tpu.dma_semaphore, #tpu.memory_space<semaphore_mem>>
    tpu.enqueue_indirect_dma source(%dma_start3A_712 : memref<2050x1024xf32, #tpu.memory_space<hbm>>) target(%dma_start3A_707 : memref<8x1024xf32, #tpu.memory_space<vmem>>) offsets(%dma_start3A_709 : memref<8xi32, #tpu.memory_space<vmem>>) semaphore(%dma_start3A_714 : memref<!tpu.dma_semaphore, #tpu.memory_space<semaphore_mem>>)
    %dma_wait3A_715 = arith.constant 8 : i32
    %dma_wait3A_716 = arith.constant 8 : i32
    %dma_wait3A_717 = arith.constant 0 : i32
    %dma_wait3A_718 = arith.constant 0 : i32
    %dma_wait3A_719 = tpu.memref_slice %arg7[%dma_wait3A_715, %dma_wait3A_717, %dma_wait3A_718] : memref<14x8x1024xf32, #tpu.memory_space<vmem>> -> memref<1x8x1024xf32, #tpu.memory_space<vmem>>
    %dma_wait3A_720 = tpu.memref_squeeze %dma_wait3A_719 : memref<1x8x1024xf32, #tpu.memory_space<vmem>> -> memref<8x1024xf32, #tpu.memory_space<vmem>>
    %dma_wait3A_721 = arith.constant 64 : i32
    %dma_wait3A_722 = tpu.memref_slice %arg6[%dma_wait3A_721] : memref<256xi32, #tpu.memory_space<vmem>> -> memref<8xi32, #tpu.memory_space<vmem>>
    %dma_wait3A_723 = arith.constant 0 : i32
    %dma_wait3A_724 = arith.constant 0 : i32
    %dma_wait3A_725 = tpu.memref_slice %arg3[%dma_wait3A_723, %dma_wait3A_724] : memref<2050x1024xf32, #tpu.memory_space<hbm>> -> memref<2050x1024xf32, #tpu.memory_space<hbm>>
    %dma_wait3A_726 = tpu.memref_slice %arg8[%dma_wait3A_716] : memref<14x!tpu.dma_semaphore, #tpu.memory_space<semaphore_mem>> -> memref<1x!tpu.dma_semaphore, #tpu.memory_space<semaphore_mem>>
    %dma_wait3A_727 = tpu.memref_squeeze %dma_wait3A_726 : memref<1x!tpu.dma_semaphore, #tpu.memory_space<semaphore_mem>> -> memref<!tpu.dma_semaphore, #tpu.memory_space<semaphore_mem>>
    tpu.wait_indirect_dma semaphore(%dma_wait3A_727 : memref<!tpu.dma_semaphore, #tpu.memory_space<semaphore_mem>>) src(%dma_wait3A_725 : memref<2050x1024xf32, #tpu.memory_space<hbm>>) dst(%dma_wait3A_720 : memref<8x1024xf32, #tpu.memory_space<vmem>>)
    %add3A_728 = arith.constant 64 : i32
    %add3A_729 = arith.addi %mul3A_54, %add3A_728 : i32
    %dma_start3A_730 = arith.constant 8 : i32
    %dma_start3A_731 = arith.constant 8 : i32
    %dma_start3A_732 = arith.constant 0 : i32
    %dma_start3A_733 = arith.constant 0 : i32
    %dma_start3A_734 = tpu.memref_slice %arg7[%dma_start3A_730, %dma_start3A_732, %dma_start3A_733] : memref<14x8x1024xf32, #tpu.memory_space<vmem>> -> memref<1x8x1024xf32, #tpu.memory_space<vmem>>
    %dma_start3A_735 = tpu.memref_squeeze %dma_start3A_734 : memref<1x8x1024xf32, #tpu.memory_space<vmem>> -> memref<8x1024xf32, #tpu.memory_space<vmem>>
    %dma_start3A_736 = arith.constant 0 : i32
    %dma_start3A_737 = tpu.memref_slice %arg4[%add3A_729, %dma_start3A_736] : memref<8192x1024xf32, #tpu.memory_space<hbm>> -> memref<8x1024xf32, #tpu.memory_space<hbm>>
    %dma_start3A_738 = tpu.memref_slice %arg9[%dma_start3A_731] : memref<14x!tpu.dma_semaphore, #tpu.memory_space<semaphore_mem>> -> memref<1x!tpu.dma_semaphore, #tpu.memory_space<semaphore_mem>>
    %dma_start3A_739 = tpu.memref_squeeze %dma_start3A_738 : memref<1x!tpu.dma_semaphore, #tpu.memory_space<semaphore_mem>> -> memref<!tpu.dma_semaphore, #tpu.memory_space<semaphore_mem>>
    %dma_start3A_740 = arith.constant 0 : i32
    %dma_start3A_741 = tpu.memref_slice %arg4[%add3A_729, %dma_start3A_740] : memref<8192x1024xf32, #tpu.memory_space<hbm>> -> memref<8x1024xf32, #tpu.memory_space<hbm>>
    %dma_start3A_742 = arith.constant 0 : i32
    %dma_start3A_743 = arith.constant 0 : i32
    %dma_start3A_744 = tpu.memref_slice %arg7[%dma_start3A_730, %dma_start3A_742, %dma_start3A_743] : memref<14x8x1024xf32, #tpu.memory_space<vmem>> -> memref<1x8x1024xf32, #tpu.memory_space<vmem>>
    %dma_start3A_745 = tpu.memref_squeeze %dma_start3A_744 : memref<1x8x1024xf32, #tpu.memory_space<vmem>> -> memref<8x1024xf32, #tpu.memory_space<vmem>>
    tpu.enqueue_dma source(%dma_start3A_745 : memref<8x1024xf32, #tpu.memory_space<vmem>>) target(%dma_start3A_741 : memref<8x1024xf32, #tpu.memory_space<hbm>>) target_semaphore(%dma_start3A_739 : memref<!tpu.dma_semaphore, #tpu.memory_space<semaphore_mem>>)
    %dma_wait3A_746 = arith.constant 8 : i32
    %dma_wait3A_747 = arith.constant 8 : i32
    %dma_wait3A_748 = arith.constant 0 : i32
    %dma_wait3A_749 = arith.constant 0 : i32
    %dma_wait3A_750 = tpu.memref_slice %arg7[%dma_wait3A_746, %dma_wait3A_748, %dma_wait3A_749] : memref<14x8x1024xf32, #tpu.memory_space<vmem>> -> memref<1x8x1024xf32, #tpu.memory_space<vmem>>
    %dma_wait3A_751 = tpu.memref_squeeze %dma_wait3A_750 : memref<1x8x1024xf32, #tpu.memory_space<vmem>> -> memref<8x1024xf32, #tpu.memory_space<vmem>>
    %dma_wait3A_752 = arith.constant 0 : i32
    %dma_wait3A_753 = tpu.memref_slice %arg4[%add3A_729, %dma_wait3A_752] : memref<8192x1024xf32, #tpu.memory_space<hbm>> -> memref<8x1024xf32, #tpu.memory_space<hbm>>
    %dma_wait3A_754 = tpu.memref_slice %arg9[%dma_wait3A_747] : memref<14x!tpu.dma_semaphore, #tpu.memory_space<semaphore_mem>> -> memref<1x!tpu.dma_semaphore, #tpu.memory_space<semaphore_mem>>
    %dma_wait3A_755 = tpu.memref_squeeze %dma_wait3A_754 : memref<1x!tpu.dma_semaphore, #tpu.memory_space<semaphore_mem>> -> memref<!tpu.dma_semaphore, #tpu.memory_space<semaphore_mem>>
    %dma_wait3A_756 = arith.constant 0 : i32
    %dma_wait3A_757 = tpu.memref_slice %arg4[%add3A_729, %dma_wait3A_756] : memref<8192x1024xf32, #tpu.memory_space<hbm>> -> memref<8x1024xf32, #tpu.memory_space<hbm>>
    %dma_wait3A_758 = arith.constant 0 : i32
    %dma_wait3A_759 = arith.constant 0 : i32
    %dma_wait3A_760 = tpu.memref_slice %arg7[%dma_wait3A_746, %dma_wait3A_758, %dma_wait3A_759] : memref<14x8x1024xf32, #tpu.memory_space<vmem>> -> memref<1x8x1024xf32, #tpu.memory_space<vmem>>
    %dma_wait3A_761 = tpu.memref_squeeze %dma_wait3A_760 : memref<1x8x1024xf32, #tpu.memory_space<vmem>> -> memref<8x1024xf32, #tpu.memory_space<vmem>>
    tpu.wait_dma2 semaphore(%dma_wait3A_755 : memref<!tpu.dma_semaphore, #tpu.memory_space<semaphore_mem>>) src(%dma_wait3A_761 : memref<8x1024xf32, #tpu.memory_space<vmem>>) dst(%dma_wait3A_757 : memref<8x1024xf32, #tpu.memory_space<hbm>>)
    %dma_start3A_762 = arith.constant 8 : i32
    %dma_start3A_763 = arith.constant 8 : i32
    %dma_start3A_764 = arith.constant 0 : i32
    %dma_start3A_765 = arith.constant 0 : i32
    %dma_start3A_766 = tpu.memref_slice %arg7[%dma_start3A_762, %dma_start3A_764, %dma_start3A_765] : memref<14x8x1024xf32, #tpu.memory_space<vmem>> -> memref<1x8x1024xf32, #tpu.memory_space<vmem>>
    %dma_start3A_767 = tpu.memref_squeeze %dma_start3A_766 : memref<1x8x1024xf32, #tpu.memory_space<vmem>> -> memref<8x1024xf32, #tpu.memory_space<vmem>>
    %dma_start3A_768 = arith.constant 176 : i32
    %dma_start3A_769 = tpu.memref_slice %arg6[%dma_start3A_768] : memref<256xi32, #tpu.memory_space<vmem>> -> memref<8xi32, #tpu.memory_space<vmem>>
    %dma_start3A_770 = arith.constant 0 : i32
    %dma_start3A_771 = arith.constant 0 : i32
    %dma_start3A_772 = tpu.memref_slice %arg3[%dma_start3A_770, %dma_start3A_771] : memref<2050x1024xf32, #tpu.memory_space<hbm>> -> memref<2050x1024xf32, #tpu.memory_space<hbm>>
    %dma_start3A_773 = tpu.memref_slice %arg8[%dma_start3A_763] : memref<14x!tpu.dma_semaphore, #tpu.memory_space<semaphore_mem>> -> memref<1x!tpu.dma_semaphore, #tpu.memory_space<semaphore_mem>>
    %dma_start3A_774 = tpu.memref_squeeze %dma_start3A_773 : memref<1x!tpu.dma_semaphore, #tpu.memory_space<semaphore_mem>> -> memref<!tpu.dma_semaphore, #tpu.memory_space<semaphore_mem>>
    tpu.enqueue_indirect_dma source(%dma_start3A_772 : memref<2050x1024xf32, #tpu.memory_space<hbm>>) target(%dma_start3A_767 : memref<8x1024xf32, #tpu.memory_space<vmem>>) offsets(%dma_start3A_769 : memref<8xi32, #tpu.memory_space<vmem>>) semaphore(%dma_start3A_774 : memref<!tpu.dma_semaphore, #tpu.memory_space<semaphore_mem>>)
    %dma_wait3A_775 = arith.constant 9 : i32
    %dma_wait3A_776 = arith.constant 9 : i32
    %dma_wait3A_777 = arith.constant 0 : i32
    %dma_wait3A_778 = arith.constant 0 : i32
    %dma_wait3A_779 = tpu.memref_slice %arg7[%dma_wait3A_775, %dma_wait3A_777, %dma_wait3A_778] : memref<14x8x1024xf32, #tpu.memory_space<vmem>> -> memref<1x8x1024xf32, #tpu.memory_space<vmem>>
    %dma_wait3A_780 = tpu.memref_squeeze %dma_wait3A_779 : memref<1x8x1024xf32, #tpu.memory_space<vmem>> -> memref<8x1024xf32, #tpu.memory_space<vmem>>
    %dma_wait3A_781 = arith.constant 72 : i32
    %dma_wait3A_782 = tpu.memref_slice %arg6[%dma_wait3A_781] : memref<256xi32, #tpu.memory_space<vmem>> -> memref<8xi32, #tpu.memory_space<vmem>>
    %dma_wait3A_783 = arith.constant 0 : i32
    %dma_wait3A_784 = arith.constant 0 : i32
    %dma_wait3A_785 = tpu.memref_slice %arg3[%dma_wait3A_783, %dma_wait3A_784] : memref<2050x1024xf32, #tpu.memory_space<hbm>> -> memref<2050x1024xf32, #tpu.memory_space<hbm>>
    %dma_wait3A_786 = tpu.memref_slice %arg8[%dma_wait3A_776] : memref<14x!tpu.dma_semaphore, #tpu.memory_space<semaphore_mem>> -> memref<1x!tpu.dma_semaphore, #tpu.memory_space<semaphore_mem>>
    %dma_wait3A_787 = tpu.memref_squeeze %dma_wait3A_786 : memref<1x!tpu.dma_semaphore, #tpu.memory_space<semaphore_mem>> -> memref<!tpu.dma_semaphore, #tpu.memory_space<semaphore_mem>>
    tpu.wait_indirect_dma semaphore(%dma_wait3A_787 : memref<!tpu.dma_semaphore, #tpu.memory_space<semaphore_mem>>) src(%dma_wait3A_785 : memref<2050x1024xf32, #tpu.memory_space<hbm>>) dst(%dma_wait3A_780 : memref<8x1024xf32, #tpu.memory_space<vmem>>)
    %add3A_788 = arith.constant 72 : i32
    %add3A_789 = arith.addi %mul3A_54, %add3A_788 : i32
    %dma_start3A_790 = arith.constant 9 : i32
    %dma_start3A_791 = arith.constant 9 : i32
    %dma_start3A_792 = arith.constant 0 : i32
    %dma_start3A_793 = arith.constant 0 : i32
    %dma_start3A_794 = tpu.memref_slice %arg7[%dma_start3A_790, %dma_start3A_792, %dma_start3A_793] : memref<14x8x1024xf32, #tpu.memory_space<vmem>> -> memref<1x8x1024xf32, #tpu.memory_space<vmem>>
    %dma_start3A_795 = tpu.memref_squeeze %dma_start3A_794 : memref<1x8x1024xf32, #tpu.memory_space<vmem>> -> memref<8x1024xf32, #tpu.memory_space<vmem>>
    %dma_start3A_796 = arith.constant 0 : i32
    %dma_start3A_797 = tpu.memref_slice %arg4[%add3A_789, %dma_start3A_796] : memref<8192x1024xf32, #tpu.memory_space<hbm>> -> memref<8x1024xf32, #tpu.memory_space<hbm>>
    %dma_start3A_798 = tpu.memref_slice %arg9[%dma_start3A_791] : memref<14x!tpu.dma_semaphore, #tpu.memory_space<semaphore_mem>> -> memref<1x!tpu.dma_semaphore, #tpu.memory_space<semaphore_mem>>
    %dma_start3A_799 = tpu.memref_squeeze %dma_start3A_798 : memref<1x!tpu.dma_semaphore, #tpu.memory_space<semaphore_mem>> -> memref<!tpu.dma_semaphore, #tpu.memory_space<semaphore_mem>>
    %dma_start3A_800 = arith.constant 0 : i32
    %dma_start3A_801 = tpu.memref_slice %arg4[%add3A_789, %dma_start3A_800] : memref<8192x1024xf32, #tpu.memory_space<hbm>> -> memref<8x1024xf32, #tpu.memory_space<hbm>>
    %dma_start3A_802 = arith.constant 0 : i32
    %dma_start3A_803 = arith.constant 0 : i32
    %dma_start3A_804 = tpu.memref_slice %arg7[%dma_start3A_790, %dma_start3A_802, %dma_start3A_803] : memref<14x8x1024xf32, #tpu.memory_space<vmem>> -> memref<1x8x1024xf32, #tpu.memory_space<vmem>>
    %dma_start3A_805 = tpu.memref_squeeze %dma_start3A_804 : memref<1x8x1024xf32, #tpu.memory_space<vmem>> -> memref<8x1024xf32, #tpu.memory_space<vmem>>
    tpu.enqueue_dma source(%dma_start3A_805 : memref<8x1024xf32, #tpu.memory_space<vmem>>) target(%dma_start3A_801 : memref<8x1024xf32, #tpu.memory_space<hbm>>) target_semaphore(%dma_start3A_799 : memref<!tpu.dma_semaphore, #tpu.memory_space<semaphore_mem>>)
    %dma_wait3A_806 = arith.constant 9 : i32
    %dma_wait3A_807 = arith.constant 9 : i32
    %dma_wait3A_808 = arith.constant 0 : i32
    %dma_wait3A_809 = arith.constant 0 : i32
    %dma_wait3A_810 = tpu.memref_slice %arg7[%dma_wait3A_806, %dma_wait3A_808, %dma_wait3A_809] : memref<14x8x1024xf32, #tpu.memory_space<vmem>> -> memref<1x8x1024xf32, #tpu.memory_space<vmem>>
    %dma_wait3A_811 = tpu.memref_squeeze %dma_wait3A_810 : memref<1x8x1024xf32, #tpu.memory_space<vmem>> -> memref<8x1024xf32, #tpu.memory_space<vmem>>
    %dma_wait3A_812 = arith.constant 0 : i32
    %dma_wait3A_813 = tpu.memref_slice %arg4[%add3A_789, %dma_wait3A_812] : memref<8192x1024xf32, #tpu.memory_space<hbm>> -> memref<8x1024xf32, #tpu.memory_space<hbm>>
    %dma_wait3A_814 = tpu.memref_slice %arg9[%dma_wait3A_807] : memref<14x!tpu.dma_semaphore, #tpu.memory_space<semaphore_mem>> -> memref<1x!tpu.dma_semaphore, #tpu.memory_space<semaphore_mem>>
    %dma_wait3A_815 = tpu.memref_squeeze %dma_wait3A_814 : memref<1x!tpu.dma_semaphore, #tpu.memory_space<semaphore_mem>> -> memref<!tpu.dma_semaphore, #tpu.memory_space<semaphore_mem>>
    %dma_wait3A_816 = arith.constant 0 : i32
    %dma_wait3A_817 = tpu.memref_slice %arg4[%add3A_789, %dma_wait3A_816] : memref<8192x1024xf32, #tpu.memory_space<hbm>> -> memref<8x1024xf32, #tpu.memory_space<hbm>>
    %dma_wait3A_818 = arith.constant 0 : i32
    %dma_wait3A_819 = arith.constant 0 : i32
    %dma_wait3A_820 = tpu.memref_slice %arg7[%dma_wait3A_806, %dma_wait3A_818, %dma_wait3A_819] : memref<14x8x1024xf32, #tpu.memory_space<vmem>> -> memref<1x8x1024xf32, #tpu.memory_space<vmem>>
    %dma_wait3A_821 = tpu.memref_squeeze %dma_wait3A_820 : memref<1x8x1024xf32, #tpu.memory_space<vmem>> -> memref<8x1024xf32, #tpu.memory_space<vmem>>
    tpu.wait_dma2 semaphore(%dma_wait3A_815 : memref<!tpu.dma_semaphore, #tpu.memory_space<semaphore_mem>>) src(%dma_wait3A_821 : memref<8x1024xf32, #tpu.memory_space<vmem>>) dst(%dma_wait3A_817 : memref<8x1024xf32, #tpu.memory_space<hbm>>)
    %dma_start3A_822 = arith.constant 9 : i32
    %dma_start3A_823 = arith.constant 9 : i32
    %dma_start3A_824 = arith.constant 0 : i32
    %dma_start3A_825 = arith.constant 0 : i32
    %dma_start3A_826 = tpu.memref_slice %arg7[%dma_start3A_822, %dma_start3A_824, %dma_start3A_825] : memref<14x8x1024xf32, #tpu.memory_space<vmem>> -> memref<1x8x1024xf32, #tpu.memory_space<vmem>>
    %dma_start3A_827 = tpu.memref_squeeze %dma_start3A_826 : memref<1x8x1024xf32, #tpu.memory_space<vmem>> -> memref<8x1024xf32, #tpu.memory_space<vmem>>
    %dma_start3A_828 = arith.constant 184 : i32
    %dma_start3A_829 = tpu.memref_slice %arg6[%dma_start3A_828] : memref<256xi32, #tpu.memory_space<vmem>> -> memref<8xi32, #tpu.memory_space<vmem>>
    %dma_start3A_830 = arith.constant 0 : i32
    %dma_start3A_831 = arith.constant 0 : i32
    %dma_start3A_832 = tpu.memref_slice %arg3[%dma_start3A_830, %dma_start3A_831] : memref<2050x1024xf32, #tpu.memory_space<hbm>> -> memref<2050x1024xf32, #tpu.memory_space<hbm>>
    %dma_start3A_833 = tpu.memref_slice %arg8[%dma_start3A_823] : memref<14x!tpu.dma_semaphore, #tpu.memory_space<semaphore_mem>> -> memref<1x!tpu.dma_semaphore, #tpu.memory_space<semaphore_mem>>
    %dma_start3A_834 = tpu.memref_squeeze %dma_start3A_833 : memref<1x!tpu.dma_semaphore, #tpu.memory_space<semaphore_mem>> -> memref<!tpu.dma_semaphore, #tpu.memory_space<semaphore_mem>>
    tpu.enqueue_indirect_dma source(%dma_start3A_832 : memref<2050x1024xf32, #tpu.memory_space<hbm>>) target(%dma_start3A_827 : memref<8x1024xf32, #tpu.memory_space<vmem>>) offsets(%dma_start3A_829 : memref<8xi32, #tpu.memory_space<vmem>>) semaphore(%dma_start3A_834 : memref<!tpu.dma_semaphore, #tpu.memory_space<semaphore_mem>>)
    %dma_wait3A_835 = arith.constant 10 : i32
    %dma_wait3A_836 = arith.constant 10 : i32
    %dma_wait3A_837 = arith.constant 0 : i32
    %dma_wait3A_838 = arith.constant 0 : i32
    %dma_wait3A_839 = tpu.memref_slice %arg7[%dma_wait3A_835, %dma_wait3A_837, %dma_wait3A_838] : memref<14x8x1024xf32, #tpu.memory_space<vmem>> -> memref<1x8x1024xf32, #tpu.memory_space<vmem>>
    %dma_wait3A_840 = tpu.memref_squeeze %dma_wait3A_839 : memref<1x8x1024xf32, #tpu.memory_space<vmem>> -> memref<8x1024xf32, #tpu.memory_space<vmem>>
    %dma_wait3A_841 = arith.constant 80 : i32
    %dma_wait3A_842 = tpu.memref_slice %arg6[%dma_wait3A_841] : memref<256xi32, #tpu.memory_space<vmem>> -> memref<8xi32, #tpu.memory_space<vmem>>
    %dma_wait3A_843 = arith.constant 0 : i32
    %dma_wait3A_844 = arith.constant 0 : i32
    %dma_wait3A_845 = tpu.memref_slice %arg3[%dma_wait3A_843, %dma_wait3A_844] : memref<2050x1024xf32, #tpu.memory_space<hbm>> -> memref<2050x1024xf32, #tpu.memory_space<hbm>>
    %dma_wait3A_846 = tpu.memref_slice %arg8[%dma_wait3A_836] : memref<14x!tpu.dma_semaphore, #tpu.memory_space<semaphore_mem>> -> memref<1x!tpu.dma_semaphore, #tpu.memory_space<semaphore_mem>>
    %dma_wait3A_847 = tpu.memref_squeeze %dma_wait3A_846 : memref<1x!tpu.dma_semaphore, #tpu.memory_space<semaphore_mem>> -> memref<!tpu.dma_semaphore, #tpu.memory_space<semaphore_mem>>
    tpu.wait_indirect_dma semaphore(%dma_wait3A_847 : memref<!tpu.dma_semaphore, #tpu.memory_space<semaphore_mem>>) src(%dma_wait3A_845 : memref<2050x1024xf32, #tpu.memory_space<hbm>>) dst(%dma_wait3A_840 : memref<8x1024xf32, #tpu.memory_space<vmem>>)
    %add3A_848 = arith.constant 80 : i32
    %add3A_849 = arith.addi %mul3A_54, %add3A_848 : i32
    %dma_start3A_850 = arith.constant 10 : i32
    %dma_start3A_851 = arith.constant 10 : i32
    %dma_start3A_852 = arith.constant 0 : i32
    %dma_start3A_853 = arith.constant 0 : i32
    %dma_start3A_854 = tpu.memref_slice %arg7[%dma_start3A_850, %dma_start3A_852, %dma_start3A_853] : memref<14x8x1024xf32, #tpu.memory_space<vmem>> -> memref<1x8x1024xf32, #tpu.memory_space<vmem>>
    %dma_start3A_855 = tpu.memref_squeeze %dma_start3A_854 : memref<1x8x1024xf32, #tpu.memory_space<vmem>> -> memref<8x1024xf32, #tpu.memory_space<vmem>>
    %dma_start3A_856 = arith.constant 0 : i32
    %dma_start3A_857 = tpu.memref_slice %arg4[%add3A_849, %dma_start3A_856] : memref<8192x1024xf32, #tpu.memory_space<hbm>> -> memref<8x1024xf32, #tpu.memory_space<hbm>>
    %dma_start3A_858 = tpu.memref_slice %arg9[%dma_start3A_851] : memref<14x!tpu.dma_semaphore, #tpu.memory_space<semaphore_mem>> -> memref<1x!tpu.dma_semaphore, #tpu.memory_space<semaphore_mem>>
    %dma_start3A_859 = tpu.memref_squeeze %dma_start3A_858 : memref<1x!tpu.dma_semaphore, #tpu.memory_space<semaphore_mem>> -> memref<!tpu.dma_semaphore, #tpu.memory_space<semaphore_mem>>
    %dma_start3A_860 = arith.constant 0 : i32
    %dma_start3A_861 = tpu.memref_slice %arg4[%add3A_849, %dma_start3A_860] : memref<8192x1024xf32, #tpu.memory_space<hbm>> -> memref<8x1024xf32, #tpu.memory_space<hbm>>
    %dma_start3A_862 = arith.constant 0 : i32
    %dma_start3A_863 = arith.constant 0 : i32
    %dma_start3A_864 = tpu.memref_slice %arg7[%dma_start3A_850, %dma_start3A_862, %dma_start3A_863] : memref<14x8x1024xf32, #tpu.memory_space<vmem>> -> memref<1x8x1024xf32, #tpu.memory_space<vmem>>
    %dma_start3A_865 = tpu.memref_squeeze %dma_start3A_864 : memref<1x8x1024xf32, #tpu.memory_space<vmem>> -> memref<8x1024xf32, #tpu.memory_space<vmem>>
    tpu.enqueue_dma source(%dma_start3A_865 : memref<8x1024xf32, #tpu.memory_space<vmem>>) target(%dma_start3A_861 : memref<8x1024xf32, #tpu.memory_space<hbm>>) target_semaphore(%dma_start3A_859 : memref<!tpu.dma_semaphore, #tpu.memory_space<semaphore_mem>>)
    %dma_wait3A_866 = arith.constant 10 : i32
    %dma_wait3A_867 = arith.constant 10 : i32
    %dma_wait3A_868 = arith.constant 0 : i32
    %dma_wait3A_869 = arith.constant 0 : i32
    %dma_wait3A_870 = tpu.memref_slice %arg7[%dma_wait3A_866, %dma_wait3A_868, %dma_wait3A_869] : memref<14x8x1024xf32, #tpu.memory_space<vmem>> -> memref<1x8x1024xf32, #tpu.memory_space<vmem>>
    %dma_wait3A_871 = tpu.memref_squeeze %dma_wait3A_870 : memref<1x8x1024xf32, #tpu.memory_space<vmem>> -> memref<8x1024xf32, #tpu.memory_space<vmem>>
    %dma_wait3A_872 = arith.constant 0 : i32
    %dma_wait3A_873 = tpu.memref_slice %arg4[%add3A_849, %dma_wait3A_872] : memref<8192x1024xf32, #tpu.memory_space<hbm>> -> memref<8x1024xf32, #tpu.memory_space<hbm>>
    %dma_wait3A_874 = tpu.memref_slice %arg9[%dma_wait3A_867] : memref<14x!tpu.dma_semaphore, #tpu.memory_space<semaphore_mem>> -> memref<1x!tpu.dma_semaphore, #tpu.memory_space<semaphore_mem>>
    %dma_wait3A_875 = tpu.memref_squeeze %dma_wait3A_874 : memref<1x!tpu.dma_semaphore, #tpu.memory_space<semaphore_mem>> -> memref<!tpu.dma_semaphore, #tpu.memory_space<semaphore_mem>>
    %dma_wait3A_876 = arith.constant 0 : i32
    %dma_wait3A_877 = tpu.memref_slice %arg4[%add3A_849, %dma_wait3A_876] : memref<8192x1024xf32, #tpu.memory_space<hbm>> -> memref<8x1024xf32, #tpu.memory_space<hbm>>
    %dma_wait3A_878 = arith.constant 0 : i32
    %dma_wait3A_879 = arith.constant 0 : i32
    %dma_wait3A_880 = tpu.memref_slice %arg7[%dma_wait3A_866, %dma_wait3A_878, %dma_wait3A_879] : memref<14x8x1024xf32, #tpu.memory_space<vmem>> -> memref<1x8x1024xf32, #tpu.memory_space<vmem>>
    %dma_wait3A_881 = tpu.memref_squeeze %dma_wait3A_880 : memref<1x8x1024xf32, #tpu.memory_space<vmem>> -> memref<8x1024xf32, #tpu.memory_space<vmem>>
    tpu.wait_dma2 semaphore(%dma_wait3A_875 : memref<!tpu.dma_semaphore, #tpu.memory_space<semaphore_mem>>) src(%dma_wait3A_881 : memref<8x1024xf32, #tpu.memory_space<vmem>>) dst(%dma_wait3A_877 : memref<8x1024xf32, #tpu.memory_space<hbm>>)
    %dma_start3A_882 = arith.constant 10 : i32
    %dma_start3A_883 = arith.constant 10 : i32
    %dma_start3A_884 = arith.constant 0 : i32
    %dma_start3A_885 = arith.constant 0 : i32
    %dma_start3A_886 = tpu.memref_slice %arg7[%dma_start3A_882, %dma_start3A_884, %dma_start3A_885] : memref<14x8x1024xf32, #tpu.memory_space<vmem>> -> memref<1x8x1024xf32, #tpu.memory_space<vmem>>
    %dma_start3A_887 = tpu.memref_squeeze %dma_start3A_886 : memref<1x8x1024xf32, #tpu.memory_space<vmem>> -> memref<8x1024xf32, #tpu.memory_space<vmem>>
    %dma_start3A_888 = arith.constant 192 : i32
    %dma_start3A_889 = tpu.memref_slice %arg6[%dma_start3A_888] : memref<256xi32, #tpu.memory_space<vmem>> -> memref<8xi32, #tpu.memory_space<vmem>>
    %dma_start3A_890 = arith.constant 0 : i32
    %dma_start3A_891 = arith.constant 0 : i32
    %dma_start3A_892 = tpu.memref_slice %arg3[%dma_start3A_890, %dma_start3A_891] : memref<2050x1024xf32, #tpu.memory_space<hbm>> -> memref<2050x1024xf32, #tpu.memory_space<hbm>>
    %dma_start3A_893 = tpu.memref_slice %arg8[%dma_start3A_883] : memref<14x!tpu.dma_semaphore, #tpu.memory_space<semaphore_mem>> -> memref<1x!tpu.dma_semaphore, #tpu.memory_space<semaphore_mem>>
    %dma_start3A_894 = tpu.memref_squeeze %dma_start3A_893 : memref<1x!tpu.dma_semaphore, #tpu.memory_space<semaphore_mem>> -> memref<!tpu.dma_semaphore, #tpu.memory_space<semaphore_mem>>
    tpu.enqueue_indirect_dma source(%dma_start3A_892 : memref<2050x1024xf32, #tpu.memory_space<hbm>>) target(%dma_start3A_887 : memref<8x1024xf32, #tpu.memory_space<vmem>>) offsets(%dma_start3A_889 : memref<8xi32, #tpu.memory_space<vmem>>) semaphore(%dma_start3A_894 : memref<!tpu.dma_semaphore, #tpu.memory_space<semaphore_mem>>)
    %dma_wait3A_895 = arith.constant 11 : i32
    %dma_wait3A_896 = arith.constant 11 : i32
    %dma_wait3A_897 = arith.constant 0 : i32
    %dma_wait3A_898 = arith.constant 0 : i32
    %dma_wait3A_899 = tpu.memref_slice %arg7[%dma_wait3A_895, %dma_wait3A_897, %dma_wait3A_898] : memref<14x8x1024xf32, #tpu.memory_space<vmem>> -> memref<1x8x1024xf32, #tpu.memory_space<vmem>>
    %dma_wait3A_900 = tpu.memref_squeeze %dma_wait3A_899 : memref<1x8x1024xf32, #tpu.memory_space<vmem>> -> memref<8x1024xf32, #tpu.memory_space<vmem>>
    %dma_wait3A_901 = arith.constant 88 : i32
    %dma_wait3A_902 = tpu.memref_slice %arg6[%dma_wait3A_901] : memref<256xi32, #tpu.memory_space<vmem>> -> memref<8xi32, #tpu.memory_space<vmem>>
    %dma_wait3A_903 = arith.constant 0 : i32
    %dma_wait3A_904 = arith.constant 0 : i32
    %dma_wait3A_905 = tpu.memref_slice %arg3[%dma_wait3A_903, %dma_wait3A_904] : memref<2050x1024xf32, #tpu.memory_space<hbm>> -> memref<2050x1024xf32, #tpu.memory_space<hbm>>
    %dma_wait3A_906 = tpu.memref_slice %arg8[%dma_wait3A_896] : memref<14x!tpu.dma_semaphore, #tpu.memory_space<semaphore_mem>> -> memref<1x!tpu.dma_semaphore, #tpu.memory_space<semaphore_mem>>
    %dma_wait3A_907 = tpu.memref_squeeze %dma_wait3A_906 : memref<1x!tpu.dma_semaphore, #tpu.memory_space<semaphore_mem>> -> memref<!tpu.dma_semaphore, #tpu.memory_space<semaphore_mem>>
    tpu.wait_indirect_dma semaphore(%dma_wait3A_907 : memref<!tpu.dma_semaphore, #tpu.memory_space<semaphore_mem>>) src(%dma_wait3A_905 : memref<2050x1024xf32, #tpu.memory_space<hbm>>) dst(%dma_wait3A_900 : memref<8x1024xf32, #tpu.memory_space<vmem>>)
    %add3A_908 = arith.constant 88 : i32
    %add3A_909 = arith.addi %mul3A_54, %add3A_908 : i32
    %dma_start3A_910 = arith.constant 11 : i32
    %dma_start3A_911 = arith.constant 11 : i32
    %dma_start3A_912 = arith.constant 0 : i32
    %dma_start3A_913 = arith.constant 0 : i32
    %dma_start3A_914 = tpu.memref_slice %arg7[%dma_start3A_910, %dma_start3A_912, %dma_start3A_913] : memref<14x8x1024xf32, #tpu.memory_space<vmem>> -> memref<1x8x1024xf32, #tpu.memory_space<vmem>>
    %dma_start3A_915 = tpu.memref_squeeze %dma_start3A_914 : memref<1x8x1024xf32, #tpu.memory_space<vmem>> -> memref<8x1024xf32, #tpu.memory_space<vmem>>
    %dma_start3A_916 = arith.constant 0 : i32
    %dma_start3A_917 = tpu.memref_slice %arg4[%add3A_909, %dma_start3A_916] : memref<8192x1024xf32, #tpu.memory_space<hbm>> -> memref<8x1024xf32, #tpu.memory_space<hbm>>
    %dma_start3A_918 = tpu.memref_slice %arg9[%dma_start3A_911] : memref<14x!tpu.dma_semaphore, #tpu.memory_space<semaphore_mem>> -> memref<1x!tpu.dma_semaphore, #tpu.memory_space<semaphore_mem>>
    %dma_start3A_919 = tpu.memref_squeeze %dma_start3A_918 : memref<1x!tpu.dma_semaphore, #tpu.memory_space<semaphore_mem>> -> memref<!tpu.dma_semaphore, #tpu.memory_space<semaphore_mem>>
    %dma_start3A_920 = arith.constant 0 : i32
    %dma_start3A_921 = tpu.memref_slice %arg4[%add3A_909, %dma_start3A_920] : memref<8192x1024xf32, #tpu.memory_space<hbm>> -> memref<8x1024xf32, #tpu.memory_space<hbm>>
    %dma_start3A_922 = arith.constant 0 : i32
    %dma_start3A_923 = arith.constant 0 : i32
    %dma_start3A_924 = tpu.memref_slice %arg7[%dma_start3A_910, %dma_start3A_922, %dma_start3A_923] : memref<14x8x1024xf32, #tpu.memory_space<vmem>> -> memref<1x8x1024xf32, #tpu.memory_space<vmem>>
    %dma_start3A_925 = tpu.memref_squeeze %dma_start3A_924 : memref<1x8x1024xf32, #tpu.memory_space<vmem>> -> memref<8x1024xf32, #tpu.memory_space<vmem>>
    tpu.enqueue_dma source(%dma_start3A_925 : memref<8x1024xf32, #tpu.memory_space<vmem>>) target(%dma_start3A_921 : memref<8x1024xf32, #tpu.memory_space<hbm>>) target_semaphore(%dma_start3A_919 : memref<!tpu.dma_semaphore, #tpu.memory_space<semaphore_mem>>)
    %dma_wait3A_926 = arith.constant 11 : i32
    %dma_wait3A_927 = arith.constant 11 : i32
    %dma_wait3A_928 = arith.constant 0 : i32
    %dma_wait3A_929 = arith.constant 0 : i32
    %dma_wait3A_930 = tpu.memref_slice %arg7[%dma_wait3A_926, %dma_wait3A_928, %dma_wait3A_929] : memref<14x8x1024xf32, #tpu.memory_space<vmem>> -> memref<1x8x1024xf32, #tpu.memory_space<vmem>>
    %dma_wait3A_931 = tpu.memref_squeeze %dma_wait3A_930 : memref<1x8x1024xf32, #tpu.memory_space<vmem>> -> memref<8x1024xf32, #tpu.memory_space<vmem>>
    %dma_wait3A_932 = arith.constant 0 : i32
    %dma_wait3A_933 = tpu.memref_slice %arg4[%add3A_909, %dma_wait3A_932] : memref<8192x1024xf32, #tpu.memory_space<hbm>> -> memref<8x1024xf32, #tpu.memory_space<hbm>>
    %dma_wait3A_934 = tpu.memref_slice %arg9[%dma_wait3A_927] : memref<14x!tpu.dma_semaphore, #tpu.memory_space<semaphore_mem>> -> memref<1x!tpu.dma_semaphore, #tpu.memory_space<semaphore_mem>>
    %dma_wait3A_935 = tpu.memref_squeeze %dma_wait3A_934 : memref<1x!tpu.dma_semaphore, #tpu.memory_space<semaphore_mem>> -> memref<!tpu.dma_semaphore, #tpu.memory_space<semaphore_mem>>
    %dma_wait3A_936 = arith.constant 0 : i32
    %dma_wait3A_937 = tpu.memref_slice %arg4[%add3A_909, %dma_wait3A_936] : memref<8192x1024xf32, #tpu.memory_space<hbm>> -> memref<8x1024xf32, #tpu.memory_space<hbm>>
    %dma_wait3A_938 = arith.constant 0 : i32
    %dma_wait3A_939 = arith.constant 0 : i32
    %dma_wait3A_940 = tpu.memref_slice %arg7[%dma_wait3A_926, %dma_wait3A_938, %dma_wait3A_939] : memref<14x8x1024xf32, #tpu.memory_space<vmem>> -> memref<1x8x1024xf32, #tpu.memory_space<vmem>>
    %dma_wait3A_941 = tpu.memref_squeeze %dma_wait3A_940 : memref<1x8x1024xf32, #tpu.memory_space<vmem>> -> memref<8x1024xf32, #tpu.memory_space<vmem>>
    tpu.wait_dma2 semaphore(%dma_wait3A_935 : memref<!tpu.dma_semaphore, #tpu.memory_space<semaphore_mem>>) src(%dma_wait3A_941 : memref<8x1024xf32, #tpu.memory_space<vmem>>) dst(%dma_wait3A_937 : memref<8x1024xf32, #tpu.memory_space<hbm>>)
    %dma_start3A_942 = arith.constant 11 : i32
    %dma_start3A_943 = arith.constant 11 : i32
    %dma_start3A_944 = arith.constant 0 : i32
    %dma_start3A_945 = arith.constant 0 : i32
    %dma_start3A_946 = tpu.memref_slice %arg7[%dma_start3A_942, %dma_start3A_944, %dma_start3A_945] : memref<14x8x1024xf32, #tpu.memory_space<vmem>> -> memref<1x8x1024xf32, #tpu.memory_space<vmem>>
    %dma_start3A_947 = tpu.memref_squeeze %dma_start3A_946 : memref<1x8x1024xf32, #tpu.memory_space<vmem>> -> memref<8x1024xf32, #tpu.memory_space<vmem>>
    %dma_start3A_948 = arith.constant 200 : i32
    %dma_start3A_949 = tpu.memref_slice %arg6[%dma_start3A_948] : memref<256xi32, #tpu.memory_space<vmem>> -> memref<8xi32, #tpu.memory_space<vmem>>
    %dma_start3A_950 = arith.constant 0 : i32
    %dma_start3A_951 = arith.constant 0 : i32
    %dma_start3A_952 = tpu.memref_slice %arg3[%dma_start3A_950, %dma_start3A_951] : memref<2050x1024xf32, #tpu.memory_space<hbm>> -> memref<2050x1024xf32, #tpu.memory_space<hbm>>
    %dma_start3A_953 = tpu.memref_slice %arg8[%dma_start3A_943] : memref<14x!tpu.dma_semaphore, #tpu.memory_space<semaphore_mem>> -> memref<1x!tpu.dma_semaphore, #tpu.memory_space<semaphore_mem>>
    %dma_start3A_954 = tpu.memref_squeeze %dma_start3A_953 : memref<1x!tpu.dma_semaphore, #tpu.memory_space<semaphore_mem>> -> memref<!tpu.dma_semaphore, #tpu.memory_space<semaphore_mem>>
    tpu.enqueue_indirect_dma source(%dma_start3A_952 : memref<2050x1024xf32, #tpu.memory_space<hbm>>) target(%dma_start3A_947 : memref<8x1024xf32, #tpu.memory_space<vmem>>) offsets(%dma_start3A_949 : memref<8xi32, #tpu.memory_space<vmem>>) semaphore(%dma_start3A_954 : memref<!tpu.dma_semaphore, #tpu.memory_space<semaphore_mem>>)
    %dma_wait3A_955 = arith.constant 12 : i32
    %dma_wait3A_956 = arith.constant 12 : i32
    %dma_wait3A_957 = arith.constant 0 : i32
    %dma_wait3A_958 = arith.constant 0 : i32
    %dma_wait3A_959 = tpu.memref_slice %arg7[%dma_wait3A_955, %dma_wait3A_957, %dma_wait3A_958] : memref<14x8x1024xf32, #tpu.memory_space<vmem>> -> memref<1x8x1024xf32, #tpu.memory_space<vmem>>
    %dma_wait3A_960 = tpu.memref_squeeze %dma_wait3A_959 : memref<1x8x1024xf32, #tpu.memory_space<vmem>> -> memref<8x1024xf32, #tpu.memory_space<vmem>>
    %dma_wait3A_961 = arith.constant 96 : i32
    %dma_wait3A_962 = tpu.memref_slice %arg6[%dma_wait3A_961] : memref<256xi32, #tpu.memory_space<vmem>> -> memref<8xi32, #tpu.memory_space<vmem>>
    %dma_wait3A_963 = arith.constant 0 : i32
    %dma_wait3A_964 = arith.constant 0 : i32
    %dma_wait3A_965 = tpu.memref_slice %arg3[%dma_wait3A_963, %dma_wait3A_964] : memref<2050x1024xf32, #tpu.memory_space<hbm>> -> memref<2050x1024xf32, #tpu.memory_space<hbm>>
    %dma_wait3A_966 = tpu.memref_slice %arg8[%dma_wait3A_956] : memref<14x!tpu.dma_semaphore, #tpu.memory_space<semaphore_mem>> -> memref<1x!tpu.dma_semaphore, #tpu.memory_space<semaphore_mem>>
    %dma_wait3A_967 = tpu.memref_squeeze %dma_wait3A_966 : memref<1x!tpu.dma_semaphore, #tpu.memory_space<semaphore_mem>> -> memref<!tpu.dma_semaphore, #tpu.memory_space<semaphore_mem>>
    tpu.wait_indirect_dma semaphore(%dma_wait3A_967 : memref<!tpu.dma_semaphore, #tpu.memory_space<semaphore_mem>>) src(%dma_wait3A_965 : memref<2050x1024xf32, #tpu.memory_space<hbm>>) dst(%dma_wait3A_960 : memref<8x1024xf32, #tpu.memory_space<vmem>>)
    %add3A_968 = arith.constant 96 : i32
    %add3A_969 = arith.addi %mul3A_54, %add3A_968 : i32
    %dma_start3A_970 = arith.constant 12 : i32
    %dma_start3A_971 = arith.constant 12 : i32
    %dma_start3A_972 = arith.constant 0 : i32
    %dma_start3A_973 = arith.constant 0 : i32
    %dma_start3A_974 = tpu.memref_slice %arg7[%dma_start3A_970, %dma_start3A_972, %dma_start3A_973] : memref<14x8x1024xf32, #tpu.memory_space<vmem>> -> memref<1x8x1024xf32, #tpu.memory_space<vmem>>
    %dma_start3A_975 = tpu.memref_squeeze %dma_start3A_974 : memref<1x8x1024xf32, #tpu.memory_space<vmem>> -> memref<8x1024xf32, #tpu.memory_space<vmem>>
    %dma_start3A_976 = arith.constant 0 : i32
    %dma_start3A_977 = tpu.memref_slice %arg4[%add3A_969, %dma_start3A_976] : memref<8192x1024xf32, #tpu.memory_space<hbm>> -> memref<8x1024xf32, #tpu.memory_space<hbm>>
    %dma_start3A_978 = tpu.memref_slice %arg9[%dma_start3A_971] : memref<14x!tpu.dma_semaphore, #tpu.memory_space<semaphore_mem>> -> memref<1x!tpu.dma_semaphore, #tpu.memory_space<semaphore_mem>>
    %dma_start3A_979 = tpu.memref_squeeze %dma_start3A_978 : memref<1x!tpu.dma_semaphore, #tpu.memory_space<semaphore_mem>> -> memref<!tpu.dma_semaphore, #tpu.memory_space<semaphore_mem>>
    %dma_start3A_980 = arith.constant 0 : i32
    %dma_start3A_981 = tpu.memref_slice %arg4[%add3A_969, %dma_start3A_980] : memref<8192x1024xf32, #tpu.memory_space<hbm>> -> memref<8x1024xf32, #tpu.memory_space<hbm>>
    %dma_start3A_982 = arith.constant 0 : i32
    %dma_start3A_983 = arith.constant 0 : i32
    %dma_start3A_984 = tpu.memref_slice %arg7[%dma_start3A_970, %dma_start3A_982, %dma_start3A_983] : memref<14x8x1024xf32, #tpu.memory_space<vmem>> -> memref<1x8x1024xf32, #tpu.memory_space<vmem>>
    %dma_start3A_985 = tpu.memref_squeeze %dma_start3A_984 : memref<1x8x1024xf32, #tpu.memory_space<vmem>> -> memref<8x1024xf32, #tpu.memory_space<vmem>>
    tpu.enqueue_dma source(%dma_start3A_985 : memref<8x1024xf32, #tpu.memory_space<vmem>>) target(%dma_start3A_981 : memref<8x1024xf32, #tpu.memory_space<hbm>>) target_semaphore(%dma_start3A_979 : memref<!tpu.dma_semaphore, #tpu.memory_space<semaphore_mem>>)
    %dma_wait3A_986 = arith.constant 12 : i32
    %dma_wait3A_987 = arith.constant 12 : i32
    %dma_wait3A_988 = arith.constant 0 : i32
    %dma_wait3A_989 = arith.constant 0 : i32
    %dma_wait3A_990 = tpu.memref_slice %arg7[%dma_wait3A_986, %dma_wait3A_988, %dma_wait3A_989] : memref<14x8x1024xf32, #tpu.memory_space<vmem>> -> memref<1x8x1024xf32, #tpu.memory_space<vmem>>
    %dma_wait3A_991 = tpu.memref_squeeze %dma_wait3A_990 : memref<1x8x1024xf32, #tpu.memory_space<vmem>> -> memref<8x1024xf32, #tpu.memory_space<vmem>>
    %dma_wait3A_992 = arith.constant 0 : i32
    %dma_wait3A_993 = tpu.memref_slice %arg4[%add3A_969, %dma_wait3A_992] : memref<8192x1024xf32, #tpu.memory_space<hbm>> -> memref<8x1024xf32, #tpu.memory_space<hbm>>
    %dma_wait3A_994 = tpu.memref_slice %arg9[%dma_wait3A_987] : memref<14x!tpu.dma_semaphore, #tpu.memory_space<semaphore_mem>> -> memref<1x!tpu.dma_semaphore, #tpu.memory_space<semaphore_mem>>
    %dma_wait3A_995 = tpu.memref_squeeze %dma_wait3A_994 : memref<1x!tpu.dma_semaphore, #tpu.memory_space<semaphore_mem>> -> memref<!tpu.dma_semaphore, #tpu.memory_space<semaphore_mem>>
    %dma_wait3A_996 = arith.constant 0 : i32
    %dma_wait3A_997 = tpu.memref_slice %arg4[%add3A_969, %dma_wait3A_996] : memref<8192x1024xf32, #tpu.memory_space<hbm>> -> memref<8x1024xf32, #tpu.memory_space<hbm>>
    %dma_wait3A_998 = arith.constant 0 : i32
    %dma_wait3A_999 = arith.constant 0 : i32
    %dma_wait3A_1000 = tpu.memref_slice %arg7[%dma_wait3A_986, %dma_wait3A_998, %dma_wait3A_999] : memref<14x8x1024xf32, #tpu.memory_space<vmem>> -> memref<1x8x1024xf32, #tpu.memory_space<vmem>>
    %dma_wait3A_1001 = tpu.memref_squeeze %dma_wait3A_1000 : memref<1x8x1024xf32, #tpu.memory_space<vmem>> -> memref<8x1024xf32, #tpu.memory_space<vmem>>
    tpu.wait_dma2 semaphore(%dma_wait3A_995 : memref<!tpu.dma_semaphore, #tpu.memory_space<semaphore_mem>>) src(%dma_wait3A_1001 : memref<8x1024xf32, #tpu.memory_space<vmem>>) dst(%dma_wait3A_997 : memref<8x1024xf32, #tpu.memory_space<hbm>>)
    %dma_start3A_1002 = arith.constant 12 : i32
    %dma_start3A_1003 = arith.constant 12 : i32
    %dma_start3A_1004 = arith.constant 0 : i32
    %dma_start3A_1005 = arith.constant 0 : i32
    %dma_start3A_1006 = tpu.memref_slice %arg7[%dma_start3A_1002, %dma_start3A_1004, %dma_start3A_1005] : memref<14x8x1024xf32, #tpu.memory_space<vmem>> -> memref<1x8x1024xf32, #tpu.memory_space<vmem>>
    %dma_start3A_1007 = tpu.memref_squeeze %dma_start3A_1006 : memref<1x8x1024xf32, #tpu.memory_space<vmem>> -> memref<8x1024xf32, #tpu.memory_space<vmem>>
    %dma_start3A_1008 = arith.constant 208 : i32
    %dma_start3A_1009 = tpu.memref_slice %arg6[%dma_start3A_1008] : memref<256xi32, #tpu.memory_space<vmem>> -> memref<8xi32, #tpu.memory_space<vmem>>
    %dma_start3A_1010 = arith.constant 0 : i32
    %dma_start3A_1011 = arith.constant 0 : i32
    %dma_start3A_1012 = tpu.memref_slice %arg3[%dma_start3A_1010, %dma_start3A_1011] : memref<2050x1024xf32, #tpu.memory_space<hbm>> -> memref<2050x1024xf32, #tpu.memory_space<hbm>>
    %dma_start3A_1013 = tpu.memref_slice %arg8[%dma_start3A_1003] : memref<14x!tpu.dma_semaphore, #tpu.memory_space<semaphore_mem>> -> memref<1x!tpu.dma_semaphore, #tpu.memory_space<semaphore_mem>>
    %dma_start3A_1014 = tpu.memref_squeeze %dma_start3A_1013 : memref<1x!tpu.dma_semaphore, #tpu.memory_space<semaphore_mem>> -> memref<!tpu.dma_semaphore, #tpu.memory_space<semaphore_mem>>
    tpu.enqueue_indirect_dma source(%dma_start3A_1012 : memref<2050x1024xf32, #tpu.memory_space<hbm>>) target(%dma_start3A_1007 : memref<8x1024xf32, #tpu.memory_space<vmem>>) offsets(%dma_start3A_1009 : memref<8xi32, #tpu.memory_space<vmem>>) semaphore(%dma_start3A_1014 : memref<!tpu.dma_semaphore, #tpu.memory_space<semaphore_mem>>)
    %dma_wait3A_1015 = arith.constant 13 : i32
    %dma_wait3A_1016 = arith.constant 13 : i32
    %dma_wait3A_1017 = arith.constant 0 : i32
    %dma_wait3A_1018 = arith.constant 0 : i32
    %dma_wait3A_1019 = tpu.memref_slice %arg7[%dma_wait3A_1015, %dma_wait3A_1017, %dma_wait3A_1018] : memref<14x8x1024xf32, #tpu.memory_space<vmem>> -> memref<1x8x1024xf32, #tpu.memory_space<vmem>>
    %dma_wait3A_1020 = tpu.memref_squeeze %dma_wait3A_1019 : memref<1x8x1024xf32, #tpu.memory_space<vmem>> -> memref<8x1024xf32, #tpu.memory_space<vmem>>
    %dma_wait3A_1021 = arith.constant 104 : i32
    %dma_wait3A_1022 = tpu.memref_slice %arg6[%dma_wait3A_1021] : memref<256xi32, #tpu.memory_space<vmem>> -> memref<8xi32, #tpu.memory_space<vmem>>
    %dma_wait3A_1023 = arith.constant 0 : i32
    %dma_wait3A_1024 = arith.constant 0 : i32
    %dma_wait3A_1025 = tpu.memref_slice %arg3[%dma_wait3A_1023, %dma_wait3A_1024] : memref<2050x1024xf32, #tpu.memory_space<hbm>> -> memref<2050x1024xf32, #tpu.memory_space<hbm>>
    %dma_wait3A_1026 = tpu.memref_slice %arg8[%dma_wait3A_1016] : memref<14x!tpu.dma_semaphore, #tpu.memory_space<semaphore_mem>> -> memref<1x!tpu.dma_semaphore, #tpu.memory_space<semaphore_mem>>
    %dma_wait3A_1027 = tpu.memref_squeeze %dma_wait3A_1026 : memref<1x!tpu.dma_semaphore, #tpu.memory_space<semaphore_mem>> -> memref<!tpu.dma_semaphore, #tpu.memory_space<semaphore_mem>>
    tpu.wait_indirect_dma semaphore(%dma_wait3A_1027 : memref<!tpu.dma_semaphore, #tpu.memory_space<semaphore_mem>>) src(%dma_wait3A_1025 : memref<2050x1024xf32, #tpu.memory_space<hbm>>) dst(%dma_wait3A_1020 : memref<8x1024xf32, #tpu.memory_space<vmem>>)
    %add3A_1028 = arith.constant 104 : i32
    %add3A_1029 = arith.addi %mul3A_54, %add3A_1028 : i32
    %dma_start3A_1030 = arith.constant 13 : i32
    %dma_start3A_1031 = arith.constant 13 : i32
    %dma_start3A_1032 = arith.constant 0 : i32
    %dma_start3A_1033 = arith.constant 0 : i32
    %dma_start3A_1034 = tpu.memref_slice %arg7[%dma_start3A_1030, %dma_start3A_1032, %dma_start3A_1033] : memref<14x8x1024xf32, #tpu.memory_space<vmem>> -> memref<1x8x1024xf32, #tpu.memory_space<vmem>>
    %dma_start3A_1035 = tpu.memref_squeeze %dma_start3A_1034 : memref<1x8x1024xf32, #tpu.memory_space<vmem>> -> memref<8x1024xf32, #tpu.memory_space<vmem>>
    %dma_start3A_1036 = arith.constant 0 : i32
    %dma_start3A_1037 = tpu.memref_slice %arg4[%add3A_1029, %dma_start3A_1036] : memref<8192x1024xf32, #tpu.memory_space<hbm>> -> memref<8x1024xf32, #tpu.memory_space<hbm>>
    %dma_start3A_1038 = tpu.memref_slice %arg9[%dma_start3A_1031] : memref<14x!tpu.dma_semaphore, #tpu.memory_space<semaphore_mem>> -> memref<1x!tpu.dma_semaphore, #tpu.memory_space<semaphore_mem>>
    %dma_start3A_1039 = tpu.memref_squeeze %dma_start3A_1038 : memref<1x!tpu.dma_semaphore, #tpu.memory_space<semaphore_mem>> -> memref<!tpu.dma_semaphore, #tpu.memory_space<semaphore_mem>>
    %dma_start3A_1040 = arith.constant 0 : i32
    %dma_start3A_1041 = tpu.memref_slice %arg4[%add3A_1029, %dma_start3A_1040] : memref<8192x1024xf32, #tpu.memory_space<hbm>> -> memref<8x1024xf32, #tpu.memory_space<hbm>>
    %dma_start3A_1042 = arith.constant 0 : i32
    %dma_start3A_1043 = arith.constant 0 : i32
    %dma_start3A_1044 = tpu.memref_slice %arg7[%dma_start3A_1030, %dma_start3A_1042, %dma_start3A_1043] : memref<14x8x1024xf32, #tpu.memory_space<vmem>> -> memref<1x8x1024xf32, #tpu.memory_space<vmem>>
    %dma_start3A_1045 = tpu.memref_squeeze %dma_start3A_1044 : memref<1x8x1024xf32, #tpu.memory_space<vmem>> -> memref<8x1024xf32, #tpu.memory_space<vmem>>
    tpu.enqueue_dma source(%dma_start3A_1045 : memref<8x1024xf32, #tpu.memory_space<vmem>>) target(%dma_start3A_1041 : memref<8x1024xf32, #tpu.memory_space<hbm>>) target_semaphore(%dma_start3A_1039 : memref<!tpu.dma_semaphore, #tpu.memory_space<semaphore_mem>>)
    %dma_wait3A_1046 = arith.constant 13 : i32
    %dma_wait3A_1047 = arith.constant 13 : i32
    %dma_wait3A_1048 = arith.constant 0 : i32
    %dma_wait3A_1049 = arith.constant 0 : i32
    %dma_wait3A_1050 = tpu.memref_slice %arg7[%dma_wait3A_1046, %dma_wait3A_1048, %dma_wait3A_1049] : memref<14x8x1024xf32, #tpu.memory_space<vmem>> -> memref<1x8x1024xf32, #tpu.memory_space<vmem>>
    %dma_wait3A_1051 = tpu.memref_squeeze %dma_wait3A_1050 : memref<1x8x1024xf32, #tpu.memory_space<vmem>> -> memref<8x1024xf32, #tpu.memory_space<vmem>>
    %dma_wait3A_1052 = arith.constant 0 : i32
    %dma_wait3A_1053 = tpu.memref_slice %arg4[%add3A_1029, %dma_wait3A_1052] : memref<8192x1024xf32, #tpu.memory_space<hbm>> -> memref<8x1024xf32, #tpu.memory_space<hbm>>
    %dma_wait3A_1054 = tpu.memref_slice %arg9[%dma_wait3A_1047] : memref<14x!tpu.dma_semaphore, #tpu.memory_space<semaphore_mem>> -> memref<1x!tpu.dma_semaphore, #tpu.memory_space<semaphore_mem>>
    %dma_wait3A_1055 = tpu.memref_squeeze %dma_wait3A_1054 : memref<1x!tpu.dma_semaphore, #tpu.memory_space<semaphore_mem>> -> memref<!tpu.dma_semaphore, #tpu.memory_space<semaphore_mem>>
    %dma_wait3A_1056 = arith.constant 0 : i32
    %dma_wait3A_1057 = tpu.memref_slice %arg4[%add3A_1029, %dma_wait3A_1056] : memref<8192x1024xf32, #tpu.memory_space<hbm>> -> memref<8x1024xf32, #tpu.memory_space<hbm>>
    %dma_wait3A_1058 = arith.constant 0 : i32
    %dma_wait3A_1059 = arith.constant 0 : i32
    %dma_wait3A_1060 = tpu.memref_slice %arg7[%dma_wait3A_1046, %dma_wait3A_1058, %dma_wait3A_1059] : memref<14x8x1024xf32, #tpu.memory_space<vmem>> -> memref<1x8x1024xf32, #tpu.memory_space<vmem>>
    %dma_wait3A_1061 = tpu.memref_squeeze %dma_wait3A_1060 : memref<1x8x1024xf32, #tpu.memory_space<vmem>> -> memref<8x1024xf32, #tpu.memory_space<vmem>>
    tpu.wait_dma2 semaphore(%dma_wait3A_1055 : memref<!tpu.dma_semaphore, #tpu.memory_space<semaphore_mem>>) src(%dma_wait3A_1061 : memref<8x1024xf32, #tpu.memory_space<vmem>>) dst(%dma_wait3A_1057 : memref<8x1024xf32, #tpu.memory_space<hbm>>)
    %dma_start3A_1062 = arith.constant 13 : i32
    %dma_start3A_1063 = arith.constant 13 : i32
    %dma_start3A_1064 = arith.constant 0 : i32
    %dma_start3A_1065 = arith.constant 0 : i32
    %dma_start3A_1066 = tpu.memref_slice %arg7[%dma_start3A_1062, %dma_start3A_1064, %dma_start3A_1065] : memref<14x8x1024xf32, #tpu.memory_space<vmem>> -> memref<1x8x1024xf32, #tpu.memory_space<vmem>>
    %dma_start3A_1067 = tpu.memref_squeeze %dma_start3A_1066 : memref<1x8x1024xf32, #tpu.memory_space<vmem>> -> memref<8x1024xf32, #tpu.memory_space<vmem>>
    %dma_start3A_1068 = arith.constant 216 : i32
    %dma_start3A_1069 = tpu.memref_slice %arg6[%dma_start3A_1068] : memref<256xi32, #tpu.memory_space<vmem>> -> memref<8xi32, #tpu.memory_space<vmem>>
    %dma_start3A_1070 = arith.constant 0 : i32
    %dma_start3A_1071 = arith.constant 0 : i32
    %dma_start3A_1072 = tpu.memref_slice %arg3[%dma_start3A_1070, %dma_start3A_1071] : memref<2050x1024xf32, #tpu.memory_space<hbm>> -> memref<2050x1024xf32, #tpu.memory_space<hbm>>
    %dma_start3A_1073 = tpu.memref_slice %arg8[%dma_start3A_1063] : memref<14x!tpu.dma_semaphore, #tpu.memory_space<semaphore_mem>> -> memref<1x!tpu.dma_semaphore, #tpu.memory_space<semaphore_mem>>
    %dma_start3A_1074 = tpu.memref_squeeze %dma_start3A_1073 : memref<1x!tpu.dma_semaphore, #tpu.memory_space<semaphore_mem>> -> memref<!tpu.dma_semaphore, #tpu.memory_space<semaphore_mem>>
    tpu.enqueue_indirect_dma source(%dma_start3A_1072 : memref<2050x1024xf32, #tpu.memory_space<hbm>>) target(%dma_start3A_1067 : memref<8x1024xf32, #tpu.memory_space<vmem>>) offsets(%dma_start3A_1069 : memref<8xi32, #tpu.memory_space<vmem>>) semaphore(%dma_start3A_1074 : memref<!tpu.dma_semaphore, #tpu.memory_space<semaphore_mem>>)
    %dma_wait3A_1075 = arith.constant 0 : i32
    %dma_wait3A_1076 = arith.constant 0 : i32
    %dma_wait3A_1077 = arith.constant 0 : i32
    %dma_wait3A_1078 = arith.constant 0 : i32
    %dma_wait3A_1079 = tpu.memref_slice %arg7[%dma_wait3A_1075, %dma_wait3A_1077, %dma_wait3A_1078] : memref<14x8x1024xf32, #tpu.memory_space<vmem>> -> memref<1x8x1024xf32, #tpu.memory_space<vmem>>
    %dma_wait3A_1080 = tpu.memref_squeeze %dma_wait3A_1079 : memref<1x8x1024xf32, #tpu.memory_space<vmem>> -> memref<8x1024xf32, #tpu.memory_space<vmem>>
    %dma_wait3A_1081 = arith.constant 112 : i32
    %dma_wait3A_1082 = tpu.memref_slice %arg6[%dma_wait3A_1081] : memref<256xi32, #tpu.memory_space<vmem>> -> memref<8xi32, #tpu.memory_space<vmem>>
    %dma_wait3A_1083 = arith.constant 0 : i32
    %dma_wait3A_1084 = arith.constant 0 : i32
    %dma_wait3A_1085 = tpu.memref_slice %arg3[%dma_wait3A_1083, %dma_wait3A_1084] : memref<2050x1024xf32, #tpu.memory_space<hbm>> -> memref<2050x1024xf32, #tpu.memory_space<hbm>>
    %dma_wait3A_1086 = tpu.memref_slice %arg8[%dma_wait3A_1076] : memref<14x!tpu.dma_semaphore, #tpu.memory_space<semaphore_mem>> -> memref<1x!tpu.dma_semaphore, #tpu.memory_space<semaphore_mem>>
    %dma_wait3A_1087 = tpu.memref_squeeze %dma_wait3A_1086 : memref<1x!tpu.dma_semaphore, #tpu.memory_space<semaphore_mem>> -> memref<!tpu.dma_semaphore, #tpu.memory_space<semaphore_mem>>
    tpu.wait_indirect_dma semaphore(%dma_wait3A_1087 : memref<!tpu.dma_semaphore, #tpu.memory_space<semaphore_mem>>) src(%dma_wait3A_1085 : memref<2050x1024xf32, #tpu.memory_space<hbm>>) dst(%dma_wait3A_1080 : memref<8x1024xf32, #tpu.memory_space<vmem>>)
    %add3A_1088 = arith.constant 112 : i32
    %add3A_1089 = arith.addi %mul3A_54, %add3A_1088 : i32
    %dma_start3A_1090 = arith.constant 0 : i32
    %dma_start3A_1091 = arith.constant 0 : i32
    %dma_start3A_1092 = arith.constant 0 : i32
    %dma_start3A_1093 = arith.constant 0 : i32
    %dma_start3A_1094 = tpu.memref_slice %arg7[%dma_start3A_1090, %dma_start3A_1092, %dma_start3A_1093] : memref<14x8x1024xf32, #tpu.memory_space<vmem>> -> memref<1x8x1024xf32, #tpu.memory_space<vmem>>
    %dma_start3A_1095 = tpu.memref_squeeze %dma_start3A_1094 : memref<1x8x1024xf32, #tpu.memory_space<vmem>> -> memref<8x1024xf32, #tpu.memory_space<vmem>>
    %dma_start3A_1096 = arith.constant 0 : i32
    %dma_start3A_1097 = tpu.memref_slice %arg4[%add3A_1089, %dma_start3A_1096] : memref<8192x1024xf32, #tpu.memory_space<hbm>> -> memref<8x1024xf32, #tpu.memory_space<hbm>>
    %dma_start3A_1098 = tpu.memref_slice %arg9[%dma_start3A_1091] : memref<14x!tpu.dma_semaphore, #tpu.memory_space<semaphore_mem>> -> memref<1x!tpu.dma_semaphore, #tpu.memory_space<semaphore_mem>>
    %dma_start3A_1099 = tpu.memref_squeeze %dma_start3A_1098 : memref<1x!tpu.dma_semaphore, #tpu.memory_space<semaphore_mem>> -> memref<!tpu.dma_semaphore, #tpu.memory_space<semaphore_mem>>
    %dma_start3A_1100 = arith.constant 0 : i32
    %dma_start3A_1101 = tpu.memref_slice %arg4[%add3A_1089, %dma_start3A_1100] : memref<8192x1024xf32, #tpu.memory_space<hbm>> -> memref<8x1024xf32, #tpu.memory_space<hbm>>
    %dma_start3A_1102 = arith.constant 0 : i32
    %dma_start3A_1103 = arith.constant 0 : i32
    %dma_start3A_1104 = tpu.memref_slice %arg7[%dma_start3A_1090, %dma_start3A_1102, %dma_start3A_1103] : memref<14x8x1024xf32, #tpu.memory_space<vmem>> -> memref<1x8x1024xf32, #tpu.memory_space<vmem>>
    %dma_start3A_1105 = tpu.memref_squeeze %dma_start3A_1104 : memref<1x8x1024xf32, #tpu.memory_space<vmem>> -> memref<8x1024xf32, #tpu.memory_space<vmem>>
    tpu.enqueue_dma source(%dma_start3A_1105 : memref<8x1024xf32, #tpu.memory_space<vmem>>) target(%dma_start3A_1101 : memref<8x1024xf32, #tpu.memory_space<hbm>>) target_semaphore(%dma_start3A_1099 : memref<!tpu.dma_semaphore, #tpu.memory_space<semaphore_mem>>)
    %dma_wait3A_1106 = arith.constant 0 : i32
    %dma_wait3A_1107 = arith.constant 0 : i32
    %dma_wait3A_1108 = arith.constant 0 : i32
    %dma_wait3A_1109 = arith.constant 0 : i32
    %dma_wait3A_1110 = tpu.memref_slice %arg7[%dma_wait3A_1106, %dma_wait3A_1108, %dma_wait3A_1109] : memref<14x8x1024xf32, #tpu.memory_space<vmem>> -> memref<1x8x1024xf32, #tpu.memory_space<vmem>>
    %dma_wait3A_1111 = tpu.memref_squeeze %dma_wait3A_1110 : memref<1x8x1024xf32, #tpu.memory_space<vmem>> -> memref<8x1024xf32, #tpu.memory_space<vmem>>
    %dma_wait3A_1112 = arith.constant 0 : i32
    %dma_wait3A_1113 = tpu.memref_slice %arg4[%add3A_1089, %dma_wait3A_1112] : memref<8192x1024xf32, #tpu.memory_space<hbm>> -> memref<8x1024xf32, #tpu.memory_space<hbm>>
    %dma_wait3A_1114 = tpu.memref_slice %arg9[%dma_wait3A_1107] : memref<14x!tpu.dma_semaphore, #tpu.memory_space<semaphore_mem>> -> memref<1x!tpu.dma_semaphore, #tpu.memory_space<semaphore_mem>>
    %dma_wait3A_1115 = tpu.memref_squeeze %dma_wait3A_1114 : memref<1x!tpu.dma_semaphore, #tpu.memory_space<semaphore_mem>> -> memref<!tpu.dma_semaphore, #tpu.memory_space<semaphore_mem>>
    %dma_wait3A_1116 = arith.constant 0 : i32
    %dma_wait3A_1117 = tpu.memref_slice %arg4[%add3A_1089, %dma_wait3A_1116] : memref<8192x1024xf32, #tpu.memory_space<hbm>> -> memref<8x1024xf32, #tpu.memory_space<hbm>>
    %dma_wait3A_1118 = arith.constant 0 : i32
    %dma_wait3A_1119 = arith.constant 0 : i32
    %dma_wait3A_1120 = tpu.memref_slice %arg7[%dma_wait3A_1106, %dma_wait3A_1118, %dma_wait3A_1119] : memref<14x8x1024xf32, #tpu.memory_space<vmem>> -> memref<1x8x1024xf32, #tpu.memory_space<vmem>>
    %dma_wait3A_1121 = tpu.memref_squeeze %dma_wait3A_1120 : memref<1x8x1024xf32, #tpu.memory_space<vmem>> -> memref<8x1024xf32, #tpu.memory_space<vmem>>
    tpu.wait_dma2 semaphore(%dma_wait3A_1115 : memref<!tpu.dma_semaphore, #tpu.memory_space<semaphore_mem>>) src(%dma_wait3A_1121 : memref<8x1024xf32, #tpu.memory_space<vmem>>) dst(%dma_wait3A_1117 : memref<8x1024xf32, #tpu.memory_space<hbm>>)
    %dma_start3A_1122 = arith.constant 0 : i32
    %dma_start3A_1123 = arith.constant 0 : i32
    %dma_start3A_1124 = arith.constant 0 : i32
    %dma_start3A_1125 = arith.constant 0 : i32
    %dma_start3A_1126 = tpu.memref_slice %arg7[%dma_start3A_1122, %dma_start3A_1124, %dma_start3A_1125] : memref<14x8x1024xf32, #tpu.memory_space<vmem>> -> memref<1x8x1024xf32, #tpu.memory_space<vmem>>
    %dma_start3A_1127 = tpu.memref_squeeze %dma_start3A_1126 : memref<1x8x1024xf32, #tpu.memory_space<vmem>> -> memref<8x1024xf32, #tpu.memory_space<vmem>>
    %dma_start3A_1128 = arith.constant 224 : i32
    %dma_start3A_1129 = tpu.memref_slice %arg6[%dma_start3A_1128] : memref<256xi32, #tpu.memory_space<vmem>> -> memref<8xi32, #tpu.memory_space<vmem>>
    %dma_start3A_1130 = arith.constant 0 : i32
    %dma_start3A_1131 = arith.constant 0 : i32
    %dma_start3A_1132 = tpu.memref_slice %arg3[%dma_start3A_1130, %dma_start3A_1131] : memref<2050x1024xf32, #tpu.memory_space<hbm>> -> memref<2050x1024xf32, #tpu.memory_space<hbm>>
    %dma_start3A_1133 = tpu.memref_slice %arg8[%dma_start3A_1123] : memref<14x!tpu.dma_semaphore, #tpu.memory_space<semaphore_mem>> -> memref<1x!tpu.dma_semaphore, #tpu.memory_space<semaphore_mem>>
    %dma_start3A_1134 = tpu.memref_squeeze %dma_start3A_1133 : memref<1x!tpu.dma_semaphore, #tpu.memory_space<semaphore_mem>> -> memref<!tpu.dma_semaphore, #tpu.memory_space<semaphore_mem>>
    tpu.enqueue_indirect_dma source(%dma_start3A_1132 : memref<2050x1024xf32, #tpu.memory_space<hbm>>) target(%dma_start3A_1127 : memref<8x1024xf32, #tpu.memory_space<vmem>>) offsets(%dma_start3A_1129 : memref<8xi32, #tpu.memory_space<vmem>>) semaphore(%dma_start3A_1134 : memref<!tpu.dma_semaphore, #tpu.memory_space<semaphore_mem>>)
    %dma_wait3A_1135 = arith.constant 1 : i32
    %dma_wait3A_1136 = arith.constant 1 : i32
    %dma_wait3A_1137 = arith.constant 0 : i32
    %dma_wait3A_1138 = arith.constant 0 : i32
    %dma_wait3A_1139 = tpu.memref_slice %arg7[%dma_wait3A_1135, %dma_wait3A_1137, %dma_wait3A_1138] : memref<14x8x1024xf32, #tpu.memory_space<vmem>> -> memref<1x8x1024xf32, #tpu.memory_space<vmem>>
    %dma_wait3A_1140 = tpu.memref_squeeze %dma_wait3A_1139 : memref<1x8x1024xf32, #tpu.memory_space<vmem>> -> memref<8x1024xf32, #tpu.memory_space<vmem>>
    %dma_wait3A_1141 = arith.constant 120 : i32
    %dma_wait3A_1142 = tpu.memref_slice %arg6[%dma_wait3A_1141] : memref<256xi32, #tpu.memory_space<vmem>> -> memref<8xi32, #tpu.memory_space<vmem>>
    %dma_wait3A_1143 = arith.constant 0 : i32
    %dma_wait3A_1144 = arith.constant 0 : i32
    %dma_wait3A_1145 = tpu.memref_slice %arg3[%dma_wait3A_1143, %dma_wait3A_1144] : memref<2050x1024xf32, #tpu.memory_space<hbm>> -> memref<2050x1024xf32, #tpu.memory_space<hbm>>
    %dma_wait3A_1146 = tpu.memref_slice %arg8[%dma_wait3A_1136] : memref<14x!tpu.dma_semaphore, #tpu.memory_space<semaphore_mem>> -> memref<1x!tpu.dma_semaphore, #tpu.memory_space<semaphore_mem>>
    %dma_wait3A_1147 = tpu.memref_squeeze %dma_wait3A_1146 : memref<1x!tpu.dma_semaphore, #tpu.memory_space<semaphore_mem>> -> memref<!tpu.dma_semaphore, #tpu.memory_space<semaphore_mem>>
    tpu.wait_indirect_dma semaphore(%dma_wait3A_1147 : memref<!tpu.dma_semaphore, #tpu.memory_space<semaphore_mem>>) src(%dma_wait3A_1145 : memref<2050x1024xf32, #tpu.memory_space<hbm>>) dst(%dma_wait3A_1140 : memref<8x1024xf32, #tpu.memory_space<vmem>>)
    %add3A_1148 = arith.constant 120 : i32
    %add3A_1149 = arith.addi %mul3A_54, %add3A_1148 : i32
    %dma_start3A_1150 = arith.constant 1 : i32
    %dma_start3A_1151 = arith.constant 1 : i32
    %dma_start3A_1152 = arith.constant 0 : i32
    %dma_start3A_1153 = arith.constant 0 : i32
    %dma_start3A_1154 = tpu.memref_slice %arg7[%dma_start3A_1150, %dma_start3A_1152, %dma_start3A_1153] : memref<14x8x1024xf32, #tpu.memory_space<vmem>> -> memref<1x8x1024xf32, #tpu.memory_space<vmem>>
    %dma_start3A_1155 = tpu.memref_squeeze %dma_start3A_1154 : memref<1x8x1024xf32, #tpu.memory_space<vmem>> -> memref<8x1024xf32, #tpu.memory_space<vmem>>
    %dma_start3A_1156 = arith.constant 0 : i32
    %dma_start3A_1157 = tpu.memref_slice %arg4[%add3A_1149, %dma_start3A_1156] : memref<8192x1024xf32, #tpu.memory_space<hbm>> -> memref<8x1024xf32, #tpu.memory_space<hbm>>
    %dma_start3A_1158 = tpu.memref_slice %arg9[%dma_start3A_1151] : memref<14x!tpu.dma_semaphore, #tpu.memory_space<semaphore_mem>> -> memref<1x!tpu.dma_semaphore, #tpu.memory_space<semaphore_mem>>
    %dma_start3A_1159 = tpu.memref_squeeze %dma_start3A_1158 : memref<1x!tpu.dma_semaphore, #tpu.memory_space<semaphore_mem>> -> memref<!tpu.dma_semaphore, #tpu.memory_space<semaphore_mem>>
    %dma_start3A_1160 = arith.constant 0 : i32
    %dma_start3A_1161 = tpu.memref_slice %arg4[%add3A_1149, %dma_start3A_1160] : memref<8192x1024xf32, #tpu.memory_space<hbm>> -> memref<8x1024xf32, #tpu.memory_space<hbm>>
    %dma_start3A_1162 = arith.constant 0 : i32
    %dma_start3A_1163 = arith.constant 0 : i32
    %dma_start3A_1164 = tpu.memref_slice %arg7[%dma_start3A_1150, %dma_start3A_1162, %dma_start3A_1163] : memref<14x8x1024xf32, #tpu.memory_space<vmem>> -> memref<1x8x1024xf32, #tpu.memory_space<vmem>>
    %dma_start3A_1165 = tpu.memref_squeeze %dma_start3A_1164 : memref<1x8x1024xf32, #tpu.memory_space<vmem>> -> memref<8x1024xf32, #tpu.memory_space<vmem>>
    tpu.enqueue_dma source(%dma_start3A_1165 : memref<8x1024xf32, #tpu.memory_space<vmem>>) target(%dma_start3A_1161 : memref<8x1024xf32, #tpu.memory_space<hbm>>) target_semaphore(%dma_start3A_1159 : memref<!tpu.dma_semaphore, #tpu.memory_space<semaphore_mem>>)
    %dma_wait3A_1166 = arith.constant 1 : i32
    %dma_wait3A_1167 = arith.constant 1 : i32
    %dma_wait3A_1168 = arith.constant 0 : i32
    %dma_wait3A_1169 = arith.constant 0 : i32
    %dma_wait3A_1170 = tpu.memref_slice %arg7[%dma_wait3A_1166, %dma_wait3A_1168, %dma_wait3A_1169] : memref<14x8x1024xf32, #tpu.memory_space<vmem>> -> memref<1x8x1024xf32, #tpu.memory_space<vmem>>
    %dma_wait3A_1171 = tpu.memref_squeeze %dma_wait3A_1170 : memref<1x8x1024xf32, #tpu.memory_space<vmem>> -> memref<8x1024xf32, #tpu.memory_space<vmem>>
    %dma_wait3A_1172 = arith.constant 0 : i32
    %dma_wait3A_1173 = tpu.memref_slice %arg4[%add3A_1149, %dma_wait3A_1172] : memref<8192x1024xf32, #tpu.memory_space<hbm>> -> memref<8x1024xf32, #tpu.memory_space<hbm>>
    %dma_wait3A_1174 = tpu.memref_slice %arg9[%dma_wait3A_1167] : memref<14x!tpu.dma_semaphore, #tpu.memory_space<semaphore_mem>> -> memref<1x!tpu.dma_semaphore, #tpu.memory_space<semaphore_mem>>
    %dma_wait3A_1175 = tpu.memref_squeeze %dma_wait3A_1174 : memref<1x!tpu.dma_semaphore, #tpu.memory_space<semaphore_mem>> -> memref<!tpu.dma_semaphore, #tpu.memory_space<semaphore_mem>>
    %dma_wait3A_1176 = arith.constant 0 : i32
    %dma_wait3A_1177 = tpu.memref_slice %arg4[%add3A_1149, %dma_wait3A_1176] : memref<8192x1024xf32, #tpu.memory_space<hbm>> -> memref<8x1024xf32, #tpu.memory_space<hbm>>
    %dma_wait3A_1178 = arith.constant 0 : i32
    %dma_wait3A_1179 = arith.constant 0 : i32
    %dma_wait3A_1180 = tpu.memref_slice %arg7[%dma_wait3A_1166, %dma_wait3A_1178, %dma_wait3A_1179] : memref<14x8x1024xf32, #tpu.memory_space<vmem>> -> memref<1x8x1024xf32, #tpu.memory_space<vmem>>
    %dma_wait3A_1181 = tpu.memref_squeeze %dma_wait3A_1180 : memref<1x8x1024xf32, #tpu.memory_space<vmem>> -> memref<8x1024xf32, #tpu.memory_space<vmem>>
    tpu.wait_dma2 semaphore(%dma_wait3A_1175 : memref<!tpu.dma_semaphore, #tpu.memory_space<semaphore_mem>>) src(%dma_wait3A_1181 : memref<8x1024xf32, #tpu.memory_space<vmem>>) dst(%dma_wait3A_1177 : memref<8x1024xf32, #tpu.memory_space<hbm>>)
    %dma_start3A_1182 = arith.constant 1 : i32
    %dma_start3A_1183 = arith.constant 1 : i32
    %dma_start3A_1184 = arith.constant 0 : i32
    %dma_start3A_1185 = arith.constant 0 : i32
    %dma_start3A_1186 = tpu.memref_slice %arg7[%dma_start3A_1182, %dma_start3A_1184, %dma_start3A_1185] : memref<14x8x1024xf32, #tpu.memory_space<vmem>> -> memref<1x8x1024xf32, #tpu.memory_space<vmem>>
    %dma_start3A_1187 = tpu.memref_squeeze %dma_start3A_1186 : memref<1x8x1024xf32, #tpu.memory_space<vmem>> -> memref<8x1024xf32, #tpu.memory_space<vmem>>
    %dma_start3A_1188 = arith.constant 232 : i32
    %dma_start3A_1189 = tpu.memref_slice %arg6[%dma_start3A_1188] : memref<256xi32, #tpu.memory_space<vmem>> -> memref<8xi32, #tpu.memory_space<vmem>>
    %dma_start3A_1190 = arith.constant 0 : i32
    %dma_start3A_1191 = arith.constant 0 : i32
    %dma_start3A_1192 = tpu.memref_slice %arg3[%dma_start3A_1190, %dma_start3A_1191] : memref<2050x1024xf32, #tpu.memory_space<hbm>> -> memref<2050x1024xf32, #tpu.memory_space<hbm>>
    %dma_start3A_1193 = tpu.memref_slice %arg8[%dma_start3A_1183] : memref<14x!tpu.dma_semaphore, #tpu.memory_space<semaphore_mem>> -> memref<1x!tpu.dma_semaphore, #tpu.memory_space<semaphore_mem>>
    %dma_start3A_1194 = tpu.memref_squeeze %dma_start3A_1193 : memref<1x!tpu.dma_semaphore, #tpu.memory_space<semaphore_mem>> -> memref<!tpu.dma_semaphore, #tpu.memory_space<semaphore_mem>>
    tpu.enqueue_indirect_dma source(%dma_start3A_1192 : memref<2050x1024xf32, #tpu.memory_space<hbm>>) target(%dma_start3A_1187 : memref<8x1024xf32, #tpu.memory_space<vmem>>) offsets(%dma_start3A_1189 : memref<8xi32, #tpu.memory_space<vmem>>) semaphore(%dma_start3A_1194 : memref<!tpu.dma_semaphore, #tpu.memory_space<semaphore_mem>>)
    %dma_wait3A_1195 = arith.constant 2 : i32
    %dma_wait3A_1196 = arith.constant 2 : i32
    %dma_wait3A_1197 = arith.constant 0 : i32
    %dma_wait3A_1198 = arith.constant 0 : i32
    %dma_wait3A_1199 = tpu.memref_slice %arg7[%dma_wait3A_1195, %dma_wait3A_1197, %dma_wait3A_1198] : memref<14x8x1024xf32, #tpu.memory_space<vmem>> -> memref<1x8x1024xf32, #tpu.memory_space<vmem>>
    %dma_wait3A_1200 = tpu.memref_squeeze %dma_wait3A_1199 : memref<1x8x1024xf32, #tpu.memory_space<vmem>> -> memref<8x1024xf32, #tpu.memory_space<vmem>>
    %dma_wait3A_1201 = arith.constant 128 : i32
    %dma_wait3A_1202 = tpu.memref_slice %arg6[%dma_wait3A_1201] : memref<256xi32, #tpu.memory_space<vmem>> -> memref<8xi32, #tpu.memory_space<vmem>>
    %dma_wait3A_1203 = arith.constant 0 : i32
    %dma_wait3A_1204 = arith.constant 0 : i32
    %dma_wait3A_1205 = tpu.memref_slice %arg3[%dma_wait3A_1203, %dma_wait3A_1204] : memref<2050x1024xf32, #tpu.memory_space<hbm>> -> memref<2050x1024xf32, #tpu.memory_space<hbm>>
    %dma_wait3A_1206 = tpu.memref_slice %arg8[%dma_wait3A_1196] : memref<14x!tpu.dma_semaphore, #tpu.memory_space<semaphore_mem>> -> memref<1x!tpu.dma_semaphore, #tpu.memory_space<semaphore_mem>>
    %dma_wait3A_1207 = tpu.memref_squeeze %dma_wait3A_1206 : memref<1x!tpu.dma_semaphore, #tpu.memory_space<semaphore_mem>> -> memref<!tpu.dma_semaphore, #tpu.memory_space<semaphore_mem>>
    tpu.wait_indirect_dma semaphore(%dma_wait3A_1207 : memref<!tpu.dma_semaphore, #tpu.memory_space<semaphore_mem>>) src(%dma_wait3A_1205 : memref<2050x1024xf32, #tpu.memory_space<hbm>>) dst(%dma_wait3A_1200 : memref<8x1024xf32, #tpu.memory_space<vmem>>)
    %add3A_1208 = arith.constant 128 : i32
    %add3A_1209 = arith.addi %mul3A_54, %add3A_1208 : i32
    %dma_start3A_1210 = arith.constant 2 : i32
    %dma_start3A_1211 = arith.constant 2 : i32
    %dma_start3A_1212 = arith.constant 0 : i32
    %dma_start3A_1213 = arith.constant 0 : i32
    %dma_start3A_1214 = tpu.memref_slice %arg7[%dma_start3A_1210, %dma_start3A_1212, %dma_start3A_1213] : memref<14x8x1024xf32, #tpu.memory_space<vmem>> -> memref<1x8x1024xf32, #tpu.memory_space<vmem>>
    %dma_start3A_1215 = tpu.memref_squeeze %dma_start3A_1214 : memref<1x8x1024xf32, #tpu.memory_space<vmem>> -> memref<8x1024xf32, #tpu.memory_space<vmem>>
    %dma_start3A_1216 = arith.constant 0 : i32
    %dma_start3A_1217 = tpu.memref_slice %arg4[%add3A_1209, %dma_start3A_1216] : memref<8192x1024xf32, #tpu.memory_space<hbm>> -> memref<8x1024xf32, #tpu.memory_space<hbm>>
    %dma_start3A_1218 = tpu.memref_slice %arg9[%dma_start3A_1211] : memref<14x!tpu.dma_semaphore, #tpu.memory_space<semaphore_mem>> -> memref<1x!tpu.dma_semaphore, #tpu.memory_space<semaphore_mem>>
    %dma_start3A_1219 = tpu.memref_squeeze %dma_start3A_1218 : memref<1x!tpu.dma_semaphore, #tpu.memory_space<semaphore_mem>> -> memref<!tpu.dma_semaphore, #tpu.memory_space<semaphore_mem>>
    %dma_start3A_1220 = arith.constant 0 : i32
    %dma_start3A_1221 = tpu.memref_slice %arg4[%add3A_1209, %dma_start3A_1220] : memref<8192x1024xf32, #tpu.memory_space<hbm>> -> memref<8x1024xf32, #tpu.memory_space<hbm>>
    %dma_start3A_1222 = arith.constant 0 : i32
    %dma_start3A_1223 = arith.constant 0 : i32
    %dma_start3A_1224 = tpu.memref_slice %arg7[%dma_start3A_1210, %dma_start3A_1222, %dma_start3A_1223] : memref<14x8x1024xf32, #tpu.memory_space<vmem>> -> memref<1x8x1024xf32, #tpu.memory_space<vmem>>
    %dma_start3A_1225 = tpu.memref_squeeze %dma_start3A_1224 : memref<1x8x1024xf32, #tpu.memory_space<vmem>> -> memref<8x1024xf32, #tpu.memory_space<vmem>>
    tpu.enqueue_dma source(%dma_start3A_1225 : memref<8x1024xf32, #tpu.memory_space<vmem>>) target(%dma_start3A_1221 : memref<8x1024xf32, #tpu.memory_space<hbm>>) target_semaphore(%dma_start3A_1219 : memref<!tpu.dma_semaphore, #tpu.memory_space<semaphore_mem>>)
    %dma_wait3A_1226 = arith.constant 2 : i32
    %dma_wait3A_1227 = arith.constant 2 : i32
    %dma_wait3A_1228 = arith.constant 0 : i32
    %dma_wait3A_1229 = arith.constant 0 : i32
    %dma_wait3A_1230 = tpu.memref_slice %arg7[%dma_wait3A_1226, %dma_wait3A_1228, %dma_wait3A_1229] : memref<14x8x1024xf32, #tpu.memory_space<vmem>> -> memref<1x8x1024xf32, #tpu.memory_space<vmem>>
    %dma_wait3A_1231 = tpu.memref_squeeze %dma_wait3A_1230 : memref<1x8x1024xf32, #tpu.memory_space<vmem>> -> memref<8x1024xf32, #tpu.memory_space<vmem>>
    %dma_wait3A_1232 = arith.constant 0 : i32
    %dma_wait3A_1233 = tpu.memref_slice %arg4[%add3A_1209, %dma_wait3A_1232] : memref<8192x1024xf32, #tpu.memory_space<hbm>> -> memref<8x1024xf32, #tpu.memory_space<hbm>>
    %dma_wait3A_1234 = tpu.memref_slice %arg9[%dma_wait3A_1227] : memref<14x!tpu.dma_semaphore, #tpu.memory_space<semaphore_mem>> -> memref<1x!tpu.dma_semaphore, #tpu.memory_space<semaphore_mem>>
    %dma_wait3A_1235 = tpu.memref_squeeze %dma_wait3A_1234 : memref<1x!tpu.dma_semaphore, #tpu.memory_space<semaphore_mem>> -> memref<!tpu.dma_semaphore, #tpu.memory_space<semaphore_mem>>
    %dma_wait3A_1236 = arith.constant 0 : i32
    %dma_wait3A_1237 = tpu.memref_slice %arg4[%add3A_1209, %dma_wait3A_1236] : memref<8192x1024xf32, #tpu.memory_space<hbm>> -> memref<8x1024xf32, #tpu.memory_space<hbm>>
    %dma_wait3A_1238 = arith.constant 0 : i32
    %dma_wait3A_1239 = arith.constant 0 : i32
    %dma_wait3A_1240 = tpu.memref_slice %arg7[%dma_wait3A_1226, %dma_wait3A_1238, %dma_wait3A_1239] : memref<14x8x1024xf32, #tpu.memory_space<vmem>> -> memref<1x8x1024xf32, #tpu.memory_space<vmem>>
    %dma_wait3A_1241 = tpu.memref_squeeze %dma_wait3A_1240 : memref<1x8x1024xf32, #tpu.memory_space<vmem>> -> memref<8x1024xf32, #tpu.memory_space<vmem>>
    tpu.wait_dma2 semaphore(%dma_wait3A_1235 : memref<!tpu.dma_semaphore, #tpu.memory_space<semaphore_mem>>) src(%dma_wait3A_1241 : memref<8x1024xf32, #tpu.memory_space<vmem>>) dst(%dma_wait3A_1237 : memref<8x1024xf32, #tpu.memory_space<hbm>>)
    %dma_start3A_1242 = arith.constant 2 : i32
    %dma_start3A_1243 = arith.constant 2 : i32
    %dma_start3A_1244 = arith.constant 0 : i32
    %dma_start3A_1245 = arith.constant 0 : i32
    %dma_start3A_1246 = tpu.memref_slice %arg7[%dma_start3A_1242, %dma_start3A_1244, %dma_start3A_1245] : memref<14x8x1024xf32, #tpu.memory_space<vmem>> -> memref<1x8x1024xf32, #tpu.memory_space<vmem>>
    %dma_start3A_1247 = tpu.memref_squeeze %dma_start3A_1246 : memref<1x8x1024xf32, #tpu.memory_space<vmem>> -> memref<8x1024xf32, #tpu.memory_space<vmem>>
    %dma_start3A_1248 = arith.constant 240 : i32
    %dma_start3A_1249 = tpu.memref_slice %arg6[%dma_start3A_1248] : memref<256xi32, #tpu.memory_space<vmem>> -> memref<8xi32, #tpu.memory_space<vmem>>
    %dma_start3A_1250 = arith.constant 0 : i32
    %dma_start3A_1251 = arith.constant 0 : i32
    %dma_start3A_1252 = tpu.memref_slice %arg3[%dma_start3A_1250, %dma_start3A_1251] : memref<2050x1024xf32, #tpu.memory_space<hbm>> -> memref<2050x1024xf32, #tpu.memory_space<hbm>>
    %dma_start3A_1253 = tpu.memref_slice %arg8[%dma_start3A_1243] : memref<14x!tpu.dma_semaphore, #tpu.memory_space<semaphore_mem>> -> memref<1x!tpu.dma_semaphore, #tpu.memory_space<semaphore_mem>>
    %dma_start3A_1254 = tpu.memref_squeeze %dma_start3A_1253 : memref<1x!tpu.dma_semaphore, #tpu.memory_space<semaphore_mem>> -> memref<!tpu.dma_semaphore, #tpu.memory_space<semaphore_mem>>
    tpu.enqueue_indirect_dma source(%dma_start3A_1252 : memref<2050x1024xf32, #tpu.memory_space<hbm>>) target(%dma_start3A_1247 : memref<8x1024xf32, #tpu.memory_space<vmem>>) offsets(%dma_start3A_1249 : memref<8xi32, #tpu.memory_space<vmem>>) semaphore(%dma_start3A_1254 : memref<!tpu.dma_semaphore, #tpu.memory_space<semaphore_mem>>)
    %dma_wait3A_1255 = arith.constant 3 : i32
    %dma_wait3A_1256 = arith.constant 3 : i32
    %dma_wait3A_1257 = arith.constant 0 : i32
    %dma_wait3A_1258 = arith.constant 0 : i32
    %dma_wait3A_1259 = tpu.memref_slice %arg7[%dma_wait3A_1255, %dma_wait3A_1257, %dma_wait3A_1258] : memref<14x8x1024xf32, #tpu.memory_space<vmem>> -> memref<1x8x1024xf32, #tpu.memory_space<vmem>>
    %dma_wait3A_1260 = tpu.memref_squeeze %dma_wait3A_1259 : memref<1x8x1024xf32, #tpu.memory_space<vmem>> -> memref<8x1024xf32, #tpu.memory_space<vmem>>
    %dma_wait3A_1261 = arith.constant 136 : i32
    %dma_wait3A_1262 = tpu.memref_slice %arg6[%dma_wait3A_1261] : memref<256xi32, #tpu.memory_space<vmem>> -> memref<8xi32, #tpu.memory_space<vmem>>
    %dma_wait3A_1263 = arith.constant 0 : i32
    %dma_wait3A_1264 = arith.constant 0 : i32
    %dma_wait3A_1265 = tpu.memref_slice %arg3[%dma_wait3A_1263, %dma_wait3A_1264] : memref<2050x1024xf32, #tpu.memory_space<hbm>> -> memref<2050x1024xf32, #tpu.memory_space<hbm>>
    %dma_wait3A_1266 = tpu.memref_slice %arg8[%dma_wait3A_1256] : memref<14x!tpu.dma_semaphore, #tpu.memory_space<semaphore_mem>> -> memref<1x!tpu.dma_semaphore, #tpu.memory_space<semaphore_mem>>
    %dma_wait3A_1267 = tpu.memref_squeeze %dma_wait3A_1266 : memref<1x!tpu.dma_semaphore, #tpu.memory_space<semaphore_mem>> -> memref<!tpu.dma_semaphore, #tpu.memory_space<semaphore_mem>>
    tpu.wait_indirect_dma semaphore(%dma_wait3A_1267 : memref<!tpu.dma_semaphore, #tpu.memory_space<semaphore_mem>>) src(%dma_wait3A_1265 : memref<2050x1024xf32, #tpu.memory_space<hbm>>) dst(%dma_wait3A_1260 : memref<8x1024xf32, #tpu.memory_space<vmem>>)
    %add3A_1268 = arith.constant 136 : i32
    %add3A_1269 = arith.addi %mul3A_54, %add3A_1268 : i32
    %dma_start3A_1270 = arith.constant 3 : i32
    %dma_start3A_1271 = arith.constant 3 : i32
    %dma_start3A_1272 = arith.constant 0 : i32
    %dma_start3A_1273 = arith.constant 0 : i32
    %dma_start3A_1274 = tpu.memref_slice %arg7[%dma_start3A_1270, %dma_start3A_1272, %dma_start3A_1273] : memref<14x8x1024xf32, #tpu.memory_space<vmem>> -> memref<1x8x1024xf32, #tpu.memory_space<vmem>>
    %dma_start3A_1275 = tpu.memref_squeeze %dma_start3A_1274 : memref<1x8x1024xf32, #tpu.memory_space<vmem>> -> memref<8x1024xf32, #tpu.memory_space<vmem>>
    %dma_start3A_1276 = arith.constant 0 : i32
    %dma_start3A_1277 = tpu.memref_slice %arg4[%add3A_1269, %dma_start3A_1276] : memref<8192x1024xf32, #tpu.memory_space<hbm>> -> memref<8x1024xf32, #tpu.memory_space<hbm>>
    %dma_start3A_1278 = tpu.memref_slice %arg9[%dma_start3A_1271] : memref<14x!tpu.dma_semaphore, #tpu.memory_space<semaphore_mem>> -> memref<1x!tpu.dma_semaphore, #tpu.memory_space<semaphore_mem>>
    %dma_start3A_1279 = tpu.memref_squeeze %dma_start3A_1278 : memref<1x!tpu.dma_semaphore, #tpu.memory_space<semaphore_mem>> -> memref<!tpu.dma_semaphore, #tpu.memory_space<semaphore_mem>>
    %dma_start3A_1280 = arith.constant 0 : i32
    %dma_start3A_1281 = tpu.memref_slice %arg4[%add3A_1269, %dma_start3A_1280] : memref<8192x1024xf32, #tpu.memory_space<hbm>> -> memref<8x1024xf32, #tpu.memory_space<hbm>>
    %dma_start3A_1282 = arith.constant 0 : i32
    %dma_start3A_1283 = arith.constant 0 : i32
    %dma_start3A_1284 = tpu.memref_slice %arg7[%dma_start3A_1270, %dma_start3A_1282, %dma_start3A_1283] : memref<14x8x1024xf32, #tpu.memory_space<vmem>> -> memref<1x8x1024xf32, #tpu.memory_space<vmem>>
    %dma_start3A_1285 = tpu.memref_squeeze %dma_start3A_1284 : memref<1x8x1024xf32, #tpu.memory_space<vmem>> -> memref<8x1024xf32, #tpu.memory_space<vmem>>
    tpu.enqueue_dma source(%dma_start3A_1285 : memref<8x1024xf32, #tpu.memory_space<vmem>>) target(%dma_start3A_1281 : memref<8x1024xf32, #tpu.memory_space<hbm>>) target_semaphore(%dma_start3A_1279 : memref<!tpu.dma_semaphore, #tpu.memory_space<semaphore_mem>>)
    %dma_wait3A_1286 = arith.constant 3 : i32
    %dma_wait3A_1287 = arith.constant 3 : i32
    %dma_wait3A_1288 = arith.constant 0 : i32
    %dma_wait3A_1289 = arith.constant 0 : i32
    %dma_wait3A_1290 = tpu.memref_slice %arg7[%dma_wait3A_1286, %dma_wait3A_1288, %dma_wait3A_1289] : memref<14x8x1024xf32, #tpu.memory_space<vmem>> -> memref<1x8x1024xf32, #tpu.memory_space<vmem>>
    %dma_wait3A_1291 = tpu.memref_squeeze %dma_wait3A_1290 : memref<1x8x1024xf32, #tpu.memory_space<vmem>> -> memref<8x1024xf32, #tpu.memory_space<vmem>>
    %dma_wait3A_1292 = arith.constant 0 : i32
    %dma_wait3A_1293 = tpu.memref_slice %arg4[%add3A_1269, %dma_wait3A_1292] : memref<8192x1024xf32, #tpu.memory_space<hbm>> -> memref<8x1024xf32, #tpu.memory_space<hbm>>
    %dma_wait3A_1294 = tpu.memref_slice %arg9[%dma_wait3A_1287] : memref<14x!tpu.dma_semaphore, #tpu.memory_space<semaphore_mem>> -> memref<1x!tpu.dma_semaphore, #tpu.memory_space<semaphore_mem>>
    %dma_wait3A_1295 = tpu.memref_squeeze %dma_wait3A_1294 : memref<1x!tpu.dma_semaphore, #tpu.memory_space<semaphore_mem>> -> memref<!tpu.dma_semaphore, #tpu.memory_space<semaphore_mem>>
    %dma_wait3A_1296 = arith.constant 0 : i32
    %dma_wait3A_1297 = tpu.memref_slice %arg4[%add3A_1269, %dma_wait3A_1296] : memref<8192x1024xf32, #tpu.memory_space<hbm>> -> memref<8x1024xf32, #tpu.memory_space<hbm>>
    %dma_wait3A_1298 = arith.constant 0 : i32
    %dma_wait3A_1299 = arith.constant 0 : i32
    %dma_wait3A_1300 = tpu.memref_slice %arg7[%dma_wait3A_1286, %dma_wait3A_1298, %dma_wait3A_1299] : memref<14x8x1024xf32, #tpu.memory_space<vmem>> -> memref<1x8x1024xf32, #tpu.memory_space<vmem>>
    %dma_wait3A_1301 = tpu.memref_squeeze %dma_wait3A_1300 : memref<1x8x1024xf32, #tpu.memory_space<vmem>> -> memref<8x1024xf32, #tpu.memory_space<vmem>>
    tpu.wait_dma2 semaphore(%dma_wait3A_1295 : memref<!tpu.dma_semaphore, #tpu.memory_space<semaphore_mem>>) src(%dma_wait3A_1301 : memref<8x1024xf32, #tpu.memory_space<vmem>>) dst(%dma_wait3A_1297 : memref<8x1024xf32, #tpu.memory_space<hbm>>)
    %dma_start3A_1302 = arith.constant 3 : i32
    %dma_start3A_1303 = arith.constant 3 : i32
    %dma_start3A_1304 = arith.constant 0 : i32
    %dma_start3A_1305 = arith.constant 0 : i32
    %dma_start3A_1306 = tpu.memref_slice %arg7[%dma_start3A_1302, %dma_start3A_1304, %dma_start3A_1305] : memref<14x8x1024xf32, #tpu.memory_space<vmem>> -> memref<1x8x1024xf32, #tpu.memory_space<vmem>>
    %dma_start3A_1307 = tpu.memref_squeeze %dma_start3A_1306 : memref<1x8x1024xf32, #tpu.memory_space<vmem>> -> memref<8x1024xf32, #tpu.memory_space<vmem>>
    %dma_start3A_1308 = arith.constant 248 : i32
    %dma_start3A_1309 = tpu.memref_slice %arg6[%dma_start3A_1308] : memref<256xi32, #tpu.memory_space<vmem>> -> memref<8xi32, #tpu.memory_space<vmem>>
    %dma_start3A_1310 = arith.constant 0 : i32
    %dma_start3A_1311 = arith.constant 0 : i32
    %dma_start3A_1312 = tpu.memref_slice %arg3[%dma_start3A_1310, %dma_start3A_1311] : memref<2050x1024xf32, #tpu.memory_space<hbm>> -> memref<2050x1024xf32, #tpu.memory_space<hbm>>
    %dma_start3A_1313 = tpu.memref_slice %arg8[%dma_start3A_1303] : memref<14x!tpu.dma_semaphore, #tpu.memory_space<semaphore_mem>> -> memref<1x!tpu.dma_semaphore, #tpu.memory_space<semaphore_mem>>
    %dma_start3A_1314 = tpu.memref_squeeze %dma_start3A_1313 : memref<1x!tpu.dma_semaphore, #tpu.memory_space<semaphore_mem>> -> memref<!tpu.dma_semaphore, #tpu.memory_space<semaphore_mem>>
    tpu.enqueue_indirect_dma source(%dma_start3A_1312 : memref<2050x1024xf32, #tpu.memory_space<hbm>>) target(%dma_start3A_1307 : memref<8x1024xf32, #tpu.memory_space<vmem>>) offsets(%dma_start3A_1309 : memref<8xi32, #tpu.memory_space<vmem>>) semaphore(%dma_start3A_1314 : memref<!tpu.dma_semaphore, #tpu.memory_space<semaphore_mem>>)
    %dma_wait3A_1315 = arith.constant 4 : i32
    %dma_wait3A_1316 = arith.constant 4 : i32
    %dma_wait3A_1317 = arith.constant 0 : i32
    %dma_wait3A_1318 = arith.constant 0 : i32
    %dma_wait3A_1319 = tpu.memref_slice %arg7[%dma_wait3A_1315, %dma_wait3A_1317, %dma_wait3A_1318] : memref<14x8x1024xf32, #tpu.memory_space<vmem>> -> memref<1x8x1024xf32, #tpu.memory_space<vmem>>
    %dma_wait3A_1320 = tpu.memref_squeeze %dma_wait3A_1319 : memref<1x8x1024xf32, #tpu.memory_space<vmem>> -> memref<8x1024xf32, #tpu.memory_space<vmem>>
    %dma_wait3A_1321 = arith.constant 144 : i32
    %dma_wait3A_1322 = tpu.memref_slice %arg6[%dma_wait3A_1321] : memref<256xi32, #tpu.memory_space<vmem>> -> memref<8xi32, #tpu.memory_space<vmem>>
    %dma_wait3A_1323 = arith.constant 0 : i32
    %dma_wait3A_1324 = arith.constant 0 : i32
    %dma_wait3A_1325 = tpu.memref_slice %arg3[%dma_wait3A_1323, %dma_wait3A_1324] : memref<2050x1024xf32, #tpu.memory_space<hbm>> -> memref<2050x1024xf32, #tpu.memory_space<hbm>>
    %dma_wait3A_1326 = tpu.memref_slice %arg8[%dma_wait3A_1316] : memref<14x!tpu.dma_semaphore, #tpu.memory_space<semaphore_mem>> -> memref<1x!tpu.dma_semaphore, #tpu.memory_space<semaphore_mem>>
    %dma_wait3A_1327 = tpu.memref_squeeze %dma_wait3A_1326 : memref<1x!tpu.dma_semaphore, #tpu.memory_space<semaphore_mem>> -> memref<!tpu.dma_semaphore, #tpu.memory_space<semaphore_mem>>
    tpu.wait_indirect_dma semaphore(%dma_wait3A_1327 : memref<!tpu.dma_semaphore, #tpu.memory_space<semaphore_mem>>) src(%dma_wait3A_1325 : memref<2050x1024xf32, #tpu.memory_space<hbm>>) dst(%dma_wait3A_1320 : memref<8x1024xf32, #tpu.memory_space<vmem>>)
    %add3A_1328 = arith.constant 144 : i32
    %add3A_1329 = arith.addi %mul3A_54, %add3A_1328 : i32
    %dma_start3A_1330 = arith.constant 4 : i32
    %dma_start3A_1331 = arith.constant 4 : i32
    %dma_start3A_1332 = arith.constant 0 : i32
    %dma_start3A_1333 = arith.constant 0 : i32
    %dma_start3A_1334 = tpu.memref_slice %arg7[%dma_start3A_1330, %dma_start3A_1332, %dma_start3A_1333] : memref<14x8x1024xf32, #tpu.memory_space<vmem>> -> memref<1x8x1024xf32, #tpu.memory_space<vmem>>
    %dma_start3A_1335 = tpu.memref_squeeze %dma_start3A_1334 : memref<1x8x1024xf32, #tpu.memory_space<vmem>> -> memref<8x1024xf32, #tpu.memory_space<vmem>>
    %dma_start3A_1336 = arith.constant 0 : i32
    %dma_start3A_1337 = tpu.memref_slice %arg4[%add3A_1329, %dma_start3A_1336] : memref<8192x1024xf32, #tpu.memory_space<hbm>> -> memref<8x1024xf32, #tpu.memory_space<hbm>>
    %dma_start3A_1338 = tpu.memref_slice %arg9[%dma_start3A_1331] : memref<14x!tpu.dma_semaphore, #tpu.memory_space<semaphore_mem>> -> memref<1x!tpu.dma_semaphore, #tpu.memory_space<semaphore_mem>>
    %dma_start3A_1339 = tpu.memref_squeeze %dma_start3A_1338 : memref<1x!tpu.dma_semaphore, #tpu.memory_space<semaphore_mem>> -> memref<!tpu.dma_semaphore, #tpu.memory_space<semaphore_mem>>
    %dma_start3A_1340 = arith.constant 0 : i32
    %dma_start3A_1341 = tpu.memref_slice %arg4[%add3A_1329, %dma_start3A_1340] : memref<8192x1024xf32, #tpu.memory_space<hbm>> -> memref<8x1024xf32, #tpu.memory_space<hbm>>
    %dma_start3A_1342 = arith.constant 0 : i32
    %dma_start3A_1343 = arith.constant 0 : i32
    %dma_start3A_1344 = tpu.memref_slice %arg7[%dma_start3A_1330, %dma_start3A_1342, %dma_start3A_1343] : memref<14x8x1024xf32, #tpu.memory_space<vmem>> -> memref<1x8x1024xf32, #tpu.memory_space<vmem>>
    %dma_start3A_1345 = tpu.memref_squeeze %dma_start3A_1344 : memref<1x8x1024xf32, #tpu.memory_space<vmem>> -> memref<8x1024xf32, #tpu.memory_space<vmem>>
    tpu.enqueue_dma source(%dma_start3A_1345 : memref<8x1024xf32, #tpu.memory_space<vmem>>) target(%dma_start3A_1341 : memref<8x1024xf32, #tpu.memory_space<hbm>>) target_semaphore(%dma_start3A_1339 : memref<!tpu.dma_semaphore, #tpu.memory_space<semaphore_mem>>)
    %dma_wait3A_1346 = arith.constant 4 : i32
    %dma_wait3A_1347 = arith.constant 4 : i32
    %dma_wait3A_1348 = arith.constant 0 : i32
    %dma_wait3A_1349 = arith.constant 0 : i32
    %dma_wait3A_1350 = tpu.memref_slice %arg7[%dma_wait3A_1346, %dma_wait3A_1348, %dma_wait3A_1349] : memref<14x8x1024xf32, #tpu.memory_space<vmem>> -> memref<1x8x1024xf32, #tpu.memory_space<vmem>>
    %dma_wait3A_1351 = tpu.memref_squeeze %dma_wait3A_1350 : memref<1x8x1024xf32, #tpu.memory_space<vmem>> -> memref<8x1024xf32, #tpu.memory_space<vmem>>
    %dma_wait3A_1352 = arith.constant 0 : i32
    %dma_wait3A_1353 = tpu.memref_slice %arg4[%add3A_1329, %dma_wait3A_1352] : memref<8192x1024xf32, #tpu.memory_space<hbm>> -> memref<8x1024xf32, #tpu.memory_space<hbm>>
    %dma_wait3A_1354 = tpu.memref_slice %arg9[%dma_wait3A_1347] : memref<14x!tpu.dma_semaphore, #tpu.memory_space<semaphore_mem>> -> memref<1x!tpu.dma_semaphore, #tpu.memory_space<semaphore_mem>>
    %dma_wait3A_1355 = tpu.memref_squeeze %dma_wait3A_1354 : memref<1x!tpu.dma_semaphore, #tpu.memory_space<semaphore_mem>> -> memref<!tpu.dma_semaphore, #tpu.memory_space<semaphore_mem>>
    %dma_wait3A_1356 = arith.constant 0 : i32
    %dma_wait3A_1357 = tpu.memref_slice %arg4[%add3A_1329, %dma_wait3A_1356] : memref<8192x1024xf32, #tpu.memory_space<hbm>> -> memref<8x1024xf32, #tpu.memory_space<hbm>>
    %dma_wait3A_1358 = arith.constant 0 : i32
    %dma_wait3A_1359 = arith.constant 0 : i32
    %dma_wait3A_1360 = tpu.memref_slice %arg7[%dma_wait3A_1346, %dma_wait3A_1358, %dma_wait3A_1359] : memref<14x8x1024xf32, #tpu.memory_space<vmem>> -> memref<1x8x1024xf32, #tpu.memory_space<vmem>>
    %dma_wait3A_1361 = tpu.memref_squeeze %dma_wait3A_1360 : memref<1x8x1024xf32, #tpu.memory_space<vmem>> -> memref<8x1024xf32, #tpu.memory_space<vmem>>
    tpu.wait_dma2 semaphore(%dma_wait3A_1355 : memref<!tpu.dma_semaphore, #tpu.memory_space<semaphore_mem>>) src(%dma_wait3A_1361 : memref<8x1024xf32, #tpu.memory_space<vmem>>) dst(%dma_wait3A_1357 : memref<8x1024xf32, #tpu.memory_space<hbm>>)
    %dma_wait3A_1362 = arith.constant 5 : i32
    %dma_wait3A_1363 = arith.constant 5 : i32
    %dma_wait3A_1364 = arith.constant 0 : i32
    %dma_wait3A_1365 = arith.constant 0 : i32
    %dma_wait3A_1366 = tpu.memref_slice %arg7[%dma_wait3A_1362, %dma_wait3A_1364, %dma_wait3A_1365] : memref<14x8x1024xf32, #tpu.memory_space<vmem>> -> memref<1x8x1024xf32, #tpu.memory_space<vmem>>
    %dma_wait3A_1367 = tpu.memref_squeeze %dma_wait3A_1366 : memref<1x8x1024xf32, #tpu.memory_space<vmem>> -> memref<8x1024xf32, #tpu.memory_space<vmem>>
    %dma_wait3A_1368 = arith.constant 152 : i32
    %dma_wait3A_1369 = tpu.memref_slice %arg6[%dma_wait3A_1368] : memref<256xi32, #tpu.memory_space<vmem>> -> memref<8xi32, #tpu.memory_space<vmem>>
    %dma_wait3A_1370 = arith.constant 0 : i32
    %dma_wait3A_1371 = arith.constant 0 : i32
    %dma_wait3A_1372 = tpu.memref_slice %arg3[%dma_wait3A_1370, %dma_wait3A_1371] : memref<2050x1024xf32, #tpu.memory_space<hbm>> -> memref<2050x1024xf32, #tpu.memory_space<hbm>>
    %dma_wait3A_1373 = tpu.memref_slice %arg8[%dma_wait3A_1363] : memref<14x!tpu.dma_semaphore, #tpu.memory_space<semaphore_mem>> -> memref<1x!tpu.dma_semaphore, #tpu.memory_space<semaphore_mem>>
    %dma_wait3A_1374 = tpu.memref_squeeze %dma_wait3A_1373 : memref<1x!tpu.dma_semaphore, #tpu.memory_space<semaphore_mem>> -> memref<!tpu.dma_semaphore, #tpu.memory_space<semaphore_mem>>
    tpu.wait_indirect_dma semaphore(%dma_wait3A_1374 : memref<!tpu.dma_semaphore, #tpu.memory_space<semaphore_mem>>) src(%dma_wait3A_1372 : memref<2050x1024xf32, #tpu.memory_space<hbm>>) dst(%dma_wait3A_1367 : memref<8x1024xf32, #tpu.memory_space<vmem>>)
    %add3A_1375 = arith.constant 152 : i32
    %add3A_1376 = arith.addi %mul3A_54, %add3A_1375 : i32
    %dma_start3A_1377 = arith.constant 5 : i32
    %dma_start3A_1378 = arith.constant 5 : i32
    %dma_start3A_1379 = arith.constant 0 : i32
    %dma_start3A_1380 = arith.constant 0 : i32
    %dma_start3A_1381 = tpu.memref_slice %arg7[%dma_start3A_1377, %dma_start3A_1379, %dma_start3A_1380] : memref<14x8x1024xf32, #tpu.memory_space<vmem>> -> memref<1x8x1024xf32, #tpu.memory_space<vmem>>
    %dma_start3A_1382 = tpu.memref_squeeze %dma_start3A_1381 : memref<1x8x1024xf32, #tpu.memory_space<vmem>> -> memref<8x1024xf32, #tpu.memory_space<vmem>>
    %dma_start3A_1383 = arith.constant 0 : i32
    %dma_start3A_1384 = tpu.memref_slice %arg4[%add3A_1376, %dma_start3A_1383] : memref<8192x1024xf32, #tpu.memory_space<hbm>> -> memref<8x1024xf32, #tpu.memory_space<hbm>>
    %dma_start3A_1385 = tpu.memref_slice %arg9[%dma_start3A_1378] : memref<14x!tpu.dma_semaphore, #tpu.memory_space<semaphore_mem>> -> memref<1x!tpu.dma_semaphore, #tpu.memory_space<semaphore_mem>>
    %dma_start3A_1386 = tpu.memref_squeeze %dma_start3A_1385 : memref<1x!tpu.dma_semaphore, #tpu.memory_space<semaphore_mem>> -> memref<!tpu.dma_semaphore, #tpu.memory_space<semaphore_mem>>
    %dma_start3A_1387 = arith.constant 0 : i32
    %dma_start3A_1388 = tpu.memref_slice %arg4[%add3A_1376, %dma_start3A_1387] : memref<8192x1024xf32, #tpu.memory_space<hbm>> -> memref<8x1024xf32, #tpu.memory_space<hbm>>
    %dma_start3A_1389 = arith.constant 0 : i32
    %dma_start3A_1390 = arith.constant 0 : i32
    %dma_start3A_1391 = tpu.memref_slice %arg7[%dma_start3A_1377, %dma_start3A_1389, %dma_start3A_1390] : memref<14x8x1024xf32, #tpu.memory_space<vmem>> -> memref<1x8x1024xf32, #tpu.memory_space<vmem>>
    %dma_start3A_1392 = tpu.memref_squeeze %dma_start3A_1391 : memref<1x8x1024xf32, #tpu.memory_space<vmem>> -> memref<8x1024xf32, #tpu.memory_space<vmem>>
    tpu.enqueue_dma source(%dma_start3A_1392 : memref<8x1024xf32, #tpu.memory_space<vmem>>) target(%dma_start3A_1388 : memref<8x1024xf32, #tpu.memory_space<hbm>>) target_semaphore(%dma_start3A_1386 : memref<!tpu.dma_semaphore, #tpu.memory_space<semaphore_mem>>)
    %dma_wait3A_1393 = arith.constant 5 : i32
    %dma_wait3A_1394 = arith.constant 5 : i32
    %dma_wait3A_1395 = arith.constant 0 : i32
    %dma_wait3A_1396 = arith.constant 0 : i32
    %dma_wait3A_1397 = tpu.memref_slice %arg7[%dma_wait3A_1393, %dma_wait3A_1395, %dma_wait3A_1396] : memref<14x8x1024xf32, #tpu.memory_space<vmem>> -> memref<1x8x1024xf32, #tpu.memory_space<vmem>>
    %dma_wait3A_1398 = tpu.memref_squeeze %dma_wait3A_1397 : memref<1x8x1024xf32, #tpu.memory_space<vmem>> -> memref<8x1024xf32, #tpu.memory_space<vmem>>
    %dma_wait3A_1399 = arith.constant 0 : i32
    %dma_wait3A_1400 = tpu.memref_slice %arg4[%add3A_1376, %dma_wait3A_1399] : memref<8192x1024xf32, #tpu.memory_space<hbm>> -> memref<8x1024xf32, #tpu.memory_space<hbm>>
    %dma_wait3A_1401 = tpu.memref_slice %arg9[%dma_wait3A_1394] : memref<14x!tpu.dma_semaphore, #tpu.memory_space<semaphore_mem>> -> memref<1x!tpu.dma_semaphore, #tpu.memory_space<semaphore_mem>>
    %dma_wait3A_1402 = tpu.memref_squeeze %dma_wait3A_1401 : memref<1x!tpu.dma_semaphore, #tpu.memory_space<semaphore_mem>> -> memref<!tpu.dma_semaphore, #tpu.memory_space<semaphore_mem>>
    %dma_wait3A_1403 = arith.constant 0 : i32
    %dma_wait3A_1404 = tpu.memref_slice %arg4[%add3A_1376, %dma_wait3A_1403] : memref<8192x1024xf32, #tpu.memory_space<hbm>> -> memref<8x1024xf32, #tpu.memory_space<hbm>>
    %dma_wait3A_1405 = arith.constant 0 : i32
    %dma_wait3A_1406 = arith.constant 0 : i32
    %dma_wait3A_1407 = tpu.memref_slice %arg7[%dma_wait3A_1393, %dma_wait3A_1405, %dma_wait3A_1406] : memref<14x8x1024xf32, #tpu.memory_space<vmem>> -> memref<1x8x1024xf32, #tpu.memory_space<vmem>>
    %dma_wait3A_1408 = tpu.memref_squeeze %dma_wait3A_1407 : memref<1x8x1024xf32, #tpu.memory_space<vmem>> -> memref<8x1024xf32, #tpu.memory_space<vmem>>
    tpu.wait_dma2 semaphore(%dma_wait3A_1402 : memref<!tpu.dma_semaphore, #tpu.memory_space<semaphore_mem>>) src(%dma_wait3A_1408 : memref<8x1024xf32, #tpu.memory_space<vmem>>) dst(%dma_wait3A_1404 : memref<8x1024xf32, #tpu.memory_space<hbm>>)
    %dma_wait3A_1409 = arith.constant 6 : i32
    %dma_wait3A_1410 = arith.constant 6 : i32
    %dma_wait3A_1411 = arith.constant 0 : i32
    %dma_wait3A_1412 = arith.constant 0 : i32
    %dma_wait3A_1413 = tpu.memref_slice %arg7[%dma_wait3A_1409, %dma_wait3A_1411, %dma_wait3A_1412] : memref<14x8x1024xf32, #tpu.memory_space<vmem>> -> memref<1x8x1024xf32, #tpu.memory_space<vmem>>
    %dma_wait3A_1414 = tpu.memref_squeeze %dma_wait3A_1413 : memref<1x8x1024xf32, #tpu.memory_space<vmem>> -> memref<8x1024xf32, #tpu.memory_space<vmem>>
    %dma_wait3A_1415 = arith.constant 160 : i32
    %dma_wait3A_1416 = tpu.memref_slice %arg6[%dma_wait3A_1415] : memref<256xi32, #tpu.memory_space<vmem>> -> memref<8xi32, #tpu.memory_space<vmem>>
    %dma_wait3A_1417 = arith.constant 0 : i32
    %dma_wait3A_1418 = arith.constant 0 : i32
    %dma_wait3A_1419 = tpu.memref_slice %arg3[%dma_wait3A_1417, %dma_wait3A_1418] : memref<2050x1024xf32, #tpu.memory_space<hbm>> -> memref<2050x1024xf32, #tpu.memory_space<hbm>>
    %dma_wait3A_1420 = tpu.memref_slice %arg8[%dma_wait3A_1410] : memref<14x!tpu.dma_semaphore, #tpu.memory_space<semaphore_mem>> -> memref<1x!tpu.dma_semaphore, #tpu.memory_space<semaphore_mem>>
    %dma_wait3A_1421 = tpu.memref_squeeze %dma_wait3A_1420 : memref<1x!tpu.dma_semaphore, #tpu.memory_space<semaphore_mem>> -> memref<!tpu.dma_semaphore, #tpu.memory_space<semaphore_mem>>
    tpu.wait_indirect_dma semaphore(%dma_wait3A_1421 : memref<!tpu.dma_semaphore, #tpu.memory_space<semaphore_mem>>) src(%dma_wait3A_1419 : memref<2050x1024xf32, #tpu.memory_space<hbm>>) dst(%dma_wait3A_1414 : memref<8x1024xf32, #tpu.memory_space<vmem>>)
    %add3A_1422 = arith.constant 160 : i32
    %add3A_1423 = arith.addi %mul3A_54, %add3A_1422 : i32
    %dma_start3A_1424 = arith.constant 6 : i32
    %dma_start3A_1425 = arith.constant 6 : i32
    %dma_start3A_1426 = arith.constant 0 : i32
    %dma_start3A_1427 = arith.constant 0 : i32
    %dma_start3A_1428 = tpu.memref_slice %arg7[%dma_start3A_1424, %dma_start3A_1426, %dma_start3A_1427] : memref<14x8x1024xf32, #tpu.memory_space<vmem>> -> memref<1x8x1024xf32, #tpu.memory_space<vmem>>
    %dma_start3A_1429 = tpu.memref_squeeze %dma_start3A_1428 : memref<1x8x1024xf32, #tpu.memory_space<vmem>> -> memref<8x1024xf32, #tpu.memory_space<vmem>>
    %dma_start3A_1430 = arith.constant 0 : i32
    %dma_start3A_1431 = tpu.memref_slice %arg4[%add3A_1423, %dma_start3A_1430] : memref<8192x1024xf32, #tpu.memory_space<hbm>> -> memref<8x1024xf32, #tpu.memory_space<hbm>>
    %dma_start3A_1432 = tpu.memref_slice %arg9[%dma_start3A_1425] : memref<14x!tpu.dma_semaphore, #tpu.memory_space<semaphore_mem>> -> memref<1x!tpu.dma_semaphore, #tpu.memory_space<semaphore_mem>>
    %dma_start3A_1433 = tpu.memref_squeeze %dma_start3A_1432 : memref<1x!tpu.dma_semaphore, #tpu.memory_space<semaphore_mem>> -> memref<!tpu.dma_semaphore, #tpu.memory_space<semaphore_mem>>
    %dma_start3A_1434 = arith.constant 0 : i32
    %dma_start3A_1435 = tpu.memref_slice %arg4[%add3A_1423, %dma_start3A_1434] : memref<8192x1024xf32, #tpu.memory_space<hbm>> -> memref<8x1024xf32, #tpu.memory_space<hbm>>
    %dma_start3A_1436 = arith.constant 0 : i32
    %dma_start3A_1437 = arith.constant 0 : i32
    %dma_start3A_1438 = tpu.memref_slice %arg7[%dma_start3A_1424, %dma_start3A_1436, %dma_start3A_1437] : memref<14x8x1024xf32, #tpu.memory_space<vmem>> -> memref<1x8x1024xf32, #tpu.memory_space<vmem>>
    %dma_start3A_1439 = tpu.memref_squeeze %dma_start3A_1438 : memref<1x8x1024xf32, #tpu.memory_space<vmem>> -> memref<8x1024xf32, #tpu.memory_space<vmem>>
    tpu.enqueue_dma source(%dma_start3A_1439 : memref<8x1024xf32, #tpu.memory_space<vmem>>) target(%dma_start3A_1435 : memref<8x1024xf32, #tpu.memory_space<hbm>>) target_semaphore(%dma_start3A_1433 : memref<!tpu.dma_semaphore, #tpu.memory_space<semaphore_mem>>)
    %dma_wait3A_1440 = arith.constant 6 : i32
    %dma_wait3A_1441 = arith.constant 6 : i32
    %dma_wait3A_1442 = arith.constant 0 : i32
    %dma_wait3A_1443 = arith.constant 0 : i32
    %dma_wait3A_1444 = tpu.memref_slice %arg7[%dma_wait3A_1440, %dma_wait3A_1442, %dma_wait3A_1443] : memref<14x8x1024xf32, #tpu.memory_space<vmem>> -> memref<1x8x1024xf32, #tpu.memory_space<vmem>>
    %dma_wait3A_1445 = tpu.memref_squeeze %dma_wait3A_1444 : memref<1x8x1024xf32, #tpu.memory_space<vmem>> -> memref<8x1024xf32, #tpu.memory_space<vmem>>
    %dma_wait3A_1446 = arith.constant 0 : i32
    %dma_wait3A_1447 = tpu.memref_slice %arg4[%add3A_1423, %dma_wait3A_1446] : memref<8192x1024xf32, #tpu.memory_space<hbm>> -> memref<8x1024xf32, #tpu.memory_space<hbm>>
    %dma_wait3A_1448 = tpu.memref_slice %arg9[%dma_wait3A_1441] : memref<14x!tpu.dma_semaphore, #tpu.memory_space<semaphore_mem>> -> memref<1x!tpu.dma_semaphore, #tpu.memory_space<semaphore_mem>>
    %dma_wait3A_1449 = tpu.memref_squeeze %dma_wait3A_1448 : memref<1x!tpu.dma_semaphore, #tpu.memory_space<semaphore_mem>> -> memref<!tpu.dma_semaphore, #tpu.memory_space<semaphore_mem>>
    %dma_wait3A_1450 = arith.constant 0 : i32
    %dma_wait3A_1451 = tpu.memref_slice %arg4[%add3A_1423, %dma_wait3A_1450] : memref<8192x1024xf32, #tpu.memory_space<hbm>> -> memref<8x1024xf32, #tpu.memory_space<hbm>>
    %dma_wait3A_1452 = arith.constant 0 : i32
    %dma_wait3A_1453 = arith.constant 0 : i32
    %dma_wait3A_1454 = tpu.memref_slice %arg7[%dma_wait3A_1440, %dma_wait3A_1452, %dma_wait3A_1453] : memref<14x8x1024xf32, #tpu.memory_space<vmem>> -> memref<1x8x1024xf32, #tpu.memory_space<vmem>>
    %dma_wait3A_1455 = tpu.memref_squeeze %dma_wait3A_1454 : memref<1x8x1024xf32, #tpu.memory_space<vmem>> -> memref<8x1024xf32, #tpu.memory_space<vmem>>
    tpu.wait_dma2 semaphore(%dma_wait3A_1449 : memref<!tpu.dma_semaphore, #tpu.memory_space<semaphore_mem>>) src(%dma_wait3A_1455 : memref<8x1024xf32, #tpu.memory_space<vmem>>) dst(%dma_wait3A_1451 : memref<8x1024xf32, #tpu.memory_space<hbm>>)
    %dma_wait3A_1456 = arith.constant 7 : i32
    %dma_wait3A_1457 = arith.constant 7 : i32
    %dma_wait3A_1458 = arith.constant 0 : i32
    %dma_wait3A_1459 = arith.constant 0 : i32
    %dma_wait3A_1460 = tpu.memref_slice %arg7[%dma_wait3A_1456, %dma_wait3A_1458, %dma_wait3A_1459] : memref<14x8x1024xf32, #tpu.memory_space<vmem>> -> memref<1x8x1024xf32, #tpu.memory_space<vmem>>
    %dma_wait3A_1461 = tpu.memref_squeeze %dma_wait3A_1460 : memref<1x8x1024xf32, #tpu.memory_space<vmem>> -> memref<8x1024xf32, #tpu.memory_space<vmem>>
    %dma_wait3A_1462 = arith.constant 168 : i32
    %dma_wait3A_1463 = tpu.memref_slice %arg6[%dma_wait3A_1462] : memref<256xi32, #tpu.memory_space<vmem>> -> memref<8xi32, #tpu.memory_space<vmem>>
    %dma_wait3A_1464 = arith.constant 0 : i32
    %dma_wait3A_1465 = arith.constant 0 : i32
    %dma_wait3A_1466 = tpu.memref_slice %arg3[%dma_wait3A_1464, %dma_wait3A_1465] : memref<2050x1024xf32, #tpu.memory_space<hbm>> -> memref<2050x1024xf32, #tpu.memory_space<hbm>>
    %dma_wait3A_1467 = tpu.memref_slice %arg8[%dma_wait3A_1457] : memref<14x!tpu.dma_semaphore, #tpu.memory_space<semaphore_mem>> -> memref<1x!tpu.dma_semaphore, #tpu.memory_space<semaphore_mem>>
    %dma_wait3A_1468 = tpu.memref_squeeze %dma_wait3A_1467 : memref<1x!tpu.dma_semaphore, #tpu.memory_space<semaphore_mem>> -> memref<!tpu.dma_semaphore, #tpu.memory_space<semaphore_mem>>
    tpu.wait_indirect_dma semaphore(%dma_wait3A_1468 : memref<!tpu.dma_semaphore, #tpu.memory_space<semaphore_mem>>) src(%dma_wait3A_1466 : memref<2050x1024xf32, #tpu.memory_space<hbm>>) dst(%dma_wait3A_1461 : memref<8x1024xf32, #tpu.memory_space<vmem>>)
    %add3A_1469 = arith.constant 168 : i32
    %add3A_1470 = arith.addi %mul3A_54, %add3A_1469 : i32
    %dma_start3A_1471 = arith.constant 7 : i32
    %dma_start3A_1472 = arith.constant 7 : i32
    %dma_start3A_1473 = arith.constant 0 : i32
    %dma_start3A_1474 = arith.constant 0 : i32
    %dma_start3A_1475 = tpu.memref_slice %arg7[%dma_start3A_1471, %dma_start3A_1473, %dma_start3A_1474] : memref<14x8x1024xf32, #tpu.memory_space<vmem>> -> memref<1x8x1024xf32, #tpu.memory_space<vmem>>
    %dma_start3A_1476 = tpu.memref_squeeze %dma_start3A_1475 : memref<1x8x1024xf32, #tpu.memory_space<vmem>> -> memref<8x1024xf32, #tpu.memory_space<vmem>>
    %dma_start3A_1477 = arith.constant 0 : i32
    %dma_start3A_1478 = tpu.memref_slice %arg4[%add3A_1470, %dma_start3A_1477] : memref<8192x1024xf32, #tpu.memory_space<hbm>> -> memref<8x1024xf32, #tpu.memory_space<hbm>>
    %dma_start3A_1479 = tpu.memref_slice %arg9[%dma_start3A_1472] : memref<14x!tpu.dma_semaphore, #tpu.memory_space<semaphore_mem>> -> memref<1x!tpu.dma_semaphore, #tpu.memory_space<semaphore_mem>>
    %dma_start3A_1480 = tpu.memref_squeeze %dma_start3A_1479 : memref<1x!tpu.dma_semaphore, #tpu.memory_space<semaphore_mem>> -> memref<!tpu.dma_semaphore, #tpu.memory_space<semaphore_mem>>
    %dma_start3A_1481 = arith.constant 0 : i32
    %dma_start3A_1482 = tpu.memref_slice %arg4[%add3A_1470, %dma_start3A_1481] : memref<8192x1024xf32, #tpu.memory_space<hbm>> -> memref<8x1024xf32, #tpu.memory_space<hbm>>
    %dma_start3A_1483 = arith.constant 0 : i32
    %dma_start3A_1484 = arith.constant 0 : i32
    %dma_start3A_1485 = tpu.memref_slice %arg7[%dma_start3A_1471, %dma_start3A_1483, %dma_start3A_1484] : memref<14x8x1024xf32, #tpu.memory_space<vmem>> -> memref<1x8x1024xf32, #tpu.memory_space<vmem>>
    %dma_start3A_1486 = tpu.memref_squeeze %dma_start3A_1485 : memref<1x8x1024xf32, #tpu.memory_space<vmem>> -> memref<8x1024xf32, #tpu.memory_space<vmem>>
    tpu.enqueue_dma source(%dma_start3A_1486 : memref<8x1024xf32, #tpu.memory_space<vmem>>) target(%dma_start3A_1482 : memref<8x1024xf32, #tpu.memory_space<hbm>>) target_semaphore(%dma_start3A_1480 : memref<!tpu.dma_semaphore, #tpu.memory_space<semaphore_mem>>)
    %dma_wait3A_1487 = arith.constant 7 : i32
    %dma_wait3A_1488 = arith.constant 7 : i32
    %dma_wait3A_1489 = arith.constant 0 : i32
    %dma_wait3A_1490 = arith.constant 0 : i32
    %dma_wait3A_1491 = tpu.memref_slice %arg7[%dma_wait3A_1487, %dma_wait3A_1489, %dma_wait3A_1490] : memref<14x8x1024xf32, #tpu.memory_space<vmem>> -> memref<1x8x1024xf32, #tpu.memory_space<vmem>>
    %dma_wait3A_1492 = tpu.memref_squeeze %dma_wait3A_1491 : memref<1x8x1024xf32, #tpu.memory_space<vmem>> -> memref<8x1024xf32, #tpu.memory_space<vmem>>
    %dma_wait3A_1493 = arith.constant 0 : i32
    %dma_wait3A_1494 = tpu.memref_slice %arg4[%add3A_1470, %dma_wait3A_1493] : memref<8192x1024xf32, #tpu.memory_space<hbm>> -> memref<8x1024xf32, #tpu.memory_space<hbm>>
    %dma_wait3A_1495 = tpu.memref_slice %arg9[%dma_wait3A_1488] : memref<14x!tpu.dma_semaphore, #tpu.memory_space<semaphore_mem>> -> memref<1x!tpu.dma_semaphore, #tpu.memory_space<semaphore_mem>>
    %dma_wait3A_1496 = tpu.memref_squeeze %dma_wait3A_1495 : memref<1x!tpu.dma_semaphore, #tpu.memory_space<semaphore_mem>> -> memref<!tpu.dma_semaphore, #tpu.memory_space<semaphore_mem>>
    %dma_wait3A_1497 = arith.constant 0 : i32
    %dma_wait3A_1498 = tpu.memref_slice %arg4[%add3A_1470, %dma_wait3A_1497] : memref<8192x1024xf32, #tpu.memory_space<hbm>> -> memref<8x1024xf32, #tpu.memory_space<hbm>>
    %dma_wait3A_1499 = arith.constant 0 : i32
    %dma_wait3A_1500 = arith.constant 0 : i32
    %dma_wait3A_1501 = tpu.memref_slice %arg7[%dma_wait3A_1487, %dma_wait3A_1499, %dma_wait3A_1500] : memref<14x8x1024xf32, #tpu.memory_space<vmem>> -> memref<1x8x1024xf32, #tpu.memory_space<vmem>>
    %dma_wait3A_1502 = tpu.memref_squeeze %dma_wait3A_1501 : memref<1x8x1024xf32, #tpu.memory_space<vmem>> -> memref<8x1024xf32, #tpu.memory_space<vmem>>
    tpu.wait_dma2 semaphore(%dma_wait3A_1496 : memref<!tpu.dma_semaphore, #tpu.memory_space<semaphore_mem>>) src(%dma_wait3A_1502 : memref<8x1024xf32, #tpu.memory_space<vmem>>) dst(%dma_wait3A_1498 : memref<8x1024xf32, #tpu.memory_space<hbm>>)
    %dma_wait3A_1503 = arith.constant 8 : i32
    %dma_wait3A_1504 = arith.constant 8 : i32
    %dma_wait3A_1505 = arith.constant 0 : i32
    %dma_wait3A_1506 = arith.constant 0 : i32
    %dma_wait3A_1507 = tpu.memref_slice %arg7[%dma_wait3A_1503, %dma_wait3A_1505, %dma_wait3A_1506] : memref<14x8x1024xf32, #tpu.memory_space<vmem>> -> memref<1x8x1024xf32, #tpu.memory_space<vmem>>
    %dma_wait3A_1508 = tpu.memref_squeeze %dma_wait3A_1507 : memref<1x8x1024xf32, #tpu.memory_space<vmem>> -> memref<8x1024xf32, #tpu.memory_space<vmem>>
    %dma_wait3A_1509 = arith.constant 176 : i32
    %dma_wait3A_1510 = tpu.memref_slice %arg6[%dma_wait3A_1509] : memref<256xi32, #tpu.memory_space<vmem>> -> memref<8xi32, #tpu.memory_space<vmem>>
    %dma_wait3A_1511 = arith.constant 0 : i32
    %dma_wait3A_1512 = arith.constant 0 : i32
    %dma_wait3A_1513 = tpu.memref_slice %arg3[%dma_wait3A_1511, %dma_wait3A_1512] : memref<2050x1024xf32, #tpu.memory_space<hbm>> -> memref<2050x1024xf32, #tpu.memory_space<hbm>>
    %dma_wait3A_1514 = tpu.memref_slice %arg8[%dma_wait3A_1504] : memref<14x!tpu.dma_semaphore, #tpu.memory_space<semaphore_mem>> -> memref<1x!tpu.dma_semaphore, #tpu.memory_space<semaphore_mem>>
    %dma_wait3A_1515 = tpu.memref_squeeze %dma_wait3A_1514 : memref<1x!tpu.dma_semaphore, #tpu.memory_space<semaphore_mem>> -> memref<!tpu.dma_semaphore, #tpu.memory_space<semaphore_mem>>
    tpu.wait_indirect_dma semaphore(%dma_wait3A_1515 : memref<!tpu.dma_semaphore, #tpu.memory_space<semaphore_mem>>) src(%dma_wait3A_1513 : memref<2050x1024xf32, #tpu.memory_space<hbm>>) dst(%dma_wait3A_1508 : memref<8x1024xf32, #tpu.memory_space<vmem>>)
    %add3A_1516 = arith.constant 176 : i32
    %add3A_1517 = arith.addi %mul3A_54, %add3A_1516 : i32
    %dma_start3A_1518 = arith.constant 8 : i32
    %dma_start3A_1519 = arith.constant 8 : i32
    %dma_start3A_1520 = arith.constant 0 : i32
    %dma_start3A_1521 = arith.constant 0 : i32
    %dma_start3A_1522 = tpu.memref_slice %arg7[%dma_start3A_1518, %dma_start3A_1520, %dma_start3A_1521] : memref<14x8x1024xf32, #tpu.memory_space<vmem>> -> memref<1x8x1024xf32, #tpu.memory_space<vmem>>
    %dma_start3A_1523 = tpu.memref_squeeze %dma_start3A_1522 : memref<1x8x1024xf32, #tpu.memory_space<vmem>> -> memref<8x1024xf32, #tpu.memory_space<vmem>>
    %dma_start3A_1524 = arith.constant 0 : i32
    %dma_start3A_1525 = tpu.memref_slice %arg4[%add3A_1517, %dma_start3A_1524] : memref<8192x1024xf32, #tpu.memory_space<hbm>> -> memref<8x1024xf32, #tpu.memory_space<hbm>>
    %dma_start3A_1526 = tpu.memref_slice %arg9[%dma_start3A_1519] : memref<14x!tpu.dma_semaphore, #tpu.memory_space<semaphore_mem>> -> memref<1x!tpu.dma_semaphore, #tpu.memory_space<semaphore_mem>>
    %dma_start3A_1527 = tpu.memref_squeeze %dma_start3A_1526 : memref<1x!tpu.dma_semaphore, #tpu.memory_space<semaphore_mem>> -> memref<!tpu.dma_semaphore, #tpu.memory_space<semaphore_mem>>
    %dma_start3A_1528 = arith.constant 0 : i32
    %dma_start3A_1529 = tpu.memref_slice %arg4[%add3A_1517, %dma_start3A_1528] : memref<8192x1024xf32, #tpu.memory_space<hbm>> -> memref<8x1024xf32, #tpu.memory_space<hbm>>
    %dma_start3A_1530 = arith.constant 0 : i32
    %dma_start3A_1531 = arith.constant 0 : i32
    %dma_start3A_1532 = tpu.memref_slice %arg7[%dma_start3A_1518, %dma_start3A_1530, %dma_start3A_1531] : memref<14x8x1024xf32, #tpu.memory_space<vmem>> -> memref<1x8x1024xf32, #tpu.memory_space<vmem>>
    %dma_start3A_1533 = tpu.memref_squeeze %dma_start3A_1532 : memref<1x8x1024xf32, #tpu.memory_space<vmem>> -> memref<8x1024xf32, #tpu.memory_space<vmem>>
    tpu.enqueue_dma source(%dma_start3A_1533 : memref<8x1024xf32, #tpu.memory_space<vmem>>) target(%dma_start3A_1529 : memref<8x1024xf32, #tpu.memory_space<hbm>>) target_semaphore(%dma_start3A_1527 : memref<!tpu.dma_semaphore, #tpu.memory_space<semaphore_mem>>)
    %dma_wait3A_1534 = arith.constant 8 : i32
    %dma_wait3A_1535 = arith.constant 8 : i32
    %dma_wait3A_1536 = arith.constant 0 : i32
    %dma_wait3A_1537 = arith.constant 0 : i32
    %dma_wait3A_1538 = tpu.memref_slice %arg7[%dma_wait3A_1534, %dma_wait3A_1536, %dma_wait3A_1537] : memref<14x8x1024xf32, #tpu.memory_space<vmem>> -> memref<1x8x1024xf32, #tpu.memory_space<vmem>>
    %dma_wait3A_1539 = tpu.memref_squeeze %dma_wait3A_1538 : memref<1x8x1024xf32, #tpu.memory_space<vmem>> -> memref<8x1024xf32, #tpu.memory_space<vmem>>
    %dma_wait3A_1540 = arith.constant 0 : i32
    %dma_wait3A_1541 = tpu.memref_slice %arg4[%add3A_1517, %dma_wait3A_1540] : memref<8192x1024xf32, #tpu.memory_space<hbm>> -> memref<8x1024xf32, #tpu.memory_space<hbm>>
    %dma_wait3A_1542 = tpu.memref_slice %arg9[%dma_wait3A_1535] : memref<14x!tpu.dma_semaphore, #tpu.memory_space<semaphore_mem>> -> memref<1x!tpu.dma_semaphore, #tpu.memory_space<semaphore_mem>>
    %dma_wait3A_1543 = tpu.memref_squeeze %dma_wait3A_1542 : memref<1x!tpu.dma_semaphore, #tpu.memory_space<semaphore_mem>> -> memref<!tpu.dma_semaphore, #tpu.memory_space<semaphore_mem>>
    %dma_wait3A_1544 = arith.constant 0 : i32
    %dma_wait3A_1545 = tpu.memref_slice %arg4[%add3A_1517, %dma_wait3A_1544] : memref<8192x1024xf32, #tpu.memory_space<hbm>> -> memref<8x1024xf32, #tpu.memory_space<hbm>>
    %dma_wait3A_1546 = arith.constant 0 : i32
    %dma_wait3A_1547 = arith.constant 0 : i32
    %dma_wait3A_1548 = tpu.memref_slice %arg7[%dma_wait3A_1534, %dma_wait3A_1546, %dma_wait3A_1547] : memref<14x8x1024xf32, #tpu.memory_space<vmem>> -> memref<1x8x1024xf32, #tpu.memory_space<vmem>>
    %dma_wait3A_1549 = tpu.memref_squeeze %dma_wait3A_1548 : memref<1x8x1024xf32, #tpu.memory_space<vmem>> -> memref<8x1024xf32, #tpu.memory_space<vmem>>
    tpu.wait_dma2 semaphore(%dma_wait3A_1543 : memref<!tpu.dma_semaphore, #tpu.memory_space<semaphore_mem>>) src(%dma_wait3A_1549 : memref<8x1024xf32, #tpu.memory_space<vmem>>) dst(%dma_wait3A_1545 : memref<8x1024xf32, #tpu.memory_space<hbm>>)
    %dma_wait3A_1550 = arith.constant 9 : i32
    %dma_wait3A_1551 = arith.constant 9 : i32
    %dma_wait3A_1552 = arith.constant 0 : i32
    %dma_wait3A_1553 = arith.constant 0 : i32
    %dma_wait3A_1554 = tpu.memref_slice %arg7[%dma_wait3A_1550, %dma_wait3A_1552, %dma_wait3A_1553] : memref<14x8x1024xf32, #tpu.memory_space<vmem>> -> memref<1x8x1024xf32, #tpu.memory_space<vmem>>
    %dma_wait3A_1555 = tpu.memref_squeeze %dma_wait3A_1554 : memref<1x8x1024xf32, #tpu.memory_space<vmem>> -> memref<8x1024xf32, #tpu.memory_space<vmem>>
    %dma_wait3A_1556 = arith.constant 184 : i32
    %dma_wait3A_1557 = tpu.memref_slice %arg6[%dma_wait3A_1556] : memref<256xi32, #tpu.memory_space<vmem>> -> memref<8xi32, #tpu.memory_space<vmem>>
    %dma_wait3A_1558 = arith.constant 0 : i32
    %dma_wait3A_1559 = arith.constant 0 : i32
    %dma_wait3A_1560 = tpu.memref_slice %arg3[%dma_wait3A_1558, %dma_wait3A_1559] : memref<2050x1024xf32, #tpu.memory_space<hbm>> -> memref<2050x1024xf32, #tpu.memory_space<hbm>>
    %dma_wait3A_1561 = tpu.memref_slice %arg8[%dma_wait3A_1551] : memref<14x!tpu.dma_semaphore, #tpu.memory_space<semaphore_mem>> -> memref<1x!tpu.dma_semaphore, #tpu.memory_space<semaphore_mem>>
    %dma_wait3A_1562 = tpu.memref_squeeze %dma_wait3A_1561 : memref<1x!tpu.dma_semaphore, #tpu.memory_space<semaphore_mem>> -> memref<!tpu.dma_semaphore, #tpu.memory_space<semaphore_mem>>
    tpu.wait_indirect_dma semaphore(%dma_wait3A_1562 : memref<!tpu.dma_semaphore, #tpu.memory_space<semaphore_mem>>) src(%dma_wait3A_1560 : memref<2050x1024xf32, #tpu.memory_space<hbm>>) dst(%dma_wait3A_1555 : memref<8x1024xf32, #tpu.memory_space<vmem>>)
    %add3A_1563 = arith.constant 184 : i32
    %add3A_1564 = arith.addi %mul3A_54, %add3A_1563 : i32
    %dma_start3A_1565 = arith.constant 9 : i32
    %dma_start3A_1566 = arith.constant 9 : i32
    %dma_start3A_1567 = arith.constant 0 : i32
    %dma_start3A_1568 = arith.constant 0 : i32
    %dma_start3A_1569 = tpu.memref_slice %arg7[%dma_start3A_1565, %dma_start3A_1567, %dma_start3A_1568] : memref<14x8x1024xf32, #tpu.memory_space<vmem>> -> memref<1x8x1024xf32, #tpu.memory_space<vmem>>
    %dma_start3A_1570 = tpu.memref_squeeze %dma_start3A_1569 : memref<1x8x1024xf32, #tpu.memory_space<vmem>> -> memref<8x1024xf32, #tpu.memory_space<vmem>>
    %dma_start3A_1571 = arith.constant 0 : i32
    %dma_start3A_1572 = tpu.memref_slice %arg4[%add3A_1564, %dma_start3A_1571] : memref<8192x1024xf32, #tpu.memory_space<hbm>> -> memref<8x1024xf32, #tpu.memory_space<hbm>>
    %dma_start3A_1573 = tpu.memref_slice %arg9[%dma_start3A_1566] : memref<14x!tpu.dma_semaphore, #tpu.memory_space<semaphore_mem>> -> memref<1x!tpu.dma_semaphore, #tpu.memory_space<semaphore_mem>>
    %dma_start3A_1574 = tpu.memref_squeeze %dma_start3A_1573 : memref<1x!tpu.dma_semaphore, #tpu.memory_space<semaphore_mem>> -> memref<!tpu.dma_semaphore, #tpu.memory_space<semaphore_mem>>
    %dma_start3A_1575 = arith.constant 0 : i32
    %dma_start3A_1576 = tpu.memref_slice %arg4[%add3A_1564, %dma_start3A_1575] : memref<8192x1024xf32, #tpu.memory_space<hbm>> -> memref<8x1024xf32, #tpu.memory_space<hbm>>
    %dma_start3A_1577 = arith.constant 0 : i32
    %dma_start3A_1578 = arith.constant 0 : i32
    %dma_start3A_1579 = tpu.memref_slice %arg7[%dma_start3A_1565, %dma_start3A_1577, %dma_start3A_1578] : memref<14x8x1024xf32, #tpu.memory_space<vmem>> -> memref<1x8x1024xf32, #tpu.memory_space<vmem>>
    %dma_start3A_1580 = tpu.memref_squeeze %dma_start3A_1579 : memref<1x8x1024xf32, #tpu.memory_space<vmem>> -> memref<8x1024xf32, #tpu.memory_space<vmem>>
    tpu.enqueue_dma source(%dma_start3A_1580 : memref<8x1024xf32, #tpu.memory_space<vmem>>) target(%dma_start3A_1576 : memref<8x1024xf32, #tpu.memory_space<hbm>>) target_semaphore(%dma_start3A_1574 : memref<!tpu.dma_semaphore, #tpu.memory_space<semaphore_mem>>)
    %dma_wait3A_1581 = arith.constant 9 : i32
    %dma_wait3A_1582 = arith.constant 9 : i32
    %dma_wait3A_1583 = arith.constant 0 : i32
    %dma_wait3A_1584 = arith.constant 0 : i32
    %dma_wait3A_1585 = tpu.memref_slice %arg7[%dma_wait3A_1581, %dma_wait3A_1583, %dma_wait3A_1584] : memref<14x8x1024xf32, #tpu.memory_space<vmem>> -> memref<1x8x1024xf32, #tpu.memory_space<vmem>>
    %dma_wait3A_1586 = tpu.memref_squeeze %dma_wait3A_1585 : memref<1x8x1024xf32, #tpu.memory_space<vmem>> -> memref<8x1024xf32, #tpu.memory_space<vmem>>
    %dma_wait3A_1587 = arith.constant 0 : i32
    %dma_wait3A_1588 = tpu.memref_slice %arg4[%add3A_1564, %dma_wait3A_1587] : memref<8192x1024xf32, #tpu.memory_space<hbm>> -> memref<8x1024xf32, #tpu.memory_space<hbm>>
    %dma_wait3A_1589 = tpu.memref_slice %arg9[%dma_wait3A_1582] : memref<14x!tpu.dma_semaphore, #tpu.memory_space<semaphore_mem>> -> memref<1x!tpu.dma_semaphore, #tpu.memory_space<semaphore_mem>>
    %dma_wait3A_1590 = tpu.memref_squeeze %dma_wait3A_1589 : memref<1x!tpu.dma_semaphore, #tpu.memory_space<semaphore_mem>> -> memref<!tpu.dma_semaphore, #tpu.memory_space<semaphore_mem>>
    %dma_wait3A_1591 = arith.constant 0 : i32
    %dma_wait3A_1592 = tpu.memref_slice %arg4[%add3A_1564, %dma_wait3A_1591] : memref<8192x1024xf32, #tpu.memory_space<hbm>> -> memref<8x1024xf32, #tpu.memory_space<hbm>>
    %dma_wait3A_1593 = arith.constant 0 : i32
    %dma_wait3A_1594 = arith.constant 0 : i32
    %dma_wait3A_1595 = tpu.memref_slice %arg7[%dma_wait3A_1581, %dma_wait3A_1593, %dma_wait3A_1594] : memref<14x8x1024xf32, #tpu.memory_space<vmem>> -> memref<1x8x1024xf32, #tpu.memory_space<vmem>>
    %dma_wait3A_1596 = tpu.memref_squeeze %dma_wait3A_1595 : memref<1x8x1024xf32, #tpu.memory_space<vmem>> -> memref<8x1024xf32, #tpu.memory_space<vmem>>
    tpu.wait_dma2 semaphore(%dma_wait3A_1590 : memref<!tpu.dma_semaphore, #tpu.memory_space<semaphore_mem>>) src(%dma_wait3A_1596 : memref<8x1024xf32, #tpu.memory_space<vmem>>) dst(%dma_wait3A_1592 : memref<8x1024xf32, #tpu.memory_space<hbm>>)
    %dma_wait3A_1597 = arith.constant 10 : i32
    %dma_wait3A_1598 = arith.constant 10 : i32
    %dma_wait3A_1599 = arith.constant 0 : i32
    %dma_wait3A_1600 = arith.constant 0 : i32
    %dma_wait3A_1601 = tpu.memref_slice %arg7[%dma_wait3A_1597, %dma_wait3A_1599, %dma_wait3A_1600] : memref<14x8x1024xf32, #tpu.memory_space<vmem>> -> memref<1x8x1024xf32, #tpu.memory_space<vmem>>
    %dma_wait3A_1602 = tpu.memref_squeeze %dma_wait3A_1601 : memref<1x8x1024xf32, #tpu.memory_space<vmem>> -> memref<8x1024xf32, #tpu.memory_space<vmem>>
    %dma_wait3A_1603 = arith.constant 192 : i32
    %dma_wait3A_1604 = tpu.memref_slice %arg6[%dma_wait3A_1603] : memref<256xi32, #tpu.memory_space<vmem>> -> memref<8xi32, #tpu.memory_space<vmem>>
    %dma_wait3A_1605 = arith.constant 0 : i32
    %dma_wait3A_1606 = arith.constant 0 : i32
    %dma_wait3A_1607 = tpu.memref_slice %arg3[%dma_wait3A_1605, %dma_wait3A_1606] : memref<2050x1024xf32, #tpu.memory_space<hbm>> -> memref<2050x1024xf32, #tpu.memory_space<hbm>>
    %dma_wait3A_1608 = tpu.memref_slice %arg8[%dma_wait3A_1598] : memref<14x!tpu.dma_semaphore, #tpu.memory_space<semaphore_mem>> -> memref<1x!tpu.dma_semaphore, #tpu.memory_space<semaphore_mem>>
    %dma_wait3A_1609 = tpu.memref_squeeze %dma_wait3A_1608 : memref<1x!tpu.dma_semaphore, #tpu.memory_space<semaphore_mem>> -> memref<!tpu.dma_semaphore, #tpu.memory_space<semaphore_mem>>
    tpu.wait_indirect_dma semaphore(%dma_wait3A_1609 : memref<!tpu.dma_semaphore, #tpu.memory_space<semaphore_mem>>) src(%dma_wait3A_1607 : memref<2050x1024xf32, #tpu.memory_space<hbm>>) dst(%dma_wait3A_1602 : memref<8x1024xf32, #tpu.memory_space<vmem>>)
    %add3A_1610 = arith.constant 192 : i32
    %add3A_1611 = arith.addi %mul3A_54, %add3A_1610 : i32
    %dma_start3A_1612 = arith.constant 10 : i32
    %dma_start3A_1613 = arith.constant 10 : i32
    %dma_start3A_1614 = arith.constant 0 : i32
    %dma_start3A_1615 = arith.constant 0 : i32
    %dma_start3A_1616 = tpu.memref_slice %arg7[%dma_start3A_1612, %dma_start3A_1614, %dma_start3A_1615] : memref<14x8x1024xf32, #tpu.memory_space<vmem>> -> memref<1x8x1024xf32, #tpu.memory_space<vmem>>
    %dma_start3A_1617 = tpu.memref_squeeze %dma_start3A_1616 : memref<1x8x1024xf32, #tpu.memory_space<vmem>> -> memref<8x1024xf32, #tpu.memory_space<vmem>>
    %dma_start3A_1618 = arith.constant 0 : i32
    %dma_start3A_1619 = tpu.memref_slice %arg4[%add3A_1611, %dma_start3A_1618] : memref<8192x1024xf32, #tpu.memory_space<hbm>> -> memref<8x1024xf32, #tpu.memory_space<hbm>>
    %dma_start3A_1620 = tpu.memref_slice %arg9[%dma_start3A_1613] : memref<14x!tpu.dma_semaphore, #tpu.memory_space<semaphore_mem>> -> memref<1x!tpu.dma_semaphore, #tpu.memory_space<semaphore_mem>>
    %dma_start3A_1621 = tpu.memref_squeeze %dma_start3A_1620 : memref<1x!tpu.dma_semaphore, #tpu.memory_space<semaphore_mem>> -> memref<!tpu.dma_semaphore, #tpu.memory_space<semaphore_mem>>
    %dma_start3A_1622 = arith.constant 0 : i32
    %dma_start3A_1623 = tpu.memref_slice %arg4[%add3A_1611, %dma_start3A_1622] : memref<8192x1024xf32, #tpu.memory_space<hbm>> -> memref<8x1024xf32, #tpu.memory_space<hbm>>
    %dma_start3A_1624 = arith.constant 0 : i32
    %dma_start3A_1625 = arith.constant 0 : i32
    %dma_start3A_1626 = tpu.memref_slice %arg7[%dma_start3A_1612, %dma_start3A_1624, %dma_start3A_1625] : memref<14x8x1024xf32, #tpu.memory_space<vmem>> -> memref<1x8x1024xf32, #tpu.memory_space<vmem>>
    %dma_start3A_1627 = tpu.memref_squeeze %dma_start3A_1626 : memref<1x8x1024xf32, #tpu.memory_space<vmem>> -> memref<8x1024xf32, #tpu.memory_space<vmem>>
    tpu.enqueue_dma source(%dma_start3A_1627 : memref<8x1024xf32, #tpu.memory_space<vmem>>) target(%dma_start3A_1623 : memref<8x1024xf32, #tpu.memory_space<hbm>>) target_semaphore(%dma_start3A_1621 : memref<!tpu.dma_semaphore, #tpu.memory_space<semaphore_mem>>)
    %dma_wait3A_1628 = arith.constant 10 : i32
    %dma_wait3A_1629 = arith.constant 10 : i32
    %dma_wait3A_1630 = arith.constant 0 : i32
    %dma_wait3A_1631 = arith.constant 0 : i32
    %dma_wait3A_1632 = tpu.memref_slice %arg7[%dma_wait3A_1628, %dma_wait3A_1630, %dma_wait3A_1631] : memref<14x8x1024xf32, #tpu.memory_space<vmem>> -> memref<1x8x1024xf32, #tpu.memory_space<vmem>>
    %dma_wait3A_1633 = tpu.memref_squeeze %dma_wait3A_1632 : memref<1x8x1024xf32, #tpu.memory_space<vmem>> -> memref<8x1024xf32, #tpu.memory_space<vmem>>
    %dma_wait3A_1634 = arith.constant 0 : i32
    %dma_wait3A_1635 = tpu.memref_slice %arg4[%add3A_1611, %dma_wait3A_1634] : memref<8192x1024xf32, #tpu.memory_space<hbm>> -> memref<8x1024xf32, #tpu.memory_space<hbm>>
    %dma_wait3A_1636 = tpu.memref_slice %arg9[%dma_wait3A_1629] : memref<14x!tpu.dma_semaphore, #tpu.memory_space<semaphore_mem>> -> memref<1x!tpu.dma_semaphore, #tpu.memory_space<semaphore_mem>>
    %dma_wait3A_1637 = tpu.memref_squeeze %dma_wait3A_1636 : memref<1x!tpu.dma_semaphore, #tpu.memory_space<semaphore_mem>> -> memref<!tpu.dma_semaphore, #tpu.memory_space<semaphore_mem>>
    %dma_wait3A_1638 = arith.constant 0 : i32
    %dma_wait3A_1639 = tpu.memref_slice %arg4[%add3A_1611, %dma_wait3A_1638] : memref<8192x1024xf32, #tpu.memory_space<hbm>> -> memref<8x1024xf32, #tpu.memory_space<hbm>>
    %dma_wait3A_1640 = arith.constant 0 : i32
    %dma_wait3A_1641 = arith.constant 0 : i32
    %dma_wait3A_1642 = tpu.memref_slice %arg7[%dma_wait3A_1628, %dma_wait3A_1640, %dma_wait3A_1641] : memref<14x8x1024xf32, #tpu.memory_space<vmem>> -> memref<1x8x1024xf32, #tpu.memory_space<vmem>>
    %dma_wait3A_1643 = tpu.memref_squeeze %dma_wait3A_1642 : memref<1x8x1024xf32, #tpu.memory_space<vmem>> -> memref<8x1024xf32, #tpu.memory_space<vmem>>
    tpu.wait_dma2 semaphore(%dma_wait3A_1637 : memref<!tpu.dma_semaphore, #tpu.memory_space<semaphore_mem>>) src(%dma_wait3A_1643 : memref<8x1024xf32, #tpu.memory_space<vmem>>) dst(%dma_wait3A_1639 : memref<8x1024xf32, #tpu.memory_space<hbm>>)
    %dma_wait3A_1644 = arith.constant 11 : i32
    %dma_wait3A_1645 = arith.constant 11 : i32
    %dma_wait3A_1646 = arith.constant 0 : i32
    %dma_wait3A_1647 = arith.constant 0 : i32
    %dma_wait3A_1648 = tpu.memref_slice %arg7[%dma_wait3A_1644, %dma_wait3A_1646, %dma_wait3A_1647] : memref<14x8x1024xf32, #tpu.memory_space<vmem>> -> memref<1x8x1024xf32, #tpu.memory_space<vmem>>
    %dma_wait3A_1649 = tpu.memref_squeeze %dma_wait3A_1648 : memref<1x8x1024xf32, #tpu.memory_space<vmem>> -> memref<8x1024xf32, #tpu.memory_space<vmem>>
    %dma_wait3A_1650 = arith.constant 200 : i32
    %dma_wait3A_1651 = tpu.memref_slice %arg6[%dma_wait3A_1650] : memref<256xi32, #tpu.memory_space<vmem>> -> memref<8xi32, #tpu.memory_space<vmem>>
    %dma_wait3A_1652 = arith.constant 0 : i32
    %dma_wait3A_1653 = arith.constant 0 : i32
    %dma_wait3A_1654 = tpu.memref_slice %arg3[%dma_wait3A_1652, %dma_wait3A_1653] : memref<2050x1024xf32, #tpu.memory_space<hbm>> -> memref<2050x1024xf32, #tpu.memory_space<hbm>>
    %dma_wait3A_1655 = tpu.memref_slice %arg8[%dma_wait3A_1645] : memref<14x!tpu.dma_semaphore, #tpu.memory_space<semaphore_mem>> -> memref<1x!tpu.dma_semaphore, #tpu.memory_space<semaphore_mem>>
    %dma_wait3A_1656 = tpu.memref_squeeze %dma_wait3A_1655 : memref<1x!tpu.dma_semaphore, #tpu.memory_space<semaphore_mem>> -> memref<!tpu.dma_semaphore, #tpu.memory_space<semaphore_mem>>
    tpu.wait_indirect_dma semaphore(%dma_wait3A_1656 : memref<!tpu.dma_semaphore, #tpu.memory_space<semaphore_mem>>) src(%dma_wait3A_1654 : memref<2050x1024xf32, #tpu.memory_space<hbm>>) dst(%dma_wait3A_1649 : memref<8x1024xf32, #tpu.memory_space<vmem>>)
    %add3A_1657 = arith.constant 200 : i32
    %add3A_1658 = arith.addi %mul3A_54, %add3A_1657 : i32
    %dma_start3A_1659 = arith.constant 11 : i32
    %dma_start3A_1660 = arith.constant 11 : i32
    %dma_start3A_1661 = arith.constant 0 : i32
    %dma_start3A_1662 = arith.constant 0 : i32
    %dma_start3A_1663 = tpu.memref_slice %arg7[%dma_start3A_1659, %dma_start3A_1661, %dma_start3A_1662] : memref<14x8x1024xf32, #tpu.memory_space<vmem>> -> memref<1x8x1024xf32, #tpu.memory_space<vmem>>
    %dma_start3A_1664 = tpu.memref_squeeze %dma_start3A_1663 : memref<1x8x1024xf32, #tpu.memory_space<vmem>> -> memref<8x1024xf32, #tpu.memory_space<vmem>>
    %dma_start3A_1665 = arith.constant 0 : i32
    %dma_start3A_1666 = tpu.memref_slice %arg4[%add3A_1658, %dma_start3A_1665] : memref<8192x1024xf32, #tpu.memory_space<hbm>> -> memref<8x1024xf32, #tpu.memory_space<hbm>>
    %dma_start3A_1667 = tpu.memref_slice %arg9[%dma_start3A_1660] : memref<14x!tpu.dma_semaphore, #tpu.memory_space<semaphore_mem>> -> memref<1x!tpu.dma_semaphore, #tpu.memory_space<semaphore_mem>>
    %dma_start3A_1668 = tpu.memref_squeeze %dma_start3A_1667 : memref<1x!tpu.dma_semaphore, #tpu.memory_space<semaphore_mem>> -> memref<!tpu.dma_semaphore, #tpu.memory_space<semaphore_mem>>
    %dma_start3A_1669 = arith.constant 0 : i32
    %dma_start3A_1670 = tpu.memref_slice %arg4[%add3A_1658, %dma_start3A_1669] : memref<8192x1024xf32, #tpu.memory_space<hbm>> -> memref<8x1024xf32, #tpu.memory_space<hbm>>
    %dma_start3A_1671 = arith.constant 0 : i32
    %dma_start3A_1672 = arith.constant 0 : i32
    %dma_start3A_1673 = tpu.memref_slice %arg7[%dma_start3A_1659, %dma_start3A_1671, %dma_start3A_1672] : memref<14x8x1024xf32, #tpu.memory_space<vmem>> -> memref<1x8x1024xf32, #tpu.memory_space<vmem>>
    %dma_start3A_1674 = tpu.memref_squeeze %dma_start3A_1673 : memref<1x8x1024xf32, #tpu.memory_space<vmem>> -> memref<8x1024xf32, #tpu.memory_space<vmem>>
    tpu.enqueue_dma source(%dma_start3A_1674 : memref<8x1024xf32, #tpu.memory_space<vmem>>) target(%dma_start3A_1670 : memref<8x1024xf32, #tpu.memory_space<hbm>>) target_semaphore(%dma_start3A_1668 : memref<!tpu.dma_semaphore, #tpu.memory_space<semaphore_mem>>)
    %dma_wait3A_1675 = arith.constant 11 : i32
    %dma_wait3A_1676 = arith.constant 11 : i32
    %dma_wait3A_1677 = arith.constant 0 : i32
    %dma_wait3A_1678 = arith.constant 0 : i32
    %dma_wait3A_1679 = tpu.memref_slice %arg7[%dma_wait3A_1675, %dma_wait3A_1677, %dma_wait3A_1678] : memref<14x8x1024xf32, #tpu.memory_space<vmem>> -> memref<1x8x1024xf32, #tpu.memory_space<vmem>>
    %dma_wait3A_1680 = tpu.memref_squeeze %dma_wait3A_1679 : memref<1x8x1024xf32, #tpu.memory_space<vmem>> -> memref<8x1024xf32, #tpu.memory_space<vmem>>
    %dma_wait3A_1681 = arith.constant 0 : i32
    %dma_wait3A_1682 = tpu.memref_slice %arg4[%add3A_1658, %dma_wait3A_1681] : memref<8192x1024xf32, #tpu.memory_space<hbm>> -> memref<8x1024xf32, #tpu.memory_space<hbm>>
    %dma_wait3A_1683 = tpu.memref_slice %arg9[%dma_wait3A_1676] : memref<14x!tpu.dma_semaphore, #tpu.memory_space<semaphore_mem>> -> memref<1x!tpu.dma_semaphore, #tpu.memory_space<semaphore_mem>>
    %dma_wait3A_1684 = tpu.memref_squeeze %dma_wait3A_1683 : memref<1x!tpu.dma_semaphore, #tpu.memory_space<semaphore_mem>> -> memref<!tpu.dma_semaphore, #tpu.memory_space<semaphore_mem>>
    %dma_wait3A_1685 = arith.constant 0 : i32
    %dma_wait3A_1686 = tpu.memref_slice %arg4[%add3A_1658, %dma_wait3A_1685] : memref<8192x1024xf32, #tpu.memory_space<hbm>> -> memref<8x1024xf32, #tpu.memory_space<hbm>>
    %dma_wait3A_1687 = arith.constant 0 : i32
    %dma_wait3A_1688 = arith.constant 0 : i32
    %dma_wait3A_1689 = tpu.memref_slice %arg7[%dma_wait3A_1675, %dma_wait3A_1687, %dma_wait3A_1688] : memref<14x8x1024xf32, #tpu.memory_space<vmem>> -> memref<1x8x1024xf32, #tpu.memory_space<vmem>>
    %dma_wait3A_1690 = tpu.memref_squeeze %dma_wait3A_1689 : memref<1x8x1024xf32, #tpu.memory_space<vmem>> -> memref<8x1024xf32, #tpu.memory_space<vmem>>
    tpu.wait_dma2 semaphore(%dma_wait3A_1684 : memref<!tpu.dma_semaphore, #tpu.memory_space<semaphore_mem>>) src(%dma_wait3A_1690 : memref<8x1024xf32, #tpu.memory_space<vmem>>) dst(%dma_wait3A_1686 : memref<8x1024xf32, #tpu.memory_space<hbm>>)
    %dma_wait3A_1691 = arith.constant 12 : i32
    %dma_wait3A_1692 = arith.constant 12 : i32
    %dma_wait3A_1693 = arith.constant 0 : i32
    %dma_wait3A_1694 = arith.constant 0 : i32
    %dma_wait3A_1695 = tpu.memref_slice %arg7[%dma_wait3A_1691, %dma_wait3A_1693, %dma_wait3A_1694] : memref<14x8x1024xf32, #tpu.memory_space<vmem>> -> memref<1x8x1024xf32, #tpu.memory_space<vmem>>
    %dma_wait3A_1696 = tpu.memref_squeeze %dma_wait3A_1695 : memref<1x8x1024xf32, #tpu.memory_space<vmem>> -> memref<8x1024xf32, #tpu.memory_space<vmem>>
    %dma_wait3A_1697 = arith.constant 208 : i32
    %dma_wait3A_1698 = tpu.memref_slice %arg6[%dma_wait3A_1697] : memref<256xi32, #tpu.memory_space<vmem>> -> memref<8xi32, #tpu.memory_space<vmem>>
    %dma_wait3A_1699 = arith.constant 0 : i32
    %dma_wait3A_1700 = arith.constant 0 : i32
    %dma_wait3A_1701 = tpu.memref_slice %arg3[%dma_wait3A_1699, %dma_wait3A_1700] : memref<2050x1024xf32, #tpu.memory_space<hbm>> -> memref<2050x1024xf32, #tpu.memory_space<hbm>>
    %dma_wait3A_1702 = tpu.memref_slice %arg8[%dma_wait3A_1692] : memref<14x!tpu.dma_semaphore, #tpu.memory_space<semaphore_mem>> -> memref<1x!tpu.dma_semaphore, #tpu.memory_space<semaphore_mem>>
    %dma_wait3A_1703 = tpu.memref_squeeze %dma_wait3A_1702 : memref<1x!tpu.dma_semaphore, #tpu.memory_space<semaphore_mem>> -> memref<!tpu.dma_semaphore, #tpu.memory_space<semaphore_mem>>
    tpu.wait_indirect_dma semaphore(%dma_wait3A_1703 : memref<!tpu.dma_semaphore, #tpu.memory_space<semaphore_mem>>) src(%dma_wait3A_1701 : memref<2050x1024xf32, #tpu.memory_space<hbm>>) dst(%dma_wait3A_1696 : memref<8x1024xf32, #tpu.memory_space<vmem>>)
    %add3A_1704 = arith.constant 208 : i32
    %add3A_1705 = arith.addi %mul3A_54, %add3A_1704 : i32
    %dma_start3A_1706 = arith.constant 12 : i32
    %dma_start3A_1707 = arith.constant 12 : i32
    %dma_start3A_1708 = arith.constant 0 : i32
    %dma_start3A_1709 = arith.constant 0 : i32
    %dma_start3A_1710 = tpu.memref_slice %arg7[%dma_start3A_1706, %dma_start3A_1708, %dma_start3A_1709] : memref<14x8x1024xf32, #tpu.memory_space<vmem>> -> memref<1x8x1024xf32, #tpu.memory_space<vmem>>
    %dma_start3A_1711 = tpu.memref_squeeze %dma_start3A_1710 : memref<1x8x1024xf32, #tpu.memory_space<vmem>> -> memref<8x1024xf32, #tpu.memory_space<vmem>>
    %dma_start3A_1712 = arith.constant 0 : i32
    %dma_start3A_1713 = tpu.memref_slice %arg4[%add3A_1705, %dma_start3A_1712] : memref<8192x1024xf32, #tpu.memory_space<hbm>> -> memref<8x1024xf32, #tpu.memory_space<hbm>>
    %dma_start3A_1714 = tpu.memref_slice %arg9[%dma_start3A_1707] : memref<14x!tpu.dma_semaphore, #tpu.memory_space<semaphore_mem>> -> memref<1x!tpu.dma_semaphore, #tpu.memory_space<semaphore_mem>>
    %dma_start3A_1715 = tpu.memref_squeeze %dma_start3A_1714 : memref<1x!tpu.dma_semaphore, #tpu.memory_space<semaphore_mem>> -> memref<!tpu.dma_semaphore, #tpu.memory_space<semaphore_mem>>
    %dma_start3A_1716 = arith.constant 0 : i32
    %dma_start3A_1717 = tpu.memref_slice %arg4[%add3A_1705, %dma_start3A_1716] : memref<8192x1024xf32, #tpu.memory_space<hbm>> -> memref<8x1024xf32, #tpu.memory_space<hbm>>
    %dma_start3A_1718 = arith.constant 0 : i32
    %dma_start3A_1719 = arith.constant 0 : i32
    %dma_start3A_1720 = tpu.memref_slice %arg7[%dma_start3A_1706, %dma_start3A_1718, %dma_start3A_1719] : memref<14x8x1024xf32, #tpu.memory_space<vmem>> -> memref<1x8x1024xf32, #tpu.memory_space<vmem>>
    %dma_start3A_1721 = tpu.memref_squeeze %dma_start3A_1720 : memref<1x8x1024xf32, #tpu.memory_space<vmem>> -> memref<8x1024xf32, #tpu.memory_space<vmem>>
    tpu.enqueue_dma source(%dma_start3A_1721 : memref<8x1024xf32, #tpu.memory_space<vmem>>) target(%dma_start3A_1717 : memref<8x1024xf32, #tpu.memory_space<hbm>>) target_semaphore(%dma_start3A_1715 : memref<!tpu.dma_semaphore, #tpu.memory_space<semaphore_mem>>)
    %dma_wait3A_1722 = arith.constant 12 : i32
    %dma_wait3A_1723 = arith.constant 12 : i32
    %dma_wait3A_1724 = arith.constant 0 : i32
    %dma_wait3A_1725 = arith.constant 0 : i32
    %dma_wait3A_1726 = tpu.memref_slice %arg7[%dma_wait3A_1722, %dma_wait3A_1724, %dma_wait3A_1725] : memref<14x8x1024xf32, #tpu.memory_space<vmem>> -> memref<1x8x1024xf32, #tpu.memory_space<vmem>>
    %dma_wait3A_1727 = tpu.memref_squeeze %dma_wait3A_1726 : memref<1x8x1024xf32, #tpu.memory_space<vmem>> -> memref<8x1024xf32, #tpu.memory_space<vmem>>
    %dma_wait3A_1728 = arith.constant 0 : i32
    %dma_wait3A_1729 = tpu.memref_slice %arg4[%add3A_1705, %dma_wait3A_1728] : memref<8192x1024xf32, #tpu.memory_space<hbm>> -> memref<8x1024xf32, #tpu.memory_space<hbm>>
    %dma_wait3A_1730 = tpu.memref_slice %arg9[%dma_wait3A_1723] : memref<14x!tpu.dma_semaphore, #tpu.memory_space<semaphore_mem>> -> memref<1x!tpu.dma_semaphore, #tpu.memory_space<semaphore_mem>>
    %dma_wait3A_1731 = tpu.memref_squeeze %dma_wait3A_1730 : memref<1x!tpu.dma_semaphore, #tpu.memory_space<semaphore_mem>> -> memref<!tpu.dma_semaphore, #tpu.memory_space<semaphore_mem>>
    %dma_wait3A_1732 = arith.constant 0 : i32
    %dma_wait3A_1733 = tpu.memref_slice %arg4[%add3A_1705, %dma_wait3A_1732] : memref<8192x1024xf32, #tpu.memory_space<hbm>> -> memref<8x1024xf32, #tpu.memory_space<hbm>>
    %dma_wait3A_1734 = arith.constant 0 : i32
    %dma_wait3A_1735 = arith.constant 0 : i32
    %dma_wait3A_1736 = tpu.memref_slice %arg7[%dma_wait3A_1722, %dma_wait3A_1734, %dma_wait3A_1735] : memref<14x8x1024xf32, #tpu.memory_space<vmem>> -> memref<1x8x1024xf32, #tpu.memory_space<vmem>>
    %dma_wait3A_1737 = tpu.memref_squeeze %dma_wait3A_1736 : memref<1x8x1024xf32, #tpu.memory_space<vmem>> -> memref<8x1024xf32, #tpu.memory_space<vmem>>
    tpu.wait_dma2 semaphore(%dma_wait3A_1731 : memref<!tpu.dma_semaphore, #tpu.memory_space<semaphore_mem>>) src(%dma_wait3A_1737 : memref<8x1024xf32, #tpu.memory_space<vmem>>) dst(%dma_wait3A_1733 : memref<8x1024xf32, #tpu.memory_space<hbm>>)
    %dma_wait3A_1738 = arith.constant 13 : i32
    %dma_wait3A_1739 = arith.constant 13 : i32
    %dma_wait3A_1740 = arith.constant 0 : i32
    %dma_wait3A_1741 = arith.constant 0 : i32
    %dma_wait3A_1742 = tpu.memref_slice %arg7[%dma_wait3A_1738, %dma_wait3A_1740, %dma_wait3A_1741] : memref<14x8x1024xf32, #tpu.memory_space<vmem>> -> memref<1x8x1024xf32, #tpu.memory_space<vmem>>
    %dma_wait3A_1743 = tpu.memref_squeeze %dma_wait3A_1742 : memref<1x8x1024xf32, #tpu.memory_space<vmem>> -> memref<8x1024xf32, #tpu.memory_space<vmem>>
    %dma_wait3A_1744 = arith.constant 216 : i32
    %dma_wait3A_1745 = tpu.memref_slice %arg6[%dma_wait3A_1744] : memref<256xi32, #tpu.memory_space<vmem>> -> memref<8xi32, #tpu.memory_space<vmem>>
    %dma_wait3A_1746 = arith.constant 0 : i32
    %dma_wait3A_1747 = arith.constant 0 : i32
    %dma_wait3A_1748 = tpu.memref_slice %arg3[%dma_wait3A_1746, %dma_wait3A_1747] : memref<2050x1024xf32, #tpu.memory_space<hbm>> -> memref<2050x1024xf32, #tpu.memory_space<hbm>>
    %dma_wait3A_1749 = tpu.memref_slice %arg8[%dma_wait3A_1739] : memref<14x!tpu.dma_semaphore, #tpu.memory_space<semaphore_mem>> -> memref<1x!tpu.dma_semaphore, #tpu.memory_space<semaphore_mem>>
    %dma_wait3A_1750 = tpu.memref_squeeze %dma_wait3A_1749 : memref<1x!tpu.dma_semaphore, #tpu.memory_space<semaphore_mem>> -> memref<!tpu.dma_semaphore, #tpu.memory_space<semaphore_mem>>
    tpu.wait_indirect_dma semaphore(%dma_wait3A_1750 : memref<!tpu.dma_semaphore, #tpu.memory_space<semaphore_mem>>) src(%dma_wait3A_1748 : memref<2050x1024xf32, #tpu.memory_space<hbm>>) dst(%dma_wait3A_1743 : memref<8x1024xf32, #tpu.memory_space<vmem>>)
    %add3A_1751 = arith.constant 216 : i32
    %add3A_1752 = arith.addi %mul3A_54, %add3A_1751 : i32
    %dma_start3A_1753 = arith.constant 13 : i32
    %dma_start3A_1754 = arith.constant 13 : i32
    %dma_start3A_1755 = arith.constant 0 : i32
    %dma_start3A_1756 = arith.constant 0 : i32
    %dma_start3A_1757 = tpu.memref_slice %arg7[%dma_start3A_1753, %dma_start3A_1755, %dma_start3A_1756] : memref<14x8x1024xf32, #tpu.memory_space<vmem>> -> memref<1x8x1024xf32, #tpu.memory_space<vmem>>
    %dma_start3A_1758 = tpu.memref_squeeze %dma_start3A_1757 : memref<1x8x1024xf32, #tpu.memory_space<vmem>> -> memref<8x1024xf32, #tpu.memory_space<vmem>>
    %dma_start3A_1759 = arith.constant 0 : i32
    %dma_start3A_1760 = tpu.memref_slice %arg4[%add3A_1752, %dma_start3A_1759] : memref<8192x1024xf32, #tpu.memory_space<hbm>> -> memref<8x1024xf32, #tpu.memory_space<hbm>>
    %dma_start3A_1761 = tpu.memref_slice %arg9[%dma_start3A_1754] : memref<14x!tpu.dma_semaphore, #tpu.memory_space<semaphore_mem>> -> memref<1x!tpu.dma_semaphore, #tpu.memory_space<semaphore_mem>>
    %dma_start3A_1762 = tpu.memref_squeeze %dma_start3A_1761 : memref<1x!tpu.dma_semaphore, #tpu.memory_space<semaphore_mem>> -> memref<!tpu.dma_semaphore, #tpu.memory_space<semaphore_mem>>
    %dma_start3A_1763 = arith.constant 0 : i32
    %dma_start3A_1764 = tpu.memref_slice %arg4[%add3A_1752, %dma_start3A_1763] : memref<8192x1024xf32, #tpu.memory_space<hbm>> -> memref<8x1024xf32, #tpu.memory_space<hbm>>
    %dma_start3A_1765 = arith.constant 0 : i32
    %dma_start3A_1766 = arith.constant 0 : i32
    %dma_start3A_1767 = tpu.memref_slice %arg7[%dma_start3A_1753, %dma_start3A_1765, %dma_start3A_1766] : memref<14x8x1024xf32, #tpu.memory_space<vmem>> -> memref<1x8x1024xf32, #tpu.memory_space<vmem>>
    %dma_start3A_1768 = tpu.memref_squeeze %dma_start3A_1767 : memref<1x8x1024xf32, #tpu.memory_space<vmem>> -> memref<8x1024xf32, #tpu.memory_space<vmem>>
    tpu.enqueue_dma source(%dma_start3A_1768 : memref<8x1024xf32, #tpu.memory_space<vmem>>) target(%dma_start3A_1764 : memref<8x1024xf32, #tpu.memory_space<hbm>>) target_semaphore(%dma_start3A_1762 : memref<!tpu.dma_semaphore, #tpu.memory_space<semaphore_mem>>)
    %dma_wait3A_1769 = arith.constant 13 : i32
    %dma_wait3A_1770 = arith.constant 13 : i32
    %dma_wait3A_1771 = arith.constant 0 : i32
    %dma_wait3A_1772 = arith.constant 0 : i32
    %dma_wait3A_1773 = tpu.memref_slice %arg7[%dma_wait3A_1769, %dma_wait3A_1771, %dma_wait3A_1772] : memref<14x8x1024xf32, #tpu.memory_space<vmem>> -> memref<1x8x1024xf32, #tpu.memory_space<vmem>>
    %dma_wait3A_1774 = tpu.memref_squeeze %dma_wait3A_1773 : memref<1x8x1024xf32, #tpu.memory_space<vmem>> -> memref<8x1024xf32, #tpu.memory_space<vmem>>
    %dma_wait3A_1775 = arith.constant 0 : i32
    %dma_wait3A_1776 = tpu.memref_slice %arg4[%add3A_1752, %dma_wait3A_1775] : memref<8192x1024xf32, #tpu.memory_space<hbm>> -> memref<8x1024xf32, #tpu.memory_space<hbm>>
    %dma_wait3A_1777 = tpu.memref_slice %arg9[%dma_wait3A_1770] : memref<14x!tpu.dma_semaphore, #tpu.memory_space<semaphore_mem>> -> memref<1x!tpu.dma_semaphore, #tpu.memory_space<semaphore_mem>>
    %dma_wait3A_1778 = tpu.memref_squeeze %dma_wait3A_1777 : memref<1x!tpu.dma_semaphore, #tpu.memory_space<semaphore_mem>> -> memref<!tpu.dma_semaphore, #tpu.memory_space<semaphore_mem>>
    %dma_wait3A_1779 = arith.constant 0 : i32
    %dma_wait3A_1780 = tpu.memref_slice %arg4[%add3A_1752, %dma_wait3A_1779] : memref<8192x1024xf32, #tpu.memory_space<hbm>> -> memref<8x1024xf32, #tpu.memory_space<hbm>>
    %dma_wait3A_1781 = arith.constant 0 : i32
    %dma_wait3A_1782 = arith.constant 0 : i32
    %dma_wait3A_1783 = tpu.memref_slice %arg7[%dma_wait3A_1769, %dma_wait3A_1781, %dma_wait3A_1782] : memref<14x8x1024xf32, #tpu.memory_space<vmem>> -> memref<1x8x1024xf32, #tpu.memory_space<vmem>>
    %dma_wait3A_1784 = tpu.memref_squeeze %dma_wait3A_1783 : memref<1x8x1024xf32, #tpu.memory_space<vmem>> -> memref<8x1024xf32, #tpu.memory_space<vmem>>
    tpu.wait_dma2 semaphore(%dma_wait3A_1778 : memref<!tpu.dma_semaphore, #tpu.memory_space<semaphore_mem>>) src(%dma_wait3A_1784 : memref<8x1024xf32, #tpu.memory_space<vmem>>) dst(%dma_wait3A_1780 : memref<8x1024xf32, #tpu.memory_space<hbm>>)
    %dma_wait3A_1785 = arith.constant 0 : i32
    %dma_wait3A_1786 = arith.constant 0 : i32
    %dma_wait3A_1787 = arith.constant 0 : i32
    %dma_wait3A_1788 = arith.constant 0 : i32
    %dma_wait3A_1789 = tpu.memref_slice %arg7[%dma_wait3A_1785, %dma_wait3A_1787, %dma_wait3A_1788] : memref<14x8x1024xf32, #tpu.memory_space<vmem>> -> memref<1x8x1024xf32, #tpu.memory_space<vmem>>
    %dma_wait3A_1790 = tpu.memref_squeeze %dma_wait3A_1789 : memref<1x8x1024xf32, #tpu.memory_space<vmem>> -> memref<8x1024xf32, #tpu.memory_space<vmem>>
    %dma_wait3A_1791 = arith.constant 224 : i32
    %dma_wait3A_1792 = tpu.memref_slice %arg6[%dma_wait3A_1791] : memref<256xi32, #tpu.memory_space<vmem>> -> memref<8xi32, #tpu.memory_space<vmem>>
    %dma_wait3A_1793 = arith.constant 0 : i32
    %dma_wait3A_1794 = arith.constant 0 : i32
    %dma_wait3A_1795 = tpu.memref_slice %arg3[%dma_wait3A_1793, %dma_wait3A_1794] : memref<2050x1024xf32, #tpu.memory_space<hbm>> -> memref<2050x1024xf32, #tpu.memory_space<hbm>>
    %dma_wait3A_1796 = tpu.memref_slice %arg8[%dma_wait3A_1786] : memref<14x!tpu.dma_semaphore, #tpu.memory_space<semaphore_mem>> -> memref<1x!tpu.dma_semaphore, #tpu.memory_space<semaphore_mem>>
    %dma_wait3A_1797 = tpu.memref_squeeze %dma_wait3A_1796 : memref<1x!tpu.dma_semaphore, #tpu.memory_space<semaphore_mem>> -> memref<!tpu.dma_semaphore, #tpu.memory_space<semaphore_mem>>
    tpu.wait_indirect_dma semaphore(%dma_wait3A_1797 : memref<!tpu.dma_semaphore, #tpu.memory_space<semaphore_mem>>) src(%dma_wait3A_1795 : memref<2050x1024xf32, #tpu.memory_space<hbm>>) dst(%dma_wait3A_1790 : memref<8x1024xf32, #tpu.memory_space<vmem>>)
    %add3A_1798 = arith.constant 224 : i32
    %add3A_1799 = arith.addi %mul3A_54, %add3A_1798 : i32
    %dma_start3A_1800 = arith.constant 0 : i32
    %dma_start3A_1801 = arith.constant 0 : i32
    %dma_start3A_1802 = arith.constant 0 : i32
    %dma_start3A_1803 = arith.constant 0 : i32
    %dma_start3A_1804 = tpu.memref_slice %arg7[%dma_start3A_1800, %dma_start3A_1802, %dma_start3A_1803] : memref<14x8x1024xf32, #tpu.memory_space<vmem>> -> memref<1x8x1024xf32, #tpu.memory_space<vmem>>
    %dma_start3A_1805 = tpu.memref_squeeze %dma_start3A_1804 : memref<1x8x1024xf32, #tpu.memory_space<vmem>> -> memref<8x1024xf32, #tpu.memory_space<vmem>>
    %dma_start3A_1806 = arith.constant 0 : i32
    %dma_start3A_1807 = tpu.memref_slice %arg4[%add3A_1799, %dma_start3A_1806] : memref<8192x1024xf32, #tpu.memory_space<hbm>> -> memref<8x1024xf32, #tpu.memory_space<hbm>>
    %dma_start3A_1808 = tpu.memref_slice %arg9[%dma_start3A_1801] : memref<14x!tpu.dma_semaphore, #tpu.memory_space<semaphore_mem>> -> memref<1x!tpu.dma_semaphore, #tpu.memory_space<semaphore_mem>>
    %dma_start3A_1809 = tpu.memref_squeeze %dma_start3A_1808 : memref<1x!tpu.dma_semaphore, #tpu.memory_space<semaphore_mem>> -> memref<!tpu.dma_semaphore, #tpu.memory_space<semaphore_mem>>
    %dma_start3A_1810 = arith.constant 0 : i32
    %dma_start3A_1811 = tpu.memref_slice %arg4[%add3A_1799, %dma_start3A_1810] : memref<8192x1024xf32, #tpu.memory_space<hbm>> -> memref<8x1024xf32, #tpu.memory_space<hbm>>
    %dma_start3A_1812 = arith.constant 0 : i32
    %dma_start3A_1813 = arith.constant 0 : i32
    %dma_start3A_1814 = tpu.memref_slice %arg7[%dma_start3A_1800, %dma_start3A_1812, %dma_start3A_1813] : memref<14x8x1024xf32, #tpu.memory_space<vmem>> -> memref<1x8x1024xf32, #tpu.memory_space<vmem>>
    %dma_start3A_1815 = tpu.memref_squeeze %dma_start3A_1814 : memref<1x8x1024xf32, #tpu.memory_space<vmem>> -> memref<8x1024xf32, #tpu.memory_space<vmem>>
    tpu.enqueue_dma source(%dma_start3A_1815 : memref<8x1024xf32, #tpu.memory_space<vmem>>) target(%dma_start3A_1811 : memref<8x1024xf32, #tpu.memory_space<hbm>>) target_semaphore(%dma_start3A_1809 : memref<!tpu.dma_semaphore, #tpu.memory_space<semaphore_mem>>)
    %dma_wait3A_1816 = arith.constant 0 : i32
    %dma_wait3A_1817 = arith.constant 0 : i32
    %dma_wait3A_1818 = arith.constant 0 : i32
    %dma_wait3A_1819 = arith.constant 0 : i32
    %dma_wait3A_1820 = tpu.memref_slice %arg7[%dma_wait3A_1816, %dma_wait3A_1818, %dma_wait3A_1819] : memref<14x8x1024xf32, #tpu.memory_space<vmem>> -> memref<1x8x1024xf32, #tpu.memory_space<vmem>>
    %dma_wait3A_1821 = tpu.memref_squeeze %dma_wait3A_1820 : memref<1x8x1024xf32, #tpu.memory_space<vmem>> -> memref<8x1024xf32, #tpu.memory_space<vmem>>
    %dma_wait3A_1822 = arith.constant 0 : i32
    %dma_wait3A_1823 = tpu.memref_slice %arg4[%add3A_1799, %dma_wait3A_1822] : memref<8192x1024xf32, #tpu.memory_space<hbm>> -> memref<8x1024xf32, #tpu.memory_space<hbm>>
    %dma_wait3A_1824 = tpu.memref_slice %arg9[%dma_wait3A_1817] : memref<14x!tpu.dma_semaphore, #tpu.memory_space<semaphore_mem>> -> memref<1x!tpu.dma_semaphore, #tpu.memory_space<semaphore_mem>>
    %dma_wait3A_1825 = tpu.memref_squeeze %dma_wait3A_1824 : memref<1x!tpu.dma_semaphore, #tpu.memory_space<semaphore_mem>> -> memref<!tpu.dma_semaphore, #tpu.memory_space<semaphore_mem>>
    %dma_wait3A_1826 = arith.constant 0 : i32
    %dma_wait3A_1827 = tpu.memref_slice %arg4[%add3A_1799, %dma_wait3A_1826] : memref<8192x1024xf32, #tpu.memory_space<hbm>> -> memref<8x1024xf32, #tpu.memory_space<hbm>>
    %dma_wait3A_1828 = arith.constant 0 : i32
    %dma_wait3A_1829 = arith.constant 0 : i32
    %dma_wait3A_1830 = tpu.memref_slice %arg7[%dma_wait3A_1816, %dma_wait3A_1828, %dma_wait3A_1829] : memref<14x8x1024xf32, #tpu.memory_space<vmem>> -> memref<1x8x1024xf32, #tpu.memory_space<vmem>>
    %dma_wait3A_1831 = tpu.memref_squeeze %dma_wait3A_1830 : memref<1x8x1024xf32, #tpu.memory_space<vmem>> -> memref<8x1024xf32, #tpu.memory_space<vmem>>
    tpu.wait_dma2 semaphore(%dma_wait3A_1825 : memref<!tpu.dma_semaphore, #tpu.memory_space<semaphore_mem>>) src(%dma_wait3A_1831 : memref<8x1024xf32, #tpu.memory_space<vmem>>) dst(%dma_wait3A_1827 : memref<8x1024xf32, #tpu.memory_space<hbm>>)
    %dma_wait3A_1832 = arith.constant 1 : i32
    %dma_wait3A_1833 = arith.constant 1 : i32
    %dma_wait3A_1834 = arith.constant 0 : i32
    %dma_wait3A_1835 = arith.constant 0 : i32
    %dma_wait3A_1836 = tpu.memref_slice %arg7[%dma_wait3A_1832, %dma_wait3A_1834, %dma_wait3A_1835] : memref<14x8x1024xf32, #tpu.memory_space<vmem>> -> memref<1x8x1024xf32, #tpu.memory_space<vmem>>
    %dma_wait3A_1837 = tpu.memref_squeeze %dma_wait3A_1836 : memref<1x8x1024xf32, #tpu.memory_space<vmem>> -> memref<8x1024xf32, #tpu.memory_space<vmem>>
    %dma_wait3A_1838 = arith.constant 232 : i32
    %dma_wait3A_1839 = tpu.memref_slice %arg6[%dma_wait3A_1838] : memref<256xi32, #tpu.memory_space<vmem>> -> memref<8xi32, #tpu.memory_space<vmem>>
    %dma_wait3A_1840 = arith.constant 0 : i32
    %dma_wait3A_1841 = arith.constant 0 : i32
    %dma_wait3A_1842 = tpu.memref_slice %arg3[%dma_wait3A_1840, %dma_wait3A_1841] : memref<2050x1024xf32, #tpu.memory_space<hbm>> -> memref<2050x1024xf32, #tpu.memory_space<hbm>>
    %dma_wait3A_1843 = tpu.memref_slice %arg8[%dma_wait3A_1833] : memref<14x!tpu.dma_semaphore, #tpu.memory_space<semaphore_mem>> -> memref<1x!tpu.dma_semaphore, #tpu.memory_space<semaphore_mem>>
    %dma_wait3A_1844 = tpu.memref_squeeze %dma_wait3A_1843 : memref<1x!tpu.dma_semaphore, #tpu.memory_space<semaphore_mem>> -> memref<!tpu.dma_semaphore, #tpu.memory_space<semaphore_mem>>
    tpu.wait_indirect_dma semaphore(%dma_wait3A_1844 : memref<!tpu.dma_semaphore, #tpu.memory_space<semaphore_mem>>) src(%dma_wait3A_1842 : memref<2050x1024xf32, #tpu.memory_space<hbm>>) dst(%dma_wait3A_1837 : memref<8x1024xf32, #tpu.memory_space<vmem>>)
    %add3A_1845 = arith.constant 232 : i32
    %add3A_1846 = arith.addi %mul3A_54, %add3A_1845 : i32
    %dma_start3A_1847 = arith.constant 1 : i32
    %dma_start3A_1848 = arith.constant 1 : i32
    %dma_start3A_1849 = arith.constant 0 : i32
    %dma_start3A_1850 = arith.constant 0 : i32
    %dma_start3A_1851 = tpu.memref_slice %arg7[%dma_start3A_1847, %dma_start3A_1849, %dma_start3A_1850] : memref<14x8x1024xf32, #tpu.memory_space<vmem>> -> memref<1x8x1024xf32, #tpu.memory_space<vmem>>
    %dma_start3A_1852 = tpu.memref_squeeze %dma_start3A_1851 : memref<1x8x1024xf32, #tpu.memory_space<vmem>> -> memref<8x1024xf32, #tpu.memory_space<vmem>>
    %dma_start3A_1853 = arith.constant 0 : i32
    %dma_start3A_1854 = tpu.memref_slice %arg4[%add3A_1846, %dma_start3A_1853] : memref<8192x1024xf32, #tpu.memory_space<hbm>> -> memref<8x1024xf32, #tpu.memory_space<hbm>>
    %dma_start3A_1855 = tpu.memref_slice %arg9[%dma_start3A_1848] : memref<14x!tpu.dma_semaphore, #tpu.memory_space<semaphore_mem>> -> memref<1x!tpu.dma_semaphore, #tpu.memory_space<semaphore_mem>>
    %dma_start3A_1856 = tpu.memref_squeeze %dma_start3A_1855 : memref<1x!tpu.dma_semaphore, #tpu.memory_space<semaphore_mem>> -> memref<!tpu.dma_semaphore, #tpu.memory_space<semaphore_mem>>
    %dma_start3A_1857 = arith.constant 0 : i32
    %dma_start3A_1858 = tpu.memref_slice %arg4[%add3A_1846, %dma_start3A_1857] : memref<8192x1024xf32, #tpu.memory_space<hbm>> -> memref<8x1024xf32, #tpu.memory_space<hbm>>
    %dma_start3A_1859 = arith.constant 0 : i32
    %dma_start3A_1860 = arith.constant 0 : i32
    %dma_start3A_1861 = tpu.memref_slice %arg7[%dma_start3A_1847, %dma_start3A_1859, %dma_start3A_1860] : memref<14x8x1024xf32, #tpu.memory_space<vmem>> -> memref<1x8x1024xf32, #tpu.memory_space<vmem>>
    %dma_start3A_1862 = tpu.memref_squeeze %dma_start3A_1861 : memref<1x8x1024xf32, #tpu.memory_space<vmem>> -> memref<8x1024xf32, #tpu.memory_space<vmem>>
    tpu.enqueue_dma source(%dma_start3A_1862 : memref<8x1024xf32, #tpu.memory_space<vmem>>) target(%dma_start3A_1858 : memref<8x1024xf32, #tpu.memory_space<hbm>>) target_semaphore(%dma_start3A_1856 : memref<!tpu.dma_semaphore, #tpu.memory_space<semaphore_mem>>)
    %dma_wait3A_1863 = arith.constant 1 : i32
    %dma_wait3A_1864 = arith.constant 1 : i32
    %dma_wait3A_1865 = arith.constant 0 : i32
    %dma_wait3A_1866 = arith.constant 0 : i32
    %dma_wait3A_1867 = tpu.memref_slice %arg7[%dma_wait3A_1863, %dma_wait3A_1865, %dma_wait3A_1866] : memref<14x8x1024xf32, #tpu.memory_space<vmem>> -> memref<1x8x1024xf32, #tpu.memory_space<vmem>>
    %dma_wait3A_1868 = tpu.memref_squeeze %dma_wait3A_1867 : memref<1x8x1024xf32, #tpu.memory_space<vmem>> -> memref<8x1024xf32, #tpu.memory_space<vmem>>
    %dma_wait3A_1869 = arith.constant 0 : i32
    %dma_wait3A_1870 = tpu.memref_slice %arg4[%add3A_1846, %dma_wait3A_1869] : memref<8192x1024xf32, #tpu.memory_space<hbm>> -> memref<8x1024xf32, #tpu.memory_space<hbm>>
    %dma_wait3A_1871 = tpu.memref_slice %arg9[%dma_wait3A_1864] : memref<14x!tpu.dma_semaphore, #tpu.memory_space<semaphore_mem>> -> memref<1x!tpu.dma_semaphore, #tpu.memory_space<semaphore_mem>>
    %dma_wait3A_1872 = tpu.memref_squeeze %dma_wait3A_1871 : memref<1x!tpu.dma_semaphore, #tpu.memory_space<semaphore_mem>> -> memref<!tpu.dma_semaphore, #tpu.memory_space<semaphore_mem>>
    %dma_wait3A_1873 = arith.constant 0 : i32
    %dma_wait3A_1874 = tpu.memref_slice %arg4[%add3A_1846, %dma_wait3A_1873] : memref<8192x1024xf32, #tpu.memory_space<hbm>> -> memref<8x1024xf32, #tpu.memory_space<hbm>>
    %dma_wait3A_1875 = arith.constant 0 : i32
    %dma_wait3A_1876 = arith.constant 0 : i32
    %dma_wait3A_1877 = tpu.memref_slice %arg7[%dma_wait3A_1863, %dma_wait3A_1875, %dma_wait3A_1876] : memref<14x8x1024xf32, #tpu.memory_space<vmem>> -> memref<1x8x1024xf32, #tpu.memory_space<vmem>>
    %dma_wait3A_1878 = tpu.memref_squeeze %dma_wait3A_1877 : memref<1x8x1024xf32, #tpu.memory_space<vmem>> -> memref<8x1024xf32, #tpu.memory_space<vmem>>
    tpu.wait_dma2 semaphore(%dma_wait3A_1872 : memref<!tpu.dma_semaphore, #tpu.memory_space<semaphore_mem>>) src(%dma_wait3A_1878 : memref<8x1024xf32, #tpu.memory_space<vmem>>) dst(%dma_wait3A_1874 : memref<8x1024xf32, #tpu.memory_space<hbm>>)
    %dma_wait3A_1879 = arith.constant 2 : i32
    %dma_wait3A_1880 = arith.constant 2 : i32
    %dma_wait3A_1881 = arith.constant 0 : i32
    %dma_wait3A_1882 = arith.constant 0 : i32
    %dma_wait3A_1883 = tpu.memref_slice %arg7[%dma_wait3A_1879, %dma_wait3A_1881, %dma_wait3A_1882] : memref<14x8x1024xf32, #tpu.memory_space<vmem>> -> memref<1x8x1024xf32, #tpu.memory_space<vmem>>
    %dma_wait3A_1884 = tpu.memref_squeeze %dma_wait3A_1883 : memref<1x8x1024xf32, #tpu.memory_space<vmem>> -> memref<8x1024xf32, #tpu.memory_space<vmem>>
    %dma_wait3A_1885 = arith.constant 240 : i32
    %dma_wait3A_1886 = tpu.memref_slice %arg6[%dma_wait3A_1885] : memref<256xi32, #tpu.memory_space<vmem>> -> memref<8xi32, #tpu.memory_space<vmem>>
    %dma_wait3A_1887 = arith.constant 0 : i32
    %dma_wait3A_1888 = arith.constant 0 : i32
    %dma_wait3A_1889 = tpu.memref_slice %arg3[%dma_wait3A_1887, %dma_wait3A_1888] : memref<2050x1024xf32, #tpu.memory_space<hbm>> -> memref<2050x1024xf32, #tpu.memory_space<hbm>>
    %dma_wait3A_1890 = tpu.memref_slice %arg8[%dma_wait3A_1880] : memref<14x!tpu.dma_semaphore, #tpu.memory_space<semaphore_mem>> -> memref<1x!tpu.dma_semaphore, #tpu.memory_space<semaphore_mem>>
    %dma_wait3A_1891 = tpu.memref_squeeze %dma_wait3A_1890 : memref<1x!tpu.dma_semaphore, #tpu.memory_space<semaphore_mem>> -> memref<!tpu.dma_semaphore, #tpu.memory_space<semaphore_mem>>
    tpu.wait_indirect_dma semaphore(%dma_wait3A_1891 : memref<!tpu.dma_semaphore, #tpu.memory_space<semaphore_mem>>) src(%dma_wait3A_1889 : memref<2050x1024xf32, #tpu.memory_space<hbm>>) dst(%dma_wait3A_1884 : memref<8x1024xf32, #tpu.memory_space<vmem>>)
    %add3A_1892 = arith.constant 240 : i32
    %add3A_1893 = arith.addi %mul3A_54, %add3A_1892 : i32
    %dma_start3A_1894 = arith.constant 2 : i32
    %dma_start3A_1895 = arith.constant 2 : i32
    %dma_start3A_1896 = arith.constant 0 : i32
    %dma_start3A_1897 = arith.constant 0 : i32
    %dma_start3A_1898 = tpu.memref_slice %arg7[%dma_start3A_1894, %dma_start3A_1896, %dma_start3A_1897] : memref<14x8x1024xf32, #tpu.memory_space<vmem>> -> memref<1x8x1024xf32, #tpu.memory_space<vmem>>
    %dma_start3A_1899 = tpu.memref_squeeze %dma_start3A_1898 : memref<1x8x1024xf32, #tpu.memory_space<vmem>> -> memref<8x1024xf32, #tpu.memory_space<vmem>>
    %dma_start3A_1900 = arith.constant 0 : i32
    %dma_start3A_1901 = tpu.memref_slice %arg4[%add3A_1893, %dma_start3A_1900] : memref<8192x1024xf32, #tpu.memory_space<hbm>> -> memref<8x1024xf32, #tpu.memory_space<hbm>>
    %dma_start3A_1902 = tpu.memref_slice %arg9[%dma_start3A_1895] : memref<14x!tpu.dma_semaphore, #tpu.memory_space<semaphore_mem>> -> memref<1x!tpu.dma_semaphore, #tpu.memory_space<semaphore_mem>>
    %dma_start3A_1903 = tpu.memref_squeeze %dma_start3A_1902 : memref<1x!tpu.dma_semaphore, #tpu.memory_space<semaphore_mem>> -> memref<!tpu.dma_semaphore, #tpu.memory_space<semaphore_mem>>
    %dma_start3A_1904 = arith.constant 0 : i32
    %dma_start3A_1905 = tpu.memref_slice %arg4[%add3A_1893, %dma_start3A_1904] : memref<8192x1024xf32, #tpu.memory_space<hbm>> -> memref<8x1024xf32, #tpu.memory_space<hbm>>
    %dma_start3A_1906 = arith.constant 0 : i32
    %dma_start3A_1907 = arith.constant 0 : i32
    %dma_start3A_1908 = tpu.memref_slice %arg7[%dma_start3A_1894, %dma_start3A_1906, %dma_start3A_1907] : memref<14x8x1024xf32, #tpu.memory_space<vmem>> -> memref<1x8x1024xf32, #tpu.memory_space<vmem>>
    %dma_start3A_1909 = tpu.memref_squeeze %dma_start3A_1908 : memref<1x8x1024xf32, #tpu.memory_space<vmem>> -> memref<8x1024xf32, #tpu.memory_space<vmem>>
    tpu.enqueue_dma source(%dma_start3A_1909 : memref<8x1024xf32, #tpu.memory_space<vmem>>) target(%dma_start3A_1905 : memref<8x1024xf32, #tpu.memory_space<hbm>>) target_semaphore(%dma_start3A_1903 : memref<!tpu.dma_semaphore, #tpu.memory_space<semaphore_mem>>)
    %dma_wait3A_1910 = arith.constant 2 : i32
    %dma_wait3A_1911 = arith.constant 2 : i32
    %dma_wait3A_1912 = arith.constant 0 : i32
    %dma_wait3A_1913 = arith.constant 0 : i32
    %dma_wait3A_1914 = tpu.memref_slice %arg7[%dma_wait3A_1910, %dma_wait3A_1912, %dma_wait3A_1913] : memref<14x8x1024xf32, #tpu.memory_space<vmem>> -> memref<1x8x1024xf32, #tpu.memory_space<vmem>>
    %dma_wait3A_1915 = tpu.memref_squeeze %dma_wait3A_1914 : memref<1x8x1024xf32, #tpu.memory_space<vmem>> -> memref<8x1024xf32, #tpu.memory_space<vmem>>
    %dma_wait3A_1916 = arith.constant 0 : i32
    %dma_wait3A_1917 = tpu.memref_slice %arg4[%add3A_1893, %dma_wait3A_1916] : memref<8192x1024xf32, #tpu.memory_space<hbm>> -> memref<8x1024xf32, #tpu.memory_space<hbm>>
    %dma_wait3A_1918 = tpu.memref_slice %arg9[%dma_wait3A_1911] : memref<14x!tpu.dma_semaphore, #tpu.memory_space<semaphore_mem>> -> memref<1x!tpu.dma_semaphore, #tpu.memory_space<semaphore_mem>>
    %dma_wait3A_1919 = tpu.memref_squeeze %dma_wait3A_1918 : memref<1x!tpu.dma_semaphore, #tpu.memory_space<semaphore_mem>> -> memref<!tpu.dma_semaphore, #tpu.memory_space<semaphore_mem>>
    %dma_wait3A_1920 = arith.constant 0 : i32
    %dma_wait3A_1921 = tpu.memref_slice %arg4[%add3A_1893, %dma_wait3A_1920] : memref<8192x1024xf32, #tpu.memory_space<hbm>> -> memref<8x1024xf32, #tpu.memory_space<hbm>>
    %dma_wait3A_1922 = arith.constant 0 : i32
    %dma_wait3A_1923 = arith.constant 0 : i32
    %dma_wait3A_1924 = tpu.memref_slice %arg7[%dma_wait3A_1910, %dma_wait3A_1922, %dma_wait3A_1923] : memref<14x8x1024xf32, #tpu.memory_space<vmem>> -> memref<1x8x1024xf32, #tpu.memory_space<vmem>>
    %dma_wait3A_1925 = tpu.memref_squeeze %dma_wait3A_1924 : memref<1x8x1024xf32, #tpu.memory_space<vmem>> -> memref<8x1024xf32, #tpu.memory_space<vmem>>
    tpu.wait_dma2 semaphore(%dma_wait3A_1919 : memref<!tpu.dma_semaphore, #tpu.memory_space<semaphore_mem>>) src(%dma_wait3A_1925 : memref<8x1024xf32, #tpu.memory_space<vmem>>) dst(%dma_wait3A_1921 : memref<8x1024xf32, #tpu.memory_space<hbm>>)
    %dma_wait3A_1926 = arith.constant 3 : i32
    %dma_wait3A_1927 = arith.constant 3 : i32
    %dma_wait3A_1928 = arith.constant 0 : i32
    %dma_wait3A_1929 = arith.constant 0 : i32
    %dma_wait3A_1930 = tpu.memref_slice %arg7[%dma_wait3A_1926, %dma_wait3A_1928, %dma_wait3A_1929] : memref<14x8x1024xf32, #tpu.memory_space<vmem>> -> memref<1x8x1024xf32, #tpu.memory_space<vmem>>
    %dma_wait3A_1931 = tpu.memref_squeeze %dma_wait3A_1930 : memref<1x8x1024xf32, #tpu.memory_space<vmem>> -> memref<8x1024xf32, #tpu.memory_space<vmem>>
    %dma_wait3A_1932 = arith.constant 248 : i32
    %dma_wait3A_1933 = tpu.memref_slice %arg6[%dma_wait3A_1932] : memref<256xi32, #tpu.memory_space<vmem>> -> memref<8xi32, #tpu.memory_space<vmem>>
    %dma_wait3A_1934 = arith.constant 0 : i32
    %dma_wait3A_1935 = arith.constant 0 : i32
    %dma_wait3A_1936 = tpu.memref_slice %arg3[%dma_wait3A_1934, %dma_wait3A_1935] : memref<2050x1024xf32, #tpu.memory_space<hbm>> -> memref<2050x1024xf32, #tpu.memory_space<hbm>>
    %dma_wait3A_1937 = tpu.memref_slice %arg8[%dma_wait3A_1927] : memref<14x!tpu.dma_semaphore, #tpu.memory_space<semaphore_mem>> -> memref<1x!tpu.dma_semaphore, #tpu.memory_space<semaphore_mem>>
    %dma_wait3A_1938 = tpu.memref_squeeze %dma_wait3A_1937 : memref<1x!tpu.dma_semaphore, #tpu.memory_space<semaphore_mem>> -> memref<!tpu.dma_semaphore, #tpu.memory_space<semaphore_mem>>
    tpu.wait_indirect_dma semaphore(%dma_wait3A_1938 : memref<!tpu.dma_semaphore, #tpu.memory_space<semaphore_mem>>) src(%dma_wait3A_1936 : memref<2050x1024xf32, #tpu.memory_space<hbm>>) dst(%dma_wait3A_1931 : memref<8x1024xf32, #tpu.memory_space<vmem>>)
    %add3A_1939 = arith.constant 248 : i32
    %add3A_1940 = arith.addi %mul3A_54, %add3A_1939 : i32
    %dma_start3A_1941 = arith.constant 3 : i32
    %dma_start3A_1942 = arith.constant 3 : i32
    %dma_start3A_1943 = arith.constant 0 : i32
    %dma_start3A_1944 = arith.constant 0 : i32
    %dma_start3A_1945 = tpu.memref_slice %arg7[%dma_start3A_1941, %dma_start3A_1943, %dma_start3A_1944] : memref<14x8x1024xf32, #tpu.memory_space<vmem>> -> memref<1x8x1024xf32, #tpu.memory_space<vmem>>
    %dma_start3A_1946 = tpu.memref_squeeze %dma_start3A_1945 : memref<1x8x1024xf32, #tpu.memory_space<vmem>> -> memref<8x1024xf32, #tpu.memory_space<vmem>>
    %dma_start3A_1947 = arith.constant 0 : i32
    %dma_start3A_1948 = tpu.memref_slice %arg4[%add3A_1940, %dma_start3A_1947] : memref<8192x1024xf32, #tpu.memory_space<hbm>> -> memref<8x1024xf32, #tpu.memory_space<hbm>>
    %dma_start3A_1949 = tpu.memref_slice %arg9[%dma_start3A_1942] : memref<14x!tpu.dma_semaphore, #tpu.memory_space<semaphore_mem>> -> memref<1x!tpu.dma_semaphore, #tpu.memory_space<semaphore_mem>>
    %dma_start3A_1950 = tpu.memref_squeeze %dma_start3A_1949 : memref<1x!tpu.dma_semaphore, #tpu.memory_space<semaphore_mem>> -> memref<!tpu.dma_semaphore, #tpu.memory_space<semaphore_mem>>
    %dma_start3A_1951 = arith.constant 0 : i32
    %dma_start3A_1952 = tpu.memref_slice %arg4[%add3A_1940, %dma_start3A_1951] : memref<8192x1024xf32, #tpu.memory_space<hbm>> -> memref<8x1024xf32, #tpu.memory_space<hbm>>
    %dma_start3A_1953 = arith.constant 0 : i32
    %dma_start3A_1954 = arith.constant 0 : i32
    %dma_start3A_1955 = tpu.memref_slice %arg7[%dma_start3A_1941, %dma_start3A_1953, %dma_start3A_1954] : memref<14x8x1024xf32, #tpu.memory_space<vmem>> -> memref<1x8x1024xf32, #tpu.memory_space<vmem>>
    %dma_start3A_1956 = tpu.memref_squeeze %dma_start3A_1955 : memref<1x8x1024xf32, #tpu.memory_space<vmem>> -> memref<8x1024xf32, #tpu.memory_space<vmem>>
    tpu.enqueue_dma source(%dma_start3A_1956 : memref<8x1024xf32, #tpu.memory_space<vmem>>) target(%dma_start3A_1952 : memref<8x1024xf32, #tpu.memory_space<hbm>>) target_semaphore(%dma_start3A_1950 : memref<!tpu.dma_semaphore, #tpu.memory_space<semaphore_mem>>)
    %dma_wait3A_1957 = arith.constant 3 : i32
    %dma_wait3A_1958 = arith.constant 3 : i32
    %dma_wait3A_1959 = arith.constant 0 : i32
    %dma_wait3A_1960 = arith.constant 0 : i32
    %dma_wait3A_1961 = tpu.memref_slice %arg7[%dma_wait3A_1957, %dma_wait3A_1959, %dma_wait3A_1960] : memref<14x8x1024xf32, #tpu.memory_space<vmem>> -> memref<1x8x1024xf32, #tpu.memory_space<vmem>>
    %dma_wait3A_1962 = tpu.memref_squeeze %dma_wait3A_1961 : memref<1x8x1024xf32, #tpu.memory_space<vmem>> -> memref<8x1024xf32, #tpu.memory_space<vmem>>
    %dma_wait3A_1963 = arith.constant 0 : i32
    %dma_wait3A_1964 = tpu.memref_slice %arg4[%add3A_1940, %dma_wait3A_1963] : memref<8192x1024xf32, #tpu.memory_space<hbm>> -> memref<8x1024xf32, #tpu.memory_space<hbm>>
    %dma_wait3A_1965 = tpu.memref_slice %arg9[%dma_wait3A_1958] : memref<14x!tpu.dma_semaphore, #tpu.memory_space<semaphore_mem>> -> memref<1x!tpu.dma_semaphore, #tpu.memory_space<semaphore_mem>>
    %dma_wait3A_1966 = tpu.memref_squeeze %dma_wait3A_1965 : memref<1x!tpu.dma_semaphore, #tpu.memory_space<semaphore_mem>> -> memref<!tpu.dma_semaphore, #tpu.memory_space<semaphore_mem>>
    %dma_wait3A_1967 = arith.constant 0 : i32
    %dma_wait3A_1968 = tpu.memref_slice %arg4[%add3A_1940, %dma_wait3A_1967] : memref<8192x1024xf32, #tpu.memory_space<hbm>> -> memref<8x1024xf32, #tpu.memory_space<hbm>>
    %dma_wait3A_1969 = arith.constant 0 : i32
    %dma_wait3A_1970 = arith.constant 0 : i32
    %dma_wait3A_1971 = tpu.memref_slice %arg7[%dma_wait3A_1957, %dma_wait3A_1969, %dma_wait3A_1970] : memref<14x8x1024xf32, #tpu.memory_space<vmem>> -> memref<1x8x1024xf32, #tpu.memory_space<vmem>>
    %dma_wait3A_1972 = tpu.memref_squeeze %dma_wait3A_1971 : memref<1x8x1024xf32, #tpu.memory_space<vmem>> -> memref<8x1024xf32, #tpu.memory_space<vmem>>
    tpu.wait_dma2 semaphore(%dma_wait3A_1966 : memref<!tpu.dma_semaphore, #tpu.memory_space<semaphore_mem>>) src(%dma_wait3A_1972 : memref<8x1024xf32, #tpu.memory_space<vmem>>) dst(%dma_wait3A_1968 : memref<8x1024xf32, #tpu.memory_space<hbm>>)
    return
  }
}

</mosaic_0001>

<sc_bundles>
// kernel: kernel.3.cloned.1.call-start
scs
__scs_entry_jumppad:
0x0: {  	(pc) =	sbr.rel $0x88, $3  }
0x1: {  	(tag) =	ssettag $0x0;
	lr =	simm.s32 $0x1  }
0x2: {  	[smem:$0x3F9F] =	sst lr;
	_ =	strace $0xD0000000  }
0x3: {  	_ = 	snop  }
0x4: {  	_ = 	snop  }
0x5: {  	_ = 	snop  }
0x6: {  	_ = 	snop  }
0x7: {  	_ = 	snop  }
__scs_overlays_trampoline_lowered:
0x8: {  	[smem:$0x3FAE] =	sst s0  }
0x9: {  	[smem:$0x3FAF] =	sst s1  }
0xa: {  	[smem:$0x3FB0] =	sst s2  }
0xb: {  	[smem:$0x3FB1] =	sst s3  }
0xc: {  	[smem:$0x3FB2] =	sst s4  }
0xd: {  	[smem:$0x3FB3] =	sst s5  }
0xe: {  	[smem:$0x3FB4] =	sst s6  }
0xf: {  	[smem:$0x3FB5] =	sst s7  }
0x10: {  	[smem:$0x3FB6] =	sst s8  }
0x11: {  	[smem:$0x3FB7] =	sst s9;
	s0 =	simm.s32 @!p0 $0x0  }
0x12: {  	s1 =	sld [smem:$0x3F9D];
	s0 =	simm.s32 @p0 $0x1  }
0x13: {  	[smem:$0x3FB8] =	sst s0;
	s0 =	simm.s32 @!p1 $0x0  }
0x14: {  	s2 =	sld [smem:$0x3F9C];
	s0 =	simm.s32 @p1 $0x1  }
0x15: {  	[smem:$0x3FB9] =	sst s0;
	s0 =	simm.s32 @!p2 $0x0  }
0x16: {  	s3 =	sld [smem:$0x3FDB];
	s0 =	simm.s32 @p2 $0x1  }
0x17: {  	s4 =	simm.s32 $0x1BF5;
	[smem:$0x3FBB] =	sst s0  }
0x18: {  	s0 =	sld [smem:$0x3F9E];
	_ =	swait.ge [sflag:s4], $0x0  }
0x19: {  	s7 =	sld [smem:$0x3F9F]  }
0x1a: {  	s8 =	sadd.s32 $0xFFFFE003, lr  }
0x1b: {  	s9 =	sadd.s32 $0xFFFFFEF7, lr;
	s5 =	simm.s32 $0xFFFFFFFF;
	p2 =	slt.u32 s8, $0xFFFFF086  }
0x1c: {  	p1 =	slt.u32 s9, $0xF7A;
	s5 =	simm.s32 @!p2 $0x0  }
0x1d: {  	s5 =	simm.s32 @p1 $0x1;
	p0 =	seq.s32 s7, s2  }
0x1e: {  	s7 =	smul.u32 @!p0 $0xF7A, s2;
	p2 =	seq.s32 @!p0 s5, $0x0  }
0x1f: {  	s9 =	smul.u32 $0xF7A, s1;
	s8 =	simm.s32 @!p0 $0x1BF5;
	p2 =	por !p2, p0  }
0x20: {  	[sflag:s8] =	ssyncset.s32 @!p0 $0xFFFFF086;
	s6 =	sadd.s32 @!p0 s3, s7;
	s7 =	simm.s32 @!p0 $0x108  }
0x21: {  	s3 =	sadd.s32 s3, s9;
	s6 =	sadd.s32 @!p0 $0x88, s6;
	s7 =	simm.s32 @p2 $0x1082  }
0x22: {  	[simem:s7], [sflag:s8] =	dma.local @!p0 [hbm:s6], $0xF7A  }
0x23: {  	s9 =	sor.u32 $0xD0000000, s2;
	s6 =	simm.s32 $0x108;
	_ =	swait.ge @!p0 [sflag:s8], $0x0  }
0x24: {  	s3 =	sadd.s32 $0x88, s3;
	s6 =	simm.s32 @!p1 $0x1082;
	[sflag:s4] =	ssyncset.s32 $0xFFFFF086  }
0x25: {  	[simem:s6], [sflag:s4] =	dma.local [hbm:s3], $0xF7A  }
0x26: {  	[smem:$0x3F9F] =	sst s1;
	(tag) =	ssettag s2;
	_ =	strace s9  }
0x27: {  	s1 =	sld [smem:$0x3FAF]  }
0x28: {  	s2 =	sld [smem:$0x3FB0]  }
0x29: {  	s4 =	sld [smem:$0x3FB2]  }
0x2a: {  	p0 =	seq.s32 s5, $0x0;
	s5 =	sld [smem:$0x3FB3]  }
0x2b: {  	s6 =	sld [smem:$0x3FB4]  }
0x2c: {  	s7 =	sld [smem:$0x3FB5]  }
0x2d: {  	s3 =	simm.s32 $0x108;
	s8 =	sld [smem:$0x3FB6]  }
0x2e: {  	s3 =	simm.s32 @!p0 $0x1082;
	s9 =	sld [smem:$0x3FB7]  }
0x2f: {  	lr =	sadd.s32 s0, s3;
	s0 =	sld [smem:$0x3FAE]  }
0x30: {  	s3 =	sld [smem:$0x3FB1]  }
0x31: {  	[smem:$0x3FBA] =	sst s10  }
0x32: {  	s10 =	sld [smem:$0x3FB8];
	_ =	sdelay $0x3  }
0x33: {  	p0 =	seq.s32 s10, $0x1;
	s10 =	sld [smem:$0x3FBA];
	_ =	sdelay $0x3  }
0x34: {  	[smem:$0x3FBA] =	sst s10  }
0x35: {  	s10 =	sld [smem:$0x3FB9];
	_ =	sdelay $0x3  }
0x36: {  	p1 =	seq.s32 s10, $0x1;
	s10 =	sld [smem:$0x3FBA];
	_ =	sdelay $0x3  }
0x37: {  	[smem:$0x3FBA] =	sst s10  }
0x38: {  	s10 =	sld [smem:$0x3FBB]  }
0x39: {  	_ = 	snop;
	(pc) =	sbr.ind lr, $3  }
0x3a: {  	_ = 	snop  }
0x3b: {  	_ = 	snop  }
0x3c: {  	p2 =	seq.s32 s10, $0x1;
	s10 =	sld [smem:$0x3FBA]  }
0x3d: {  	_ =	shalt  }
0x3e: {  	_ =	shalt  }
0x3f: {  	_ =	shalt  }
0x40: {  	_ =	shalt  }
0x41: {  	_ =	shalt  }
0x42: {  	_ =	shalt  }
0x43: {  	_ =	shalt  }
0x44: {  	_ =	shalt  }
0x45: {  	_ =	shalt  }
0x46: {  	_ =	shalt  }
0x47: {  	_ =	shalt  }
0x48: {  	_ =	shalt  }
0x49: {  	_ =	shalt  }
0x4a: {  	_ =	shalt  }
0x4b: {  	_ =	shalt  }
0x4c: {  	_ =	shalt  }
0x4d: {  	_ =	shalt  }
0x4e: {  	_ =	shalt  }
0x4f: {  	_ =	shalt  }
0x50: {  	_ =	shalt  }
0x51: {  	_ =	shalt  }
0x52: {  	_ =	shalt  }
0x53: {  	_ =	shalt  }
0x54: {  	_ =	shalt  }
0x55: {  	_ =	shalt  }
0x56: {  	_ =	shalt  }
0x57: {  	_ =	shalt  }
0x58: {  	_ =	shalt  }
0x59: {  	_ =	shalt  }
0x5a: {  	_ =	shalt  }
0x5b: {  	_ =	shalt  }
0x5c: {  	_ =	shalt  }
0x5d: {  	_ =	shalt  }
0x5e: {  	_ =	shalt  }
0x5f: {  	_ =	shalt  }
0x60: {  	_ =	shalt  }
0x61: {  	_ =	shalt  }
0x62: {  	_ =	shalt  }
0x63: {  	_ =	shalt  }
0x64: {  	_ =	shalt  }
0x65: {  	_ =	shalt  }
0x66: {  	_ =	shalt  }
0x67: {  	_ =	shalt  }
0x68: {  	_ =	shalt  }
0x69: {  	_ =	shalt  }
0x6a: {  	_ =	shalt  }
0x6b: {  	_ =	shalt  }
0x6c: {  	_ =	shalt  }
0x6d: {  	_ =	shalt  }
0x6e: {  	_ =	shalt  }
0x6f: {  	_ =	shalt  }
0x70: {  	_ =	shalt  }
0x71: {  	_ =	shalt  }
0x72: {  	_ =	shalt  }
0x73: {  	_ =	shalt  }
0x74: {  	_ =	shalt  }
0x75: {  	_ =	shalt  }
0x76: {  	_ =	shalt  }
0x77: {  	_ =	shalt  }
0x78: {  	_ =	shalt  }
0x79: {  	_ =	shalt  }
0x7a: {  	_ =	shalt  }
0x7b: {  	_ =	shalt  }
0x7c: {  	_ =	shalt  }
0x7d: {  	_ =	shalt  }
0x7e: {  	_ =	shalt  }
0x7f: {  	_ =	shalt  }
0x80: {  	_ =	shalt  }
0x81: {  	_ =	shalt  }
0x82: {  	_ =	shalt  }
0x83: {  	_ =	shalt  }
0x84: {  	_ =	shalt  }
0x85: {  	_ =	shalt  }
0x86: {  	_ =	shalt  }
0x87: {  	_ =	shalt  }
.Lfunc_end0:
.L_simem_size_0:
called_computation_lowered:
.L_overlay_start_0:
0x88: {  	s2 =	sld [smem:$0x3FD9]  }
0x89: {  	s3 =	sld [smem:$0x3FFE];
	_ =	sdelay $0x1  }
0x8a: {  	s1 =	srdreg.scid  }
0x8b: {  	s0 =	sand.u32 $0x1, s1  }
0x8c: {  	s17 =	sshll.u32 s0, $0xA;
	s2 =	sadd.s32 s3, s2  }
0x8d: {  	s2 =	sadd.s32 s2, s17  }
0x8e: {  	[smem:$0x3FC6] =	sst s2  }
0x8f: {  	_ = 	snop  }
0x90: {  	s2 =	sld [smem:$0x3FC8]  }
0x91: {  	s18 =	sld [smem:$0x3FD0];
	(tm) =	ssettm $0x1  }
0x92: {  	s4 =	sld [smem:$0x3FFB];
	_ =	sdelay $0x3  }
0x93: {  	_ =	strace s4  }
0x94: {  	s4 =	sld [smem:$0x3FFC];
	_ =	sdelay $0x3  }
0x95: {  	_ =	strace s4  }
0x96: {  	s4 =	sld [smem:$0x3FFD];
	_ =	sdelay $0x3  }
0x97: {  	_ =	strace s4  }
0x98: {  	_ =	strace $0x8FFFFFFF  }
0x99: {  	s19 =	sld [smem:$0x3FDB];
	_ =	sdelay $0x1  }
0x9a: {  	s5 =	simm.s32 $_scs_section_size  }
0x9b: {  	s6 =	simm.s32 $_size__tile_overlayer_lowered;
	s7 =	simm.s32 $_tile_overlayer_lowered  }
0x9c: {  	s22 =	simm.s32 $0x1BFF;
	s21 =	sshll.u32 s7, $0x1;
	s4 =	sadd.s32 s5, s19  }
0x9d: {  	s8 =	simm.s32 $0x0;
	s20 =	sshll.u32 s6, $0x1;
	s6 =	sadd.s32 s21, s4  }
0x9e: {  	[timem:s8], [sflag:s22] =	dma.local [hbm:s6], s20  }
0x9f: {  	_ =	swait.ge [sflag:s22], s20  }
0xa0: {  	s5 =	ssub.s32 $0x0, s20;
	[sflag:s22] =	ssyncset.done $0x0  }
0xa1: {  	[sflag:s22] =	ssyncadd.s32 s5;
	_ =	sdelay $0x1  }
0xa2: {  	s23 =	simm.s32 $0x1B8B  }
0xa3: {  	_ =	swait.ge [sflag:s23], $0x1  }
0xa4: {  	[sflag:s23] =	ssyncset.done $0x0  }
0xa5: {  	s25 =	simm.s32 $0x1B8E;
	s24 =	sld [smem:$0x3FFE];
	[sflag:s23] =	ssyncadd.s32 $0xFFFFFFFF  }
0xa6: {  	s26 =	simm.s32 $execute0_lowered;
	[smem:$0x3FD2] =	sst s25  }
0xa7: {  	s6 =	sshll.u32 s26, $0x1;
	_ =	strace $0x80000046;
	[dreg:$0x1] =	wrdreg $0xFFFFFFFF  }
0xa8: {  	s28 =	simm.s32 $_size_execute0_lowered;
	s4 =	sadd.s32 s4, s6;
	[dreg:$0x0] =	wrdreg $0x0  }
0xa9: {  	s6 =	sshll.u32 s28, $0x1;
	[dreg:$0x2] =	wrdreg s4  }
0xaa: {  	[dreg:$0x3] =	wrdreg s6  }
0xab: {  	[dreg:$0x4] =	wrdreg $0xC0  }
0xac: {  	_ =	task [dreg:s8], $0x5FFFF  }
0xad: {  	[dreg:$0x1] =	wrdreg $0xFFFFFFFF  }
0xae: {  	[dreg:$0x0] =	wrdreg $0x60  }
0xaf: {  	[dreg:$0x2] =	wrdreg s24  }
0xb0: {  	[dreg:$0x3] =	wrdreg s2  }
0xb1: {  	[dreg:$0x4] =	wrdreg s18  }
0xb2: {  	[dreg:$0x5] =	wrdreg $0x9  }
0xb3: {  	_ =	task.clear_ibuf [dreg:s8], $0x6FFFF;
	_ =	strace $0x90000046  }
0xb4: {  	s29 =	simm.s32 $0x9;
	_ =	strace $0x80000048  }
0xb5: {  	_ =	swait.ge [sflag:s29], $0x1  }
0xb6: {  	[sflag:s29] =	ssyncadd.s32 $0xFFFFFFFF  }
0xb7: {  	_ =	strace $0x90000048  }
0xb8: {  	_ =	sfence  }
0xb9: {  	s30 =	sld [smem:$0x0];
	_ =	sdelay $0x2  }
0xba: {  	s31 =	sshll.u32 s1, $0xD;
	s1 =	sshrl.u32 s1, $0x2  }
0xbb: {  	s3 =	sand.u32 $0x4000, s31;
	s1 =	sadd.s32 s1, s30  }
0xbc: {  	s0 =	sor.u32 s3, s0;
	s1 =	sshll.u32 s1, $0x11  }
0xbd: {  	s0 =	sor.u32 s1, s0  }
0xbe: {  	s0 =	sadd.s32 $0x8F2B, s0  }
0xbf: {  	[sflag:s0] =	ssyncadd.remote.s32 $0x1  }
0xc0: {  	_ =	sfence.sel $0xFFFF  }
0xc1: {  	[dreg:$0x0] =	wrdreg $0xFFFFFFFF;
	(pc) =	sbr.abs _section_cstart, $3  }
0xc2: {  	[dreg:$0x1] =	wrdreg $0xFFFFFFFF  }
0xc3: {  	_ =	task.clear_ibuf [dreg:s8], $0x2FFFF;
	_ =	strace $0x9FFFFFFF  }
0xc4: {  	(tm) =	ssettm $0x7FFFFFFF  }
0xc5: {  	_ =	shalt  }
tec
execute0_lowered:
.L_overlay_start_1:
0x0: {  	(tag) =	ssettag $0x1  }
0x1: {  	s0 =	rddreg [dreg:$0x0]  }
0x2: {  	s10 =	rddreg [dreg:$0x1];
	s11 =	stileid.u32  }
0x3: {  	s2 =	rddreg [dreg:$0x2];
	s4 =	srdreg.scid;
	s5 =	sshll.u32 s11, $0x6  }
0x4: {  	s4 =	sand.u32 $0x1, s4;
	s7 =	sshll.u32 s11, $0x1;
	s5 =	sand.u32 $0x300, s5  }
0x5: {  	s3 =	simm.s32 $0x0;
	s7 =	sor.u32 s4, s7;
	s0 =	sadd.s32 s5, s0  }
0x6: {  	[smem:$0x7FF] =	sst s3;
	s18 =	sshll.u32 s7, $0xF;
	s0 =	sadd.s32 $0x400, s0  }
0x7: {  	_ =	strace $0x80000047;
	s12 =	sadd.s32 s2, s18;
	[dreg:$0x4] =	wrdreg s0  }
0x8: {  	s0 =	sadd.s32 $0x400, s12;
	[dreg:$0x5] =	wrdreg s12  }
0x9: {  	s19 =	sadd.s32 $0x800, s12;
	[dreg:$0x6] =	wrdreg s0  }
0xa: {  	s20 =	sadd.s32 $0xC00, s12;
	[dreg:$0x7] =	wrdreg s19  }
0xb: {  	s21 =	sadd.s32 $0x1000, s12;
	[dreg:$0x8] =	wrdreg s20  }
0xc: {  	s22 =	sadd.s32 $0x1400, s12;
	[dreg:$0x9] =	wrdreg s21  }
0xd: {  	s23 =	sadd.s32 $0x1800, s12;
	[dreg:$0xa] =	wrdreg s22  }
0xe: {  	s24 =	sadd.s32 $0x1C00, s12;
	[dreg:$0xb] =	wrdreg s23  }
0xf: {  	s25 =	sadd.s32 $0x2000, s12;
	[dreg:$0xc] =	wrdreg s24  }
0x10: {  	s26 =	sadd.s32 $0x2400, s12;
	[dreg:$0xd] =	wrdreg s25  }
0x11: {  	s30 =	sand.u32 $0x3, s11;
	s28 =	sadd.s32 $0x2800, s12;
	[dreg:$0xe] =	wrdreg s26  }
0x12: {  	s6 =	ssub.s32 $0x2, s4;
	s29 =	sadd.s32 $0x2C00, s12;
	[dreg:$0xf] =	wrdreg s28  }
0x13: {  	s31 =	sshll.u32 s4, $0x4;
	s2 =	sadd.s32 $0x3000, s12;
	[dreg:$0x10] =	wrdreg s29  }
0x14: {  	s17 =	sshrl.u32 s6, $0x1;
	s4 =	sadd.s32 $0x3400, s12;
	[dreg:$0x11] =	wrdreg s2  }
0x15: {  	s9 =	ssub.s32 s6, s17;
	s11 =	sadd.s32 $0x3800, s12;
	[dreg:$0x13] =	wrdreg s4  }
0x16: {  	s13 =	smax.u32 s9, $0x1;
	[dreg:$0x14] =	wrdreg s11  }
0x17: {  	s14 =	sadd.s32 $0x3C00, s12;
	[dreg:$0x15] =	wrdreg s13  }
0x18: {  	s15 =	sadd.s32 $0x4000, s12;
	[dreg:$0x16] =	wrdreg s14  }
0x19: {  	s16 =	sadd.s32 $0x4400, s12;
	[dreg:$0x17] =	wrdreg s15  }
0x1a: {  	s17 =	sadd.s32 $0x4800, s12;
	[dreg:$0x18] =	wrdreg s16  }
0x1b: {  	s18 =	sadd.s32 $0x4C00, s12;
	[dreg:$0x19] =	wrdreg s17  }
0x1c: {  	[dreg:$0x1a] =	wrdreg s18;
	s19 =	sadd.s32 $0x5000, s12  }
0x1d: {  	s20 =	sadd.s32 $0x5400, s12;
	[dreg:$0x1b] =	wrdreg s19  }
0x1e: {  	s21 =	sadd.s32 $0x5800, s12;
	[dreg:$0x1c] =	wrdreg s20  }
0x1f: {  	s22 =	sadd.s32 $0x5C00, s12;
	[dreg:$0x1d] =	wrdreg s21  }
0x20: {  	s23 =	sadd.s32 $0x6000, s12;
	[dreg:$0x1e] =	wrdreg s22  }
0x21: {  	s24 =	sadd.s32 $0x6400, s12;
	[dreg:$0x1f] =	wrdreg s23  }
0x22: {  	s25 =	sadd.s32 $0x6800, s12;
	[smem:$0x7F7] =	sst s24  }
0x23: {  	s8 =	sadd.s32 $0x300, s10;
	s26 =	sadd.s32 $0x6C00, s12;
	[smem:$0x7F8] =	sst s25  }
0x24: {  	s1 =	sand.u32 $0x7, s7;
	s28 =	sadd.s32 $0x7000, s12;
	[smem:$0x7F9] =	sst s26  }
0x25: {  	s7 =	sadd.s32 $0x200, s10;
	s29 =	sadd.s32 $0x7400, s12;
	[smem:$0x7FA] =	sst s28  }
0x26: {  	s0 =	sshll.u32 s30, $0x5;
	s30 =	sadd.s32 $0x7800, s12;
	[smem:$0x7FB] =	sst s29  }
0x27: {  	v1 =	vlaneseq.u32;
	s5 =	sshll.u32 s1, $0x8;
	s0 =	sor.u32 s31, s0;
	[smem:$0x7FC] =	sst s30  }
0x28: {  	v0 =	vimm.s32 $0x0;
	v2 =	vshrl.u32 v1, $0x3;
	s6 =	sadd.s32 $0x100, s10;
	s31 =	sadd.s32 $0x7C00, s12;
	[dreg:$0x12] =	wrdreg s0  }
0x29: {  	vm0 =	vmmov $0xffff;
	v1 =	vand.u32 $0x7, v1;
	v2 =	vmul.u32 $0x8, v2;
	p0 =	seq.s32 s1, $0x0;
	[smem:$0x7FD] =	sst s31;
	s0 =	simm.s32 $0x0  }
.LBB2_1:
.Ltmp0:
0x2a: {  	s14 =	rddreg [dreg:$0x4];
	s31 =	simm.s32 $0x1D;
	(pc) =	sbr.rel @p0 .LBB2_15-.Ltmp0, $4  }
0x2b: {  	[tilespmem:s3], [sflag:$0x1D] =	stream.linear.gather [hbm4b:s14+s3], $0x800, $0x38;
	[tilespmem:$0x1C900] =	vst v63  }
0x2c: {  	_ =	swait.ge [sflag:s31], $0x800  }
0x2d: {  	[sflag:s31] =	ssyncset.done $0x0  }
0x2e: {  	s17 =	simm.s32 $0x0;
	[sflag:s31] =	ssyncadd.s32 $0xFFFFF800  }
0x2f: {  	s14 =	rddreg [dreg:$0x12]  }
0x30: {  	v3 =	vld [tilespmem:s3+$0x0];
	p5 =	sne.s32 s14, $0x1  }
.Ltmp1:
0x31: {  	_ = 	snop;
	(pc) =	sbr.rel @!p5 .LBB2_3-.Ltmp1, $3  }
0x32: {  	_ =	sdelay $0x1  }
0x33: {  	p1 =	por $0x0, $0x0;
	p2 =	por $0x0, $0x0;
	p3 =	por $0x0, $0x0  }
0x34: {  	p4 =	por $0x0, $0x0;
	s15 =	sadd.s32 $0xFFFFFFFF, s14;
	s14 =	sadd.s32 $0x10, s3;
	vm1 =	vne.s32 v3, $0x1  }
0x35: {  	v3 =	vld [tilespmem:s14+$0x0];
	p5 =	sne.s32 s15, $0x1  }
.Ltmp2:
0x36: {  	_ = 	snop;
	(pc) =	sbr.rel @!p5 .LBB2_5-.Ltmp2, $3  }
0x37: {  	_ =	sdelay $0x1  }
0x38: {  	v4 =	vsel vm1, $0x1, v0  }
0x39: {  	s15 =	sadd.s32 $0xFFFFFFFF, s15;
	s14 =	sadd.s32 $0x10, s14;
	p1 =	por $0x1, $0x1;
	(xrf0) =	vadd.scan.msk.s32 $0xffff, v4;
	vm1 =	vne.s32 v3, $0x1  }
0x3a: {  	_ = 	snop  }
0x3b: {  	v3 =	vld [tilespmem:s14+$0x0];
	p5 =	sne.s32 s15, $0x1  }
.Ltmp3:
0x3c: {  	_ = 	snop;
	(pc) =	sbr.rel @!p5 .LBB2_7-.Ltmp3, $3  }
0x3d: {  	_ =	sdelay $0x1  }
0x3e: {  	v4 =	vsel vm1, $0x1, v0;
	v5, _, _ =	vpop (xrf0)  }
0x3f: {  	s15 =	sadd.s32 $0xFFFFFFFF, s15;
	s14 =	sadd.s32 $0x10, s14;
	p2 =	por $0x1, $0x1;
	(xrf0) =	vadd.scan.msk.s32 $0xffff, v4;
	vm1 =	vne.s32 v3, $0x1;
	(v2sf) =	vpush v5, $0xF  }
0x40: {  	_ =	sdelay $0x4  }
0x41: {  	v5, _, _ =	vpop (xrf0)  }
0x42: {  	(v2sf) =	vpush v5, $0xF;
	_ =	sdelay $0x3  }
0x43: {  	v3 =	vld [tilespmem:s14+$0x0];
	p5 =	sne.s32 s15, $0x1  }
.Ltmp4:
0x44: {  	_ = 	snop;
	(pc) =	sbr.rel @!p5 .LBB2_9-.Ltmp4, $3  }
0x45: {  	_ =	sdelay $0x1  }
0x46: {  	v4 =	vsel vm1, $0x1, v0  }
0x47: {  	s15 =	sadd.s32 $0xFFFFFFFF, s15;
	s14 =	sadd.s32 $0x10, s14;
	p3 =	por $0x1, $0x1;
	(xrf0) =	vadd.scan.msk.s32 $0xffff, v4;
	vm1 =	vne.s32 v3, $0x1  }
0x48: {  	_ =	sdelay $0x4  }
0x49: {  	v5, _, _ =	vpop (xrf0)  }
0x4a: {  	(v2sf) =	vpush v5, $0xF;
	_ =	sdelay $0x2  }
0x4b: {  	v3 =	vld [tilespmem:s14+$0x0];
	p5 =	sne.s32 s15, $0x1;
	v4 =	vsel vm1, $0x1, v0  }
.Ltmp5:
0x4c: {  	(xrf0) =	vadd.scan.msk.s32 $0xffff, v4;
	(pc) =	sbr.rel @!p5 .LBB2_11-.Ltmp5, $3  }
0x4d: {  	_ =	sdelay $0x1  }
0x4e: {  	s15 =	sadd.s32 $0xFFFFFFFF, s15;
	s18 =	sadd.s32 $0x10, s14  }
0x4f: {  	s17 =	spop (v2sf);
	p4 =	por $0x1, $0x1;
	s16 =	simm.s32 $0x0;
	vm1 =	vne.s32 v3, $0x1  }
.LBB2_12:
0x50: {  	v3 =	vld [tilespmem:s18+$0x0];
	p5 =	sne.s32 s15, $0x1;
	s15 =	sadd.s32 $0xFFFFFFFF, s15;
	v5 =	vsel vm1, $0x1, v0;
	s16 =	sadd.s32 s16, s17  }
.Ltmp6:
0x51: {  	(xrf0) =	vadd.scan.msk.s32 $0xffff, v5;
	v4, _, _ =	vpop (xrf0);
	(pc) =	sbr.rel @p5 .LBB2_12-.Ltmp6, $2  }
0x52: {  	(v2sf) =	vpush v4, $0xF;
	_ =	sdelay $0x3  }
0x53: {  	s18 =	sadd.s32 $0x10, s18;
	vm1 =	vne.s32 v3, $0x1;
	s17 =	spop (v2sf)  }
0x54: {  	_ = 	snop  }
.LBB2_14:
0x55: {  	v3 =	vsel vm1, $0x1, v0  }
0x56: {  	(xrf0) =	vadd.scan.msk.s32 $0xffff, v3;
	_ =	sdelay $0x2  }
0x57: {  	v3, _, _ =	vpop @p1 (xrf0)  }
0x58: {  	(v2sf) =	vpush @p1 v3, $0xF;
	_ =	sdelay $0x1  }
0x59: {  	v3, _, _ =	vpop (xrf0)  }
0x5a: {  	(v2sf) =	vpush v3, $0xF;
	_ =	sdelay $0x7  }
0x5b: {  	s14 =	spop @p3 (v2sf);
	s15 =	sadd.s32 @p4 s16, s17;
	s16 =	simm.s32 $0x0  }
0x5c: {  	s14 =	smov.u32 @p3 s14;
	s16 =	smov.u32 @p4 s15  }
0x5d: {  	s14 =	sadd.s32 @p3 s16, s14;
	s16 =	simm.s32 $0x0;
	s15 =	spop @p2 (v2sf)  }
0x5e: {  	s16 =	smov.u32 @p3 s14;
	s15 =	smov.u32 @p2 s15  }
0x5f: {  	s14 =	sadd.s32 @p2 s16, s15;
	s16 =	simm.s32 $0x0;
	s15 =	spop @p1 (v2sf)  }
0x60: {  	s16 =	smov.u32 @p2 s14;
	s15 =	smov.u32 @p1 s15  }
0x61: {  	s14 =	sadd.s32 @p1 s16, s15;
	s15 =	simm.s32 $0x0  }
0x62: {  	s15 =	smov.u32 @p1 s14;
	s31 =	spop (v2sf)  }
0x63: {  	s17 =	sadd.s32 s15, s31  }
.LBB2_15:
0x64: {  	s14 =	simm.s32 $0x0  }
0x65: {  	s15 =	sand.u32 $0x80, s14  }
0x66: {  	s14 =	sand.u32 $0x70, s14;
	s15 =	sadd.s32 s15, s5  }
0x67: {  	s14 =	sadd.s32 s14, s15  }
0x68: {  	v3 =	vld [tilespmem:s14+$0x0];
	_ =	sdelay $0x4  }
0x69: {  	vm1 =	vne.s32 v3, $0x1  }
0x6a: {  	v3 =	vsel vm1, $0x1, v0  }
0x6b: {  	(xrf0) =	vadd.scan.msk.s32 $0xffff, v3;
	_ =	sdelay $0x4  }
0x6c: {  	v3 =	vmov s17  }
0x6d: {  	v3 =	vadd.s32 $0x1, v3;
	v4, _, _ =	vpop (xrf0)  }
0x6e: {  	v3 =	vbroadcast v3, $0x0;
	(v2sf) =	vpush v4, $0xF  }
0x6f: {  	[smem:$0x7F6] =	sst s0;
	s18 =	simm.s32 $0x10  }
0x70: {  	s16 =	simm.s32 $0x800;
	s15 =	simm.s32 $0x20;
	s14 =	sand.u32 $0x80, s18;
	v3 =	vadd.s32 v4, v3  }
.LBB2_16:
0x71: {  	p1 =	sne.s32 s15, $0xF0;
	s18 =	sand.u32 $0x70, s18;
	s14 =	sadd.s32 s14, s5;
	v3 =	vnsel vm1, $0x1, v3  }
0x72: {  	s14 =	sadd.s32 s18, s14;
	[tilespmem:s16+$0x0] =	vst v3;
	s18 =	smov.u32 s15  }
0x73: {  	v3 =	vld [tilespmem:s14+$0x0];
	_ =	sdelay $0x4  }
0x74: {  	vm1 =	vne.s32 v3, $0x1  }
0x75: {  	v3 =	vsel vm1, $0x1, v0  }
0x76: {  	(xrf0) =	vadd.scan.msk.s32 $0xffff, v3;
	_ =	sdelay $0x2  }
0x77: {  	s14 =	spop (v2sf)  }
0x78: {  	s17 =	sadd.s32 s17, s14  }
.Ltmp7:
0x79: {  	v3 =	vmov s17;
	(pc) =	sbr.rel @p1 .LBB2_16-.Ltmp7, $3  }
0x7a: {  	v3 =	vadd.s32 $0x1, v3;
	v4, _, _ =	vpop (xrf0)  }
0x7b: {  	v3 =	vbroadcast v3, $0x0;
	(v2sf) =	vpush v4, $0xF;
	_ =	sdelay $0x1  }
0x7c: {  	s15 =	sadd.s32 $0x10, s15;
	s16 =	sadd.s32 $0x10, s16;
	s14 =	sand.u32 $0x80, s18;
	v3 =	vadd.s32 v4, v3  }
0x7d: {  	_ =	sdelay $0x2  }
0x7e: {  	s15 =	sand.u32 $0x70, s18;
	s14 =	sadd.s32 s14, s5;
	v3 =	vnsel vm1, $0x1, v3  }
0x7f: {  	s14 =	sadd.s32 s15, s14;
	[tilespmem:s16+$0x0] =	vst v3  }
0x80: {  	v3 =	vld [tilespmem:s14+$0x0];
	_ =	sdelay $0x4  }
0x81: {  	vm1 =	vne.s32 v3, $0x1  }
0x82: {  	v3 =	vsel vm1, $0x1, v0  }
0x83: {  	(xrf0) =	vadd.scan.msk.s32 $0xffff, v3;
	s15 =	spop (v2sf)  }
0x84: {  	s14 =	sadd.s32 s17, s15  }
0x85: {  	v3 =	vmov s14  }
0x86: {  	v3 =	vadd.s32 $0x1, v3;
	_ =	sdelay $0x1  }
0x87: {  	v4 =	vbroadcast v3, $0x0  }
0x88: {  	v3, _, _ =	vpop (xrf0)  }
0x89: {  	v4 =	vadd.s32 v3, v4  }
0x8a: {  	s17 =	sadd.s32 $0x10, s16;
	v4 =	vnsel vm1, $0x1, v4  }
0x8b: {  	[tilespmem:s17+$0x0] =	vst v4  }
0x8c: {  	v4 =	vld.msk [tilespmem:$0x800], $0xff;
	_ =	sdelay $0x4  }
0x8d: {  	v5 =	vshll.u32 v4, $0x3  }
0x8e: {  	v4 =	vand.u32 $0x7, v4;
	v5 =	vand.u32 $0xFFFFFFC0, v5  }
0x8f: {  	v4 =	vor.u32 v4, v5  }
0x90: {  	v4 =	vperm.xlane v4, v1;
	_ =	sdelay $0x1  }
0x91: {  	v4 =	vadd.s32 v2, v4;
	_ =	sdelay $0x3  }
0x92: {  	s0 =	simm.s32 $0x900  }
0x93: {  	[tilespmem:s0], [sflag:$0x1] =	stream.indirect_vreg.gather [hbm4b:s10+s3], $0x80, v4, vm0, $0xb8;
	[tilespmem:$0x1C900] =	vst v63  }
0x94: {  	s1 =	simm.s32 $0x1100  }
0x95: {  	[tilespmem:s1], [sflag:$0x1] =	stream.indirect_vreg.gather [hbm4b:s6+s3], $0x80, v4, vm0, $0xb8;
	[tilespmem:$0x1C900] =	vst v63  }
0x96: {  	s18 =	simm.s32 $0x1900  }
0x97: {  	[tilespmem:s18], [sflag:$0x1] =	stream.indirect_vreg.gather [hbm4b:s7+s3], $0x80, v4, vm0, $0xb8;
	[tilespmem:$0x1C900] =	vst v63  }
0x98: {  	s19 =	simm.s32 $0x2100  }
0x99: {  	[tilespmem:s19], [sflag:$0x1] =	stream.indirect_vreg.gather [hbm4b:s8+s3], $0x80, v4, vm0, $0xb8;
	[tilespmem:$0x1C900] =	vst v63  }
0x9a: {  	v4 =	vld.msk [tilespmem:$0x808], $0xff;
	_ =	sdelay $0x4  }
0x9b: {  	v34 =	vshll.u32 v4, $0x3  }
0x9c: {  	v4 =	vand.u32 $0x7, v4;
	v5 =	vand.u32 $0xFFFFFFC0, v34  }
0x9d: {  	v4 =	vor.u32 v4, v5  }
0x9e: {  	v4 =	vperm.xlane v4, v1;
	_ =	sdelay $0x1  }
0x9f: {  	v4 =	vadd.s32 v2, v4;
	_ =	sdelay $0x3  }
0xa0: {  	s21 =	simm.s32 $0x2900  }
0xa1: {  	[tilespmem:s21], [sflag:$0x2] =	stream.indirect_vreg.gather [hbm4b:s10+s3], $0x80, v4, vm0, $0xb8;
	[tilespmem:$0x1C900] =	vst v63  }
0xa2: {  	s2 =	simm.s32 $0x3100  }
0xa3: {  	[tilespmem:s2], [sflag:$0x2] =	stream.indirect_vreg.gather [hbm4b:s6+s3], $0x80, v4, vm0, $0xb8;
	[tilespmem:$0x1C900] =	vst v63  }
0xa4: {  	s22 =	simm.s32 $0x3900  }
0xa5: {  	[tilespmem:s22], [sflag:$0x2] =	stream.indirect_vreg.gather [hbm4b:s7+s3], $0x80, v4, vm0, $0xb8;
	[tilespmem:$0x1C900] =	vst v63  }
0xa6: {  	s24 =	simm.s32 $0x4100  }
0xa7: {  	[tilespmem:s24], [sflag:$0x2] =	stream.indirect_vreg.gather [hbm4b:s8+s3], $0x80, v4, vm0, $0xb8;
	[tilespmem:$0x1C900] =	vst v63  }
0xa8: {  	v4 =	vld.msk [tilespmem:$0x810], $0xff;
	_ =	sdelay $0x4  }
0xa9: {  	v35 =	vshll.u32 v4, $0x3  }
0xaa: {  	v4 =	vand.u32 $0x7, v4;
	v5 =	vand.u32 $0xFFFFFFC0, v35  }
0xab: {  	v4 =	vor.u32 v4, v5  }
0xac: {  	v4 =	vperm.xlane v4, v1;
	_ =	sdelay $0x1  }
0xad: {  	v4 =	vadd.s32 v2, v4;
	_ =	sdelay $0x3  }
0xae: {  	s25 =	simm.s32 $0x4900  }
0xaf: {  	[tilespmem:s25], [sflag:$0x3] =	stream.indirect_vreg.gather [hbm4b:s10+s3], $0x80, v4, vm0, $0xb8;
	[tilespmem:$0x1C900] =	vst v63  }
0xb0: {  	s4 =	simm.s32 $0x5100  }
0xb1: {  	[tilespmem:s4], [sflag:$0x3] =	stream.indirect_vreg.gather [hbm4b:s6+s3], $0x80, v4, vm0, $0xb8;
	[tilespmem:$0x1C900] =	vst v63  }
0xb2: {  	s26 =	simm.s32 $0x5900  }
0xb3: {  	[tilespmem:s26], [sflag:$0x3] =	stream.indirect_vreg.gather [hbm4b:s7+s3], $0x80, v4, vm0, $0xb8;
	[tilespmem:$0x1C900] =	vst v63  }
0xb4: {  	s28 =	simm.s32 $0x6100  }
0xb5: {  	[tilespmem:s28], [sflag:$0x3] =	stream.indirect_vreg.gather [hbm4b:s8+s3], $0x80, v4, vm0, $0xb8;
	[tilespmem:$0x1C900] =	vst v63  }
0xb6: {  	v4 =	vld.msk [tilespmem:$0x818], $0xff;
	_ =	sdelay $0x4  }
0xb7: {  	v36 =	vshll.u32 v4, $0x3  }
0xb8: {  	v4 =	vand.u32 $0x7, v4;
	v5 =	vand.u32 $0xFFFFFFC0, v36  }
0xb9: {  	v4 =	vor.u32 v4, v5  }
0xba: {  	v4 =	vperm.xlane v4, v1;
	_ =	sdelay $0x1  }
0xbb: {  	v4 =	vadd.s32 v2, v4;
	_ =	sdelay $0x3  }
0xbc: {  	s29 =	simm.s32 $0x6900  }
0xbd: {  	[tilespmem:s29], [sflag:$0x4] =	stream.indirect_vreg.gather [hbm4b:s10+s3], $0x80, v4, vm0, $0xb8;
	[tilespmem:$0x1C900] =	vst v63  }
0xbe: {  	s30 =	simm.s32 $0x7100  }
0xbf: {  	[tilespmem:s30], [sflag:$0x4] =	stream.indirect_vreg.gather [hbm4b:s6+s3], $0x80, v4, vm0, $0xb8;
	[tilespmem:$0x1C900] =	vst v63  }
0xc0: {  	s9 =	simm.s32 $0x7900  }
0xc1: {  	[tilespmem:s9], [sflag:$0x4] =	stream.indirect_vreg.gather [hbm4b:s7+s3], $0x80, v4, vm0, $0xb8;
	[tilespmem:$0x1C900] =	vst v63  }
0xc2: {  	s12 =	simm.s32 $0x8100  }
0xc3: {  	[tilespmem:s12], [sflag:$0x4] =	stream.indirect_vreg.gather [hbm4b:s8+s3], $0x80, v4, vm0, $0xb8;
	[tilespmem:$0x1C900] =	vst v63  }
0xc4: {  	v4 =	vld.msk [tilespmem:$0x820], $0xff;
	_ =	sdelay $0x4  }
0xc5: {  	v37 =	vshll.u32 v4, $0x3  }
0xc6: {  	v4 =	vand.u32 $0x7, v4;
	v5 =	vand.u32 $0xFFFFFFC0, v37  }
0xc7: {  	v4 =	vor.u32 v4, v5  }
0xc8: {  	v4 =	vperm.xlane v4, v1;
	_ =	sdelay $0x1  }
0xc9: {  	v4 =	vadd.s32 v2, v4;
	_ =	sdelay $0x3  }
0xca: {  	s14 =	simm.s32 $0x8900  }
0xcb: {  	[tilespmem:s14], [sflag:$0x5] =	stream.indirect_vreg.gather [hbm4b:s10+s3], $0x80, v4, vm0, $0xb8;
	[tilespmem:$0x1C900] =	vst v63  }
0xcc: {  	s9 =	simm.s32 $0x9100  }
0xcd: {  	[tilespmem:s9], [sflag:$0x5] =	stream.indirect_vreg.gather [hbm4b:s6+s3], $0x80, v4, vm0, $0xb8;
	[tilespmem:$0x1C900] =	vst v63  }
0xce: {  	s12 =	simm.s32 $0x9900  }
0xcf: {  	[tilespmem:s12], [sflag:$0x5] =	stream.indirect_vreg.gather [hbm4b:s7+s3], $0x80, v4, vm0, $0xb8;
	[tilespmem:$0x1C900] =	vst v63  }
0xd0: {  	s4 =	simm.s32 $0xA100  }
0xd1: {  	[tilespmem:s4], [sflag:$0x5] =	stream.indirect_vreg.gather [hbm4b:s8+s3], $0x80, v4, vm0, $0xb8;
	[tilespmem:$0x1C900] =	vst v63  }
0xd2: {  	v4 =	vld.msk [tilespmem:$0x828], $0xff;
	_ =	sdelay $0x4  }
0xd3: {  	v38 =	vshll.u32 v4, $0x3  }
0xd4: {  	v4 =	vand.u32 $0x7, v4;
	v5 =	vand.u32 $0xFFFFFFC0, v38  }
0xd5: {  	v4 =	vor.u32 v4, v5  }
0xd6: {  	v4 =	vperm.xlane v4, v1;
	_ =	sdelay $0x1  }
0xd7: {  	v4 =	vadd.s32 v2, v4;
	_ =	sdelay $0x3  }
0xd8: {  	s15 =	simm.s32 $0xA900  }
0xd9: {  	[tilespmem:s15], [sflag:$0x6] =	stream.indirect_vreg.gather [hbm4b:s10+s3], $0x80, v4, vm0, $0xb8;
	[tilespmem:$0x1C900] =	vst v63  }
0xda: {  	s30 =	simm.s32 $0xB100  }
0xdb: {  	[tilespmem:s30], [sflag:$0x6] =	stream.indirect_vreg.gather [hbm4b:s6+s3], $0x80, v4, vm0, $0xb8;
	[tilespmem:$0x1C900] =	vst v63  }
0xdc: {  	s19 =	simm.s32 $0xB900  }
0xdd: {  	[tilespmem:s19], [sflag:$0x6] =	stream.indirect_vreg.gather [hbm4b:s7+s3], $0x80, v4, vm0, $0xb8;
	[tilespmem:$0x1C900] =	vst v63  }
0xde: {  	s21 =	simm.s32 $0xC100  }
0xdf: {  	[tilespmem:s21], [sflag:$0x6] =	stream.indirect_vreg.gather [hbm4b:s8+s3], $0x80, v4, vm0, $0xb8;
	[tilespmem:$0x1C900] =	vst v63  }
0xe0: {  	v4 =	vld.msk [tilespmem:$0x830], $0xff;
	_ =	sdelay $0x4  }
0xe1: {  	v39 =	vshll.u32 v4, $0x3  }
0xe2: {  	v4 =	vand.u32 $0x7, v4;
	v5 =	vand.u32 $0xFFFFFFC0, v39  }
0xe3: {  	v4 =	vor.u32 v4, v5  }
0xe4: {  	v4 =	vperm.xlane v4, v1;
	_ =	sdelay $0x1  }
0xe5: {  	v4 =	vadd.s32 v2, v4;
	_ =	sdelay $0x3  }
0xe6: {  	s16 =	simm.s32 $0xC900  }
0xe7: {  	[tilespmem:s16], [sflag:$0x7] =	stream.indirect_vreg.gather [hbm4b:s10+s3], $0x80, v4, vm0, $0xb8;
	[tilespmem:$0x1C900] =	vst v63  }
0xe8: {  	s26 =	simm.s32 $0xD100  }
0xe9: {  	[tilespmem:s26], [sflag:$0x7] =	stream.indirect_vreg.gather [hbm4b:s6+s3], $0x80, v4, vm0, $0xb8;
	[tilespmem:$0x1C900] =	vst v63  }
0xea: {  	s28 =	simm.s32 $0xD900  }
0xeb: {  	[tilespmem:s28], [sflag:$0x7] =	stream.indirect_vreg.gather [hbm4b:s7+s3], $0x80, v4, vm0, $0xb8;
	[tilespmem:$0x1C900] =	vst v63  }
0xec: {  	s29 =	simm.s32 $0xE100  }
0xed: {  	[tilespmem:s29], [sflag:$0x7] =	stream.indirect_vreg.gather [hbm4b:s8+s3], $0x80, v4, vm0, $0xb8;
	[tilespmem:$0x1C900] =	vst v63  }
0xee: {  	v4 =	vld.msk [tilespmem:$0x838], $0xff;
	_ =	sdelay $0x4  }
0xef: {  	v40 =	vshll.u32 v4, $0x3  }
0xf0: {  	v4 =	vand.u32 $0x7, v4;
	v5 =	vand.u32 $0xFFFFFFC0, v40  }
0xf1: {  	v4 =	vor.u32 v4, v5  }
0xf2: {  	v4 =	vperm.xlane v4, v1;
	_ =	sdelay $0x1  }
0xf3: {  	v4 =	vadd.s32 v2, v4;
	_ =	sdelay $0x3  }
0xf4: {  	s17 =	simm.s32 $0xE900  }
0xf5: {  	[tilespmem:s17], [sflag:$0x8] =	stream.indirect_vreg.gather [hbm4b:s10+s3], $0x80, v4, vm0, $0xb8;
	[tilespmem:$0x1C900] =	vst v63  }
0xf6: {  	s17 =	simm.s32 $0xF100  }
0xf7: {  	[tilespmem:s17], [sflag:$0x8] =	stream.indirect_vreg.gather [hbm4b:s6+s3], $0x80, v4, vm0, $0xb8;
	[tilespmem:$0x1C900] =	vst v63  }
0xf8: {  	s15 =	simm.s32 $0xF900  }
0xf9: {  	[tilespmem:s15], [sflag:$0x8] =	stream.indirect_vreg.gather [hbm4b:s7+s3], $0x80, v4, vm0, $0xb8;
	[tilespmem:$0x1C900] =	vst v63  }
0xfa: {  	s16 =	simm.s32 $0x10100  }
0xfb: {  	[tilespmem:s16], [sflag:$0x8] =	stream.indirect_vreg.gather [hbm4b:s8+s3], $0x80, v4, vm0, $0xb8;
	[tilespmem:$0x1C900] =	vst v63  }
0xfc: {  	v4 =	vld.msk [tilespmem:$0x840], $0xff;
	_ =	sdelay $0x4  }
0xfd: {  	v41 =	vshll.u32 v4, $0x3  }
0xfe: {  	v4 =	vand.u32 $0x7, v4;
	v5 =	vand.u32 $0xFFFFFFC0, v41  }
0xff: {  	v4 =	vor.u32 v4, v5  }
0x100: {  	v4 =	vperm.xlane v4, v1;
	_ =	sdelay $0x1  }
0x101: {  	v4 =	vadd.s32 v2, v4;
	_ =	sdelay $0x3  }
0x102: {  	s14 =	simm.s32 $0x10900  }
0x103: {  	[tilespmem:s14], [sflag:$0x9] =	stream.indirect_vreg.gather [hbm4b:s10+s3], $0x80, v4, vm0, $0xb8;
	[tilespmem:$0x1C900] =	vst v63  }
0x104: {  	s14 =	simm.s32 $0x11100  }
0x105: {  	[tilespmem:s14], [sflag:$0x9] =	stream.indirect_vreg.gather [hbm4b:s6+s3], $0x80, v4, vm0, $0xb8;
	[tilespmem:$0x1C900] =	vst v63  }
0x106: {  	s14 =	simm.s32 $0x11900  }
0x107: {  	[tilespmem:s14], [sflag:$0x9] =	stream.indirect_vreg.gather [hbm4b:s7+s3], $0x80, v4, vm0, $0xb8;
	[tilespmem:$0x1C900] =	vst v63  }
0x108: {  	s14 =	simm.s32 $0x12100  }
0x109: {  	[tilespmem:s14], [sflag:$0x9] =	stream.indirect_vreg.gather [hbm4b:s8+s3], $0x80, v4, vm0, $0xb8;
	[tilespmem:$0x1C900] =	vst v63  }
0x10a: {  	v4 =	vld.msk [tilespmem:$0x848], $0xff;
	_ =	sdelay $0x4  }
0x10b: {  	v42 =	vshll.u32 v4, $0x3  }
0x10c: {  	v4 =	vand.u32 $0x7, v4;
	v5 =	vand.u32 $0xFFFFFFC0, v42  }
0x10d: {  	v4 =	vor.u32 v4, v5  }
0x10e: {  	v4 =	vperm.xlane v4, v1;
	_ =	sdelay $0x1  }
0x10f: {  	v4 =	vadd.s32 v2, v4;
	_ =	sdelay $0x3  }
0x110: {  	s14 =	simm.s32 $0x12900  }
0x111: {  	[tilespmem:s14], [sflag:$0xA] =	stream.indirect_vreg.gather [hbm4b:s10+s3], $0x80, v4, vm0, $0xb8;
	[tilespmem:$0x1C900] =	vst v63  }
0x112: {  	s14 =	simm.s32 $0x13100  }
0x113: {  	[tilespmem:s14], [sflag:$0xA] =	stream.indirect_vreg.gather [hbm4b:s6+s3], $0x80, v4, vm0, $0xb8;
	[tilespmem:$0x1C900] =	vst v63  }
0x114: {  	s14 =	simm.s32 $0x13900  }
0x115: {  	[tilespmem:s14], [sflag:$0xA] =	stream.indirect_vreg.gather [hbm4b:s7+s3], $0x80, v4, vm0, $0xb8;
	[tilespmem:$0x1C900] =	vst v63  }
0x116: {  	s14 =	simm.s32 $0x14100  }
0x117: {  	[tilespmem:s14], [sflag:$0xA] =	stream.indirect_vreg.gather [hbm4b:s8+s3], $0x80, v4, vm0, $0xb8;
	[tilespmem:$0x1C900] =	vst v63  }
0x118: {  	v4 =	vld.msk [tilespmem:$0x850], $0xff;
	_ =	sdelay $0x4  }
0x119: {  	v43 =	vshll.u32 v4, $0x3  }
0x11a: {  	v4 =	vand.u32 $0x7, v4;
	v5 =	vand.u32 $0xFFFFFFC0, v43  }
0x11b: {  	v4 =	vor.u32 v4, v5  }
0x11c: {  	v4 =	vperm.xlane v4, v1;
	_ =	sdelay $0x1  }
0x11d: {  	v4 =	vadd.s32 v2, v4;
	_ =	sdelay $0x3  }
0x11e: {  	s14 =	simm.s32 $0x14900  }
0x11f: {  	[tilespmem:s14], [sflag:$0xB] =	stream.indirect_vreg.gather [hbm4b:s10+s3], $0x80, v4, vm0, $0xb8;
	[tilespmem:$0x1C900] =	vst v63  }
0x120: {  	s14 =	simm.s32 $0x15100  }
0x121: {  	[tilespmem:s14], [sflag:$0xB] =	stream.indirect_vreg.gather [hbm4b:s6+s3], $0x80, v4, vm0, $0xb8;
	[tilespmem:$0x1C900] =	vst v63  }
0x122: {  	s14 =	simm.s32 $0x15900  }
0x123: {  	[tilespmem:s14], [sflag:$0xB] =	stream.indirect_vreg.gather [hbm4b:s7+s3], $0x80, v4, vm0, $0xb8;
	[tilespmem:$0x1C900] =	vst v63  }
0x124: {  	s14 =	simm.s32 $0x16100  }
0x125: {  	[tilespmem:s14], [sflag:$0xB] =	stream.indirect_vreg.gather [hbm4b:s8+s3], $0x80, v4, vm0, $0xb8;
	[tilespmem:$0x1C900] =	vst v63  }
0x126: {  	v4 =	vld.msk [tilespmem:$0x858], $0xff;
	_ =	sdelay $0x4  }
0x127: {  	v44 =	vshll.u32 v4, $0x3  }
0x128: {  	v4 =	vand.u32 $0x7, v4;
	v5 =	vand.u32 $0xFFFFFFC0, v44  }
0x129: {  	v4 =	vor.u32 v4, v5  }
0x12a: {  	v4 =	vperm.xlane v4, v1;
	_ =	sdelay $0x1  }
0x12b: {  	v4 =	vadd.s32 v2, v4;
	_ =	sdelay $0x3  }
0x12c: {  	s14 =	simm.s32 $0x16900  }
0x12d: {  	[tilespmem:s14], [sflag:$0xC] =	stream.indirect_vreg.gather [hbm4b:s10+s3], $0x80, v4, vm0, $0xb8;
	[tilespmem:$0x1C900] =	vst v63  }
0x12e: {  	s14 =	simm.s32 $0x17100  }
0x12f: {  	[tilespmem:s14], [sflag:$0xC] =	stream.indirect_vreg.gather [hbm4b:s6+s3], $0x80, v4, vm0, $0xb8;
	[tilespmem:$0x1C900] =	vst v63  }
0x130: {  	s14 =	simm.s32 $0x17900  }
0x131: {  	[tilespmem:s14], [sflag:$0xC] =	stream.indirect_vreg.gather [hbm4b:s7+s3], $0x80, v4, vm0, $0xb8;
	[tilespmem:$0x1C900] =	vst v63  }
0x132: {  	s14 =	simm.s32 $0x18100  }
0x133: {  	[tilespmem:s14], [sflag:$0xC] =	stream.indirect_vreg.gather [hbm4b:s8+s3], $0x80, v4, vm0, $0xb8;
	[tilespmem:$0x1C900] =	vst v63  }
0x134: {  	v4 =	vld.msk [tilespmem:$0x860], $0xff;
	_ =	sdelay $0x4  }
0x135: {  	v45 =	vshll.u32 v4, $0x3  }
0x136: {  	v4 =	vand.u32 $0x7, v4;
	v5 =	vand.u32 $0xFFFFFFC0, v45  }
0x137: {  	v4 =	vor.u32 v4, v5  }
0x138: {  	v4 =	vperm.xlane v4, v1;
	_ =	sdelay $0x1  }
0x139: {  	v4 =	vadd.s32 v2, v4;
	_ =	sdelay $0x3  }
0x13a: {  	s14 =	simm.s32 $0x18900  }
0x13b: {  	[tilespmem:s14], [sflag:$0xD] =	stream.indirect_vreg.gather [hbm4b:s10+s3], $0x80, v4, vm0, $0xb8;
	[tilespmem:$0x1C900] =	vst v63  }
0x13c: {  	s14 =	simm.s32 $0x19100  }
0x13d: {  	[tilespmem:s14], [sflag:$0xD] =	stream.indirect_vreg.gather [hbm4b:s6+s3], $0x80, v4, vm0, $0xb8;
	[tilespmem:$0x1C900] =	vst v63  }
0x13e: {  	s14 =	simm.s32 $0x19900  }
0x13f: {  	[tilespmem:s14], [sflag:$0xD] =	stream.indirect_vreg.gather [hbm4b:s7+s3], $0x80, v4, vm0, $0xb8;
	[tilespmem:$0x1C900] =	vst v63  }
0x140: {  	s14 =	simm.s32 $0x1A100  }
0x141: {  	[tilespmem:s14], [sflag:$0xD] =	stream.indirect_vreg.gather [hbm4b:s8+s3], $0x80, v4, vm0, $0xb8;
	[tilespmem:$0x1C900] =	vst v63  }
0x142: {  	v4 =	vld.msk [tilespmem:$0x868], $0xff;
	_ =	sdelay $0x4  }
0x143: {  	(v2sf) =	vpush v3, $0xF;
	v3 =	vshll.u32 v4, $0x3  }
0x144: {  	v4 =	vand.u32 $0x7, v4;
	v3 =	vand.u32 $0xFFFFFFC0, v3  }
0x145: {  	v3 =	vor.u32 v4, v3  }
0x146: {  	v3 =	vperm.xlane v3, v1;
	_ =	sdelay $0x1  }
0x147: {  	v3 =	vadd.s32 v2, v3;
	_ =	sdelay $0x3  }
0x148: {  	s14 =	simm.s32 $0x1A900  }
0x149: {  	[tilespmem:s14], [sflag:$0xE] =	stream.indirect_vreg.gather [hbm4b:s10+s3], $0x80, v3, vm0, $0xb8;
	[tilespmem:$0x1C900] =	vst v63  }
0x14a: {  	s14 =	simm.s32 $0x1B100  }
0x14b: {  	[tilespmem:s14], [sflag:$0xE] =	stream.indirect_vreg.gather [hbm4b:s6+s3], $0x80, v3, vm0, $0xb8;
	[tilespmem:$0x1C900] =	vst v63  }
0x14c: {  	s14 =	simm.s32 $0x1B900  }
0x14d: {  	[tilespmem:s14], [sflag:$0xE] =	stream.indirect_vreg.gather [hbm4b:s7+s3], $0x80, v3, vm0, $0xb8;
	[tilespmem:$0x1C900] =	vst v63  }
0x14e: {  	s14 =	spop (v2sf)  }
0x14f: {  	s14 =	simm.s32 $0x1C100  }
0x150: {  	[tilespmem:s14], [sflag:$0xE] =	stream.indirect_vreg.gather [hbm4b:s8+s3], $0x80, v3, vm0, $0xb8;
	[tilespmem:$0x1C900] =	vst v63  }
0x151: {  	s14 =	simm.s32 $0x1  }
0x152: {  	_ =	swait.ge [sflag:s14], $0x2000  }
0x153: {  	[sflag:s14] =	ssyncset.done $0x0  }
0x154: {  	s0 =	simm.s32 $0x900;
	[sflag:s14] =	ssyncadd.s32 $0xFFFFE000;
	s14 =	rddreg [dreg:$0x5]  }
0x155: {  	[hbm4b:s14+s3] =	stream.linear.scatter [tilespmem:s0], [sflag:$0xF], $0x2000, $0x38;
	[tilespmem:$0x1C900] =	vst v63  }
0x156: {  	s14 =	simm.s32 $0xF  }
0x157: {  	_ =	swait.ge [sflag:s14], $0x2000  }
0x158: {  	[sflag:s14] =	ssyncset.done $0x0  }
0x159: {  	[sflag:s14] =	ssyncadd.s32 $0xFFFFE000  }
0x15a: {  	v3 =	vld.msk [tilespmem:$0x870], $0xff;
	_ =	sdelay $0x4  }
0x15b: {  	v46 =	vshll.u32 v3, $0x3  }
0x15c: {  	v3 =	vand.u32 $0x7, v3;
	v4 =	vand.u32 $0xFFFFFFC0, v46  }
0x15d: {  	v3 =	vor.u32 v3, v4  }
0x15e: {  	v3 =	vperm.xlane v3, v1;
	_ =	sdelay $0x1  }
0x15f: {  	v3 =	vadd.s32 v2, v3;
	_ =	sdelay $0x4  }
0x160: {  	[tilespmem:s0], [sflag:$0x1] =	stream.indirect_vreg.gather [hbm4b:s10+s3], $0x80, v3, vm0, $0xb8;
	[tilespmem:$0x1C900] =	vst v63  }
0x161: {  	s20 =	simm.s32 $0x1100  }
0x162: {  	[tilespmem:s20], [sflag:$0x1] =	stream.indirect_vreg.gather [hbm4b:s6+s3], $0x80, v3, vm0, $0xb8;
	[tilespmem:$0x1C900] =	vst v63  }
0x163: {  	s18 =	simm.s32 $0x1900  }
0x164: {  	[tilespmem:s18], [sflag:$0x1] =	stream.indirect_vreg.gather [hbm4b:s7+s3], $0x80, v3, vm0, $0xb8;
	[tilespmem:$0x1C900] =	vst v63  }
0x165: {  	s13 =	simm.s32 $0x2100;
	s14 =	simm.s32 $0x2  }
0x166: {  	[tilespmem:s13], [sflag:$0x1] =	stream.indirect_vreg.gather [hbm4b:s8+s3], $0x80, v3, vm0, $0xb8;
	[tilespmem:$0x1C900] =	vst v63  }
0x167: {  	_ =	swait.ge [sflag:s14], $0x2000  }
0x168: {  	s1 =	simm.s32 $0x2900;
	[sflag:s14] =	ssyncset.done $0x0  }
0x169: {  	s20 =	simm.s32 $0x10;
	s18 =	rddreg [dreg:$0x6];
	[sflag:s14] =	ssyncadd.s32 $0xFFFFE000  }
0x16a: {  	[hbm4b:s18+s3] =	stream.linear.scatter [tilespmem:s1], [sflag:$0x10], $0x2000, $0x38;
	[tilespmem:$0x1C900] =	vst v63  }
0x16b: {  	_ =	swait.ge [sflag:s20], $0x2000  }
0x16c: {  	[sflag:s20] =	ssyncset.done $0x0  }
0x16d: {  	[sflag:s20] =	ssyncadd.s32 $0xFFFFE000  }
0x16e: {  	v3 =	vld.msk [tilespmem:$0x878], $0xff;
	_ =	sdelay $0x4  }
0x16f: {  	v47 =	vshll.u32 v3, $0x3  }
0x170: {  	v3 =	vand.u32 $0x7, v3;
	v4 =	vand.u32 $0xFFFFFFC0, v47  }
0x171: {  	v3 =	vor.u32 v3, v4  }
0x172: {  	v3 =	vperm.xlane v3, v1;
	_ =	sdelay $0x1  }
0x173: {  	v3 =	vadd.s32 v2, v3;
	_ =	sdelay $0x4  }
0x174: {  	[tilespmem:s1], [sflag:$0x2] =	stream.indirect_vreg.gather [hbm4b:s10+s3], $0x80, v3, vm0, $0xb8;
	[tilespmem:$0x1C900] =	vst v63  }
0x175: {  	s23 =	simm.s32 $0x3100  }
0x176: {  	[tilespmem:s23], [sflag:$0x2] =	stream.indirect_vreg.gather [hbm4b:s6+s3], $0x80, v3, vm0, $0xb8;
	[tilespmem:$0x1C900] =	vst v63  }
0x177: {  	s31 =	simm.s32 $0x3900  }
0x178: {  	[tilespmem:s31], [sflag:$0x2] =	stream.indirect_vreg.gather [hbm4b:s7+s3], $0x80, v3, vm0, $0xb8;
	[tilespmem:$0x1C900] =	vst v63  }
0x179: {  	s22 =	simm.s32 $0x4100;
	s31 =	simm.s32 $0x3  }
0x17a: {  	[tilespmem:s22], [sflag:$0x2] =	stream.indirect_vreg.gather [hbm4b:s8+s3], $0x80, v3, vm0, $0xb8;
	[tilespmem:$0x1C900] =	vst v63  }
0x17b: {  	_ =	swait.ge [sflag:s31], $0x2000  }
0x17c: {  	s2 =	simm.s32 $0x4900;
	[sflag:s31] =	ssyncset.done $0x0  }
0x17d: {  	s13 =	simm.s32 $0x11;
	s1 =	rddreg [dreg:$0x7];
	[sflag:s31] =	ssyncadd.s32 $0xFFFFE000  }
0x17e: {  	[hbm4b:s1+s3] =	stream.linear.scatter [tilespmem:s2], [sflag:$0x11], $0x2000, $0x38;
	[tilespmem:$0x1C900] =	vst v63  }
0x17f: {  	_ =	swait.ge [sflag:s13], $0x2000  }
0x180: {  	[sflag:s13] =	ssyncset.done $0x0  }
0x181: {  	[sflag:s13] =	ssyncadd.s32 $0xFFFFE000  }
0x182: {  	v3 =	vld.msk [tilespmem:$0x880], $0xff;
	_ =	sdelay $0x4  }
0x183: {  	v48 =	vshll.u32 v3, $0x3  }
0x184: {  	v3 =	vand.u32 $0x7, v3;
	v4 =	vand.u32 $0xFFFFFFC0, v48  }
0x185: {  	v3 =	vor.u32 v3, v4  }
0x186: {  	v3 =	vperm.xlane v3, v1;
	_ =	sdelay $0x1  }
0x187: {  	v3 =	vadd.s32 v2, v3;
	_ =	sdelay $0x4  }
0x188: {  	[tilespmem:s2], [sflag:$0x3] =	stream.indirect_vreg.gather [hbm4b:s10+s3], $0x80, v3, vm0, $0xb8;
	[tilespmem:$0x1C900] =	vst v63  }
0x189: {  	s24 =	simm.s32 $0x5100  }
0x18a: {  	[tilespmem:s24], [sflag:$0x3] =	stream.indirect_vreg.gather [hbm4b:s6+s3], $0x80, v3, vm0, $0xb8;
	[tilespmem:$0x1C900] =	vst v63  }
0x18b: {  	s14 =	simm.s32 $0x5900  }
0x18c: {  	[tilespmem:s14], [sflag:$0x3] =	stream.indirect_vreg.gather [hbm4b:s7+s3], $0x80, v3, vm0, $0xb8;
	[tilespmem:$0x1C900] =	vst v63  }
0x18d: {  	s25 =	simm.s32 $0x6100;
	s23 =	simm.s32 $0x4  }
0x18e: {  	[tilespmem:s25], [sflag:$0x3] =	stream.indirect_vreg.gather [hbm4b:s8+s3], $0x80, v3, vm0, $0xb8;
	[tilespmem:$0x1C900] =	vst v63  }
0x18f: {  	_ =	swait.ge [sflag:s23], $0x2000  }
0x190: {  	s11 =	simm.s32 $0x6900;
	[sflag:s23] =	ssyncset.done $0x0  }
0x191: {  	s20 =	simm.s32 $0x12;
	s18 =	rddreg [dreg:$0x8];
	[sflag:s23] =	ssyncadd.s32 $0xFFFFE000  }
0x192: {  	[hbm4b:s18+s3] =	stream.linear.scatter [tilespmem:s11], [sflag:$0x12], $0x2000, $0x38;
	[tilespmem:$0x1C900] =	vst v63  }
0x193: {  	_ =	swait.ge [sflag:s20], $0x2000  }
0x194: {  	[sflag:s20] =	ssyncset.done $0x0  }
0x195: {  	[sflag:s20] =	ssyncadd.s32 $0xFFFFE000  }
0x196: {  	v3 =	vld.msk [tilespmem:$0x888], $0xff;
	_ =	sdelay $0x4  }
0x197: {  	v49 =	vshll.u32 v3, $0x3  }
0x198: {  	v3 =	vand.u32 $0x7, v3;
	v4 =	vand.u32 $0xFFFFFFC0, v49  }
0x199: {  	v3 =	vor.u32 v3, v4  }
0x19a: {  	v3 =	vperm.xlane v3, v1;
	_ =	sdelay $0x1  }
0x19b: {  	v3 =	vadd.s32 v2, v3;
	_ =	sdelay $0x4  }
0x19c: {  	[tilespmem:s11], [sflag:$0x4] =	stream.indirect_vreg.gather [hbm4b:s10+s3], $0x80, v3, vm0, $0xb8;
	[tilespmem:$0x1C900] =	vst v63  }
0x19d: {  	s22 =	simm.s32 $0x7100  }
0x19e: {  	[tilespmem:s22], [sflag:$0x4] =	stream.indirect_vreg.gather [hbm4b:s6+s3], $0x80, v3, vm0, $0xb8;
	[tilespmem:$0x1C900] =	vst v63  }
0x19f: {  	s24 =	simm.s32 $0x7900  }
0x1a0: {  	[tilespmem:s24], [sflag:$0x4] =	stream.indirect_vreg.gather [hbm4b:s7+s3], $0x80, v3, vm0, $0xb8;
	[tilespmem:$0x1C900] =	vst v63  }
0x1a1: {  	s31 =	simm.s32 $0x5;
	s25 =	simm.s32 $0x8100  }
0x1a2: {  	[tilespmem:s25], [sflag:$0x4] =	stream.indirect_vreg.gather [hbm4b:s8+s3], $0x80, v3, vm0, $0xb8;
	[tilespmem:$0x1C900] =	vst v63  }
0x1a3: {  	_ =	swait.ge [sflag:s31], $0x2000  }
0x1a4: {  	s2 =	simm.s32 $0x8900;
	[sflag:s31] =	ssyncset.done $0x0  }
0x1a5: {  	s11 =	simm.s32 $0x13;
	s1 =	rddreg [dreg:$0x9];
	[sflag:s31] =	ssyncadd.s32 $0xFFFFE000  }
0x1a6: {  	[hbm4b:s1+s3] =	stream.linear.scatter [tilespmem:s2], [sflag:$0x13], $0x2000, $0x38;
	[tilespmem:$0x1C900] =	vst v63  }
0x1a7: {  	_ =	swait.ge [sflag:s11], $0x2000  }
0x1a8: {  	[sflag:s11] =	ssyncset.done $0x0  }
0x1a9: {  	[sflag:s11] =	ssyncadd.s32 $0xFFFFE000  }
0x1aa: {  	v3 =	vld.msk [tilespmem:$0x890], $0xff;
	_ =	sdelay $0x4  }
0x1ab: {  	v50 =	vshll.u32 v3, $0x3  }
0x1ac: {  	v3 =	vand.u32 $0x7, v3;
	v4 =	vand.u32 $0xFFFFFFC0, v50  }
0x1ad: {  	v3 =	vor.u32 v3, v4  }
0x1ae: {  	v3 =	vperm.xlane v3, v1;
	_ =	sdelay $0x1  }
0x1af: {  	v3 =	vadd.s32 v2, v3;
	_ =	sdelay $0x4  }
0x1b0: {  	[tilespmem:s2], [sflag:$0x5] =	stream.indirect_vreg.gather [hbm4b:s10+s3], $0x80, v3, vm0, $0xb8;
	[tilespmem:$0x1C900] =	vst v63  }
0x1b1: {  	_ = 	snop  }
0x1b2: {  	[tilespmem:s9], [sflag:$0x5] =	stream.indirect_vreg.gather [hbm4b:s6+s3], $0x80, v3, vm0, $0xb8;
	[tilespmem:$0x1C900] =	vst v63  }
0x1b3: {  	_ = 	snop  }
0x1b4: {  	[tilespmem:s12], [sflag:$0x5] =	stream.indirect_vreg.gather [hbm4b:s7+s3], $0x80, v3, vm0, $0xb8;
	[tilespmem:$0x1C900] =	vst v63  }
0x1b5: {  	s18 =	simm.s32 $0x6  }
0x1b6: {  	[tilespmem:s4], [sflag:$0x5] =	stream.indirect_vreg.gather [hbm4b:s8+s3], $0x80, v3, vm0, $0xb8;
	[tilespmem:$0x1C900] =	vst v63  }
0x1b7: {  	_ =	swait.ge [sflag:s18], $0x2000  }
0x1b8: {  	s13 =	simm.s32 $0xA900;
	[sflag:s18] =	ssyncset.done $0x0  }
0x1b9: {  	s20 =	simm.s32 $0x14;
	s12 =	rddreg [dreg:$0xa];
	[sflag:s18] =	ssyncadd.s32 $0xFFFFE000  }
0x1ba: {  	[hbm4b:s12+s3] =	stream.linear.scatter [tilespmem:s13], [sflag:$0x14], $0x2000, $0x38;
	[tilespmem:$0x1C900] =	vst v63  }
0x1bb: {  	_ =	swait.ge [sflag:s20], $0x2000  }
0x1bc: {  	[sflag:s20] =	ssyncset.done $0x0  }
0x1bd: {  	[sflag:s20] =	ssyncadd.s32 $0xFFFFE000  }
0x1be: {  	v3 =	vld.msk [tilespmem:$0x898], $0xff;
	_ =	sdelay $0x4  }
0x1bf: {  	v51 =	vshll.u32 v3, $0x3  }
0x1c0: {  	v3 =	vand.u32 $0x7, v3;
	v4 =	vand.u32 $0xFFFFFFC0, v51  }
0x1c1: {  	v3 =	vor.u32 v3, v4  }
0x1c2: {  	v3 =	vperm.xlane v3, v1;
	_ =	sdelay $0x1  }
0x1c3: {  	v3 =	vadd.s32 v2, v3;
	_ =	sdelay $0x4  }
0x1c4: {  	[tilespmem:s13], [sflag:$0x6] =	stream.indirect_vreg.gather [hbm4b:s10+s3], $0x80, v3, vm0, $0xb8;
	[tilespmem:$0x1C900] =	vst v63  }
0x1c5: {  	_ = 	snop  }
0x1c6: {  	[tilespmem:s30], [sflag:$0x6] =	stream.indirect_vreg.gather [hbm4b:s6+s3], $0x80, v3, vm0, $0xb8;
	[tilespmem:$0x1C900] =	vst v63  }
0x1c7: {  	_ = 	snop  }
0x1c8: {  	[tilespmem:s19], [sflag:$0x6] =	stream.indirect_vreg.gather [hbm4b:s7+s3], $0x80, v3, vm0, $0xb8;
	[tilespmem:$0x1C900] =	vst v63  }
0x1c9: {  	s12 =	simm.s32 $0x7  }
0x1ca: {  	[tilespmem:s21], [sflag:$0x6] =	stream.indirect_vreg.gather [hbm4b:s8+s3], $0x80, v3, vm0, $0xb8;
	[tilespmem:$0x1C900] =	vst v63  }
0x1cb: {  	_ =	swait.ge [sflag:s12], $0x2000  }
0x1cc: {  	[sflag:s12] =	ssyncset.done $0x0  }
0x1cd: {  	s21 =	simm.s32 $0xC900;
	s19 =	rddreg [dreg:$0xb];
	[sflag:s12] =	ssyncadd.s32 $0xFFFFE000  }
0x1ce: {  	[hbm4b:s19+s3] =	stream.linear.scatter [tilespmem:s21], [sflag:$0x15], $0x2000, $0x38;
	[tilespmem:$0x1C900] =	vst v63  }
0x1cf: {  	s19 =	simm.s32 $0x15  }
0x1d0: {  	_ =	swait.ge [sflag:s19], $0x2000  }
0x1d1: {  	[sflag:s19] =	ssyncset.done $0x0  }
0x1d2: {  	[sflag:s19] =	ssyncadd.s32 $0xFFFFE000  }
0x1d3: {  	v3 =	vld.msk [tilespmem:$0x8A0], $0xff;
	_ =	sdelay $0x4  }
0x1d4: {  	v52 =	vshll.u32 v3, $0x3  }
0x1d5: {  	v3 =	vand.u32 $0x7, v3;
	v4 =	vand.u32 $0xFFFFFFC0, v52  }
0x1d6: {  	v3 =	vor.u32 v3, v4  }
0x1d7: {  	v3 =	vperm.xlane v3, v1;
	_ =	sdelay $0x1  }
0x1d8: {  	v3 =	vadd.s32 v2, v3;
	_ =	sdelay $0x4  }
0x1d9: {  	[tilespmem:s21], [sflag:$0x7] =	stream.indirect_vreg.gather [hbm4b:s10+s3], $0x80, v3, vm0, $0xb8;
	[tilespmem:$0x1C900] =	vst v63  }
0x1da: {  	_ = 	snop  }
0x1db: {  	[tilespmem:s26], [sflag:$0x7] =	stream.indirect_vreg.gather [hbm4b:s6+s3], $0x80, v3, vm0, $0xb8;
	[tilespmem:$0x1C900] =	vst v63  }
0x1dc: {  	_ = 	snop  }
0x1dd: {  	[tilespmem:s28], [sflag:$0x7] =	stream.indirect_vreg.gather [hbm4b:s7+s3], $0x80, v3, vm0, $0xb8;
	[tilespmem:$0x1C900] =	vst v63  }
0x1de: {  	s21 =	simm.s32 $0x8  }
0x1df: {  	[tilespmem:s29], [sflag:$0x7] =	stream.indirect_vreg.gather [hbm4b:s8+s3], $0x80, v3, vm0, $0xb8;
	[tilespmem:$0x1C900] =	vst v63  }
0x1e0: {  	_ =	swait.ge [sflag:s21], $0x2000  }
0x1e1: {  	s24 =	simm.s32 $0xE900;
	[sflag:s21] =	ssyncset.done $0x0  }
0x1e2: {  	s26 =	simm.s32 $0x16;
	s22 =	rddreg [dreg:$0xc];
	[sflag:s21] =	ssyncadd.s32 $0xFFFFE000  }
0x1e3: {  	[hbm4b:s22+s3] =	stream.linear.scatter [tilespmem:s24], [sflag:$0x16], $0x2000, $0x38;
	[tilespmem:$0x1C900] =	vst v63  }
0x1e4: {  	_ =	swait.ge [sflag:s26], $0x2000  }
0x1e5: {  	[sflag:s26] =	ssyncset.done $0x0  }
0x1e6: {  	[sflag:s26] =	ssyncadd.s32 $0xFFFFE000  }
0x1e7: {  	v3 =	vld.msk [tilespmem:$0x8A8], $0xff;
	_ =	sdelay $0x4  }
0x1e8: {  	v53 =	vshll.u32 v3, $0x3  }
0x1e9: {  	v3 =	vand.u32 $0x7, v3;
	v4 =	vand.u32 $0xFFFFFFC0, v53  }
0x1ea: {  	v3 =	vor.u32 v3, v4  }
0x1eb: {  	v3 =	vperm.xlane v3, v1;
	_ =	sdelay $0x1  }
0x1ec: {  	v3 =	vadd.s32 v2, v3;
	_ =	sdelay $0x4  }
0x1ed: {  	[tilespmem:s24], [sflag:$0x8] =	stream.indirect_vreg.gather [hbm4b:s10+s3], $0x80, v3, vm0, $0xb8;
	[tilespmem:$0x1C900] =	vst v63  }
0x1ee: {  	_ = 	snop  }
0x1ef: {  	[tilespmem:s17], [sflag:$0x8] =	stream.indirect_vreg.gather [hbm4b:s6+s3], $0x80, v3, vm0, $0xb8;
	[tilespmem:$0x1C900] =	vst v63  }
0x1f0: {  	_ = 	snop  }
0x1f1: {  	[tilespmem:s15], [sflag:$0x8] =	stream.indirect_vreg.gather [hbm4b:s7+s3], $0x80, v3, vm0, $0xb8;
	[tilespmem:$0x1C900] =	vst v63  }
0x1f2: {  	s15 =	simm.s32 $0x9  }
0x1f3: {  	[tilespmem:s16], [sflag:$0x8] =	stream.indirect_vreg.gather [hbm4b:s8+s3], $0x80, v3, vm0, $0xb8;
	[tilespmem:$0x1C900] =	vst v63  }
0x1f4: {  	_ =	swait.ge [sflag:s15], $0x2000  }
0x1f5: {  	s28 =	simm.s32 $0x10900;
	[sflag:s15] =	ssyncset.done $0x0  }
0x1f6: {  	s16 =	simm.s32 $0x17;
	s25 =	rddreg [dreg:$0xd];
	[sflag:s15] =	ssyncadd.s32 $0xFFFFE000  }
0x1f7: {  	[hbm4b:s25+s3] =	stream.linear.scatter [tilespmem:s28], [sflag:$0x17], $0x2000, $0x38;
	[tilespmem:$0x1C900] =	vst v63  }
0x1f8: {  	_ =	swait.ge [sflag:s16], $0x2000  }
0x1f9: {  	[sflag:s16] =	ssyncset.done $0x0  }
0x1fa: {  	[sflag:s16] =	ssyncadd.s32 $0xFFFFE000  }
0x1fb: {  	v3 =	vld.msk [tilespmem:$0x8B0], $0xff;
	_ =	sdelay $0x4  }
0x1fc: {  	v54 =	vshll.u32 v3, $0x3  }
0x1fd: {  	v3 =	vand.u32 $0x7, v3;
	v4 =	vand.u32 $0xFFFFFFC0, v54  }
0x1fe: {  	v3 =	vor.u32 v3, v4  }
0x1ff: {  	v3 =	vperm.xlane v3, v1;
	_ =	sdelay $0x1  }
0x200: {  	v3 =	vadd.s32 v2, v3;
	_ =	sdelay $0x4  }
0x201: {  	[tilespmem:s28], [sflag:$0x9] =	stream.indirect_vreg.gather [hbm4b:s10+s3], $0x80, v3, vm0, $0xb8;
	[tilespmem:$0x1C900] =	vst v63  }
0x202: {  	s29 =	simm.s32 $0x11100  }
0x203: {  	[tilespmem:s29], [sflag:$0x9] =	stream.indirect_vreg.gather [hbm4b:s6+s3], $0x80, v3, vm0, $0xb8;
	[tilespmem:$0x1C900] =	vst v63  }
0x204: {  	s30 =	simm.s32 $0x11900  }
0x205: {  	[tilespmem:s30], [sflag:$0x9] =	stream.indirect_vreg.gather [hbm4b:s7+s3], $0x80, v3, vm0, $0xb8;
	[tilespmem:$0x1C900] =	vst v63  }
0x206: {  	s31 =	simm.s32 $0x12100;
	s17 =	simm.s32 $0xA  }
0x207: {  	[tilespmem:s31], [sflag:$0x9] =	stream.indirect_vreg.gather [hbm4b:s8+s3], $0x80, v3, vm0, $0xb8;
	[tilespmem:$0x1C900] =	vst v63  }
0x208: {  	_ =	swait.ge [sflag:s17], $0x2000  }
0x209: {  	s1 =	simm.s32 $0x12900;
	[sflag:s17] =	ssyncset.done $0x0  }
0x20a: {  	s28 =	simm.s32 $0x18;
	s0 =	rddreg [dreg:$0xe];
	[sflag:s17] =	ssyncadd.s32 $0xFFFFE000  }
0x20b: {  	[hbm4b:s0+s3] =	stream.linear.scatter [tilespmem:s1], [sflag:$0x18], $0x2000, $0x38;
	[tilespmem:$0x1C900] =	vst v63  }
0x20c: {  	_ =	swait.ge [sflag:s28], $0x2000  }
0x20d: {  	[sflag:s28] =	ssyncset.done $0x0  }
0x20e: {  	[sflag:s28] =	ssyncadd.s32 $0xFFFFE000  }
0x20f: {  	v3 =	vld.msk [tilespmem:$0x8B8], $0xff;
	_ =	sdelay $0x4  }
0x210: {  	v55 =	vshll.u32 v3, $0x3  }
0x211: {  	v3 =	vand.u32 $0x7, v3;
	v4 =	vand.u32 $0xFFFFFFC0, v55  }
0x212: {  	v3 =	vor.u32 v3, v4  }
0x213: {  	v3 =	vperm.xlane v3, v1;
	_ =	sdelay $0x1  }
0x214: {  	v3 =	vadd.s32 v2, v3;
	_ =	sdelay $0x4  }
0x215: {  	[tilespmem:s1], [sflag:$0xA] =	stream.indirect_vreg.gather [hbm4b:s10+s3], $0x80, v3, vm0, $0xb8;
	[tilespmem:$0x1C900] =	vst v63  }
0x216: {  	s2 =	simm.s32 $0x13100  }
0x217: {  	[tilespmem:s2], [sflag:$0xA] =	stream.indirect_vreg.gather [hbm4b:s6+s3], $0x80, v3, vm0, $0xb8;
	[tilespmem:$0x1C900] =	vst v63  }
0x218: {  	s4 =	simm.s32 $0x13900  }
0x219: {  	[tilespmem:s4], [sflag:$0xA] =	stream.indirect_vreg.gather [hbm4b:s7+s3], $0x80, v3, vm0, $0xb8;
	[tilespmem:$0x1C900] =	vst v63  }
0x21a: {  	s9 =	simm.s32 $0x14100;
	s29 =	simm.s32 $0xB  }
0x21b: {  	[tilespmem:s9], [sflag:$0xA] =	stream.indirect_vreg.gather [hbm4b:s8+s3], $0x80, v3, vm0, $0xb8;
	[tilespmem:$0x1C900] =	vst v63  }
0x21c: {  	_ =	swait.ge [sflag:s29], $0x2000  }
0x21d: {  	s13 =	simm.s32 $0x14900;
	[sflag:s29] =	ssyncset.done $0x0  }
0x21e: {  	s30 =	simm.s32 $0x19;
	s11 =	rddreg [dreg:$0xf];
	[sflag:s29] =	ssyncadd.s32 $0xFFFFE000  }
0x21f: {  	[hbm4b:s11+s3] =	stream.linear.scatter [tilespmem:s13], [sflag:$0x19], $0x2000, $0x38;
	[tilespmem:$0x1C900] =	vst v63  }
0x220: {  	_ =	swait.ge [sflag:s30], $0x2000  }
0x221: {  	[sflag:s30] =	ssyncset.done $0x0  }
0x222: {  	[sflag:s30] =	ssyncadd.s32 $0xFFFFE000  }
0x223: {  	v3 =	vld.msk [tilespmem:$0x8C0], $0xff;
	_ =	sdelay $0x4  }
0x224: {  	v56 =	vshll.u32 v3, $0x3  }
0x225: {  	v3 =	vand.u32 $0x7, v3;
	v4 =	vand.u32 $0xFFFFFFC0, v56  }
0x226: {  	v3 =	vor.u32 v3, v4  }
0x227: {  	v3 =	vperm.xlane v3, v1;
	_ =	sdelay $0x1  }
0x228: {  	v3 =	vadd.s32 v2, v3;
	_ =	sdelay $0x4  }
0x229: {  	[tilespmem:s13], [sflag:$0xB] =	stream.indirect_vreg.gather [hbm4b:s10+s3], $0x80, v3, vm0, $0xb8;
	[tilespmem:$0x1C900] =	vst v63  }
0x22a: {  	s14 =	simm.s32 $0x15100  }
0x22b: {  	[tilespmem:s14], [sflag:$0xB] =	stream.indirect_vreg.gather [hbm4b:s6+s3], $0x80, v3, vm0, $0xb8;
	[tilespmem:$0x1C900] =	vst v63  }
0x22c: {  	s22 =	simm.s32 $0x15900  }
0x22d: {  	[tilespmem:s22], [sflag:$0xB] =	stream.indirect_vreg.gather [hbm4b:s7+s3], $0x80, v3, vm0, $0xb8;
	[tilespmem:$0x1C900] =	vst v63  }
0x22e: {  	s24 =	simm.s32 $0x16100;
	s11 =	simm.s32 $0xC  }
0x22f: {  	[tilespmem:s24], [sflag:$0xB] =	stream.indirect_vreg.gather [hbm4b:s8+s3], $0x80, v3, vm0, $0xb8;
	[tilespmem:$0x1C900] =	vst v63  }
0x230: {  	_ =	swait.ge [sflag:s11], $0x2000  }
0x231: {  	s31 =	simm.s32 $0x16900;
	[sflag:s11] =	ssyncset.done $0x0  }
0x232: {  	s0 =	simm.s32 $0x1A;
	s25 =	rddreg [dreg:$0x10];
	[sflag:s11] =	ssyncadd.s32 $0xFFFFE000  }
0x233: {  	[hbm4b:s25+s3] =	stream.linear.scatter [tilespmem:s31], [sflag:$0x1A], $0x2000, $0x38;
	[tilespmem:$0x1C900] =	vst v63  }
0x234: {  	_ =	swait.ge [sflag:s0], $0x2000  }
0x235: {  	[sflag:s0] =	ssyncset.done $0x0  }
0x236: {  	[sflag:s0] =	ssyncadd.s32 $0xFFFFE000  }
0x237: {  	v3 =	vld.msk [tilespmem:$0x8C8], $0xff;
	_ =	sdelay $0x4  }
0x238: {  	v57 =	vshll.u32 v3, $0x3  }
0x239: {  	v3 =	vand.u32 $0x7, v3;
	v4 =	vand.u32 $0xFFFFFFC0, v57  }
0x23a: {  	v3 =	vor.u32 v3, v4  }
0x23b: {  	v3 =	vperm.xlane v3, v1;
	_ =	sdelay $0x1  }
0x23c: {  	v3 =	vadd.s32 v2, v3;
	_ =	sdelay $0x4  }
0x23d: {  	[tilespmem:s31], [sflag:$0xC] =	stream.indirect_vreg.gather [hbm4b:s10+s3], $0x80, v3, vm0, $0xb8;
	[tilespmem:$0x1C900] =	vst v63  }
0x23e: {  	s2 =	simm.s32 $0x17100  }
0x23f: {  	[tilespmem:s2], [sflag:$0xC] =	stream.indirect_vreg.gather [hbm4b:s6+s3], $0x80, v3, vm0, $0xb8;
	[tilespmem:$0x1C900] =	vst v63  }
0x240: {  	s4 =	simm.s32 $0x17900  }
0x241: {  	[tilespmem:s4], [sflag:$0xC] =	stream.indirect_vreg.gather [hbm4b:s7+s3], $0x80, v3, vm0, $0xb8;
	[tilespmem:$0x1C900] =	vst v63  }
0x242: {  	s1 =	simm.s32 $0xD;
	s9 =	simm.s32 $0x18100  }
0x243: {  	[tilespmem:s9], [sflag:$0xC] =	stream.indirect_vreg.gather [hbm4b:s8+s3], $0x80, v3, vm0, $0xb8;
	[tilespmem:$0x1C900] =	vst v63  }
0x244: {  	_ =	swait.ge [sflag:s1], $0x2000  }
0x245: {  	[sflag:s1] =	ssyncset.done $0x0  }
0x246: {  	s22 =	simm.s32 $0x18900;
	s13 =	rddreg [dreg:$0x11];
	[sflag:s1] =	ssyncadd.s32 $0xFFFFE000  }
0x247: {  	[hbm4b:s13+s3] =	stream.linear.scatter [tilespmem:s22], [sflag:$0x1B], $0x2000, $0x38;
	[tilespmem:$0x1C900] =	vst v63  }
0x248: {  	s13 =	simm.s32 $0x1B  }
0x249: {  	_ =	swait.ge [sflag:s13], $0x2000  }
0x24a: {  	[sflag:s13] =	ssyncset.done $0x0  }
0x24b: {  	[sflag:s13] =	ssyncadd.s32 $0xFFFFE000  }
0x24c: {  	v3 =	vld.msk [tilespmem:$0x8D0], $0xff;
	_ =	sdelay $0x4  }
0x24d: {  	v58 =	vshll.u32 v3, $0x3  }
0x24e: {  	v3 =	vand.u32 $0x7, v3;
	v4 =	vand.u32 $0xFFFFFFC0, v58  }
0x24f: {  	v3 =	vor.u32 v3, v4  }
0x250: {  	v3 =	vperm.xlane v3, v1;
	_ =	sdelay $0x1  }
0x251: {  	v3 =	vadd.s32 v2, v3;
	_ =	sdelay $0x4  }
0x252: {  	[tilespmem:s22], [sflag:$0xD] =	stream.indirect_vreg.gather [hbm4b:s10+s3], $0x80, v3, vm0, $0xb8;
	[tilespmem:$0x1C900] =	vst v63  }
0x253: {  	s24 =	simm.s32 $0x19100  }
0x254: {  	[tilespmem:s24], [sflag:$0xD] =	stream.indirect_vreg.gather [hbm4b:s6+s3], $0x80, v3, vm0, $0xb8;
	[tilespmem:$0x1C900] =	vst v63  }
0x255: {  	s25 =	simm.s32 $0x19900  }
0x256: {  	[tilespmem:s25], [sflag:$0xD] =	stream.indirect_vreg.gather [hbm4b:s7+s3], $0x80, v3, vm0, $0xb8;
	[tilespmem:$0x1C900] =	vst v63  }
0x257: {  	s31 =	simm.s32 $0x1A100;
	s25 =	simm.s32 $0xE  }
0x258: {  	[tilespmem:s31], [sflag:$0xD] =	stream.indirect_vreg.gather [hbm4b:s8+s3], $0x80, v3, vm0, $0xb8;
	[tilespmem:$0x1C900] =	vst v63  }
0x259: {  	_ =	swait.ge [sflag:s25], $0x2000  }
0x25a: {  	s9 =	simm.s32 $0x1A900;
	[sflag:s25] =	ssyncset.done $0x0  }
0x25b: {  	s24 =	simm.s32 $0x1C;
	s4 =	rddreg [dreg:$0x13];
	[sflag:s25] =	ssyncadd.s32 $0xFFFFE000  }
0x25c: {  	[hbm4b:s4+s3] =	stream.linear.scatter [tilespmem:s9], [sflag:$0x1C], $0x2000, $0x38;
	[tilespmem:$0x1C900] =	vst v63  }
0x25d: {  	_ =	swait.ge [sflag:s24], $0x2000  }
0x25e: {  	[sflag:s24] =	ssyncset.done $0x0  }
0x25f: {  	[sflag:s24] =	ssyncadd.s32 $0xFFFFE000  }
0x260: {  	v3 =	vld.msk [tilespmem:$0x8D8], $0xff;
	_ =	sdelay $0x4  }
0x261: {  	v59 =	vshll.u32 v3, $0x3  }
0x262: {  	v3 =	vand.u32 $0x7, v3;
	v4 =	vand.u32 $0xFFFFFFC0, v59  }
0x263: {  	v3 =	vor.u32 v3, v4  }
0x264: {  	v3 =	vperm.xlane v3, v1;
	_ =	sdelay $0x1  }
0x265: {  	v3 =	vadd.s32 v2, v3;
	_ =	sdelay $0x4  }
0x266: {  	[tilespmem:s9], [sflag:$0xE] =	stream.indirect_vreg.gather [hbm4b:s10+s3], $0x80, v3, vm0, $0xb8;
	[tilespmem:$0x1C900] =	vst v63  }
0x267: {  	s22 =	simm.s32 $0x1B100  }
0x268: {  	[tilespmem:s22], [sflag:$0xE] =	stream.indirect_vreg.gather [hbm4b:s6+s3], $0x80, v3, vm0, $0xb8;
	[tilespmem:$0x1C900] =	vst v63  }
0x269: {  	s31 =	simm.s32 $0x1B900  }
0x26a: {  	[tilespmem:s31], [sflag:$0xE] =	stream.indirect_vreg.gather [hbm4b:s7+s3], $0x80, v3, vm0, $0xb8;
	[tilespmem:$0x1C900] =	vst v63  }
0x26b: {  	s4 =	simm.s32 $0x1C100;
	s9 =	simm.s32 $0x1  }
0x26c: {  	[tilespmem:s4], [sflag:$0xE] =	stream.indirect_vreg.gather [hbm4b:s8+s3], $0x80, v3, vm0, $0xb8;
	[tilespmem:$0x1C900] =	vst v63  }
0x26d: {  	_ =	swait.ge [sflag:s9], $0x2000  }
0x26e: {  	s2 =	simm.s32 $0x900;
	[sflag:s9] =	ssyncset.done $0x0  }
0x26f: {  	s4 =	simm.s32 $0xF;
	s22 =	rddreg [dreg:$0x14];
	[sflag:s9] =	ssyncadd.s32 $0xFFFFE000  }
0x270: {  	[hbm4b:s22+s3] =	stream.linear.scatter [tilespmem:s2], [sflag:$0xF], $0x2000, $0x38;
	[tilespmem:$0x1C900] =	vst v63  }
0x271: {  	_ =	swait.ge [sflag:s4], $0x2000  }
0x272: {  	[sflag:s4] =	ssyncset.done $0x0  }
0x273: {  	[sflag:s4] =	ssyncadd.s32 $0xFFFFE000  }
0x274: {  	v3 =	vld.msk [tilespmem:$0x8E0], $0xff;
	_ =	sdelay $0x4  }
0x275: {  	v60 =	vshll.u32 v3, $0x3  }
0x276: {  	v3 =	vand.u32 $0x7, v3;
	v4 =	vand.u32 $0xFFFFFFC0, v60  }
0x277: {  	v3 =	vor.u32 v3, v4  }
0x278: {  	v3 =	vperm.xlane v3, v1;
	_ =	sdelay $0x1  }
0x279: {  	v3 =	vadd.s32 v2, v3;
	_ =	sdelay $0x4  }
0x27a: {  	[tilespmem:s2], [sflag:$0x1] =	stream.indirect_vreg.gather [hbm4b:s10+s3], $0x80, v3, vm0, $0xb8;
	[tilespmem:$0x1C900] =	vst v63  }
0x27b: {  	s9 =	simm.s32 $0x1100  }
0x27c: {  	[tilespmem:s9], [sflag:$0x1] =	stream.indirect_vreg.gather [hbm4b:s6+s3], $0x80, v3, vm0, $0xb8;
	[tilespmem:$0x1C900] =	vst v63  }
0x27d: {  	s14 =	simm.s32 $0x1900  }
0x27e: {  	[tilespmem:s14], [sflag:$0x1] =	stream.indirect_vreg.gather [hbm4b:s7+s3], $0x80, v3, vm0, $0xb8;
	[tilespmem:$0x1C900] =	vst v63  }
0x27f: {  	s31 =	simm.s32 $0x2;
	s22 =	simm.s32 $0x2100  }
0x280: {  	[tilespmem:s22], [sflag:$0x1] =	stream.indirect_vreg.gather [hbm4b:s8+s3], $0x80, v3, vm0, $0xb8;
	[tilespmem:$0x1C900] =	vst v63  }
0x281: {  	_ =	swait.ge [sflag:s31], $0x2000  }
0x282: {  	s9 =	simm.s32 $0x2900;
	[sflag:s31] =	ssyncset.done $0x0  }
0x283: {  	s22 =	simm.s32 $0x10;
	s4 =	rddreg [dreg:$0x16];
	[sflag:s31] =	ssyncadd.s32 $0xFFFFE000  }
0x284: {  	[hbm4b:s4+s3] =	stream.linear.scatter [tilespmem:s9], [sflag:$0x10], $0x2000, $0x38;
	[tilespmem:$0x1C900] =	vst v63  }
0x285: {  	_ =	swait.ge [sflag:s22], $0x2000  }
0x286: {  	[sflag:s22] =	ssyncset.done $0x0  }
0x287: {  	[sflag:s22] =	ssyncadd.s32 $0xFFFFE000  }
0x288: {  	v3 =	vld.msk [tilespmem:$0x8E8], $0xff;
	_ =	sdelay $0x4  }
0x289: {  	v61 =	vshll.u32 v3, $0x3  }
0x28a: {  	v3 =	vand.u32 $0x7, v3;
	v4 =	vand.u32 $0xFFFFFFC0, v61  }
0x28b: {  	v3 =	vor.u32 v3, v4  }
0x28c: {  	v3 =	vperm.xlane v3, v1;
	_ =	sdelay $0x1  }
0x28d: {  	v3 =	vadd.s32 v2, v3;
	_ =	sdelay $0x4  }
0x28e: {  	[tilespmem:s9], [sflag:$0x2] =	stream.indirect_vreg.gather [hbm4b:s10+s3], $0x80, v3, vm0, $0xb8;
	[tilespmem:$0x1C900] =	vst v63  }
0x28f: {  	s4 =	simm.s32 $0x3100  }
0x290: {  	[tilespmem:s4], [sflag:$0x2] =	stream.indirect_vreg.gather [hbm4b:s6+s3], $0x80, v3, vm0, $0xb8;
	[tilespmem:$0x1C900] =	vst v63  }
0x291: {  	s9 =	simm.s32 $0x3900  }
0x292: {  	[tilespmem:s9], [sflag:$0x2] =	stream.indirect_vreg.gather [hbm4b:s7+s3], $0x80, v3, vm0, $0xb8;
	[tilespmem:$0x1C900] =	vst v63  }
0x293: {  	s14 =	simm.s32 $0x4100;
	s31 =	simm.s32 $0x3  }
0x294: {  	[tilespmem:s14], [sflag:$0x2] =	stream.indirect_vreg.gather [hbm4b:s8+s3], $0x80, v3, vm0, $0xb8;
	[tilespmem:$0x1C900] =	vst v63  }
0x295: {  	_ =	swait.ge [sflag:s31], $0x2000  }
0x296: {  	s14 =	simm.s32 $0x11;
	[sflag:s31] =	ssyncset.done $0x0  }
0x297: {  	s4 =	rddreg [dreg:$0x17];
	[sflag:s31] =	ssyncadd.s32 $0xFFFFE000;
	s31 =	simm.s32 $0x4900  }
0x298: {  	[hbm4b:s4+s3] =	stream.linear.scatter [tilespmem:s31], [sflag:$0x11], $0x2000, $0x38;
	[tilespmem:$0x1C900] =	vst v63  }
0x299: {  	_ =	swait.ge [sflag:s14], $0x2000  }
0x29a: {  	[sflag:s14] =	ssyncset.done $0x0  }
0x29b: {  	[sflag:s14] =	ssyncadd.s32 $0xFFFFE000  }
0x29c: {  	v3 =	vld.msk [tilespmem:$0x8F0], $0xff;
	_ =	sdelay $0x4  }
0x29d: {  	v62 =	vshll.u32 v3, $0x3  }
0x29e: {  	v3 =	vand.u32 $0x7, v3;
	v4 =	vand.u32 $0xFFFFFFC0, v62  }
0x29f: {  	v3 =	vor.u32 v3, v4  }
0x2a0: {  	v3 =	vperm.xlane v3, v1;
	_ =	sdelay $0x1  }
0x2a1: {  	v3 =	vadd.s32 v2, v3;
	_ =	sdelay $0x4  }
0x2a2: {  	[tilespmem:s31], [sflag:$0x3] =	stream.indirect_vreg.gather [hbm4b:s10+s3], $0x80, v3, vm0, $0xb8;
	[tilespmem:$0x1C900] =	vst v63  }
0x2a3: {  	s31 =	simm.s32 $0x5100  }
0x2a4: {  	[tilespmem:s31], [sflag:$0x3] =	stream.indirect_vreg.gather [hbm4b:s6+s3], $0x80, v3, vm0, $0xb8;
	[tilespmem:$0x1C900] =	vst v63  }
0x2a5: {  	s14 =	simm.s32 $0x5900  }
0x2a6: {  	[tilespmem:s14], [sflag:$0x3] =	stream.indirect_vreg.gather [hbm4b:s7+s3], $0x80, v3, vm0, $0xb8;
	[tilespmem:$0x1C900] =	vst v63  }
0x2a7: {  	s31 =	simm.s32 $0x6100  }
0x2a8: {  	[tilespmem:s31], [sflag:$0x3] =	stream.indirect_vreg.gather [hbm4b:s8+s3], $0x80, v3, vm0, $0xb8;
	[tilespmem:$0x1C900] =	vst v63  }
0x2a9: {  	_ =	swait.ge [sflag:s23], $0x2000  }
0x2aa: {  	s14 =	simm.s32 $0x12;
	[sflag:s23] =	ssyncset.done $0x0  }
0x2ab: {  	s31 =	simm.s32 $0x6900;
	s2 =	rddreg [dreg:$0x18];
	[sflag:s23] =	ssyncadd.s32 $0xFFFFE000  }
0x2ac: {  	[hbm4b:s2+s3] =	stream.linear.scatter [tilespmem:s31], [sflag:$0x12], $0x2000, $0x38;
	[tilespmem:$0x1C900] =	vst v63  }
0x2ad: {  	_ =	swait.ge [sflag:s14], $0x2000  }
0x2ae: {  	[sflag:s14] =	ssyncset.done $0x0  }
0x2af: {  	[sflag:s14] =	ssyncadd.s32 $0xFFFFE000  }
0x2b0: {  	v3 =	vld.msk [tilespmem:$0x8F8], $0xff;
	_ =	sdelay $0x4  }
0x2b1: {  	v63 =	vshll.u32 v3, $0x3  }
0x2b2: {  	v3 =	vand.u32 $0x7, v3;
	v4 =	vand.u32 $0xFFFFFFC0, v63  }
0x2b3: {  	v3 =	vor.u32 v3, v4  }
0x2b4: {  	v3 =	vperm.xlane v3, v1;
	_ =	sdelay $0x1  }
0x2b5: {  	v3 =	vadd.s32 v2, v3;
	_ =	sdelay $0x4  }
0x2b6: {  	[tilespmem:s31], [sflag:$0x4] =	stream.indirect_vreg.gather [hbm4b:s10+s3], $0x80, v3, vm0, $0xb8;
	[tilespmem:$0x1C900] =	vst v63  }
0x2b7: {  	s31 =	simm.s32 $0x7100  }
0x2b8: {  	[tilespmem:s31], [sflag:$0x4] =	stream.indirect_vreg.gather [hbm4b:s6+s3], $0x80, v3, vm0, $0xb8;
	[tilespmem:$0x1C900] =	vst v63  }
0x2b9: {  	s31 =	simm.s32 $0x7900  }
0x2ba: {  	[tilespmem:s31], [sflag:$0x4] =	stream.indirect_vreg.gather [hbm4b:s7+s3], $0x80, v3, vm0, $0xb8;
	[tilespmem:$0x1C900] =	vst v63  }
0x2bb: {  	s31 =	simm.s32 $0x8100  }
0x2bc: {  	[tilespmem:s31], [sflag:$0x4] =	stream.indirect_vreg.gather [hbm4b:s8+s3], $0x80, v3, vm0, $0xb8;
	[tilespmem:$0x1C900] =	vst v63  }
0x2bd: {  	s31 =	simm.s32 $0x5  }
0x2be: {  	_ =	swait.ge [sflag:s31], $0x2000  }
0x2bf: {  	[sflag:s31] =	ssyncset.done $0x0  }
0x2c0: {  	s14 =	rddreg [dreg:$0x19];
	[sflag:s31] =	ssyncadd.s32 $0xFFFFE000;
	s31 =	simm.s32 $0x8900  }
0x2c1: {  	[hbm4b:s14+s3] =	stream.linear.scatter [tilespmem:s31], [sflag:$0x13], $0x2000, $0x38;
	[tilespmem:$0x1C900] =	vst v63  }
0x2c2: {  	s31 =	simm.s32 $0x13  }
0x2c3: {  	_ =	swait.ge [sflag:s31], $0x2000  }
0x2c4: {  	[sflag:s31] =	ssyncset.done $0x0  }
0x2c5: {  	[sflag:s31] =	ssyncadd.s32 $0xFFFFE000  }
0x2c6: {  	_ =	swait.ge [sflag:s18], $0x2000  }
0x2c7: {  	[sflag:s18] =	ssyncset.done $0x0  }
0x2c8: {  	s31 =	simm.s32 $0xA900;
	[sflag:s18] =	ssyncadd.s32 $0xFFFFE000;
	s18 =	rddreg [dreg:$0x1a]  }
0x2c9: {  	[hbm4b:s18+s3] =	stream.linear.scatter [tilespmem:s31], [sflag:$0x14], $0x2000, $0x38;
	[tilespmem:$0x1C900] =	vst v63  }
0x2ca: {  	_ =	swait.ge [sflag:s20], $0x2000  }
0x2cb: {  	[sflag:s20] =	ssyncset.done $0x0  }
0x2cc: {  	[sflag:s20] =	ssyncadd.s32 $0xFFFFE000  }
0x2cd: {  	_ =	swait.ge [sflag:s12], $0x2000  }
0x2ce: {  	[sflag:s12] =	ssyncset.done $0x0  }
0x2cf: {  	s31 =	simm.s32 $0xC900;
	s20 =	rddreg [dreg:$0x1b];
	[sflag:s12] =	ssyncadd.s32 $0xFFFFE000  }
0x2d0: {  	[hbm4b:s20+s3] =	stream.linear.scatter [tilespmem:s31], [sflag:$0x15], $0x2000, $0x38;
	[tilespmem:$0x1C900] =	vst v63  }
0x2d1: {  	_ =	swait.ge [sflag:s19], $0x2000  }
0x2d2: {  	[sflag:s19] =	ssyncset.done $0x0  }
0x2d3: {  	[sflag:s19] =	ssyncadd.s32 $0xFFFFE000  }
0x2d4: {  	_ =	swait.ge [sflag:s21], $0x2000  }
0x2d5: {  	[sflag:s21] =	ssyncset.done $0x0  }
0x2d6: {  	s18 =	simm.s32 $0xE900;
	s12 =	rddreg [dreg:$0x1c];
	[sflag:s21] =	ssyncadd.s32 $0xFFFFE000  }
0x2d7: {  	[hbm4b:s12+s3] =	stream.linear.scatter [tilespmem:s18], [sflag:$0x16], $0x2000, $0x38;
	[tilespmem:$0x1C900] =	vst v63  }
0x2d8: {  	_ =	swait.ge [sflag:s26], $0x2000  }
0x2d9: {  	[sflag:s26] =	ssyncset.done $0x0  }
0x2da: {  	[sflag:s26] =	ssyncadd.s32 $0xFFFFE000  }
0x2db: {  	_ =	swait.ge [sflag:s15], $0x2000  }
0x2dc: {  	[sflag:s15] =	ssyncset.done $0x0  }
0x2dd: {  	s20 =	simm.s32 $0x10900;
	s19 =	rddreg [dreg:$0x1d];
	[sflag:s15] =	ssyncadd.s32 $0xFFFFE000  }
0x2de: {  	[hbm4b:s19+s3] =	stream.linear.scatter [tilespmem:s20], [sflag:$0x17], $0x2000, $0x38;
	[tilespmem:$0x1C900] =	vst v63  }
0x2df: {  	_ =	swait.ge [sflag:s16], $0x2000  }
0x2e0: {  	[sflag:s16] =	ssyncset.done $0x0  }
0x2e1: {  	[sflag:s16] =	ssyncadd.s32 $0xFFFFE000  }
0x2e2: {  	_ =	swait.ge [sflag:s17], $0x2000  }
0x2e3: {  	[sflag:s17] =	ssyncset.done $0x0  }
0x2e4: {  	s26 =	simm.s32 $0x12900;
	s21 =	rddreg [dreg:$0x1e];
	[sflag:s17] =	ssyncadd.s32 $0xFFFFE000  }
0x2e5: {  	[hbm4b:s21+s3] =	stream.linear.scatter [tilespmem:s26], [sflag:$0x18], $0x2000, $0x38;
	[tilespmem:$0x1C900] =	vst v63  }
0x2e6: {  	_ =	swait.ge [sflag:s28], $0x2000  }
0x2e7: {  	[sflag:s28] =	ssyncset.done $0x0  }
0x2e8: {  	[sflag:s28] =	ssyncadd.s32 $0xFFFFE000  }
0x2e9: {  	_ =	swait.ge [sflag:s29], $0x2000  }
0x2ea: {  	[sflag:s29] =	ssyncset.done $0x0  }
0x2eb: {  	s28 =	rddreg [dreg:$0x1f];
	[sflag:s29] =	ssyncadd.s32 $0xFFFFE000;
	s29 =	simm.s32 $0x14900  }
0x2ec: {  	[hbm4b:s28+s3] =	stream.linear.scatter [tilespmem:s29], [sflag:$0x19], $0x2000, $0x38;
	[tilespmem:$0x1C900] =	vst v63  }
0x2ed: {  	_ =	swait.ge [sflag:s30], $0x2000  }
0x2ee: {  	[sflag:s30] =	ssyncset.done $0x0  }
0x2ef: {  	[sflag:s30] =	ssyncadd.s32 $0xFFFFE000  }
0x2f0: {  	_ =	swait.ge [sflag:s11], $0x2000  }
0x2f1: {  	s30 =	sld [smem:$0x7F7]  }
0x2f2: {  	[sflag:s11] =	ssyncset.done $0x0  }
0x2f3: {  	s31 =	simm.s32 $0x16900;
	[sflag:s11] =	ssyncadd.s32 $0xFFFFE000  }
0x2f4: {  	[hbm4b:s30+s3] =	stream.linear.scatter [tilespmem:s31], [sflag:$0x1A], $0x2000, $0x38;
	[tilespmem:$0x1C900] =	vst v63  }
0x2f5: {  	_ =	swait.ge [sflag:s0], $0x2000  }
0x2f6: {  	[sflag:s0] =	ssyncset.done $0x0  }
0x2f7: {  	[sflag:s0] =	ssyncadd.s32 $0xFFFFE000  }
0x2f8: {  	_ =	swait.ge [sflag:s1], $0x2000  }
0x2f9: {  	s11 =	sld [smem:$0x7F8]  }
0x2fa: {  	[sflag:s1] =	ssyncset.done $0x0  }
0x2fb: {  	s12 =	simm.s32 $0x18900;
	[sflag:s1] =	ssyncadd.s32 $0xFFFFE000  }
0x2fc: {  	[hbm4b:s11+s3] =	stream.linear.scatter [tilespmem:s12], [sflag:$0x1B], $0x2000, $0x38;
	[tilespmem:$0x1C900] =	vst v63  }
0x2fd: {  	_ =	swait.ge [sflag:s13], $0x2000  }
0x2fe: {  	[sflag:s13] =	ssyncset.done $0x0  }
0x2ff: {  	[sflag:s13] =	ssyncadd.s32 $0xFFFFE000  }
0x300: {  	_ =	swait.ge [sflag:s25], $0x2000  }
0x301: {  	s13 =	sld [smem:$0x7F9]  }
0x302: {  	[sflag:s25] =	ssyncset.done $0x0  }
0x303: {  	s15 =	simm.s32 $0x1A900;
	[sflag:s25] =	ssyncadd.s32 $0xFFFFE000  }
0x304: {  	[hbm4b:s13+s3] =	stream.linear.scatter [tilespmem:s15], [sflag:$0x1C], $0x2000, $0x38;
	[tilespmem:$0x1C900] =	vst v63  }
0x305: {  	_ =	swait.ge [sflag:s24], $0x2000  }
0x306: {  	[sflag:s24] =	ssyncset.done $0x0  }
0x307: {  	s16 =	simm.s32 $0x1;
	[sflag:s24] =	ssyncadd.s32 $0xFFFFE000  }
0x308: {  	_ =	swait.ge [sflag:s16], $0x2000  }
0x309: {  	s17 =	sld [smem:$0x7FA]  }
0x30a: {  	[sflag:s16] =	ssyncset.done $0x0  }
0x30b: {  	s18 =	simm.s32 $0x900;
	s19 =	simm.s32 $0xF;
	[sflag:s16] =	ssyncadd.s32 $0xFFFFE000  }
0x30c: {  	[hbm4b:s17+s3] =	stream.linear.scatter [tilespmem:s18], [sflag:$0xF], $0x2000, $0x38;
	[tilespmem:$0x1C900] =	vst v63  }
0x30d: {  	_ =	swait.ge [sflag:s19], $0x2000  }
0x30e: {  	[sflag:s19] =	ssyncset.done $0x0  }
0x30f: {  	s20 =	simm.s32 $0x2;
	[sflag:s19] =	ssyncadd.s32 $0xFFFFE000  }
0x310: {  	_ =	swait.ge [sflag:s20], $0x2000  }
0x311: {  	s21 =	sld [smem:$0x7FB]  }
0x312: {  	[sflag:s20] =	ssyncset.done $0x0  }
0x313: {  	s22 =	simm.s32 $0x10;
	s24 =	simm.s32 $0x2900;
	[sflag:s20] =	ssyncadd.s32 $0xFFFFE000  }
0x314: {  	[hbm4b:s21+s3] =	stream.linear.scatter [tilespmem:s24], [sflag:$0x10], $0x2000, $0x38;
	[tilespmem:$0x1C900] =	vst v63  }
0x315: {  	_ =	swait.ge [sflag:s22], $0x2000  }
0x316: {  	[sflag:s22] =	ssyncset.done $0x0  }
0x317: {  	s9 =	simm.s32 $0x3;
	[sflag:s22] =	ssyncadd.s32 $0xFFFFE000  }
0x318: {  	_ =	swait.ge [sflag:s9], $0x2000  }
0x319: {  	s25 =	sld [smem:$0x7FC]  }
0x31a: {  	[sflag:s9] =	ssyncset.done $0x0  }
0x31b: {  	s4 =	simm.s32 $0x11;
	s26 =	simm.s32 $0x4900;
	[sflag:s9] =	ssyncadd.s32 $0xFFFFE000  }
0x31c: {  	[hbm4b:s25+s3] =	stream.linear.scatter [tilespmem:s26], [sflag:$0x11], $0x2000, $0x38;
	[tilespmem:$0x1C900] =	vst v63  }
0x31d: {  	_ =	swait.ge [sflag:s4], $0x2000  }
0x31e: {  	[sflag:s4] =	ssyncset.done $0x0  }
0x31f: {  	[sflag:s4] =	ssyncadd.s32 $0xFFFFE000  }
0x320: {  	_ =	swait.ge [sflag:s23], $0x2000  }
0x321: {  	s28 =	sld [smem:$0x7FD]  }
0x322: {  	[sflag:s23] =	ssyncset.done $0x0  }
0x323: {  	s2 =	simm.s32 $0x12;
	s29 =	simm.s32 $0x6900;
	[sflag:s23] =	ssyncadd.s32 $0xFFFFE000  }
0x324: {  	[hbm4b:s28+s3] =	stream.linear.scatter [tilespmem:s29], [sflag:$0x12], $0x2000, $0x38;
	[tilespmem:$0x1C900] =	vst v63  }
0x325: {  	_ =	swait.ge [sflag:s2], $0x2000  }
0x326: {  	s30 =	sld [smem:$0x7F6];
	_ =	sdelay $0x2  }
0x327: {  	s31 =	rddreg [dreg:$0x15];
	s0 =	sadd.s32 $0x1, s30  }
0x328: {  	p1 =	sne.s32 s0, s31  }
.Ltmp8:
0x329: {  	_ = 	snop;
	(pc) =	sbr.rel @p1 .LBB2_1-.Ltmp8, $4  }
.Ltmp9:
0x32a: {  	_ = 	snop;
	(pc) =	sbr.rel @!p1 .LBB2_18-.Ltmp9, $4  }
0x32b: {  	_ = 	snop  }
0x32c: {  	[sflag:s2] =	ssyncset.done $0x0  }
0x32d: {  	[sflag:s2] =	ssyncadd.s32 $0xFFFFE000  }
0x32e: {  	_ = 	snop  }
.LBB2_3:
.Ltmp10:
0x32f: {  	(pc) =	sbr.rel .LBB2_14-.Ltmp10, $2  }
0x330: {  	_ =	sdelay $0x2  }
0x331: {  	s16 =	simm.s32 $0x0  }
.LBB2_5:
.Ltmp11:
0x332: {  	(pc) =	sbr.rel .LBB2_14-.Ltmp11, $2  }
0x333: {  	_ =	sdelay $0x2  }
0x334: {  	s16 =	simm.s32 $0x0  }
.LBB2_7:
.Ltmp12:
0x335: {  	(pc) =	sbr.rel .LBB2_14-.Ltmp12, $2  }
0x336: {  	_ =	sdelay $0x2  }
0x337: {  	s16 =	simm.s32 $0x0  }
.LBB2_9:
.Ltmp13:
0x338: {  	(pc) =	sbr.rel .LBB2_14-.Ltmp13, $2  }
0x339: {  	_ =	sdelay $0x2  }
0x33a: {  	s16 =	simm.s32 $0x0  }
.LBB2_11:
.Ltmp14:
0x33b: {  	(pc) =	sbr.rel .LBB2_14-.Ltmp14, $2  }
0x33c: {  	_ =	sdelay $0x2  }
0x33d: {  	s16 =	simm.s32 $0x0  }
.LBB2_18:
0x33e: {  	_ =	sfence.sel $0x180000  }
0x33f: {  	[bflag:$0x0] =	sbarrier.arrive $0xFFFF  }
0x340: {  	_ =	strace $0x90000047  }
0x341: {  	s0 =	stileid.u32;
	[bflag:$0x2] =	sbarrier.arrive $0xFFFF  }
0x342: {  	p0 =	sne.s32 s0, $0x0;
	s0 =	rddreg [dreg:$0x3]  }
0x343: {  	s0 =	sadd.s32 @!p0 $0x100000, s0  }
0x344: {  	[sflag:s0] =	ssyncadd.tile.s32 @!p0 $0x1;
	_ =	shalt  }
.Lfunc_end2:
_tile_overlayer_lowered:
.L_overlay_start_2:
0x345: {  	(tag) =	ssettag $0x2  }
0x346: {  	s0 =	rddreg [dreg:$0x0];
	s2 =	stileid.u32  }
0x347: {  	s1 =	rddreg [dreg:$0x1];
	p0 =	sne.s32 s2, $0x0  }
0x348: {  	s3 =	rddreg [dreg:$0x2];
	[bflag:$0x3] =	sbarrier.arrive $0xFFFF;
	s2 =	simm.s32 @!p0 $0x1C1D  }
0x349: {  	[timem:s3], [sflag:s2] =	dma.local @!p0 [hbm:s0], s1  }
0x34a: {  	s0 =	simm.s32 @!p0 $0x1D  }
0x34b: {  	_ =	swait.ge @!p0 [sflag:s0], s1  }
0x34c: {  	s1 =	ssub.s32 @!p0 $0x0, s1;
	[sflag:s0] =	ssyncset.done @!p0 $0x0  }
0x34d: {  	[sflag:s0] =	ssyncadd.s32 @!p0 s1  }
0x34e: {  	[bflag:$0x3] =	sbarrier.arrive $0xFFFF  }
0x34f: {  	_ =	shalt  }

</sc_bundles>
